<compile_context>
chip_gen: v7x
topology: tpu7x:2x2x1
jax: 0.10.2.dev20260603
libtpu: 0.0.44.dev20260713+nightly
codegen_flags: <defaults>
</compile_context>

<pallas_src>
import functools

import jax
import jax.numpy as jnp
from jax import lax
from jax.experimental import pallas as pl
from jax.experimental.pallas import tpu as pltpu
from jax.experimental.pallas import tpu_sc as plsc

EMBEDDING_DIM = 32
BATCH = 16384
HIST_LEN = 200

NUM_CORES = 2
NUM_SUBCORES = 16
NUM_WORKERS = NUM_CORES * NUM_SUBCORES

T1 = HIST_LEN // 8
B1 = BATCH // 128
B1_PER_W = B1 // NUM_WORKERS
N_GROUPS = T1 * 2

_mesh = plsc.VectorSubcoreMesh(core_axis_name="c", subcore_axis_name="s")

_scratch = [
    pltpu.VMEM((2, 1024), jnp.int32),
    pltpu.VMEM((2, 1024, EMBEDDING_DIM), jnp.float32),
    pltpu.VMEM((4, 32, 129), jnp.float32),
]
_scratch += [pltpu.SemaphoreType.DMA] * 8


@functools.partial(
    pl.kernel,
    mesh=_mesh,
    out_type=jax.ShapeDtypeStruct((HIST_LEN, 4, B1, 8, 128), jnp.float32),
    scratch_types=_scratch,
    compiler_params=pltpu.CompilerParams(use_tc_tiling_on_sc=False,
                                         needs_layout_passes=False),
)
def _gather_kernel(tok_hbm, table_hbm, out_hbm, idx_v, rows_v, trans_v,
                   *sems):
    idx_sems = sems[0:2]
    gat_sems = sems[2:4]
    out_sems = sems[4:8]

    wid = lax.axis_index("s") * NUM_CORES + lax.axis_index("c")
    b1_base = wid * B1_PER_W
    iota16 = lax.iota(jnp.int32, 16)
    t1_last = jnp.int32(T1 - 1)

    def start_idx(t1, b1, ib):
        pltpu.async_copy(tok_hbm.at[jnp.minimum(t1, t1_last), b1],
                         idx_v.at[ib], idx_sems[ib])

    def wait_idx(ib):
        pltpu.make_async_copy(tok_hbm.at[0, 0], idx_v.at[ib],
                              idx_sems[ib]).wait()

    def start_gather(ib):
        pltpu.async_copy(table_hbm.at[idx_v.at[ib]], rows_v.at[ib],
                         gat_sems[ib])

    def wait_gather(ib):
        pltpu.make_async_copy(table_hbm.at[idx_v.at[ib]], rows_v.at[ib],
                              gat_sems[ib]).wait()

    def start_out(t, b1, tb):
        for c1 in range(4):
            pltpu.async_copy(
                trans_v.at[tb, pl.ds(c1 * 8, 8), pl.ds(0, 128)],
                out_hbm.at[t, c1, b1], out_sems[tb])

    def wait_out(tb):
        for c1 in range(4):
            pltpu.make_async_copy(
                trans_v.at[tb, pl.ds(c1 * 8, 8), pl.ds(0, 128)],
                out_hbm.at[0, c1, 0], out_sems[tb]).wait()

    def unit_coords(g, i01):
        t1 = lax.shift_right_logical(g, 1)
        b1o = lax.mul(lax.bitwise_and(g, 1), 2) + i01
        return t1, b1_base + b1o

    def transpose_unit(t1, b1, p):
        zeros16 = jnp.zeros((16,), jnp.int32)
        row_lo = iota16
        row_hi = iota16 + 16

        def kk_body(kk, carry):
            for d in range(4):
                t0 = 4 * kk + d
                wait_out(d)
                rowb = t0 * 128

                @plsc.parallel_loop(0, 128, unroll=8)
                def _transpose(b0):
                    jj = rowb + b0
                    colv = zeros16 + b0
                    v0 = rows_v[p, jj, pl.ds(0, 16)]
                    v1 = rows_v[p, jj, pl.ds(16, 16)]
                    plsc.store_scatter(trans_v.at[d], [row_lo, colv], v0)
                    plsc.store_scatter(trans_v.at[d], [row_hi, colv], v1)

                start_out(t1 * 8 + t0, b1, d)
            return carry

        lax.fori_loop(0, 2, kk_body, jnp.int32(0))

    for tb in range(4):
        for c1 in range(4):
            pltpu.async_copy(out_hbm.at[0, c1, 0],
                             trans_v.at[tb, pl.ds(c1 * 8, 8), pl.ds(0, 128)],
                             out_sems[tb])

    t1a, b1a = unit_coords(jnp.int32(0), 0)
    start_idx(t1a, b1a, 0)
    t1b, b1b = unit_coords(jnp.int32(0), 1)
    start_idx(t1b, b1b, 1)
    wait_idx(0)
    start_gather(0)

    def group_body(g, carry):
        for i01 in range(2):
            p, p1 = i01, 1 - i01
            t1, b1 = unit_coords(g, i01)
            wait_gather(p)
            wait_idx(p1)
            start_gather(p1)
            t1n, b1n = unit_coords(g + 1, i01)
            start_idx(t1n, b1n, p)
            transpose_unit(t1, b1, p)
        return carry

    lax.fori_loop(0, N_GROUPS, group_body, jnp.int32(0))

    wait_gather(0)
    wait_idx(1)
    for tb in range(4):
        wait_out(tb)


def kernel(token_ids, embedding_table):
    tok5 = (token_ids.astype(jnp.int32)
            .reshape(128, 128, T1, 8)
            .transpose(2, 0, 3, 1)
            .reshape(T1, B1, 1024))
    out5 = _gather_kernel(tok5, embedding_table)
    return (out5.transpose(2, 4, 0, 1, 3)
            .reshape(BATCH, HIST_LEN, EMBEDDING_DIM))

# --- scband reference (transcript-rebuilt; emitter-appended) ---
"""Pipeline reference for scband-embedding-29420525978158 (READ-ONLY COPY).

The authoritative reference and input builder live on the scoring server;
editing this copy changes nothing except your own understanding.
"""

import jax, jax.numpy as jnp
import numpy as np

NUM_EMBEDDINGS = 1000000
EMBEDDING_DIM = 32
BATCH = 16384
HIST_LEN = 200


def setup_inputs(seed: int = 0) -> dict:
    key = jax.random.key(seed)
    k_idx, k_tab = jax.random.split(key)
    token_ids = jax.random.randint(k_idx, (BATCH, HIST_LEN), 0, NUM_EMBEDDINGS, dtype=jnp.int64 if jax.config.jax_enable_x64 else jnp.int32)
    # trunc_normal_(std=1, a=-3, b=3)
    embedding_table = jax.random.truncated_normal(k_tab, -3.0, 3.0, (NUM_EMBEDDINGS, EMBEDDING_DIM), dtype=jnp.float32)
    return {"token_ids": token_ids, "embedding_table": embedding_table}


def reference(token_ids, embedding_table):
    # Embedding.forward: self.embedding_table[token_ids]
    return jnp.take(embedding_table, token_ids, axis=0)

if __name__ == "__main__":
    import jax
    _d = setup_inputs()
    print(jax.jit(kernel)(*tuple(_d.values())))

</pallas_src>

<mosaic_0001>
#map = affine_map<(d0, d1) -> (0, 0, 0)>
#map1 = affine_map<(d0, d1) -> (0, 0)>
#map2 = affine_map<(d0, d1) -> (0, 0, 0, 0, 0)>
module attributes {stable_mosaic.version = 14 : i64} {
  func.func @_gather_kernel(%arg0: i32, %arg1: i32, %arg2: memref<25x128x1024xi32, #tpu.memory_space<hbm>>, %arg3: memref<1000000x32xf32, #tpu.memory_space<hbm>>, %arg4: memref<200x4x128x8x128xf32, #tpu.memory_space<hbm>>, %arg5: memref<2x1024xi32, #tpu.memory_space<vmem>>, %arg6: memref<2x1024x32xf32, #tpu.memory_space<vmem>>, %arg7: memref<4x32x129xf32, #tpu.memory_space<vmem>>, %arg8: memref<!tpu.dma_semaphore, #tpu.memory_space<semaphore_mem>>, %arg9: memref<!tpu.dma_semaphore, #tpu.memory_space<semaphore_mem>>, %arg10: memref<!tpu.dma_semaphore, #tpu.memory_space<semaphore_mem>>, %arg11: memref<!tpu.dma_semaphore, #tpu.memory_space<semaphore_mem>>, %arg12: memref<!tpu.dma_semaphore, #tpu.memory_space<semaphore_mem>>, %arg13: memref<!tpu.dma_semaphore, #tpu.memory_space<semaphore_mem>>, %arg14: memref<!tpu.dma_semaphore, #tpu.memory_space<semaphore_mem>>, %arg15: memref<!tpu.dma_semaphore, #tpu.memory_space<semaphore_mem>>) attributes {dimension_semantics = [#tpu.dimension_semantics<core_parallel>, #tpu.dimension_semantics<subcore_parallel>], iteration_bounds = array<i64: 2, 16>, scalar_prefetch = 0 : i64, scratch_operands = 11 : i64, tpu.core_type = #tpu.core_type<sc_vector_subcore>, window_params = [{transform_indices = #map}, {transform_indices = #map1}, {transform_indices = #map2}]} {
    %mul3A = arith.constant 2 : i32
    %mul3A_0 = arith.muli %arg1, %mul3A : i32
    %add3A = arith.addi %mul3A_0, %arg0 : i32
    %mul3A_1 = arith.constant 4 : i32
    %mul3A_2 = arith.muli %add3A, %mul3A_1 : i32
    %iota3A = tpu.iota {dimensions = array<i32: 0>} : vector<16xi32>
    %dma_start3A = arith.constant 0 : i32
    %dma_start3A_3 = arith.constant 0 : i32
    %dma_start3A_4 = arith.constant 0 : i32
    %dma_start3A_5 = arith.constant 0 : i32
    %dma_start3A_6 = arith.constant 0 : i32
    %dma_start3A_7 = arith.constant 0 : i32
    %dma_start3A_8 = tpu.memref_slice %arg7[%dma_start3A_5, %dma_start3A_6, %dma_start3A_7] : memref<4x32x129xf32, #tpu.memory_space<vmem>> -> memref<1x8x128xf32, #tpu.memory_space<vmem>>
    %dma_start3A_9 = tpu.memref_squeeze %dma_start3A_8 : memref<1x8x128xf32, #tpu.memory_space<vmem>> -> memref<8x128xf32, #tpu.memory_space<vmem>>
    %dma_start3A_10 = arith.constant 0 : i32
    %dma_start3A_11 = arith.constant 0 : i32
    %dma_start3A_12 = tpu.memref_slice %arg4[%dma_start3A, %dma_start3A_3, %dma_start3A_4, %dma_start3A_10, %dma_start3A_11] : memref<200x4x128x8x128xf32, #tpu.memory_space<hbm>> -> memref<1x1x1x8x128xf32, #tpu.memory_space<hbm>>
    %dma_start3A_13 = tpu.memref_squeeze %dma_start3A_12 : memref<1x1x1x8x128xf32, #tpu.memory_space<hbm>> -> memref<8x128xf32, #tpu.memory_space<hbm>>
    %dma_start3A_14 = arith.constant 0 : i32
    %dma_start3A_15 = arith.constant 0 : i32
    %dma_start3A_16 = tpu.memref_slice %arg7[%dma_start3A_5, %dma_start3A_14, %dma_start3A_15] : memref<4x32x129xf32, #tpu.memory_space<vmem>> -> memref<1x8x128xf32, #tpu.memory_space<vmem>>
    %dma_start3A_17 = tpu.memref_squeeze %dma_start3A_16 : memref<1x8x128xf32, #tpu.memory_space<vmem>> -> memref<8x128xf32, #tpu.memory_space<vmem>>
    %dma_start3A_18 = arith.constant 0 : i32
    %dma_start3A_19 = arith.constant 0 : i32
    %dma_start3A_20 = tpu.memref_slice %arg4[%dma_start3A, %dma_start3A_3, %dma_start3A_4, %dma_start3A_18, %dma_start3A_19] : memref<200x4x128x8x128xf32, #tpu.memory_space<hbm>> -> memref<1x1x1x8x128xf32, #tpu.memory_space<hbm>>
    %dma_start3A_21 = tpu.memref_squeeze %dma_start3A_20 : memref<1x1x1x8x128xf32, #tpu.memory_space<hbm>> -> memref<8x128xf32, #tpu.memory_space<hbm>>
    tpu.enqueue_dma source(%dma_start3A_21 : memref<8x128xf32, #tpu.memory_space<hbm>>) target(%dma_start3A_17 : memref<8x128xf32, #tpu.memory_space<vmem>>) target_semaphore(%arg12 : memref<!tpu.dma_semaphore, #tpu.memory_space<semaphore_mem>>)
    %dma_start3A_22 = arith.constant 0 : i32
    %dma_start3A_23 = arith.constant 1 : i32
    %dma_start3A_24 = arith.constant 0 : i32
    %dma_start3A_25 = arith.constant 0 : i32
    %dma_start3A_26 = arith.constant 8 : i32
    %dma_start3A_27 = arith.constant 0 : i32
    %dma_start3A_28 = tpu.memref_slice %arg7[%dma_start3A_25, %dma_start3A_26, %dma_start3A_27] : memref<4x32x129xf32, #tpu.memory_space<vmem>> -> memref<1x8x128xf32, #tpu.memory_space<vmem>>
    %dma_start3A_29 = tpu.memref_squeeze %dma_start3A_28 : memref<1x8x128xf32, #tpu.memory_space<vmem>> -> memref<8x128xf32, #tpu.memory_space<vmem>>
    %dma_start3A_30 = arith.constant 0 : i32
    %dma_start3A_31 = arith.constant 0 : i32
    %dma_start3A_32 = tpu.memref_slice %arg4[%dma_start3A_22, %dma_start3A_23, %dma_start3A_24, %dma_start3A_30, %dma_start3A_31] : memref<200x4x128x8x128xf32, #tpu.memory_space<hbm>> -> memref<1x1x1x8x128xf32, #tpu.memory_space<hbm>>
    %dma_start3A_33 = tpu.memref_squeeze %dma_start3A_32 : memref<1x1x1x8x128xf32, #tpu.memory_space<hbm>> -> memref<8x128xf32, #tpu.memory_space<hbm>>
    %dma_start3A_34 = arith.constant 8 : i32
    %dma_start3A_35 = arith.constant 0 : i32
    %dma_start3A_36 = tpu.memref_slice %arg7[%dma_start3A_25, %dma_start3A_34, %dma_start3A_35] : memref<4x32x129xf32, #tpu.memory_space<vmem>> -> memref<1x8x128xf32, #tpu.memory_space<vmem>>
    %dma_start3A_37 = tpu.memref_squeeze %dma_start3A_36 : memref<1x8x128xf32, #tpu.memory_space<vmem>> -> memref<8x128xf32, #tpu.memory_space<vmem>>
    %dma_start3A_38 = arith.constant 0 : i32
    %dma_start3A_39 = arith.constant 0 : i32
    %dma_start3A_40 = tpu.memref_slice %arg4[%dma_start3A_22, %dma_start3A_23, %dma_start3A_24, %dma_start3A_38, %dma_start3A_39] : memref<200x4x128x8x128xf32, #tpu.memory_space<hbm>> -> memref<1x1x1x8x128xf32, #tpu.memory_space<hbm>>
    %dma_start3A_41 = tpu.memref_squeeze %dma_start3A_40 : memref<1x1x1x8x128xf32, #tpu.memory_space<hbm>> -> memref<8x128xf32, #tpu.memory_space<hbm>>
    tpu.enqueue_dma source(%dma_start3A_41 : memref<8x128xf32, #tpu.memory_space<hbm>>) target(%dma_start3A_37 : memref<8x128xf32, #tpu.memory_space<vmem>>) target_semaphore(%arg12 : memref<!tpu.dma_semaphore, #tpu.memory_space<semaphore_mem>>)
    %dma_start3A_42 = arith.constant 0 : i32
    %dma_start3A_43 = arith.constant 2 : i32
    %dma_start3A_44 = arith.constant 0 : i32
    %dma_start3A_45 = arith.constant 0 : i32
    %dma_start3A_46 = arith.constant 16 : i32
    %dma_start3A_47 = arith.constant 0 : i32
    %dma_start3A_48 = tpu.memref_slice %arg7[%dma_start3A_45, %dma_start3A_46, %dma_start3A_47] : memref<4x32x129xf32, #tpu.memory_space<vmem>> -> memref<1x8x128xf32, #tpu.memory_space<vmem>>
    %dma_start3A_49 = tpu.memref_squeeze %dma_start3A_48 : memref<1x8x128xf32, #tpu.memory_space<vmem>> -> memref<8x128xf32, #tpu.memory_space<vmem>>
    %dma_start3A_50 = arith.constant 0 : i32
    %dma_start3A_51 = arith.constant 0 : i32
    %dma_start3A_52 = tpu.memref_slice %arg4[%dma_start3A_42, %dma_start3A_43, %dma_start3A_44, %dma_start3A_50, %dma_start3A_51] : memref<200x4x128x8x128xf32, #tpu.memory_space<hbm>> -> memref<1x1x1x8x128xf32, #tpu.memory_space<hbm>>
    %dma_start3A_53 = tpu.memref_squeeze %dma_start3A_52 : memref<1x1x1x8x128xf32, #tpu.memory_space<hbm>> -> memref<8x128xf32, #tpu.memory_space<hbm>>
    %dma_start3A_54 = arith.constant 16 : i32
    %dma_start3A_55 = arith.constant 0 : i32
    %dma_start3A_56 = tpu.memref_slice %arg7[%dma_start3A_45, %dma_start3A_54, %dma_start3A_55] : memref<4x32x129xf32, #tpu.memory_space<vmem>> -> memref<1x8x128xf32, #tpu.memory_space<vmem>>
    %dma_start3A_57 = tpu.memref_squeeze %dma_start3A_56 : memref<1x8x128xf32, #tpu.memory_space<vmem>> -> memref<8x128xf32, #tpu.memory_space<vmem>>
    %dma_start3A_58 = arith.constant 0 : i32
    %dma_start3A_59 = arith.constant 0 : i32
    %dma_start3A_60 = tpu.memref_slice %arg4[%dma_start3A_42, %dma_start3A_43, %dma_start3A_44, %dma_start3A_58, %dma_start3A_59] : memref<200x4x128x8x128xf32, #tpu.memory_space<hbm>> -> memref<1x1x1x8x128xf32, #tpu.memory_space<hbm>>
    %dma_start3A_61 = tpu.memref_squeeze %dma_start3A_60 : memref<1x1x1x8x128xf32, #tpu.memory_space<hbm>> -> memref<8x128xf32, #tpu.memory_space<hbm>>
    tpu.enqueue_dma source(%dma_start3A_61 : memref<8x128xf32, #tpu.memory_space<hbm>>) target(%dma_start3A_57 : memref<8x128xf32, #tpu.memory_space<vmem>>) target_semaphore(%arg12 : memref<!tpu.dma_semaphore, #tpu.memory_space<semaphore_mem>>)
    %dma_start3A_62 = arith.constant 0 : i32
    %dma_start3A_63 = arith.constant 3 : i32
    %dma_start3A_64 = arith.constant 0 : i32
    %dma_start3A_65 = arith.constant 0 : i32
    %dma_start3A_66 = arith.constant 24 : i32
    %dma_start3A_67 = arith.constant 0 : i32
    %dma_start3A_68 = tpu.memref_slice %arg7[%dma_start3A_65, %dma_start3A_66, %dma_start3A_67] : memref<4x32x129xf32, #tpu.memory_space<vmem>> -> memref<1x8x128xf32, #tpu.memory_space<vmem>>
    %dma_start3A_69 = tpu.memref_squeeze %dma_start3A_68 : memref<1x8x128xf32, #tpu.memory_space<vmem>> -> memref<8x128xf32, #tpu.memory_space<vmem>>
    %dma_start3A_70 = arith.constant 0 : i32
    %dma_start3A_71 = arith.constant 0 : i32
    %dma_start3A_72 = tpu.memref_slice %arg4[%dma_start3A_62, %dma_start3A_63, %dma_start3A_64, %dma_start3A_70, %dma_start3A_71] : memref<200x4x128x8x128xf32, #tpu.memory_space<hbm>> -> memref<1x1x1x8x128xf32, #tpu.memory_space<hbm>>
    %dma_start3A_73 = tpu.memref_squeeze %dma_start3A_72 : memref<1x1x1x8x128xf32, #tpu.memory_space<hbm>> -> memref<8x128xf32, #tpu.memory_space<hbm>>
    %dma_start3A_74 = arith.constant 24 : i32
    %dma_start3A_75 = arith.constant 0 : i32
    %dma_start3A_76 = tpu.memref_slice %arg7[%dma_start3A_65, %dma_start3A_74, %dma_start3A_75] : memref<4x32x129xf32, #tpu.memory_space<vmem>> -> memref<1x8x128xf32, #tpu.memory_space<vmem>>
    %dma_start3A_77 = tpu.memref_squeeze %dma_start3A_76 : memref<1x8x128xf32, #tpu.memory_space<vmem>> -> memref<8x128xf32, #tpu.memory_space<vmem>>
    %dma_start3A_78 = arith.constant 0 : i32
    %dma_start3A_79 = arith.constant 0 : i32
    %dma_start3A_80 = tpu.memref_slice %arg4[%dma_start3A_62, %dma_start3A_63, %dma_start3A_64, %dma_start3A_78, %dma_start3A_79] : memref<200x4x128x8x128xf32, #tpu.memory_space<hbm>> -> memref<1x1x1x8x128xf32, #tpu.memory_space<hbm>>
    %dma_start3A_81 = tpu.memref_squeeze %dma_start3A_80 : memref<1x1x1x8x128xf32, #tpu.memory_space<hbm>> -> memref<8x128xf32, #tpu.memory_space<hbm>>
    tpu.enqueue_dma source(%dma_start3A_81 : memref<8x128xf32, #tpu.memory_space<hbm>>) target(%dma_start3A_77 : memref<8x128xf32, #tpu.memory_space<vmem>>) target_semaphore(%arg12 : memref<!tpu.dma_semaphore, #tpu.memory_space<semaphore_mem>>)
    %dma_start3A_82 = arith.constant 0 : i32
    %dma_start3A_83 = arith.constant 0 : i32
    %dma_start3A_84 = arith.constant 0 : i32
    %dma_start3A_85 = arith.constant 1 : i32
    %dma_start3A_86 = arith.constant 0 : i32
    %dma_start3A_87 = arith.constant 0 : i32
    %dma_start3A_88 = tpu.memref_slice %arg7[%dma_start3A_85, %dma_start3A_86, %dma_start3A_87] : memref<4x32x129xf32, #tpu.memory_space<vmem>> -> memref<1x8x128xf32, #tpu.memory_space<vmem>>
    %dma_start3A_89 = tpu.memref_squeeze %dma_start3A_88 : memref<1x8x128xf32, #tpu.memory_space<vmem>> -> memref<8x128xf32, #tpu.memory_space<vmem>>
    %dma_start3A_90 = arith.constant 0 : i32
    %dma_start3A_91 = arith.constant 0 : i32
    %dma_start3A_92 = tpu.memref_slice %arg4[%dma_start3A_82, %dma_start3A_83, %dma_start3A_84, %dma_start3A_90, %dma_start3A_91] : memref<200x4x128x8x128xf32, #tpu.memory_space<hbm>> -> memref<1x1x1x8x128xf32, #tpu.memory_space<hbm>>
    %dma_start3A_93 = tpu.memref_squeeze %dma_start3A_92 : memref<1x1x1x8x128xf32, #tpu.memory_space<hbm>> -> memref<8x128xf32, #tpu.memory_space<hbm>>
    %dma_start3A_94 = arith.constant 0 : i32
    %dma_start3A_95 = arith.constant 0 : i32
    %dma_start3A_96 = tpu.memref_slice %arg7[%dma_start3A_85, %dma_start3A_94, %dma_start3A_95] : memref<4x32x129xf32, #tpu.memory_space<vmem>> -> memref<1x8x128xf32, #tpu.memory_space<vmem>>
    %dma_start3A_97 = tpu.memref_squeeze %dma_start3A_96 : memref<1x8x128xf32, #tpu.memory_space<vmem>> -> memref<8x128xf32, #tpu.memory_space<vmem>>
    %dma_start3A_98 = arith.constant 0 : i32
    %dma_start3A_99 = arith.constant 0 : i32
    %dma_start3A_100 = tpu.memref_slice %arg4[%dma_start3A_82, %dma_start3A_83, %dma_start3A_84, %dma_start3A_98, %dma_start3A_99] : memref<200x4x128x8x128xf32, #tpu.memory_space<hbm>> -> memref<1x1x1x8x128xf32, #tpu.memory_space<hbm>>
    %dma_start3A_101 = tpu.memref_squeeze %dma_start3A_100 : memref<1x1x1x8x128xf32, #tpu.memory_space<hbm>> -> memref<8x128xf32, #tpu.memory_space<hbm>>
    tpu.enqueue_dma source(%dma_start3A_101 : memref<8x128xf32, #tpu.memory_space<hbm>>) target(%dma_start3A_97 : memref<8x128xf32, #tpu.memory_space<vmem>>) target_semaphore(%arg13 : memref<!tpu.dma_semaphore, #tpu.memory_space<semaphore_mem>>)
    %dma_start3A_102 = arith.constant 0 : i32
    %dma_start3A_103 = arith.constant 1 : i32
    %dma_start3A_104 = arith.constant 0 : i32
    %dma_start3A_105 = arith.constant 1 : i32
    %dma_start3A_106 = arith.constant 8 : i32
    %dma_start3A_107 = arith.constant 0 : i32
    %dma_start3A_108 = tpu.memref_slice %arg7[%dma_start3A_105, %dma_start3A_106, %dma_start3A_107] : memref<4x32x129xf32, #tpu.memory_space<vmem>> -> memref<1x8x128xf32, #tpu.memory_space<vmem>>
    %dma_start3A_109 = tpu.memref_squeeze %dma_start3A_108 : memref<1x8x128xf32, #tpu.memory_space<vmem>> -> memref<8x128xf32, #tpu.memory_space<vmem>>
    %dma_start3A_110 = arith.constant 0 : i32
    %dma_start3A_111 = arith.constant 0 : i32
    %dma_start3A_112 = tpu.memref_slice %arg4[%dma_start3A_102, %dma_start3A_103, %dma_start3A_104, %dma_start3A_110, %dma_start3A_111] : memref<200x4x128x8x128xf32, #tpu.memory_space<hbm>> -> memref<1x1x1x8x128xf32, #tpu.memory_space<hbm>>
    %dma_start3A_113 = tpu.memref_squeeze %dma_start3A_112 : memref<1x1x1x8x128xf32, #tpu.memory_space<hbm>> -> memref<8x128xf32, #tpu.memory_space<hbm>>
    %dma_start3A_114 = arith.constant 8 : i32
    %dma_start3A_115 = arith.constant 0 : i32
    %dma_start3A_116 = tpu.memref_slice %arg7[%dma_start3A_105, %dma_start3A_114, %dma_start3A_115] : memref<4x32x129xf32, #tpu.memory_space<vmem>> -> memref<1x8x128xf32, #tpu.memory_space<vmem>>
    %dma_start3A_117 = tpu.memref_squeeze %dma_start3A_116 : memref<1x8x128xf32, #tpu.memory_space<vmem>> -> memref<8x128xf32, #tpu.memory_space<vmem>>
    %dma_start3A_118 = arith.constant 0 : i32
    %dma_start3A_119 = arith.constant 0 : i32
    %dma_start3A_120 = tpu.memref_slice %arg4[%dma_start3A_102, %dma_start3A_103, %dma_start3A_104, %dma_start3A_118, %dma_start3A_119] : memref<200x4x128x8x128xf32, #tpu.memory_space<hbm>> -> memref<1x1x1x8x128xf32, #tpu.memory_space<hbm>>
    %dma_start3A_121 = tpu.memref_squeeze %dma_start3A_120 : memref<1x1x1x8x128xf32, #tpu.memory_space<hbm>> -> memref<8x128xf32, #tpu.memory_space<hbm>>
    tpu.enqueue_dma source(%dma_start3A_121 : memref<8x128xf32, #tpu.memory_space<hbm>>) target(%dma_start3A_117 : memref<8x128xf32, #tpu.memory_space<vmem>>) target_semaphore(%arg13 : memref<!tpu.dma_semaphore, #tpu.memory_space<semaphore_mem>>)
    %dma_start3A_122 = arith.constant 0 : i32
    %dma_start3A_123 = arith.constant 2 : i32
    %dma_start3A_124 = arith.constant 0 : i32
    %dma_start3A_125 = arith.constant 1 : i32
    %dma_start3A_126 = arith.constant 16 : i32
    %dma_start3A_127 = arith.constant 0 : i32
    %dma_start3A_128 = tpu.memref_slice %arg7[%dma_start3A_125, %dma_start3A_126, %dma_start3A_127] : memref<4x32x129xf32, #tpu.memory_space<vmem>> -> memref<1x8x128xf32, #tpu.memory_space<vmem>>
    %dma_start3A_129 = tpu.memref_squeeze %dma_start3A_128 : memref<1x8x128xf32, #tpu.memory_space<vmem>> -> memref<8x128xf32, #tpu.memory_space<vmem>>
    %dma_start3A_130 = arith.constant 0 : i32
    %dma_start3A_131 = arith.constant 0 : i32
    %dma_start3A_132 = tpu.memref_slice %arg4[%dma_start3A_122, %dma_start3A_123, %dma_start3A_124, %dma_start3A_130, %dma_start3A_131] : memref<200x4x128x8x128xf32, #tpu.memory_space<hbm>> -> memref<1x1x1x8x128xf32, #tpu.memory_space<hbm>>
    %dma_start3A_133 = tpu.memref_squeeze %dma_start3A_132 : memref<1x1x1x8x128xf32, #tpu.memory_space<hbm>> -> memref<8x128xf32, #tpu.memory_space<hbm>>
    %dma_start3A_134 = arith.constant 16 : i32
    %dma_start3A_135 = arith.constant 0 : i32
    %dma_start3A_136 = tpu.memref_slice %arg7[%dma_start3A_125, %dma_start3A_134, %dma_start3A_135] : memref<4x32x129xf32, #tpu.memory_space<vmem>> -> memref<1x8x128xf32, #tpu.memory_space<vmem>>
    %dma_start3A_137 = tpu.memref_squeeze %dma_start3A_136 : memref<1x8x128xf32, #tpu.memory_space<vmem>> -> memref<8x128xf32, #tpu.memory_space<vmem>>
    %dma_start3A_138 = arith.constant 0 : i32
    %dma_start3A_139 = arith.constant 0 : i32
    %dma_start3A_140 = tpu.memref_slice %arg4[%dma_start3A_122, %dma_start3A_123, %dma_start3A_124, %dma_start3A_138, %dma_start3A_139] : memref<200x4x128x8x128xf32, #tpu.memory_space<hbm>> -> memref<1x1x1x8x128xf32, #tpu.memory_space<hbm>>
    %dma_start3A_141 = tpu.memref_squeeze %dma_start3A_140 : memref<1x1x1x8x128xf32, #tpu.memory_space<hbm>> -> memref<8x128xf32, #tpu.memory_space<hbm>>
    tpu.enqueue_dma source(%dma_start3A_141 : memref<8x128xf32, #tpu.memory_space<hbm>>) target(%dma_start3A_137 : memref<8x128xf32, #tpu.memory_space<vmem>>) target_semaphore(%arg13 : memref<!tpu.dma_semaphore, #tpu.memory_space<semaphore_mem>>)
    %dma_start3A_142 = arith.constant 0 : i32
    %dma_start3A_143 = arith.constant 3 : i32
    %dma_start3A_144 = arith.constant 0 : i32
    %dma_start3A_145 = arith.constant 1 : i32
    %dma_start3A_146 = arith.constant 24 : i32
    %dma_start3A_147 = arith.constant 0 : i32
    %dma_start3A_148 = tpu.memref_slice %arg7[%dma_start3A_145, %dma_start3A_146, %dma_start3A_147] : memref<4x32x129xf32, #tpu.memory_space<vmem>> -> memref<1x8x128xf32, #tpu.memory_space<vmem>>
    %dma_start3A_149 = tpu.memref_squeeze %dma_start3A_148 : memref<1x8x128xf32, #tpu.memory_space<vmem>> -> memref<8x128xf32, #tpu.memory_space<vmem>>
    %dma_start3A_150 = arith.constant 0 : i32
    %dma_start3A_151 = arith.constant 0 : i32
    %dma_start3A_152 = tpu.memref_slice %arg4[%dma_start3A_142, %dma_start3A_143, %dma_start3A_144, %dma_start3A_150, %dma_start3A_151] : memref<200x4x128x8x128xf32, #tpu.memory_space<hbm>> -> memref<1x1x1x8x128xf32, #tpu.memory_space<hbm>>
    %dma_start3A_153 = tpu.memref_squeeze %dma_start3A_152 : memref<1x1x1x8x128xf32, #tpu.memory_space<hbm>> -> memref<8x128xf32, #tpu.memory_space<hbm>>
    %dma_start3A_154 = arith.constant 24 : i32
    %dma_start3A_155 = arith.constant 0 : i32
    %dma_start3A_156 = tpu.memref_slice %arg7[%dma_start3A_145, %dma_start3A_154, %dma_start3A_155] : memref<4x32x129xf32, #tpu.memory_space<vmem>> -> memref<1x8x128xf32, #tpu.memory_space<vmem>>
    %dma_start3A_157 = tpu.memref_squeeze %dma_start3A_156 : memref<1x8x128xf32, #tpu.memory_space<vmem>> -> memref<8x128xf32, #tpu.memory_space<vmem>>
    %dma_start3A_158 = arith.constant 0 : i32
    %dma_start3A_159 = arith.constant 0 : i32
    %dma_start3A_160 = tpu.memref_slice %arg4[%dma_start3A_142, %dma_start3A_143, %dma_start3A_144, %dma_start3A_158, %dma_start3A_159] : memref<200x4x128x8x128xf32, #tpu.memory_space<hbm>> -> memref<1x1x1x8x128xf32, #tpu.memory_space<hbm>>
    %dma_start3A_161 = tpu.memref_squeeze %dma_start3A_160 : memref<1x1x1x8x128xf32, #tpu.memory_space<hbm>> -> memref<8x128xf32, #tpu.memory_space<hbm>>
    tpu.enqueue_dma source(%dma_start3A_161 : memref<8x128xf32, #tpu.memory_space<hbm>>) target(%dma_start3A_157 : memref<8x128xf32, #tpu.memory_space<vmem>>) target_semaphore(%arg13 : memref<!tpu.dma_semaphore, #tpu.memory_space<semaphore_mem>>)
    %dma_start3A_162 = arith.constant 0 : i32
    %dma_start3A_163 = arith.constant 0 : i32
    %dma_start3A_164 = arith.constant 0 : i32
    %dma_start3A_165 = arith.constant 2 : i32
    %dma_start3A_166 = arith.constant 0 : i32
    %dma_start3A_167 = arith.constant 0 : i32
    %dma_start3A_168 = tpu.memref_slice %arg7[%dma_start3A_165, %dma_start3A_166, %dma_start3A_167] : memref<4x32x129xf32, #tpu.memory_space<vmem>> -> memref<1x8x128xf32, #tpu.memory_space<vmem>>
    %dma_start3A_169 = tpu.memref_squeeze %dma_start3A_168 : memref<1x8x128xf32, #tpu.memory_space<vmem>> -> memref<8x128xf32, #tpu.memory_space<vmem>>
    %dma_start3A_170 = arith.constant 0 : i32
    %dma_start3A_171 = arith.constant 0 : i32
    %dma_start3A_172 = tpu.memref_slice %arg4[%dma_start3A_162, %dma_start3A_163, %dma_start3A_164, %dma_start3A_170, %dma_start3A_171] : memref<200x4x128x8x128xf32, #tpu.memory_space<hbm>> -> memref<1x1x1x8x128xf32, #tpu.memory_space<hbm>>
    %dma_start3A_173 = tpu.memref_squeeze %dma_start3A_172 : memref<1x1x1x8x128xf32, #tpu.memory_space<hbm>> -> memref<8x128xf32, #tpu.memory_space<hbm>>
    %dma_start3A_174 = arith.constant 0 : i32
    %dma_start3A_175 = arith.constant 0 : i32
    %dma_start3A_176 = tpu.memref_slice %arg7[%dma_start3A_165, %dma_start3A_174, %dma_start3A_175] : memref<4x32x129xf32, #tpu.memory_space<vmem>> -> memref<1x8x128xf32, #tpu.memory_space<vmem>>
    %dma_start3A_177 = tpu.memref_squeeze %dma_start3A_176 : memref<1x8x128xf32, #tpu.memory_space<vmem>> -> memref<8x128xf32, #tpu.memory_space<vmem>>
    %dma_start3A_178 = arith.constant 0 : i32
    %dma_start3A_179 = arith.constant 0 : i32
    %dma_start3A_180 = tpu.memref_slice %arg4[%dma_start3A_162, %dma_start3A_163, %dma_start3A_164, %dma_start3A_178, %dma_start3A_179] : memref<200x4x128x8x128xf32, #tpu.memory_space<hbm>> -> memref<1x1x1x8x128xf32, #tpu.memory_space<hbm>>
    %dma_start3A_181 = tpu.memref_squeeze %dma_start3A_180 : memref<1x1x1x8x128xf32, #tpu.memory_space<hbm>> -> memref<8x128xf32, #tpu.memory_space<hbm>>
    tpu.enqueue_dma source(%dma_start3A_181 : memref<8x128xf32, #tpu.memory_space<hbm>>) target(%dma_start3A_177 : memref<8x128xf32, #tpu.memory_space<vmem>>) target_semaphore(%arg14 : memref<!tpu.dma_semaphore, #tpu.memory_space<semaphore_mem>>)
    %dma_start3A_182 = arith.constant 0 : i32
    %dma_start3A_183 = arith.constant 1 : i32
    %dma_start3A_184 = arith.constant 0 : i32
    %dma_start3A_185 = arith.constant 2 : i32
    %dma_start3A_186 = arith.constant 8 : i32
    %dma_start3A_187 = arith.constant 0 : i32
    %dma_start3A_188 = tpu.memref_slice %arg7[%dma_start3A_185, %dma_start3A_186, %dma_start3A_187] : memref<4x32x129xf32, #tpu.memory_space<vmem>> -> memref<1x8x128xf32, #tpu.memory_space<vmem>>
    %dma_start3A_189 = tpu.memref_squeeze %dma_start3A_188 : memref<1x8x128xf32, #tpu.memory_space<vmem>> -> memref<8x128xf32, #tpu.memory_space<vmem>>
    %dma_start3A_190 = arith.constant 0 : i32
    %dma_start3A_191 = arith.constant 0 : i32
    %dma_start3A_192 = tpu.memref_slice %arg4[%dma_start3A_182, %dma_start3A_183, %dma_start3A_184, %dma_start3A_190, %dma_start3A_191] : memref<200x4x128x8x128xf32, #tpu.memory_space<hbm>> -> memref<1x1x1x8x128xf32, #tpu.memory_space<hbm>>
    %dma_start3A_193 = tpu.memref_squeeze %dma_start3A_192 : memref<1x1x1x8x128xf32, #tpu.memory_space<hbm>> -> memref<8x128xf32, #tpu.memory_space<hbm>>
    %dma_start3A_194 = arith.constant 8 : i32
    %dma_start3A_195 = arith.constant 0 : i32
    %dma_start3A_196 = tpu.memref_slice %arg7[%dma_start3A_185, %dma_start3A_194, %dma_start3A_195] : memref<4x32x129xf32, #tpu.memory_space<vmem>> -> memref<1x8x128xf32, #tpu.memory_space<vmem>>
    %dma_start3A_197 = tpu.memref_squeeze %dma_start3A_196 : memref<1x8x128xf32, #tpu.memory_space<vmem>> -> memref<8x128xf32, #tpu.memory_space<vmem>>
    %dma_start3A_198 = arith.constant 0 : i32
    %dma_start3A_199 = arith.constant 0 : i32
    %dma_start3A_200 = tpu.memref_slice %arg4[%dma_start3A_182, %dma_start3A_183, %dma_start3A_184, %dma_start3A_198, %dma_start3A_199] : memref<200x4x128x8x128xf32, #tpu.memory_space<hbm>> -> memref<1x1x1x8x128xf32, #tpu.memory_space<hbm>>
    %dma_start3A_201 = tpu.memref_squeeze %dma_start3A_200 : memref<1x1x1x8x128xf32, #tpu.memory_space<hbm>> -> memref<8x128xf32, #tpu.memory_space<hbm>>
    tpu.enqueue_dma source(%dma_start3A_201 : memref<8x128xf32, #tpu.memory_space<hbm>>) target(%dma_start3A_197 : memref<8x128xf32, #tpu.memory_space<vmem>>) target_semaphore(%arg14 : memref<!tpu.dma_semaphore, #tpu.memory_space<semaphore_mem>>)
    %dma_start3A_202 = arith.constant 0 : i32
    %dma_start3A_203 = arith.constant 2 : i32
    %dma_start3A_204 = arith.constant 0 : i32
    %dma_start3A_205 = arith.constant 2 : i32
    %dma_start3A_206 = arith.constant 16 : i32
    %dma_start3A_207 = arith.constant 0 : i32
    %dma_start3A_208 = tpu.memref_slice %arg7[%dma_start3A_205, %dma_start3A_206, %dma_start3A_207] : memref<4x32x129xf32, #tpu.memory_space<vmem>> -> memref<1x8x128xf32, #tpu.memory_space<vmem>>
    %dma_start3A_209 = tpu.memref_squeeze %dma_start3A_208 : memref<1x8x128xf32, #tpu.memory_space<vmem>> -> memref<8x128xf32, #tpu.memory_space<vmem>>
    %dma_start3A_210 = arith.constant 0 : i32
    %dma_start3A_211 = arith.constant 0 : i32
    %dma_start3A_212 = tpu.memref_slice %arg4[%dma_start3A_202, %dma_start3A_203, %dma_start3A_204, %dma_start3A_210, %dma_start3A_211] : memref<200x4x128x8x128xf32, #tpu.memory_space<hbm>> -> memref<1x1x1x8x128xf32, #tpu.memory_space<hbm>>
    %dma_start3A_213 = tpu.memref_squeeze %dma_start3A_212 : memref<1x1x1x8x128xf32, #tpu.memory_space<hbm>> -> memref<8x128xf32, #tpu.memory_space<hbm>>
    %dma_start3A_214 = arith.constant 16 : i32
    %dma_start3A_215 = arith.constant 0 : i32
    %dma_start3A_216 = tpu.memref_slice %arg7[%dma_start3A_205, %dma_start3A_214, %dma_start3A_215] : memref<4x32x129xf32, #tpu.memory_space<vmem>> -> memref<1x8x128xf32, #tpu.memory_space<vmem>>
    %dma_start3A_217 = tpu.memref_squeeze %dma_start3A_216 : memref<1x8x128xf32, #tpu.memory_space<vmem>> -> memref<8x128xf32, #tpu.memory_space<vmem>>
    %dma_start3A_218 = arith.constant 0 : i32
    %dma_start3A_219 = arith.constant 0 : i32
    %dma_start3A_220 = tpu.memref_slice %arg4[%dma_start3A_202, %dma_start3A_203, %dma_start3A_204, %dma_start3A_218, %dma_start3A_219] : memref<200x4x128x8x128xf32, #tpu.memory_space<hbm>> -> memref<1x1x1x8x128xf32, #tpu.memory_space<hbm>>
    %dma_start3A_221 = tpu.memref_squeeze %dma_start3A_220 : memref<1x1x1x8x128xf32, #tpu.memory_space<hbm>> -> memref<8x128xf32, #tpu.memory_space<hbm>>
    tpu.enqueue_dma source(%dma_start3A_221 : memref<8x128xf32, #tpu.memory_space<hbm>>) target(%dma_start3A_217 : memref<8x128xf32, #tpu.memory_space<vmem>>) target_semaphore(%arg14 : memref<!tpu.dma_semaphore, #tpu.memory_space<semaphore_mem>>)
    %dma_start3A_222 = arith.constant 0 : i32
    %dma_start3A_223 = arith.constant 3 : i32
    %dma_start3A_224 = arith.constant 0 : i32
    %dma_start3A_225 = arith.constant 2 : i32
    %dma_start3A_226 = arith.constant 24 : i32
    %dma_start3A_227 = arith.constant 0 : i32
    %dma_start3A_228 = tpu.memref_slice %arg7[%dma_start3A_225, %dma_start3A_226, %dma_start3A_227] : memref<4x32x129xf32, #tpu.memory_space<vmem>> -> memref<1x8x128xf32, #tpu.memory_space<vmem>>
    %dma_start3A_229 = tpu.memref_squeeze %dma_start3A_228 : memref<1x8x128xf32, #tpu.memory_space<vmem>> -> memref<8x128xf32, #tpu.memory_space<vmem>>
    %dma_start3A_230 = arith.constant 0 : i32
    %dma_start3A_231 = arith.constant 0 : i32
    %dma_start3A_232 = tpu.memref_slice %arg4[%dma_start3A_222, %dma_start3A_223, %dma_start3A_224, %dma_start3A_230, %dma_start3A_231] : memref<200x4x128x8x128xf32, #tpu.memory_space<hbm>> -> memref<1x1x1x8x128xf32, #tpu.memory_space<hbm>>
    %dma_start3A_233 = tpu.memref_squeeze %dma_start3A_232 : memref<1x1x1x8x128xf32, #tpu.memory_space<hbm>> -> memref<8x128xf32, #tpu.memory_space<hbm>>
    %dma_start3A_234 = arith.constant 24 : i32
    %dma_start3A_235 = arith.constant 0 : i32
    %dma_start3A_236 = tpu.memref_slice %arg7[%dma_start3A_225, %dma_start3A_234, %dma_start3A_235] : memref<4x32x129xf32, #tpu.memory_space<vmem>> -> memref<1x8x128xf32, #tpu.memory_space<vmem>>
    %dma_start3A_237 = tpu.memref_squeeze %dma_start3A_236 : memref<1x8x128xf32, #tpu.memory_space<vmem>> -> memref<8x128xf32, #tpu.memory_space<vmem>>
    %dma_start3A_238 = arith.constant 0 : i32
    %dma_start3A_239 = arith.constant 0 : i32
    %dma_start3A_240 = tpu.memref_slice %arg4[%dma_start3A_222, %dma_start3A_223, %dma_start3A_224, %dma_start3A_238, %dma_start3A_239] : memref<200x4x128x8x128xf32, #tpu.memory_space<hbm>> -> memref<1x1x1x8x128xf32, #tpu.memory_space<hbm>>
    %dma_start3A_241 = tpu.memref_squeeze %dma_start3A_240 : memref<1x1x1x8x128xf32, #tpu.memory_space<hbm>> -> memref<8x128xf32, #tpu.memory_space<hbm>>
    tpu.enqueue_dma source(%dma_start3A_241 : memref<8x128xf32, #tpu.memory_space<hbm>>) target(%dma_start3A_237 : memref<8x128xf32, #tpu.memory_space<vmem>>) target_semaphore(%arg14 : memref<!tpu.dma_semaphore, #tpu.memory_space<semaphore_mem>>)
    %dma_start3A_242 = arith.constant 0 : i32
    %dma_start3A_243 = arith.constant 0 : i32
    %dma_start3A_244 = arith.constant 0 : i32
    %dma_start3A_245 = arith.constant 3 : i32
    %dma_start3A_246 = arith.constant 0 : i32
    %dma_start3A_247 = arith.constant 0 : i32
    %dma_start3A_248 = tpu.memref_slice %arg7[%dma_start3A_245, %dma_start3A_246, %dma_start3A_247] : memref<4x32x129xf32, #tpu.memory_space<vmem>> -> memref<1x8x128xf32, #tpu.memory_space<vmem>>
    %dma_start3A_249 = tpu.memref_squeeze %dma_start3A_248 : memref<1x8x128xf32, #tpu.memory_space<vmem>> -> memref<8x128xf32, #tpu.memory_space<vmem>>
    %dma_start3A_250 = arith.constant 0 : i32
    %dma_start3A_251 = arith.constant 0 : i32
    %dma_start3A_252 = tpu.memref_slice %arg4[%dma_start3A_242, %dma_start3A_243, %dma_start3A_244, %dma_start3A_250, %dma_start3A_251] : memref<200x4x128x8x128xf32, #tpu.memory_space<hbm>> -> memref<1x1x1x8x128xf32, #tpu.memory_space<hbm>>
    %dma_start3A_253 = tpu.memref_squeeze %dma_start3A_252 : memref<1x1x1x8x128xf32, #tpu.memory_space<hbm>> -> memref<8x128xf32, #tpu.memory_space<hbm>>
    %dma_start3A_254 = arith.constant 0 : i32
    %dma_start3A_255 = arith.constant 0 : i32
    %dma_start3A_256 = tpu.memref_slice %arg7[%dma_start3A_245, %dma_start3A_254, %dma_start3A_255] : memref<4x32x129xf32, #tpu.memory_space<vmem>> -> memref<1x8x128xf32, #tpu.memory_space<vmem>>
    %dma_start3A_257 = tpu.memref_squeeze %dma_start3A_256 : memref<1x8x128xf32, #tpu.memory_space<vmem>> -> memref<8x128xf32, #tpu.memory_space<vmem>>
    %dma_start3A_258 = arith.constant 0 : i32
    %dma_start3A_259 = arith.constant 0 : i32
    %dma_start3A_260 = tpu.memref_slice %arg4[%dma_start3A_242, %dma_start3A_243, %dma_start3A_244, %dma_start3A_258, %dma_start3A_259] : memref<200x4x128x8x128xf32, #tpu.memory_space<hbm>> -> memref<1x1x1x8x128xf32, #tpu.memory_space<hbm>>
    %dma_start3A_261 = tpu.memref_squeeze %dma_start3A_260 : memref<1x1x1x8x128xf32, #tpu.memory_space<hbm>> -> memref<8x128xf32, #tpu.memory_space<hbm>>
    tpu.enqueue_dma source(%dma_start3A_261 : memref<8x128xf32, #tpu.memory_space<hbm>>) target(%dma_start3A_257 : memref<8x128xf32, #tpu.memory_space<vmem>>) target_semaphore(%arg15 : memref<!tpu.dma_semaphore, #tpu.memory_space<semaphore_mem>>)
    %dma_start3A_262 = arith.constant 0 : i32
    %dma_start3A_263 = arith.constant 1 : i32
    %dma_start3A_264 = arith.constant 0 : i32
    %dma_start3A_265 = arith.constant 3 : i32
    %dma_start3A_266 = arith.constant 8 : i32
    %dma_start3A_267 = arith.constant 0 : i32
    %dma_start3A_268 = tpu.memref_slice %arg7[%dma_start3A_265, %dma_start3A_266, %dma_start3A_267] : memref<4x32x129xf32, #tpu.memory_space<vmem>> -> memref<1x8x128xf32, #tpu.memory_space<vmem>>
    %dma_start3A_269 = tpu.memref_squeeze %dma_start3A_268 : memref<1x8x128xf32, #tpu.memory_space<vmem>> -> memref<8x128xf32, #tpu.memory_space<vmem>>
    %dma_start3A_270 = arith.constant 0 : i32
    %dma_start3A_271 = arith.constant 0 : i32
    %dma_start3A_272 = tpu.memref_slice %arg4[%dma_start3A_262, %dma_start3A_263, %dma_start3A_264, %dma_start3A_270, %dma_start3A_271] : memref<200x4x128x8x128xf32, #tpu.memory_space<hbm>> -> memref<1x1x1x8x128xf32, #tpu.memory_space<hbm>>
    %dma_start3A_273 = tpu.memref_squeeze %dma_start3A_272 : memref<1x1x1x8x128xf32, #tpu.memory_space<hbm>> -> memref<8x128xf32, #tpu.memory_space<hbm>>
    %dma_start3A_274 = arith.constant 8 : i32
    %dma_start3A_275 = arith.constant 0 : i32
    %dma_start3A_276 = tpu.memref_slice %arg7[%dma_start3A_265, %dma_start3A_274, %dma_start3A_275] : memref<4x32x129xf32, #tpu.memory_space<vmem>> -> memref<1x8x128xf32, #tpu.memory_space<vmem>>
    %dma_start3A_277 = tpu.memref_squeeze %dma_start3A_276 : memref<1x8x128xf32, #tpu.memory_space<vmem>> -> memref<8x128xf32, #tpu.memory_space<vmem>>
    %dma_start3A_278 = arith.constant 0 : i32
    %dma_start3A_279 = arith.constant 0 : i32
    %dma_start3A_280 = tpu.memref_slice %arg4[%dma_start3A_262, %dma_start3A_263, %dma_start3A_264, %dma_start3A_278, %dma_start3A_279] : memref<200x4x128x8x128xf32, #tpu.memory_space<hbm>> -> memref<1x1x1x8x128xf32, #tpu.memory_space<hbm>>
    %dma_start3A_281 = tpu.memref_squeeze %dma_start3A_280 : memref<1x1x1x8x128xf32, #tpu.memory_space<hbm>> -> memref<8x128xf32, #tpu.memory_space<hbm>>
    tpu.enqueue_dma source(%dma_start3A_281 : memref<8x128xf32, #tpu.memory_space<hbm>>) target(%dma_start3A_277 : memref<8x128xf32, #tpu.memory_space<vmem>>) target_semaphore(%arg15 : memref<!tpu.dma_semaphore, #tpu.memory_space<semaphore_mem>>)
    %dma_start3A_282 = arith.constant 0 : i32
    %dma_start3A_283 = arith.constant 2 : i32
    %dma_start3A_284 = arith.constant 0 : i32
    %dma_start3A_285 = arith.constant 3 : i32
    %dma_start3A_286 = arith.constant 16 : i32
    %dma_start3A_287 = arith.constant 0 : i32
    %dma_start3A_288 = tpu.memref_slice %arg7[%dma_start3A_285, %dma_start3A_286, %dma_start3A_287] : memref<4x32x129xf32, #tpu.memory_space<vmem>> -> memref<1x8x128xf32, #tpu.memory_space<vmem>>
    %dma_start3A_289 = tpu.memref_squeeze %dma_start3A_288 : memref<1x8x128xf32, #tpu.memory_space<vmem>> -> memref<8x128xf32, #tpu.memory_space<vmem>>
    %dma_start3A_290 = arith.constant 0 : i32
    %dma_start3A_291 = arith.constant 0 : i32
    %dma_start3A_292 = tpu.memref_slice %arg4[%dma_start3A_282, %dma_start3A_283, %dma_start3A_284, %dma_start3A_290, %dma_start3A_291] : memref<200x4x128x8x128xf32, #tpu.memory_space<hbm>> -> memref<1x1x1x8x128xf32, #tpu.memory_space<hbm>>
    %dma_start3A_293 = tpu.memref_squeeze %dma_start3A_292 : memref<1x1x1x8x128xf32, #tpu.memory_space<hbm>> -> memref<8x128xf32, #tpu.memory_space<hbm>>
    %dma_start3A_294 = arith.constant 16 : i32
    %dma_start3A_295 = arith.constant 0 : i32
    %dma_start3A_296 = tpu.memref_slice %arg7[%dma_start3A_285, %dma_start3A_294, %dma_start3A_295] : memref<4x32x129xf32, #tpu.memory_space<vmem>> -> memref<1x8x128xf32, #tpu.memory_space<vmem>>
    %dma_start3A_297 = tpu.memref_squeeze %dma_start3A_296 : memref<1x8x128xf32, #tpu.memory_space<vmem>> -> memref<8x128xf32, #tpu.memory_space<vmem>>
    %dma_start3A_298 = arith.constant 0 : i32
    %dma_start3A_299 = arith.constant 0 : i32
    %dma_start3A_300 = tpu.memref_slice %arg4[%dma_start3A_282, %dma_start3A_283, %dma_start3A_284, %dma_start3A_298, %dma_start3A_299] : memref<200x4x128x8x128xf32, #tpu.memory_space<hbm>> -> memref<1x1x1x8x128xf32, #tpu.memory_space<hbm>>
    %dma_start3A_301 = tpu.memref_squeeze %dma_start3A_300 : memref<1x1x1x8x128xf32, #tpu.memory_space<hbm>> -> memref<8x128xf32, #tpu.memory_space<hbm>>
    tpu.enqueue_dma source(%dma_start3A_301 : memref<8x128xf32, #tpu.memory_space<hbm>>) target(%dma_start3A_297 : memref<8x128xf32, #tpu.memory_space<vmem>>) target_semaphore(%arg15 : memref<!tpu.dma_semaphore, #tpu.memory_space<semaphore_mem>>)
    %dma_start3A_302 = arith.constant 0 : i32
    %dma_start3A_303 = arith.constant 3 : i32
    %dma_start3A_304 = arith.constant 0 : i32
    %dma_start3A_305 = arith.constant 3 : i32
    %dma_start3A_306 = arith.constant 24 : i32
    %dma_start3A_307 = arith.constant 0 : i32
    %dma_start3A_308 = tpu.memref_slice %arg7[%dma_start3A_305, %dma_start3A_306, %dma_start3A_307] : memref<4x32x129xf32, #tpu.memory_space<vmem>> -> memref<1x8x128xf32, #tpu.memory_space<vmem>>
    %dma_start3A_309 = tpu.memref_squeeze %dma_start3A_308 : memref<1x8x128xf32, #tpu.memory_space<vmem>> -> memref<8x128xf32, #tpu.memory_space<vmem>>
    %dma_start3A_310 = arith.constant 0 : i32
    %dma_start3A_311 = arith.constant 0 : i32
    %dma_start3A_312 = tpu.memref_slice %arg4[%dma_start3A_302, %dma_start3A_303, %dma_start3A_304, %dma_start3A_310, %dma_start3A_311] : memref<200x4x128x8x128xf32, #tpu.memory_space<hbm>> -> memref<1x1x1x8x128xf32, #tpu.memory_space<hbm>>
    %dma_start3A_313 = tpu.memref_squeeze %dma_start3A_312 : memref<1x1x1x8x128xf32, #tpu.memory_space<hbm>> -> memref<8x128xf32, #tpu.memory_space<hbm>>
    %dma_start3A_314 = arith.constant 24 : i32
    %dma_start3A_315 = arith.constant 0 : i32
    %dma_start3A_316 = tpu.memref_slice %arg7[%dma_start3A_305, %dma_start3A_314, %dma_start3A_315] : memref<4x32x129xf32, #tpu.memory_space<vmem>> -> memref<1x8x128xf32, #tpu.memory_space<vmem>>
    %dma_start3A_317 = tpu.memref_squeeze %dma_start3A_316 : memref<1x8x128xf32, #tpu.memory_space<vmem>> -> memref<8x128xf32, #tpu.memory_space<vmem>>
    %dma_start3A_318 = arith.constant 0 : i32
    %dma_start3A_319 = arith.constant 0 : i32
    %dma_start3A_320 = tpu.memref_slice %arg4[%dma_start3A_302, %dma_start3A_303, %dma_start3A_304, %dma_start3A_318, %dma_start3A_319] : memref<200x4x128x8x128xf32, #tpu.memory_space<hbm>> -> memref<1x1x1x8x128xf32, #tpu.memory_space<hbm>>
    %dma_start3A_321 = tpu.memref_squeeze %dma_start3A_320 : memref<1x1x1x8x128xf32, #tpu.memory_space<hbm>> -> memref<8x128xf32, #tpu.memory_space<hbm>>
    tpu.enqueue_dma source(%dma_start3A_321 : memref<8x128xf32, #tpu.memory_space<hbm>>) target(%dma_start3A_317 : memref<8x128xf32, #tpu.memory_space<vmem>>) target_semaphore(%arg15 : memref<!tpu.dma_semaphore, #tpu.memory_space<semaphore_mem>>)
    %shift_right_logical3A = arith.constant 0 : i32
    %shift_right_logical3A_322 = arith.constant 1 : i32
    %shift_right_logical3A_323 = arith.shrui %shift_right_logical3A, %shift_right_logical3A_322 : i32
    %and3A = arith.constant 0 : i32
    %and3A_324 = arith.constant 1 : i32
    %and3A_325 = arith.andi %and3A, %and3A_324 : i32
    %mul3A_326 = arith.constant 2 : i32
    %mul3A_327 = arith.muli %and3A_325, %mul3A_326 : i32
    %add3A_328 = arith.constant 0 : i32
    %add3A_329 = arith.addi %mul3A_327, %add3A_328 : i32
    %add3A_330 = arith.addi %mul3A_2, %add3A_329 : i32
    %min3A = arith.constant 24 : i32
    %min3A_331 = arith.minsi %shift_right_logical3A_323, %min3A : i32
    %dma_start3A_332 = arith.constant 0 : i32
    %dma_start3A_333 = arith.constant 0 : i32
    %dma_start3A_334 = tpu.memref_slice %arg5[%dma_start3A_332, %dma_start3A_333] : memref<2x1024xi32, #tpu.memory_space<vmem>> -> memref<1x1024xi32, #tpu.memory_space<vmem>>
    %dma_start3A_335 = tpu.memref_squeeze %dma_start3A_334 : memref<1x1024xi32, #tpu.memory_space<vmem>> -> memref<1024xi32, #tpu.memory_space<vmem>>
    %dma_start3A_336 = arith.constant 0 : i32
    %dma_start3A_337 = tpu.memref_slice %arg2[%min3A_331, %add3A_330, %dma_start3A_336] : memref<25x128x1024xi32, #tpu.memory_space<hbm>> -> memref<1x1x1024xi32, #tpu.memory_space<hbm>>
    %dma_start3A_338 = tpu.memref_squeeze %dma_start3A_337 : memref<1x1x1024xi32, #tpu.memory_space<hbm>> -> memref<1024xi32, #tpu.memory_space<hbm>>
    %dma_start3A_339 = arith.constant 0 : i32
    %dma_start3A_340 = tpu.memref_slice %arg5[%dma_start3A_332, %dma_start3A_339] : memref<2x1024xi32, #tpu.memory_space<vmem>> -> memref<1x1024xi32, #tpu.memory_space<vmem>>
    %dma_start3A_341 = tpu.memref_squeeze %dma_start3A_340 : memref<1x1024xi32, #tpu.memory_space<vmem>> -> memref<1024xi32, #tpu.memory_space<vmem>>
    %dma_start3A_342 = arith.constant 0 : i32
    %dma_start3A_343 = tpu.memref_slice %arg2[%min3A_331, %add3A_330, %dma_start3A_342] : memref<25x128x1024xi32, #tpu.memory_space<hbm>> -> memref<1x1x1024xi32, #tpu.memory_space<hbm>>
    %dma_start3A_344 = tpu.memref_squeeze %dma_start3A_343 : memref<1x1x1024xi32, #tpu.memory_space<hbm>> -> memref<1024xi32, #tpu.memory_space<hbm>>
    tpu.enqueue_dma source(%dma_start3A_344 : memref<1024xi32, #tpu.memory_space<hbm>>) target(%dma_start3A_341 : memref<1024xi32, #tpu.memory_space<vmem>>) target_semaphore(%arg8 : memref<!tpu.dma_semaphore, #tpu.memory_space<semaphore_mem>>)
    %shift_right_logical3A_345 = arith.constant 0 : i32
    %shift_right_logical3A_346 = arith.constant 1 : i32
    %shift_right_logical3A_347 = arith.shrui %shift_right_logical3A_345, %shift_right_logical3A_346 : i32
    %and3A_348 = arith.constant 0 : i32
    %and3A_349 = arith.constant 1 : i32
    %and3A_350 = arith.andi %and3A_348, %and3A_349 : i32
    %mul3A_351 = arith.constant 2 : i32
    %mul3A_352 = arith.muli %and3A_350, %mul3A_351 : i32
    %add3A_353 = arith.constant 1 : i32
    %add3A_354 = arith.addi %mul3A_352, %add3A_353 : i32
    %add3A_355 = arith.addi %mul3A_2, %add3A_354 : i32
    %min3A_356 = arith.constant 24 : i32
    %min3A_357 = arith.minsi %shift_right_logical3A_347, %min3A_356 : i32
    %dma_start3A_358 = arith.constant 1 : i32
    %dma_start3A_359 = arith.constant 0 : i32
    %dma_start3A_360 = tpu.memref_slice %arg5[%dma_start3A_358, %dma_start3A_359] : memref<2x1024xi32, #tpu.memory_space<vmem>> -> memref<1x1024xi32, #tpu.memory_space<vmem>>
    %dma_start3A_361 = tpu.memref_squeeze %dma_start3A_360 : memref<1x1024xi32, #tpu.memory_space<vmem>> -> memref<1024xi32, #tpu.memory_space<vmem>>
    %dma_start3A_362 = arith.constant 0 : i32
    %dma_start3A_363 = tpu.memref_slice %arg2[%min3A_357, %add3A_355, %dma_start3A_362] : memref<25x128x1024xi32, #tpu.memory_space<hbm>> -> memref<1x1x1024xi32, #tpu.memory_space<hbm>>
    %dma_start3A_364 = tpu.memref_squeeze %dma_start3A_363 : memref<1x1x1024xi32, #tpu.memory_space<hbm>> -> memref<1024xi32, #tpu.memory_space<hbm>>
    %dma_start3A_365 = arith.constant 0 : i32
    %dma_start3A_366 = tpu.memref_slice %arg5[%dma_start3A_358, %dma_start3A_365] : memref<2x1024xi32, #tpu.memory_space<vmem>> -> memref<1x1024xi32, #tpu.memory_space<vmem>>
    %dma_start3A_367 = tpu.memref_squeeze %dma_start3A_366 : memref<1x1024xi32, #tpu.memory_space<vmem>> -> memref<1024xi32, #tpu.memory_space<vmem>>
    %dma_start3A_368 = arith.constant 0 : i32
    %dma_start3A_369 = tpu.memref_slice %arg2[%min3A_357, %add3A_355, %dma_start3A_368] : memref<25x128x1024xi32, #tpu.memory_space<hbm>> -> memref<1x1x1024xi32, #tpu.memory_space<hbm>>
    %dma_start3A_370 = tpu.memref_squeeze %dma_start3A_369 : memref<1x1x1024xi32, #tpu.memory_space<hbm>> -> memref<1024xi32, #tpu.memory_space<hbm>>
    tpu.enqueue_dma source(%dma_start3A_370 : memref<1024xi32, #tpu.memory_space<hbm>>) target(%dma_start3A_367 : memref<1024xi32, #tpu.memory_space<vmem>>) target_semaphore(%arg9 : memref<!tpu.dma_semaphore, #tpu.memory_space<semaphore_mem>>)
    %dma_wait3A = arith.constant 0 : i32
    %dma_wait3A_371 = arith.constant 0 : i32
    %dma_wait3A_372 = arith.constant 0 : i32
    %dma_wait3A_373 = arith.constant 0 : i32
    %dma_wait3A_374 = tpu.memref_slice %arg5[%dma_wait3A_372, %dma_wait3A_373] : memref<2x1024xi32, #tpu.memory_space<vmem>> -> memref<1x1024xi32, #tpu.memory_space<vmem>>
    %dma_wait3A_375 = tpu.memref_squeeze %dma_wait3A_374 : memref<1x1024xi32, #tpu.memory_space<vmem>> -> memref<1024xi32, #tpu.memory_space<vmem>>
    %dma_wait3A_376 = arith.constant 0 : i32
    %dma_wait3A_377 = tpu.memref_slice %arg2[%dma_wait3A, %dma_wait3A_371, %dma_wait3A_376] : memref<25x128x1024xi32, #tpu.memory_space<hbm>> -> memref<1x1x1024xi32, #tpu.memory_space<hbm>>
    %dma_wait3A_378 = tpu.memref_squeeze %dma_wait3A_377 : memref<1x1x1024xi32, #tpu.memory_space<hbm>> -> memref<1024xi32, #tpu.memory_space<hbm>>
    %dma_wait3A_379 = arith.constant 0 : i32
    %dma_wait3A_380 = tpu.memref_slice %arg5[%dma_wait3A_372, %dma_wait3A_379] : memref<2x1024xi32, #tpu.memory_space<vmem>> -> memref<1x1024xi32, #tpu.memory_space<vmem>>
    %dma_wait3A_381 = tpu.memref_squeeze %dma_wait3A_380 : memref<1x1024xi32, #tpu.memory_space<vmem>> -> memref<1024xi32, #tpu.memory_space<vmem>>
    %dma_wait3A_382 = arith.constant 0 : i32
    %dma_wait3A_383 = tpu.memref_slice %arg2[%dma_wait3A, %dma_wait3A_371, %dma_wait3A_382] : memref<25x128x1024xi32, #tpu.memory_space<hbm>> -> memref<1x1x1024xi32, #tpu.memory_space<hbm>>
    %dma_wait3A_384 = tpu.memref_squeeze %dma_wait3A_383 : memref<1x1x1024xi32, #tpu.memory_space<hbm>> -> memref<1024xi32, #tpu.memory_space<hbm>>
    tpu.wait_dma2 semaphore(%arg8 : memref<!tpu.dma_semaphore, #tpu.memory_space<semaphore_mem>>) src(%dma_wait3A_384 : memref<1024xi32, #tpu.memory_space<hbm>>) dst(%dma_wait3A_381 : memref<1024xi32, #tpu.memory_space<vmem>>)
    %dma_start3A_385 = arith.constant 0 : i32
    %dma_start3A_386 = arith.constant 0 : i32
    %dma_start3A_387 = arith.constant 0 : i32
    %dma_start3A_388 = arith.constant 0 : i32
    %dma_start3A_389 = tpu.memref_slice %arg6[%dma_start3A_386, %dma_start3A_387, %dma_start3A_388] : memref<2x1024x32xf32, #tpu.memory_space<vmem>> -> memref<1x1024x32xf32, #tpu.memory_space<vmem>>
    %dma_start3A_390 = tpu.memref_squeeze %dma_start3A_389 : memref<1x1024x32xf32, #tpu.memory_space<vmem>> -> memref<1024x32xf32, #tpu.memory_space<vmem>>
    %dma_start3A_391 = arith.constant 0 : i32
    %dma_start3A_392 = tpu.memref_slice %arg5[%dma_start3A_385, %dma_start3A_391] : memref<2x1024xi32, #tpu.memory_space<vmem>> -> memref<1x1024xi32, #tpu.memory_space<vmem>>
    %dma_start3A_393 = tpu.memref_squeeze %dma_start3A_392 : memref<1x1024xi32, #tpu.memory_space<vmem>> -> memref<1024xi32, #tpu.memory_space<vmem>>
    %dma_start3A_394 = arith.constant 0 : i32
    %dma_start3A_395 = arith.constant 0 : i32
    %dma_start3A_396 = tpu.memref_slice %arg3[%dma_start3A_394, %dma_start3A_395] : memref<1000000x32xf32, #tpu.memory_space<hbm>> -> memref<1000000x32xf32, #tpu.memory_space<hbm>>
    tpu.enqueue_indirect_dma source(%dma_start3A_396 : memref<1000000x32xf32, #tpu.memory_space<hbm>>) target(%dma_start3A_390 : memref<1024x32xf32, #tpu.memory_space<vmem>>) offsets(%dma_start3A_393 : memref<1024xi32, #tpu.memory_space<vmem>>) semaphore(%arg10 : memref<!tpu.dma_semaphore, #tpu.memory_space<semaphore_mem>>)
    %scan3A = arith.constant 0 : i32
    %scan3A_397 = arith.constant 24 : i32
    %scan3A_398 = arith.constant 0 : i32
    %scan3A_399 = arith.constant 50 : i32
    %scan3A_400 = arith.addi %scan3A_398, %scan3A_399 : i32
    %scan3A_401 = arith.constant 1 : i32
    scf.for %scan3A_750 = %scan3A_398 to %scan3A_400 step %scan3A_401  : i32 {
      %shift_right_logical3A_751 = arith.constant 1 : i32
      %shift_right_logical3A_752 = arith.shrui %scan3A_750, %shift_right_logical3A_751 : i32
      %and3A_753 = arith.constant 1 : i32
      %and3A_754 = arith.andi %scan3A_750, %and3A_753 : i32
      %mul3A_755 = arith.constant 2 : i32
      %mul3A_756 = arith.muli %and3A_754, %mul3A_755 : i32
      %add3A_757 = arith.constant 0 : i32
      %add3A_758 = arith.addi %mul3A_756, %add3A_757 : i32
      %add3A_759 = arith.addi %mul3A_2, %add3A_758 : i32
      %dma_wait3A_760 = arith.constant 0 : i32
      %dma_wait3A_761 = arith.constant 0 : i32
      %dma_wait3A_762 = arith.constant 0 : i32
      %dma_wait3A_763 = arith.constant 0 : i32
      %dma_wait3A_764 = tpu.memref_slice %arg6[%dma_wait3A_761, %dma_wait3A_762, %dma_wait3A_763] : memref<2x1024x32xf32, #tpu.memory_space<vmem>> -> memref<1x1024x32xf32, #tpu.memory_space<vmem>>
      %dma_wait3A_765 = tpu.memref_squeeze %dma_wait3A_764 : memref<1x1024x32xf32, #tpu.memory_space<vmem>> -> memref<1024x32xf32, #tpu.memory_space<vmem>>
      %dma_wait3A_766 = arith.constant 0 : i32
      %dma_wait3A_767 = tpu.memref_slice %arg5[%dma_wait3A_760, %dma_wait3A_766] : memref<2x1024xi32, #tpu.memory_space<vmem>> -> memref<1x1024xi32, #tpu.memory_space<vmem>>
      %dma_wait3A_768 = tpu.memref_squeeze %dma_wait3A_767 : memref<1x1024xi32, #tpu.memory_space<vmem>> -> memref<1024xi32, #tpu.memory_space<vmem>>
      %dma_wait3A_769 = arith.constant 0 : i32
      %dma_wait3A_770 = arith.constant 0 : i32
      %dma_wait3A_771 = tpu.memref_slice %arg3[%dma_wait3A_769, %dma_wait3A_770] : memref<1000000x32xf32, #tpu.memory_space<hbm>> -> memref<1000000x32xf32, #tpu.memory_space<hbm>>
      tpu.wait_indirect_dma semaphore(%arg10 : memref<!tpu.dma_semaphore, #tpu.memory_space<semaphore_mem>>) src(%dma_wait3A_771 : memref<1000000x32xf32, #tpu.memory_space<hbm>>) dst(%dma_wait3A_765 : memref<1024x32xf32, #tpu.memory_space<vmem>>)
      %dma_wait3A_772 = arith.constant 0 : i32
      %dma_wait3A_773 = arith.constant 0 : i32
      %dma_wait3A_774 = arith.constant 1 : i32
      %dma_wait3A_775 = arith.constant 0 : i32
      %dma_wait3A_776 = tpu.memref_slice %arg5[%dma_wait3A_774, %dma_wait3A_775] : memref<2x1024xi32, #tpu.memory_space<vmem>> -> memref<1x1024xi32, #tpu.memory_space<vmem>>
      %dma_wait3A_777 = tpu.memref_squeeze %dma_wait3A_776 : memref<1x1024xi32, #tpu.memory_space<vmem>> -> memref<1024xi32, #tpu.memory_space<vmem>>
      %dma_wait3A_778 = arith.constant 0 : i32
      %dma_wait3A_779 = tpu.memref_slice %arg2[%dma_wait3A_772, %dma_wait3A_773, %dma_wait3A_778] : memref<25x128x1024xi32, #tpu.memory_space<hbm>> -> memref<1x1x1024xi32, #tpu.memory_space<hbm>>
      %dma_wait3A_780 = tpu.memref_squeeze %dma_wait3A_779 : memref<1x1x1024xi32, #tpu.memory_space<hbm>> -> memref<1024xi32, #tpu.memory_space<hbm>>
      %dma_wait3A_781 = arith.constant 0 : i32
      %dma_wait3A_782 = tpu.memref_slice %arg5[%dma_wait3A_774, %dma_wait3A_781] : memref<2x1024xi32, #tpu.memory_space<vmem>> -> memref<1x1024xi32, #tpu.memory_space<vmem>>
      %dma_wait3A_783 = tpu.memref_squeeze %dma_wait3A_782 : memref<1x1024xi32, #tpu.memory_space<vmem>> -> memref<1024xi32, #tpu.memory_space<vmem>>
      %dma_wait3A_784 = arith.constant 0 : i32
      %dma_wait3A_785 = tpu.memref_slice %arg2[%dma_wait3A_772, %dma_wait3A_773, %dma_wait3A_784] : memref<25x128x1024xi32, #tpu.memory_space<hbm>> -> memref<1x1x1024xi32, #tpu.memory_space<hbm>>
      %dma_wait3A_786 = tpu.memref_squeeze %dma_wait3A_785 : memref<1x1x1024xi32, #tpu.memory_space<hbm>> -> memref<1024xi32, #tpu.memory_space<hbm>>
      tpu.wait_dma2 semaphore(%arg9 : memref<!tpu.dma_semaphore, #tpu.memory_space<semaphore_mem>>) src(%dma_wait3A_786 : memref<1024xi32, #tpu.memory_space<hbm>>) dst(%dma_wait3A_783 : memref<1024xi32, #tpu.memory_space<vmem>>)
      %dma_start3A_787 = arith.constant 1 : i32
      %dma_start3A_788 = arith.constant 1 : i32
      %dma_start3A_789 = arith.constant 0 : i32
      %dma_start3A_790 = arith.constant 0 : i32
      %dma_start3A_791 = tpu.memref_slice %arg6[%dma_start3A_788, %dma_start3A_789, %dma_start3A_790] : memref<2x1024x32xf32, #tpu.memory_space<vmem>> -> memref<1x1024x32xf32, #tpu.memory_space<vmem>>
      %dma_start3A_792 = tpu.memref_squeeze %dma_start3A_791 : memref<1x1024x32xf32, #tpu.memory_space<vmem>> -> memref<1024x32xf32, #tpu.memory_space<vmem>>
      %dma_start3A_793 = arith.constant 0 : i32
      %dma_start3A_794 = tpu.memref_slice %arg5[%dma_start3A_787, %dma_start3A_793] : memref<2x1024xi32, #tpu.memory_space<vmem>> -> memref<1x1024xi32, #tpu.memory_space<vmem>>
      %dma_start3A_795 = tpu.memref_squeeze %dma_start3A_794 : memref<1x1024xi32, #tpu.memory_space<vmem>> -> memref<1024xi32, #tpu.memory_space<vmem>>
      %dma_start3A_796 = arith.constant 0 : i32
      %dma_start3A_797 = arith.constant 0 : i32
      %dma_start3A_798 = tpu.memref_slice %arg3[%dma_start3A_796, %dma_start3A_797] : memref<1000000x32xf32, #tpu.memory_space<hbm>> -> memref<1000000x32xf32, #tpu.memory_space<hbm>>
      tpu.enqueue_indirect_dma source(%dma_start3A_798 : memref<1000000x32xf32, #tpu.memory_space<hbm>>) target(%dma_start3A_792 : memref<1024x32xf32, #tpu.memory_space<vmem>>) offsets(%dma_start3A_795 : memref<1024xi32, #tpu.memory_space<vmem>>) semaphore(%arg11 : memref<!tpu.dma_semaphore, #tpu.memory_space<semaphore_mem>>)
      %add3A_799 = arith.constant 1 : i32
      %add3A_800 = arith.addi %scan3A_750, %add3A_799 : i32
      %shift_right_logical3A_801 = arith.constant 1 : i32
      %shift_right_logical3A_802 = arith.shrui %add3A_800, %shift_right_logical3A_801 : i32
      %and3A_803 = arith.constant 1 : i32
      %and3A_804 = arith.andi %add3A_800, %and3A_803 : i32
      %mul3A_805 = arith.constant 2 : i32
      %mul3A_806 = arith.muli %and3A_804, %mul3A_805 : i32
      %add3A_807 = arith.constant 0 : i32
      %add3A_808 = arith.addi %mul3A_806, %add3A_807 : i32
      %add3A_809 = arith.addi %mul3A_2, %add3A_808 : i32
      %min3A_810 = arith.minsi %shift_right_logical3A_802, %scan3A_397 : i32
      %dma_start3A_811 = arith.constant 0 : i32
      %dma_start3A_812 = arith.constant 0 : i32
      %dma_start3A_813 = tpu.memref_slice %arg5[%dma_start3A_811, %dma_start3A_812] : memref<2x1024xi32, #tpu.memory_space<vmem>> -> memref<1x1024xi32, #tpu.memory_space<vmem>>
      %dma_start3A_814 = tpu.memref_squeeze %dma_start3A_813 : memref<1x1024xi32, #tpu.memory_space<vmem>> -> memref<1024xi32, #tpu.memory_space<vmem>>
      %dma_start3A_815 = arith.constant 0 : i32
      %dma_start3A_816 = tpu.memref_slice %arg2[%min3A_810, %add3A_809, %dma_start3A_815] : memref<25x128x1024xi32, #tpu.memory_space<hbm>> -> memref<1x1x1024xi32, #tpu.memory_space<hbm>>
      %dma_start3A_817 = tpu.memref_squeeze %dma_start3A_816 : memref<1x1x1024xi32, #tpu.memory_space<hbm>> -> memref<1024xi32, #tpu.memory_space<hbm>>
      %dma_start3A_818 = arith.constant 0 : i32
      %dma_start3A_819 = tpu.memref_slice %arg5[%dma_start3A_811, %dma_start3A_818] : memref<2x1024xi32, #tpu.memory_space<vmem>> -> memref<1x1024xi32, #tpu.memory_space<vmem>>
      %dma_start3A_820 = tpu.memref_squeeze %dma_start3A_819 : memref<1x1024xi32, #tpu.memory_space<vmem>> -> memref<1024xi32, #tpu.memory_space<vmem>>
      %dma_start3A_821 = arith.constant 0 : i32
      %dma_start3A_822 = tpu.memref_slice %arg2[%min3A_810, %add3A_809, %dma_start3A_821] : memref<25x128x1024xi32, #tpu.memory_space<hbm>> -> memref<1x1x1024xi32, #tpu.memory_space<hbm>>
      %dma_start3A_823 = tpu.memref_squeeze %dma_start3A_822 : memref<1x1x1024xi32, #tpu.memory_space<hbm>> -> memref<1024xi32, #tpu.memory_space<hbm>>
      tpu.enqueue_dma source(%dma_start3A_823 : memref<1024xi32, #tpu.memory_space<hbm>>) target(%dma_start3A_820 : memref<1024xi32, #tpu.memory_space<vmem>>) target_semaphore(%arg8 : memref<!tpu.dma_semaphore, #tpu.memory_space<semaphore_mem>>)
      %broadcast_in_dim3A = arith.constant 0 : i32
      %broadcast_in_dim3A_824 = vector.broadcast %broadcast_in_dim3A : i32 to vector<16xi32>
      %add3A_825 = arith.constant 16 : i32
      %add3A_826 = vector.broadcast %add3A_825 : i32 to vector<16xi32>
      %add3A_827 = arith.addi %iota3A, %add3A_826 : vector<16xi32>
      %scan3A_828 = arith.constant 0 : i32
      %scan3A_829 = arith.constant 0 : i32
      %scan3A_830 = arith.constant 2 : i32
      %scan3A_831 = arith.addi %scan3A_829, %scan3A_830 : i32
      %scan3A_832 = arith.constant 1 : i32
      scf.for %scan3A_918 = %scan3A_829 to %scan3A_831 step %scan3A_832  : i32 {
        %mul3A_919 = arith.constant 4 : i32
        %mul3A_920 = arith.muli %mul3A_919, %scan3A_918 : i32
        %add3A_921 = arith.constant 0 : i32
        %add3A_922 = arith.addi %mul3A_920, %add3A_921 : i32
        %dma_wait3A_923 = arith.constant 0 : i32
        %dma_wait3A_924 = arith.constant 0 : i32
        %dma_wait3A_925 = arith.constant 0 : i32
        %dma_wait3A_926 = arith.constant 0 : i32
        %dma_wait3A_927 = arith.constant 0 : i32
        %dma_wait3A_928 = arith.constant 0 : i32
        %dma_wait3A_929 = tpu.memref_slice %arg7[%dma_wait3A_923, %dma_wait3A_927, %dma_wait3A_928] : memref<4x32x129xf32, #tpu.memory_space<vmem>> -> memref<1x8x128xf32, #tpu.memory_space<vmem>>
        %dma_wait3A_930 = tpu.memref_squeeze %dma_wait3A_929 : memref<1x8x128xf32, #tpu.memory_space<vmem>> -> memref<8x128xf32, #tpu.memory_space<vmem>>
        %dma_wait3A_931 = arith.constant 0 : i32
        %dma_wait3A_932 = arith.constant 0 : i32
        %dma_wait3A_933 = tpu.memref_slice %arg4[%dma_wait3A_924, %dma_wait3A_925, %dma_wait3A_926, %dma_wait3A_931, %dma_wait3A_932] : memref<200x4x128x8x128xf32, #tpu.memory_space<hbm>> -> memref<1x1x1x8x128xf32, #tpu.memory_space<hbm>>
        %dma_wait3A_934 = tpu.memref_squeeze %dma_wait3A_933 : memref<1x1x1x8x128xf32, #tpu.memory_space<hbm>> -> memref<8x128xf32, #tpu.memory_space<hbm>>
        %dma_wait3A_935 = arith.constant 0 : i32
        %dma_wait3A_936 = arith.constant 0 : i32
        %dma_wait3A_937 = tpu.memref_slice %arg4[%dma_wait3A_924, %dma_wait3A_925, %dma_wait3A_926, %dma_wait3A_935, %dma_wait3A_936] : memref<200x4x128x8x128xf32, #tpu.memory_space<hbm>> -> memref<1x1x1x8x128xf32, #tpu.memory_space<hbm>>
        %dma_wait3A_938 = tpu.memref_squeeze %dma_wait3A_937 : memref<1x1x1x8x128xf32, #tpu.memory_space<hbm>> -> memref<8x128xf32, #tpu.memory_space<hbm>>
        %dma_wait3A_939 = arith.constant 0 : i32
        %dma_wait3A_940 = arith.constant 0 : i32
        %dma_wait3A_941 = tpu.memref_slice %arg7[%dma_wait3A_923, %dma_wait3A_939, %dma_wait3A_940] : memref<4x32x129xf32, #tpu.memory_space<vmem>> -> memref<1x8x128xf32, #tpu.memory_space<vmem>>
        %dma_wait3A_942 = tpu.memref_squeeze %dma_wait3A_941 : memref<1x8x128xf32, #tpu.memory_space<vmem>> -> memref<8x128xf32, #tpu.memory_space<vmem>>
        tpu.wait_dma2 semaphore(%arg12 : memref<!tpu.dma_semaphore, #tpu.memory_space<semaphore_mem>>) src(%dma_wait3A_942 : memref<8x128xf32, #tpu.memory_space<vmem>>) dst(%dma_wait3A_938 : memref<8x128xf32, #tpu.memory_space<hbm>>)
        %dma_wait3A_943 = arith.constant 0 : i32
        %dma_wait3A_944 = arith.constant 0 : i32
        %dma_wait3A_945 = arith.constant 1 : i32
        %dma_wait3A_946 = arith.constant 0 : i32
        %dma_wait3A_947 = arith.constant 8 : i32
        %dma_wait3A_948 = arith.constant 0 : i32
        %dma_wait3A_949 = tpu.memref_slice %arg7[%dma_wait3A_943, %dma_wait3A_947, %dma_wait3A_948] : memref<4x32x129xf32, #tpu.memory_space<vmem>> -> memref<1x8x128xf32, #tpu.memory_space<vmem>>
        %dma_wait3A_950 = tpu.memref_squeeze %dma_wait3A_949 : memref<1x8x128xf32, #tpu.memory_space<vmem>> -> memref<8x128xf32, #tpu.memory_space<vmem>>
        %dma_wait3A_951 = arith.constant 0 : i32
        %dma_wait3A_952 = arith.constant 0 : i32
        %dma_wait3A_953 = tpu.memref_slice %arg4[%dma_wait3A_944, %dma_wait3A_945, %dma_wait3A_946, %dma_wait3A_951, %dma_wait3A_952] : memref<200x4x128x8x128xf32, #tpu.memory_space<hbm>> -> memref<1x1x1x8x128xf32, #tpu.memory_space<hbm>>
        %dma_wait3A_954 = tpu.memref_squeeze %dma_wait3A_953 : memref<1x1x1x8x128xf32, #tpu.memory_space<hbm>> -> memref<8x128xf32, #tpu.memory_space<hbm>>
        %dma_wait3A_955 = arith.constant 0 : i32
        %dma_wait3A_956 = arith.constant 0 : i32
        %dma_wait3A_957 = tpu.memref_slice %arg4[%dma_wait3A_944, %dma_wait3A_945, %dma_wait3A_946, %dma_wait3A_955, %dma_wait3A_956] : memref<200x4x128x8x128xf32, #tpu.memory_space<hbm>> -> memref<1x1x1x8x128xf32, #tpu.memory_space<hbm>>
        %dma_wait3A_958 = tpu.memref_squeeze %dma_wait3A_957 : memref<1x1x1x8x128xf32, #tpu.memory_space<hbm>> -> memref<8x128xf32, #tpu.memory_space<hbm>>
        %dma_wait3A_959 = arith.constant 8 : i32
        %dma_wait3A_960 = arith.constant 0 : i32
        %dma_wait3A_961 = tpu.memref_slice %arg7[%dma_wait3A_943, %dma_wait3A_959, %dma_wait3A_960] : memref<4x32x129xf32, #tpu.memory_space<vmem>> -> memref<1x8x128xf32, #tpu.memory_space<vmem>>
        %dma_wait3A_962 = tpu.memref_squeeze %dma_wait3A_961 : memref<1x8x128xf32, #tpu.memory_space<vmem>> -> memref<8x128xf32, #tpu.memory_space<vmem>>
        tpu.wait_dma2 semaphore(%arg12 : memref<!tpu.dma_semaphore, #tpu.memory_space<semaphore_mem>>) src(%dma_wait3A_962 : memref<8x128xf32, #tpu.memory_space<vmem>>) dst(%dma_wait3A_958 : memref<8x128xf32, #tpu.memory_space<hbm>>)
        %dma_wait3A_963 = arith.constant 0 : i32
        %dma_wait3A_964 = arith.constant 0 : i32
        %dma_wait3A_965 = arith.constant 2 : i32
        %dma_wait3A_966 = arith.constant 0 : i32
        %dma_wait3A_967 = arith.constant 16 : i32
        %dma_wait3A_968 = arith.constant 0 : i32
        %dma_wait3A_969 = tpu.memref_slice %arg7[%dma_wait3A_963, %dma_wait3A_967, %dma_wait3A_968] : memref<4x32x129xf32, #tpu.memory_space<vmem>> -> memref<1x8x128xf32, #tpu.memory_space<vmem>>
        %dma_wait3A_970 = tpu.memref_squeeze %dma_wait3A_969 : memref<1x8x128xf32, #tpu.memory_space<vmem>> -> memref<8x128xf32, #tpu.memory_space<vmem>>
        %dma_wait3A_971 = arith.constant 0 : i32
        %dma_wait3A_972 = arith.constant 0 : i32
        %dma_wait3A_973 = tpu.memref_slice %arg4[%dma_wait3A_964, %dma_wait3A_965, %dma_wait3A_966, %dma_wait3A_971, %dma_wait3A_972] : memref<200x4x128x8x128xf32, #tpu.memory_space<hbm>> -> memref<1x1x1x8x128xf32, #tpu.memory_space<hbm>>
        %dma_wait3A_974 = tpu.memref_squeeze %dma_wait3A_973 : memref<1x1x1x8x128xf32, #tpu.memory_space<hbm>> -> memref<8x128xf32, #tpu.memory_space<hbm>>
        %dma_wait3A_975 = arith.constant 0 : i32
        %dma_wait3A_976 = arith.constant 0 : i32
        %dma_wait3A_977 = tpu.memref_slice %arg4[%dma_wait3A_964, %dma_wait3A_965, %dma_wait3A_966, %dma_wait3A_975, %dma_wait3A_976] : memref<200x4x128x8x128xf32, #tpu.memory_space<hbm>> -> memref<1x1x1x8x128xf32, #tpu.memory_space<hbm>>
        %dma_wait3A_978 = tpu.memref_squeeze %dma_wait3A_977 : memref<1x1x1x8x128xf32, #tpu.memory_space<hbm>> -> memref<8x128xf32, #tpu.memory_space<hbm>>
        %dma_wait3A_979 = arith.constant 16 : i32
        %dma_wait3A_980 = arith.constant 0 : i32
        %dma_wait3A_981 = tpu.memref_slice %arg7[%dma_wait3A_963, %dma_wait3A_979, %dma_wait3A_980] : memref<4x32x129xf32, #tpu.memory_space<vmem>> -> memref<1x8x128xf32, #tpu.memory_space<vmem>>
        %dma_wait3A_982 = tpu.memref_squeeze %dma_wait3A_981 : memref<1x8x128xf32, #tpu.memory_space<vmem>> -> memref<8x128xf32, #tpu.memory_space<vmem>>
        tpu.wait_dma2 semaphore(%arg12 : memref<!tpu.dma_semaphore, #tpu.memory_space<semaphore_mem>>) src(%dma_wait3A_982 : memref<8x128xf32, #tpu.memory_space<vmem>>) dst(%dma_wait3A_978 : memref<8x128xf32, #tpu.memory_space<hbm>>)
        %dma_wait3A_983 = arith.constant 0 : i32
        %dma_wait3A_984 = arith.constant 0 : i32
        %dma_wait3A_985 = arith.constant 3 : i32
        %dma_wait3A_986 = arith.constant 0 : i32
        %dma_wait3A_987 = arith.constant 24 : i32
        %dma_wait3A_988 = arith.constant 0 : i32
        %dma_wait3A_989 = tpu.memref_slice %arg7[%dma_wait3A_983, %dma_wait3A_987, %dma_wait3A_988] : memref<4x32x129xf32, #tpu.memory_space<vmem>> -> memref<1x8x128xf32, #tpu.memory_space<vmem>>
        %dma_wait3A_990 = tpu.memref_squeeze %dma_wait3A_989 : memref<1x8x128xf32, #tpu.memory_space<vmem>> -> memref<8x128xf32, #tpu.memory_space<vmem>>
        %dma_wait3A_991 = arith.constant 0 : i32
        %dma_wait3A_992 = arith.constant 0 : i32
        %dma_wait3A_993 = tpu.memref_slice %arg4[%dma_wait3A_984, %dma_wait3A_985, %dma_wait3A_986, %dma_wait3A_991, %dma_wait3A_992] : memref<200x4x128x8x128xf32, #tpu.memory_space<hbm>> -> memref<1x1x1x8x128xf32, #tpu.memory_space<hbm>>
        %dma_wait3A_994 = tpu.memref_squeeze %dma_wait3A_993 : memref<1x1x1x8x128xf32, #tpu.memory_space<hbm>> -> memref<8x128xf32, #tpu.memory_space<hbm>>
        %dma_wait3A_995 = arith.constant 0 : i32
        %dma_wait3A_996 = arith.constant 0 : i32
        %dma_wait3A_997 = tpu.memref_slice %arg4[%dma_wait3A_984, %dma_wait3A_985, %dma_wait3A_986, %dma_wait3A_995, %dma_wait3A_996] : memref<200x4x128x8x128xf32, #tpu.memory_space<hbm>> -> memref<1x1x1x8x128xf32, #tpu.memory_space<hbm>>
        %dma_wait3A_998 = tpu.memref_squeeze %dma_wait3A_997 : memref<1x1x1x8x128xf32, #tpu.memory_space<hbm>> -> memref<8x128xf32, #tpu.memory_space<hbm>>
        %dma_wait3A_999 = arith.constant 24 : i32
        %dma_wait3A_1000 = arith.constant 0 : i32
        %dma_wait3A_1001 = tpu.memref_slice %arg7[%dma_wait3A_983, %dma_wait3A_999, %dma_wait3A_1000] : memref<4x32x129xf32, #tpu.memory_space<vmem>> -> memref<1x8x128xf32, #tpu.memory_space<vmem>>
        %dma_wait3A_1002 = tpu.memref_squeeze %dma_wait3A_1001 : memref<1x8x128xf32, #tpu.memory_space<vmem>> -> memref<8x128xf32, #tpu.memory_space<vmem>>
        tpu.wait_dma2 semaphore(%arg12 : memref<!tpu.dma_semaphore, #tpu.memory_space<semaphore_mem>>) src(%dma_wait3A_1002 : memref<8x128xf32, #tpu.memory_space<vmem>>) dst(%dma_wait3A_998 : memref<8x128xf32, #tpu.memory_space<hbm>>)
        %mul3A_1003 = arith.constant 128 : i32
        %mul3A_1004 = arith.muli %add3A_922, %mul3A_1003 : i32
        %parallel_loop3A = arith.constant 0 : i32
        %parallel_loop3A_1005 = arith.constant 128 : i32
        %parallel_loop3A_1006 = arith.constant 1 : i32
        scf.for %parallel_loop3A_1574 = %parallel_loop3A to %parallel_loop3A_1005 step %parallel_loop3A_1006  : i32 {
          %parallel_loop3A_1575 = arith.addi %mul3A_1004, %parallel_loop3A_1574 : i32
          %parallel_loop3A_1576 = vector.broadcast %parallel_loop3A_1574 : i32 to vector<16xi32>
          %parallel_loop3A_1577 = arith.addi %broadcast_in_dim3A_824, %parallel_loop3A_1576 : vector<16xi32>
          %parallel_loop3A_1578 = arith.constant 0 : i32
          %parallel_loop3A_1579 = arith.index_cast %parallel_loop3A_1578 : i32 to index
          %parallel_loop3A_1580 = arith.index_cast %parallel_loop3A_1575 : i32 to index
          %parallel_loop3A_1581 = arith.constant 0 : index
          %parallel_loop3A_1582 = tpu.vector_load %arg6[%parallel_loop3A_1579, %parallel_loop3A_1580, %parallel_loop3A_1581] {strides = array<i32>} : memref<2x1024x32xf32, #tpu.memory_space<vmem>>, vector<16xf32>,
          %parallel_loop3A_1583 = arith.constant 0 : i32
          %parallel_loop3A_1584 = arith.index_cast %parallel_loop3A_1583 : i32 to index
          %parallel_loop3A_1585 = arith.index_cast %parallel_loop3A_1575 : i32 to index
          %parallel_loop3A_1586 = arith.constant 16 : index
          %parallel_loop3A_1587 = tpu.vector_load %arg6[%parallel_loop3A_1584, %parallel_loop3A_1585, %parallel_loop3A_1586] {strides = array<i32>} : memref<2x1024x32xf32, #tpu.memory_space<vmem>>, vector<16xf32>,
          %parallel_loop3A_1588 = arith.constant 0 : i32
          %parallel_loop3A_1589 = arith.constant 0 : i32
          %parallel_loop3A_1590 = arith.constant 0 : i32
          %parallel_loop3A_1591 = tpu.memref_slice %arg7[%parallel_loop3A_1588, %parallel_loop3A_1589, %parallel_loop3A_1590] : memref<4x32x129xf32, #tpu.memory_space<vmem>> -> memref<1x32x129xf32, #tpu.memory_space<vmem>>
          %parallel_loop3A_1592 = tpu.memref_squeeze %parallel_loop3A_1591 : memref<1x32x129xf32, #tpu.memory_space<vmem>> -> memref<32x129xf32, #tpu.memory_space<vmem>>
          tpu.vector_store_idx %parallel_loop3A_1592[%iota3A, %parallel_loop3A_1577], %parallel_loop3A_1582 : memref<32x129xf32, #tpu.memory_space<vmem>>[vector<16xi32>, vector<16xi32>], vector<16xf32>,
          %parallel_loop3A_1593 = arith.constant 0 : i32
          %parallel_loop3A_1594 = arith.constant 0 : i32
          %parallel_loop3A_1595 = arith.constant 0 : i32
          %parallel_loop3A_1596 = tpu.memref_slice %arg7[%parallel_loop3A_1593, %parallel_loop3A_1594, %parallel_loop3A_1595] : memref<4x32x129xf32, #tpu.memory_space<vmem>> -> memref<1x32x129xf32, #tpu.memory_space<vmem>>
          %parallel_loop3A_1597 = tpu.memref_squeeze %parallel_loop3A_1596 : memref<1x32x129xf32, #tpu.memory_space<vmem>> -> memref<32x129xf32, #tpu.memory_space<vmem>>
          tpu.vector_store_idx %parallel_loop3A_1597[%add3A_827, %parallel_loop3A_1577], %parallel_loop3A_1587 : memref<32x129xf32, #tpu.memory_space<vmem>>[vector<16xi32>, vector<16xi32>], vector<16xf32>,
        } {sc.loop_unroll_factor = 8 : i64, sc.parallel_access}
        %mul3A_1007 = arith.constant 8 : i32
        %mul3A_1008 = arith.muli %shift_right_logical3A_752, %mul3A_1007 : i32
        %add3A_1009 = arith.addi %mul3A_1008, %add3A_922 : i32
        %dma_start3A_1010 = arith.constant 0 : i32
        %dma_start3A_1011 = arith.constant 0 : i32
        %dma_start3A_1012 = arith.constant 0 : i32
        %dma_start3A_1013 = arith.constant 0 : i32
        %dma_start3A_1014 = tpu.memref_slice %arg7[%dma_start3A_1010, %dma_start3A_1012, %dma_start3A_1013] : memref<4x32x129xf32, #tpu.memory_space<vmem>> -> memref<1x8x128xf32, #tpu.memory_space<vmem>>
        %dma_start3A_1015 = tpu.memref_squeeze %dma_start3A_1014 : memref<1x8x128xf32, #tpu.memory_space<vmem>> -> memref<8x128xf32, #tpu.memory_space<vmem>>
        %dma_start3A_1016 = arith.constant 0 : i32
        %dma_start3A_1017 = arith.constant 0 : i32
        %dma_start3A_1018 = tpu.memref_slice %arg4[%add3A_1009, %dma_start3A_1011, %add3A_759, %dma_start3A_1016, %dma_start3A_1017] : memref<200x4x128x8x128xf32, #tpu.memory_space<hbm>> -> memref<1x1x1x8x128xf32, #tpu.memory_space<hbm>>
        %dma_start3A_1019 = tpu.memref_squeeze %dma_start3A_1018 : memref<1x1x1x8x128xf32, #tpu.memory_space<hbm>> -> memref<8x128xf32, #tpu.memory_space<hbm>>
        %dma_start3A_1020 = arith.constant 0 : i32
        %dma_start3A_1021 = arith.constant 0 : i32
        %dma_start3A_1022 = tpu.memref_slice %arg4[%add3A_1009, %dma_start3A_1011, %add3A_759, %dma_start3A_1020, %dma_start3A_1021] : memref<200x4x128x8x128xf32, #tpu.memory_space<hbm>> -> memref<1x1x1x8x128xf32, #tpu.memory_space<hbm>>
        %dma_start3A_1023 = tpu.memref_squeeze %dma_start3A_1022 : memref<1x1x1x8x128xf32, #tpu.memory_space<hbm>> -> memref<8x128xf32, #tpu.memory_space<hbm>>
        %dma_start3A_1024 = arith.constant 0 : i32
        %dma_start3A_1025 = arith.constant 0 : i32
        %dma_start3A_1026 = tpu.memref_slice %arg7[%dma_start3A_1010, %dma_start3A_1024, %dma_start3A_1025] : memref<4x32x129xf32, #tpu.memory_space<vmem>> -> memref<1x8x128xf32, #tpu.memory_space<vmem>>
        %dma_start3A_1027 = tpu.memref_squeeze %dma_start3A_1026 : memref<1x8x128xf32, #tpu.memory_space<vmem>> -> memref<8x128xf32, #tpu.memory_space<vmem>>
        tpu.enqueue_dma source(%dma_start3A_1027 : memref<8x128xf32, #tpu.memory_space<vmem>>) target(%dma_start3A_1023 : memref<8x128xf32, #tpu.memory_space<hbm>>) target_semaphore(%arg12 : memref<!tpu.dma_semaphore, #tpu.memory_space<semaphore_mem>>)
        %dma_start3A_1028 = arith.constant 0 : i32
        %dma_start3A_1029 = arith.constant 1 : i32
        %dma_start3A_1030 = arith.constant 8 : i32
        %dma_start3A_1031 = arith.constant 0 : i32
        %dma_start3A_1032 = tpu.memref_slice %arg7[%dma_start3A_1028, %dma_start3A_1030, %dma_start3A_1031] : memref<4x32x129xf32, #tpu.memory_space<vmem>> -> memref<1x8x128xf32, #tpu.memory_space<vmem>>
        %dma_start3A_1033 = tpu.memref_squeeze %dma_start3A_1032 : memref<1x8x128xf32, #tpu.memory_space<vmem>> -> memref<8x128xf32, #tpu.memory_space<vmem>>
        %dma_start3A_1034 = arith.constant 0 : i32
        %dma_start3A_1035 = arith.constant 0 : i32
        %dma_start3A_1036 = tpu.memref_slice %arg4[%add3A_1009, %dma_start3A_1029, %add3A_759, %dma_start3A_1034, %dma_start3A_1035] : memref<200x4x128x8x128xf32, #tpu.memory_space<hbm>> -> memref<1x1x1x8x128xf32, #tpu.memory_space<hbm>>
        %dma_start3A_1037 = tpu.memref_squeeze %dma_start3A_1036 : memref<1x1x1x8x128xf32, #tpu.memory_space<hbm>> -> memref<8x128xf32, #tpu.memory_space<hbm>>
        %dma_start3A_1038 = arith.constant 0 : i32
        %dma_start3A_1039 = arith.constant 0 : i32
        %dma_start3A_1040 = tpu.memref_slice %arg4[%add3A_1009, %dma_start3A_1029, %add3A_759, %dma_start3A_1038, %dma_start3A_1039] : memref<200x4x128x8x128xf32, #tpu.memory_space<hbm>> -> memref<1x1x1x8x128xf32, #tpu.memory_space<hbm>>
        %dma_start3A_1041 = tpu.memref_squeeze %dma_start3A_1040 : memref<1x1x1x8x128xf32, #tpu.memory_space<hbm>> -> memref<8x128xf32, #tpu.memory_space<hbm>>
        %dma_start3A_1042 = arith.constant 8 : i32
        %dma_start3A_1043 = arith.constant 0 : i32
        %dma_start3A_1044 = tpu.memref_slice %arg7[%dma_start3A_1028, %dma_start3A_1042, %dma_start3A_1043] : memref<4x32x129xf32, #tpu.memory_space<vmem>> -> memref<1x8x128xf32, #tpu.memory_space<vmem>>
        %dma_start3A_1045 = tpu.memref_squeeze %dma_start3A_1044 : memref<1x8x128xf32, #tpu.memory_space<vmem>> -> memref<8x128xf32, #tpu.memory_space<vmem>>
        tpu.enqueue_dma source(%dma_start3A_1045 : memref<8x128xf32, #tpu.memory_space<vmem>>) target(%dma_start3A_1041 : memref<8x128xf32, #tpu.memory_space<hbm>>) target_semaphore(%arg12 : memref<!tpu.dma_semaphore, #tpu.memory_space<semaphore_mem>>)
        %dma_start3A_1046 = arith.constant 0 : i32
        %dma_start3A_1047 = arith.constant 2 : i32
        %dma_start3A_1048 = arith.constant 16 : i32
        %dma_start3A_1049 = arith.constant 0 : i32
        %dma_start3A_1050 = tpu.memref_slice %arg7[%dma_start3A_1046, %dma_start3A_1048, %dma_start3A_1049] : memref<4x32x129xf32, #tpu.memory_space<vmem>> -> memref<1x8x128xf32, #tpu.memory_space<vmem>>
        %dma_start3A_1051 = tpu.memref_squeeze %dma_start3A_1050 : memref<1x8x128xf32, #tpu.memory_space<vmem>> -> memref<8x128xf32, #tpu.memory_space<vmem>>
        %dma_start3A_1052 = arith.constant 0 : i32
        %dma_start3A_1053 = arith.constant 0 : i32
        %dma_start3A_1054 = tpu.memref_slice %arg4[%add3A_1009, %dma_start3A_1047, %add3A_759, %dma_start3A_1052, %dma_start3A_1053] : memref<200x4x128x8x128xf32, #tpu.memory_space<hbm>> -> memref<1x1x1x8x128xf32, #tpu.memory_space<hbm>>
        %dma_start3A_1055 = tpu.memref_squeeze %dma_start3A_1054 : memref<1x1x1x8x128xf32, #tpu.memory_space<hbm>> -> memref<8x128xf32, #tpu.memory_space<hbm>>
        %dma_start3A_1056 = arith.constant 0 : i32
        %dma_start3A_1057 = arith.constant 0 : i32
        %dma_start3A_1058 = tpu.memref_slice %arg4[%add3A_1009, %dma_start3A_1047, %add3A_759, %dma_start3A_1056, %dma_start3A_1057] : memref<200x4x128x8x128xf32, #tpu.memory_space<hbm>> -> memref<1x1x1x8x128xf32, #tpu.memory_space<hbm>>
        %dma_start3A_1059 = tpu.memref_squeeze %dma_start3A_1058 : memref<1x1x1x8x128xf32, #tpu.memory_space<hbm>> -> memref<8x128xf32, #tpu.memory_space<hbm>>
        %dma_start3A_1060 = arith.constant 16 : i32
        %dma_start3A_1061 = arith.constant 0 : i32
        %dma_start3A_1062 = tpu.memref_slice %arg7[%dma_start3A_1046, %dma_start3A_1060, %dma_start3A_1061] : memref<4x32x129xf32, #tpu.memory_space<vmem>> -> memref<1x8x128xf32, #tpu.memory_space<vmem>>
        %dma_start3A_1063 = tpu.memref_squeeze %dma_start3A_1062 : memref<1x8x128xf32, #tpu.memory_space<vmem>> -> memref<8x128xf32, #tpu.memory_space<vmem>>
        tpu.enqueue_dma source(%dma_start3A_1063 : memref<8x128xf32, #tpu.memory_space<vmem>>) target(%dma_start3A_1059 : memref<8x128xf32, #tpu.memory_space<hbm>>) target_semaphore(%arg12 : memref<!tpu.dma_semaphore, #tpu.memory_space<semaphore_mem>>)
        %dma_start3A_1064 = arith.constant 0 : i32
        %dma_start3A_1065 = arith.constant 3 : i32
        %dma_start3A_1066 = arith.constant 24 : i32
        %dma_start3A_1067 = arith.constant 0 : i32
        %dma_start3A_1068 = tpu.memref_slice %arg7[%dma_start3A_1064, %dma_start3A_1066, %dma_start3A_1067] : memref<4x32x129xf32, #tpu.memory_space<vmem>> -> memref<1x8x128xf32, #tpu.memory_space<vmem>>
        %dma_start3A_1069 = tpu.memref_squeeze %dma_start3A_1068 : memref<1x8x128xf32, #tpu.memory_space<vmem>> -> memref<8x128xf32, #tpu.memory_space<vmem>>
        %dma_start3A_1070 = arith.constant 0 : i32
        %dma_start3A_1071 = arith.constant 0 : i32
        %dma_start3A_1072 = tpu.memref_slice %arg4[%add3A_1009, %dma_start3A_1065, %add3A_759, %dma_start3A_1070, %dma_start3A_1071] : memref<200x4x128x8x128xf32, #tpu.memory_space<hbm>> -> memref<1x1x1x8x128xf32, #tpu.memory_space<hbm>>
        %dma_start3A_1073 = tpu.memref_squeeze %dma_start3A_1072 : memref<1x1x1x8x128xf32, #tpu.memory_space<hbm>> -> memref<8x128xf32, #tpu.memory_space<hbm>>
        %dma_start3A_1074 = arith.constant 0 : i32
        %dma_start3A_1075 = arith.constant 0 : i32
        %dma_start3A_1076 = tpu.memref_slice %arg4[%add3A_1009, %dma_start3A_1065, %add3A_759, %dma_start3A_1074, %dma_start3A_1075] : memref<200x4x128x8x128xf32, #tpu.memory_space<hbm>> -> memref<1x1x1x8x128xf32, #tpu.memory_space<hbm>>
        %dma_start3A_1077 = tpu.memref_squeeze %dma_start3A_1076 : memref<1x1x1x8x128xf32, #tpu.memory_space<hbm>> -> memref<8x128xf32, #tpu.memory_space<hbm>>
        %dma_start3A_1078 = arith.constant 24 : i32
        %dma_start3A_1079 = arith.constant 0 : i32
        %dma_start3A_1080 = tpu.memref_slice %arg7[%dma_start3A_1064, %dma_start3A_1078, %dma_start3A_1079] : memref<4x32x129xf32, #tpu.memory_space<vmem>> -> memref<1x8x128xf32, #tpu.memory_space<vmem>>
        %dma_start3A_1081 = tpu.memref_squeeze %dma_start3A_1080 : memref<1x8x128xf32, #tpu.memory_space<vmem>> -> memref<8x128xf32, #tpu.memory_space<vmem>>
        tpu.enqueue_dma source(%dma_start3A_1081 : memref<8x128xf32, #tpu.memory_space<vmem>>) target(%dma_start3A_1077 : memref<8x128xf32, #tpu.memory_space<hbm>>) target_semaphore(%arg12 : memref<!tpu.dma_semaphore, #tpu.memory_space<semaphore_mem>>)
        %mul3A_1082 = arith.constant 4 : i32
        %mul3A_1083 = arith.muli %mul3A_1082, %scan3A_918 : i32
        %add3A_1084 = arith.constant 1 : i32
        %add3A_1085 = arith.addi %mul3A_1083, %add3A_1084 : i32
        %dma_wait3A_1086 = arith.constant 1 : i32
        %dma_wait3A_1087 = arith.constant 0 : i32
        %dma_wait3A_1088 = arith.constant 0 : i32
        %dma_wait3A_1089 = arith.constant 0 : i32
        %dma_wait3A_1090 = arith.constant 0 : i32
        %dma_wait3A_1091 = arith.constant 0 : i32
        %dma_wait3A_1092 = tpu.memref_slice %arg7[%dma_wait3A_1086, %dma_wait3A_1090, %dma_wait3A_1091] : memref<4x32x129xf32, #tpu.memory_space<vmem>> -> memref<1x8x128xf32, #tpu.memory_space<vmem>>
        %dma_wait3A_1093 = tpu.memref_squeeze %dma_wait3A_1092 : memref<1x8x128xf32, #tpu.memory_space<vmem>> -> memref<8x128xf32, #tpu.memory_space<vmem>>
        %dma_wait3A_1094 = arith.constant 0 : i32
        %dma_wait3A_1095 = arith.constant 0 : i32
        %dma_wait3A_1096 = tpu.memref_slice %arg4[%dma_wait3A_1087, %dma_wait3A_1088, %dma_wait3A_1089, %dma_wait3A_1094, %dma_wait3A_1095] : memref<200x4x128x8x128xf32, #tpu.memory_space<hbm>> -> memref<1x1x1x8x128xf32, #tpu.memory_space<hbm>>
        %dma_wait3A_1097 = tpu.memref_squeeze %dma_wait3A_1096 : memref<1x1x1x8x128xf32, #tpu.memory_space<hbm>> -> memref<8x128xf32, #tpu.memory_space<hbm>>
        %dma_wait3A_1098 = arith.constant 0 : i32
        %dma_wait3A_1099 = arith.constant 0 : i32
        %dma_wait3A_1100 = tpu.memref_slice %arg4[%dma_wait3A_1087, %dma_wait3A_1088, %dma_wait3A_1089, %dma_wait3A_1098, %dma_wait3A_1099] : memref<200x4x128x8x128xf32, #tpu.memory_space<hbm>> -> memref<1x1x1x8x128xf32, #tpu.memory_space<hbm>>
        %dma_wait3A_1101 = tpu.memref_squeeze %dma_wait3A_1100 : memref<1x1x1x8x128xf32, #tpu.memory_space<hbm>> -> memref<8x128xf32, #tpu.memory_space<hbm>>
        %dma_wait3A_1102 = arith.constant 0 : i32
        %dma_wait3A_1103 = arith.constant 0 : i32
        %dma_wait3A_1104 = tpu.memref_slice %arg7[%dma_wait3A_1086, %dma_wait3A_1102, %dma_wait3A_1103] : memref<4x32x129xf32, #tpu.memory_space<vmem>> -> memref<1x8x128xf32, #tpu.memory_space<vmem>>
        %dma_wait3A_1105 = tpu.memref_squeeze %dma_wait3A_1104 : memref<1x8x128xf32, #tpu.memory_space<vmem>> -> memref<8x128xf32, #tpu.memory_space<vmem>>
        tpu.wait_dma2 semaphore(%arg13 : memref<!tpu.dma_semaphore, #tpu.memory_space<semaphore_mem>>) src(%dma_wait3A_1105 : memref<8x128xf32, #tpu.memory_space<vmem>>) dst(%dma_wait3A_1101 : memref<8x128xf32, #tpu.memory_space<hbm>>)
        %dma_wait3A_1106 = arith.constant 1 : i32
        %dma_wait3A_1107 = arith.constant 0 : i32
        %dma_wait3A_1108 = arith.constant 1 : i32
        %dma_wait3A_1109 = arith.constant 0 : i32
        %dma_wait3A_1110 = arith.constant 8 : i32
        %dma_wait3A_1111 = arith.constant 0 : i32
        %dma_wait3A_1112 = tpu.memref_slice %arg7[%dma_wait3A_1106, %dma_wait3A_1110, %dma_wait3A_1111] : memref<4x32x129xf32, #tpu.memory_space<vmem>> -> memref<1x8x128xf32, #tpu.memory_space<vmem>>
        %dma_wait3A_1113 = tpu.memref_squeeze %dma_wait3A_1112 : memref<1x8x128xf32, #tpu.memory_space<vmem>> -> memref<8x128xf32, #tpu.memory_space<vmem>>
        %dma_wait3A_1114 = arith.constant 0 : i32
        %dma_wait3A_1115 = arith.constant 0 : i32
        %dma_wait3A_1116 = tpu.memref_slice %arg4[%dma_wait3A_1107, %dma_wait3A_1108, %dma_wait3A_1109, %dma_wait3A_1114, %dma_wait3A_1115] : memref<200x4x128x8x128xf32, #tpu.memory_space<hbm>> -> memref<1x1x1x8x128xf32, #tpu.memory_space<hbm>>
        %dma_wait3A_1117 = tpu.memref_squeeze %dma_wait3A_1116 : memref<1x1x1x8x128xf32, #tpu.memory_space<hbm>> -> memref<8x128xf32, #tpu.memory_space<hbm>>
        %dma_wait3A_1118 = arith.constant 0 : i32
        %dma_wait3A_1119 = arith.constant 0 : i32
        %dma_wait3A_1120 = tpu.memref_slice %arg4[%dma_wait3A_1107, %dma_wait3A_1108, %dma_wait3A_1109, %dma_wait3A_1118, %dma_wait3A_1119] : memref<200x4x128x8x128xf32, #tpu.memory_space<hbm>> -> memref<1x1x1x8x128xf32, #tpu.memory_space<hbm>>
        %dma_wait3A_1121 = tpu.memref_squeeze %dma_wait3A_1120 : memref<1x1x1x8x128xf32, #tpu.memory_space<hbm>> -> memref<8x128xf32, #tpu.memory_space<hbm>>
        %dma_wait3A_1122 = arith.constant 8 : i32
        %dma_wait3A_1123 = arith.constant 0 : i32
        %dma_wait3A_1124 = tpu.memref_slice %arg7[%dma_wait3A_1106, %dma_wait3A_1122, %dma_wait3A_1123] : memref<4x32x129xf32, #tpu.memory_space<vmem>> -> memref<1x8x128xf32, #tpu.memory_space<vmem>>
        %dma_wait3A_1125 = tpu.memref_squeeze %dma_wait3A_1124 : memref<1x8x128xf32, #tpu.memory_space<vmem>> -> memref<8x128xf32, #tpu.memory_space<vmem>>
        tpu.wait_dma2 semaphore(%arg13 : memref<!tpu.dma_semaphore, #tpu.memory_space<semaphore_mem>>) src(%dma_wait3A_1125 : memref<8x128xf32, #tpu.memory_space<vmem>>) dst(%dma_wait3A_1121 : memref<8x128xf32, #tpu.memory_space<hbm>>)
        %dma_wait3A_1126 = arith.constant 1 : i32
        %dma_wait3A_1127 = arith.constant 0 : i32
        %dma_wait3A_1128 = arith.constant 2 : i32
        %dma_wait3A_1129 = arith.constant 0 : i32
        %dma_wait3A_1130 = arith.constant 16 : i32
        %dma_wait3A_1131 = arith.constant 0 : i32
        %dma_wait3A_1132 = tpu.memref_slice %arg7[%dma_wait3A_1126, %dma_wait3A_1130, %dma_wait3A_1131] : memref<4x32x129xf32, #tpu.memory_space<vmem>> -> memref<1x8x128xf32, #tpu.memory_space<vmem>>
        %dma_wait3A_1133 = tpu.memref_squeeze %dma_wait3A_1132 : memref<1x8x128xf32, #tpu.memory_space<vmem>> -> memref<8x128xf32, #tpu.memory_space<vmem>>
        %dma_wait3A_1134 = arith.constant 0 : i32
        %dma_wait3A_1135 = arith.constant 0 : i32
        %dma_wait3A_1136 = tpu.memref_slice %arg4[%dma_wait3A_1127, %dma_wait3A_1128, %dma_wait3A_1129, %dma_wait3A_1134, %dma_wait3A_1135] : memref<200x4x128x8x128xf32, #tpu.memory_space<hbm>> -> memref<1x1x1x8x128xf32, #tpu.memory_space<hbm>>
        %dma_wait3A_1137 = tpu.memref_squeeze %dma_wait3A_1136 : memref<1x1x1x8x128xf32, #tpu.memory_space<hbm>> -> memref<8x128xf32, #tpu.memory_space<hbm>>
        %dma_wait3A_1138 = arith.constant 0 : i32
        %dma_wait3A_1139 = arith.constant 0 : i32
        %dma_wait3A_1140 = tpu.memref_slice %arg4[%dma_wait3A_1127, %dma_wait3A_1128, %dma_wait3A_1129, %dma_wait3A_1138, %dma_wait3A_1139] : memref<200x4x128x8x128xf32, #tpu.memory_space<hbm>> -> memref<1x1x1x8x128xf32, #tpu.memory_space<hbm>>
        %dma_wait3A_1141 = tpu.memref_squeeze %dma_wait3A_1140 : memref<1x1x1x8x128xf32, #tpu.memory_space<hbm>> -> memref<8x128xf32, #tpu.memory_space<hbm>>
        %dma_wait3A_1142 = arith.constant 16 : i32
        %dma_wait3A_1143 = arith.constant 0 : i32
        %dma_wait3A_1144 = tpu.memref_slice %arg7[%dma_wait3A_1126, %dma_wait3A_1142, %dma_wait3A_1143] : memref<4x32x129xf32, #tpu.memory_space<vmem>> -> memref<1x8x128xf32, #tpu.memory_space<vmem>>
        %dma_wait3A_1145 = tpu.memref_squeeze %dma_wait3A_1144 : memref<1x8x128xf32, #tpu.memory_space<vmem>> -> memref<8x128xf32, #tpu.memory_space<vmem>>
        tpu.wait_dma2 semaphore(%arg13 : memref<!tpu.dma_semaphore, #tpu.memory_space<semaphore_mem>>) src(%dma_wait3A_1145 : memref<8x128xf32, #tpu.memory_space<vmem>>) dst(%dma_wait3A_1141 : memref<8x128xf32, #tpu.memory_space<hbm>>)
        %dma_wait3A_1146 = arith.constant 1 : i32
        %dma_wait3A_1147 = arith.constant 0 : i32
        %dma_wait3A_1148 = arith.constant 3 : i32
        %dma_wait3A_1149 = arith.constant 0 : i32
        %dma_wait3A_1150 = arith.constant 24 : i32
        %dma_wait3A_1151 = arith.constant 0 : i32
        %dma_wait3A_1152 = tpu.memref_slice %arg7[%dma_wait3A_1146, %dma_wait3A_1150, %dma_wait3A_1151] : memref<4x32x129xf32, #tpu.memory_space<vmem>> -> memref<1x8x128xf32, #tpu.memory_space<vmem>>
        %dma_wait3A_1153 = tpu.memref_squeeze %dma_wait3A_1152 : memref<1x8x128xf32, #tpu.memory_space<vmem>> -> memref<8x128xf32, #tpu.memory_space<vmem>>
        %dma_wait3A_1154 = arith.constant 0 : i32
        %dma_wait3A_1155 = arith.constant 0 : i32
        %dma_wait3A_1156 = tpu.memref_slice %arg4[%dma_wait3A_1147, %dma_wait3A_1148, %dma_wait3A_1149, %dma_wait3A_1154, %dma_wait3A_1155] : memref<200x4x128x8x128xf32, #tpu.memory_space<hbm>> -> memref<1x1x1x8x128xf32, #tpu.memory_space<hbm>>
        %dma_wait3A_1157 = tpu.memref_squeeze %dma_wait3A_1156 : memref<1x1x1x8x128xf32, #tpu.memory_space<hbm>> -> memref<8x128xf32, #tpu.memory_space<hbm>>
        %dma_wait3A_1158 = arith.constant 0 : i32
        %dma_wait3A_1159 = arith.constant 0 : i32
        %dma_wait3A_1160 = tpu.memref_slice %arg4[%dma_wait3A_1147, %dma_wait3A_1148, %dma_wait3A_1149, %dma_wait3A_1158, %dma_wait3A_1159] : memref<200x4x128x8x128xf32, #tpu.memory_space<hbm>> -> memref<1x1x1x8x128xf32, #tpu.memory_space<hbm>>
        %dma_wait3A_1161 = tpu.memref_squeeze %dma_wait3A_1160 : memref<1x1x1x8x128xf32, #tpu.memory_space<hbm>> -> memref<8x128xf32, #tpu.memory_space<hbm>>
        %dma_wait3A_1162 = arith.constant 24 : i32
        %dma_wait3A_1163 = arith.constant 0 : i32
        %dma_wait3A_1164 = tpu.memref_slice %arg7[%dma_wait3A_1146, %dma_wait3A_1162, %dma_wait3A_1163] : memref<4x32x129xf32, #tpu.memory_space<vmem>> -> memref<1x8x128xf32, #tpu.memory_space<vmem>>
        %dma_wait3A_1165 = tpu.memref_squeeze %dma_wait3A_1164 : memref<1x8x128xf32, #tpu.memory_space<vmem>> -> memref<8x128xf32, #tpu.memory_space<vmem>>
        tpu.wait_dma2 semaphore(%arg13 : memref<!tpu.dma_semaphore, #tpu.memory_space<semaphore_mem>>) src(%dma_wait3A_1165 : memref<8x128xf32, #tpu.memory_space<vmem>>) dst(%dma_wait3A_1161 : memref<8x128xf32, #tpu.memory_space<hbm>>)
        %mul3A_1166 = arith.constant 128 : i32
        %mul3A_1167 = arith.muli %add3A_1085, %mul3A_1166 : i32
        %parallel_loop3A_1168 = arith.constant 0 : i32
        %parallel_loop3A_1169 = arith.constant 128 : i32
        %parallel_loop3A_1170 = arith.constant 1 : i32
        scf.for %parallel_loop3A_1574 = %parallel_loop3A_1168 to %parallel_loop3A_1169 step %parallel_loop3A_1170  : i32 {
          %parallel_loop3A_1575 = arith.addi %mul3A_1167, %parallel_loop3A_1574 : i32
          %parallel_loop3A_1576 = vector.broadcast %parallel_loop3A_1574 : i32 to vector<16xi32>
          %parallel_loop3A_1577 = arith.addi %broadcast_in_dim3A_824, %parallel_loop3A_1576 : vector<16xi32>
          %parallel_loop3A_1578 = arith.constant 0 : i32
          %parallel_loop3A_1579 = arith.index_cast %parallel_loop3A_1578 : i32 to index
          %parallel_loop3A_1580 = arith.index_cast %parallel_loop3A_1575 : i32 to index
          %parallel_loop3A_1581 = arith.constant 0 : index
          %parallel_loop3A_1582 = tpu.vector_load %arg6[%parallel_loop3A_1579, %parallel_loop3A_1580, %parallel_loop3A_1581] {strides = array<i32>} : memref<2x1024x32xf32, #tpu.memory_space<vmem>>, vector<16xf32>,
          %parallel_loop3A_1583 = arith.constant 0 : i32
          %parallel_loop3A_1584 = arith.index_cast %parallel_loop3A_1583 : i32 to index
          %parallel_loop3A_1585 = arith.index_cast %parallel_loop3A_1575 : i32 to index
          %parallel_loop3A_1586 = arith.constant 16 : index
          %parallel_loop3A_1587 = tpu.vector_load %arg6[%parallel_loop3A_1584, %parallel_loop3A_1585, %parallel_loop3A_1586] {strides = array<i32>} : memref<2x1024x32xf32, #tpu.memory_space<vmem>>, vector<16xf32>,
          %parallel_loop3A_1588 = arith.constant 1 : i32
          %parallel_loop3A_1589 = arith.constant 0 : i32
          %parallel_loop3A_1590 = arith.constant 0 : i32
          %parallel_loop3A_1591 = tpu.memref_slice %arg7[%parallel_loop3A_1588, %parallel_loop3A_1589, %parallel_loop3A_1590] : memref<4x32x129xf32, #tpu.memory_space<vmem>> -> memref<1x32x129xf32, #tpu.memory_space<vmem>>
          %parallel_loop3A_1592 = tpu.memref_squeeze %parallel_loop3A_1591 : memref<1x32x129xf32, #tpu.memory_space<vmem>> -> memref<32x129xf32, #tpu.memory_space<vmem>>
          tpu.vector_store_idx %parallel_loop3A_1592[%iota3A, %parallel_loop3A_1577], %parallel_loop3A_1582 : memref<32x129xf32, #tpu.memory_space<vmem>>[vector<16xi32>, vector<16xi32>], vector<16xf32>,
          %parallel_loop3A_1593 = arith.constant 1 : i32
          %parallel_loop3A_1594 = arith.constant 0 : i32
          %parallel_loop3A_1595 = arith.constant 0 : i32
          %parallel_loop3A_1596 = tpu.memref_slice %arg7[%parallel_loop3A_1593, %parallel_loop3A_1594, %parallel_loop3A_1595] : memref<4x32x129xf32, #tpu.memory_space<vmem>> -> memref<1x32x129xf32, #tpu.memory_space<vmem>>
          %parallel_loop3A_1597 = tpu.memref_squeeze %parallel_loop3A_1596 : memref<1x32x129xf32, #tpu.memory_space<vmem>> -> memref<32x129xf32, #tpu.memory_space<vmem>>
          tpu.vector_store_idx %parallel_loop3A_1597[%add3A_827, %parallel_loop3A_1577], %parallel_loop3A_1587 : memref<32x129xf32, #tpu.memory_space<vmem>>[vector<16xi32>, vector<16xi32>], vector<16xf32>,
        } {sc.loop_unroll_factor = 8 : i64, sc.parallel_access}
        %mul3A_1171 = arith.constant 8 : i32
        %mul3A_1172 = arith.muli %shift_right_logical3A_752, %mul3A_1171 : i32
        %add3A_1173 = arith.addi %mul3A_1172, %add3A_1085 : i32
        %dma_start3A_1174 = arith.constant 1 : i32
        %dma_start3A_1175 = arith.constant 0 : i32
        %dma_start3A_1176 = arith.constant 0 : i32
        %dma_start3A_1177 = arith.constant 0 : i32
        %dma_start3A_1178 = tpu.memref_slice %arg7[%dma_start3A_1174, %dma_start3A_1176, %dma_start3A_1177] : memref<4x32x129xf32, #tpu.memory_space<vmem>> -> memref<1x8x128xf32, #tpu.memory_space<vmem>>
        %dma_start3A_1179 = tpu.memref_squeeze %dma_start3A_1178 : memref<1x8x128xf32, #tpu.memory_space<vmem>> -> memref<8x128xf32, #tpu.memory_space<vmem>>
        %dma_start3A_1180 = arith.constant 0 : i32
        %dma_start3A_1181 = arith.constant 0 : i32
        %dma_start3A_1182 = tpu.memref_slice %arg4[%add3A_1173, %dma_start3A_1175, %add3A_759, %dma_start3A_1180, %dma_start3A_1181] : memref<200x4x128x8x128xf32, #tpu.memory_space<hbm>> -> memref<1x1x1x8x128xf32, #tpu.memory_space<hbm>>
        %dma_start3A_1183 = tpu.memref_squeeze %dma_start3A_1182 : memref<1x1x1x8x128xf32, #tpu.memory_space<hbm>> -> memref<8x128xf32, #tpu.memory_space<hbm>>
        %dma_start3A_1184 = arith.constant 0 : i32
        %dma_start3A_1185 = arith.constant 0 : i32
        %dma_start3A_1186 = tpu.memref_slice %arg4[%add3A_1173, %dma_start3A_1175, %add3A_759, %dma_start3A_1184, %dma_start3A_1185] : memref<200x4x128x8x128xf32, #tpu.memory_space<hbm>> -> memref<1x1x1x8x128xf32, #tpu.memory_space<hbm>>
        %dma_start3A_1187 = tpu.memref_squeeze %dma_start3A_1186 : memref<1x1x1x8x128xf32, #tpu.memory_space<hbm>> -> memref<8x128xf32, #tpu.memory_space<hbm>>
        %dma_start3A_1188 = arith.constant 0 : i32
        %dma_start3A_1189 = arith.constant 0 : i32
        %dma_start3A_1190 = tpu.memref_slice %arg7[%dma_start3A_1174, %dma_start3A_1188, %dma_start3A_1189] : memref<4x32x129xf32, #tpu.memory_space<vmem>> -> memref<1x8x128xf32, #tpu.memory_space<vmem>>
        %dma_start3A_1191 = tpu.memref_squeeze %dma_start3A_1190 : memref<1x8x128xf32, #tpu.memory_space<vmem>> -> memref<8x128xf32, #tpu.memory_space<vmem>>
        tpu.enqueue_dma source(%dma_start3A_1191 : memref<8x128xf32, #tpu.memory_space<vmem>>) target(%dma_start3A_1187 : memref<8x128xf32, #tpu.memory_space<hbm>>) target_semaphore(%arg13 : memref<!tpu.dma_semaphore, #tpu.memory_space<semaphore_mem>>)
        %dma_start3A_1192 = arith.constant 1 : i32
        %dma_start3A_1193 = arith.constant 1 : i32
        %dma_start3A_1194 = arith.constant 8 : i32
        %dma_start3A_1195 = arith.constant 0 : i32
        %dma_start3A_1196 = tpu.memref_slice %arg7[%dma_start3A_1192, %dma_start3A_1194, %dma_start3A_1195] : memref<4x32x129xf32, #tpu.memory_space<vmem>> -> memref<1x8x128xf32, #tpu.memory_space<vmem>>
        %dma_start3A_1197 = tpu.memref_squeeze %dma_start3A_1196 : memref<1x8x128xf32, #tpu.memory_space<vmem>> -> memref<8x128xf32, #tpu.memory_space<vmem>>
        %dma_start3A_1198 = arith.constant 0 : i32
        %dma_start3A_1199 = arith.constant 0 : i32
        %dma_start3A_1200 = tpu.memref_slice %arg4[%add3A_1173, %dma_start3A_1193, %add3A_759, %dma_start3A_1198, %dma_start3A_1199] : memref<200x4x128x8x128xf32, #tpu.memory_space<hbm>> -> memref<1x1x1x8x128xf32, #tpu.memory_space<hbm>>
        %dma_start3A_1201 = tpu.memref_squeeze %dma_start3A_1200 : memref<1x1x1x8x128xf32, #tpu.memory_space<hbm>> -> memref<8x128xf32, #tpu.memory_space<hbm>>
        %dma_start3A_1202 = arith.constant 0 : i32
        %dma_start3A_1203 = arith.constant 0 : i32
        %dma_start3A_1204 = tpu.memref_slice %arg4[%add3A_1173, %dma_start3A_1193, %add3A_759, %dma_start3A_1202, %dma_start3A_1203] : memref<200x4x128x8x128xf32, #tpu.memory_space<hbm>> -> memref<1x1x1x8x128xf32, #tpu.memory_space<hbm>>
        %dma_start3A_1205 = tpu.memref_squeeze %dma_start3A_1204 : memref<1x1x1x8x128xf32, #tpu.memory_space<hbm>> -> memref<8x128xf32, #tpu.memory_space<hbm>>
        %dma_start3A_1206 = arith.constant 8 : i32
        %dma_start3A_1207 = arith.constant 0 : i32
        %dma_start3A_1208 = tpu.memref_slice %arg7[%dma_start3A_1192, %dma_start3A_1206, %dma_start3A_1207] : memref<4x32x129xf32, #tpu.memory_space<vmem>> -> memref<1x8x128xf32, #tpu.memory_space<vmem>>
        %dma_start3A_1209 = tpu.memref_squeeze %dma_start3A_1208 : memref<1x8x128xf32, #tpu.memory_space<vmem>> -> memref<8x128xf32, #tpu.memory_space<vmem>>
        tpu.enqueue_dma source(%dma_start3A_1209 : memref<8x128xf32, #tpu.memory_space<vmem>>) target(%dma_start3A_1205 : memref<8x128xf32, #tpu.memory_space<hbm>>) target_semaphore(%arg13 : memref<!tpu.dma_semaphore, #tpu.memory_space<semaphore_mem>>)
        %dma_start3A_1210 = arith.constant 1 : i32
        %dma_start3A_1211 = arith.constant 2 : i32
        %dma_start3A_1212 = arith.constant 16 : i32
        %dma_start3A_1213 = arith.constant 0 : i32
        %dma_start3A_1214 = tpu.memref_slice %arg7[%dma_start3A_1210, %dma_start3A_1212, %dma_start3A_1213] : memref<4x32x129xf32, #tpu.memory_space<vmem>> -> memref<1x8x128xf32, #tpu.memory_space<vmem>>
        %dma_start3A_1215 = tpu.memref_squeeze %dma_start3A_1214 : memref<1x8x128xf32, #tpu.memory_space<vmem>> -> memref<8x128xf32, #tpu.memory_space<vmem>>
        %dma_start3A_1216 = arith.constant 0 : i32
        %dma_start3A_1217 = arith.constant 0 : i32
        %dma_start3A_1218 = tpu.memref_slice %arg4[%add3A_1173, %dma_start3A_1211, %add3A_759, %dma_start3A_1216, %dma_start3A_1217] : memref<200x4x128x8x128xf32, #tpu.memory_space<hbm>> -> memref<1x1x1x8x128xf32, #tpu.memory_space<hbm>>
        %dma_start3A_1219 = tpu.memref_squeeze %dma_start3A_1218 : memref<1x1x1x8x128xf32, #tpu.memory_space<hbm>> -> memref<8x128xf32, #tpu.memory_space<hbm>>
        %dma_start3A_1220 = arith.constant 0 : i32
        %dma_start3A_1221 = arith.constant 0 : i32
        %dma_start3A_1222 = tpu.memref_slice %arg4[%add3A_1173, %dma_start3A_1211, %add3A_759, %dma_start3A_1220, %dma_start3A_1221] : memref<200x4x128x8x128xf32, #tpu.memory_space<hbm>> -> memref<1x1x1x8x128xf32, #tpu.memory_space<hbm>>
        %dma_start3A_1223 = tpu.memref_squeeze %dma_start3A_1222 : memref<1x1x1x8x128xf32, #tpu.memory_space<hbm>> -> memref<8x128xf32, #tpu.memory_space<hbm>>
        %dma_start3A_1224 = arith.constant 16 : i32
        %dma_start3A_1225 = arith.constant 0 : i32
        %dma_start3A_1226 = tpu.memref_slice %arg7[%dma_start3A_1210, %dma_start3A_1224, %dma_start3A_1225] : memref<4x32x129xf32, #tpu.memory_space<vmem>> -> memref<1x8x128xf32, #tpu.memory_space<vmem>>
        %dma_start3A_1227 = tpu.memref_squeeze %dma_start3A_1226 : memref<1x8x128xf32, #tpu.memory_space<vmem>> -> memref<8x128xf32, #tpu.memory_space<vmem>>
        tpu.enqueue_dma source(%dma_start3A_1227 : memref<8x128xf32, #tpu.memory_space<vmem>>) target(%dma_start3A_1223 : memref<8x128xf32, #tpu.memory_space<hbm>>) target_semaphore(%arg13 : memref<!tpu.dma_semaphore, #tpu.memory_space<semaphore_mem>>)
        %dma_start3A_1228 = arith.constant 1 : i32
        %dma_start3A_1229 = arith.constant 3 : i32
        %dma_start3A_1230 = arith.constant 24 : i32
        %dma_start3A_1231 = arith.constant 0 : i32
        %dma_start3A_1232 = tpu.memref_slice %arg7[%dma_start3A_1228, %dma_start3A_1230, %dma_start3A_1231] : memref<4x32x129xf32, #tpu.memory_space<vmem>> -> memref<1x8x128xf32, #tpu.memory_space<vmem>>
        %dma_start3A_1233 = tpu.memref_squeeze %dma_start3A_1232 : memref<1x8x128xf32, #tpu.memory_space<vmem>> -> memref<8x128xf32, #tpu.memory_space<vmem>>
        %dma_start3A_1234 = arith.constant 0 : i32
        %dma_start3A_1235 = arith.constant 0 : i32
        %dma_start3A_1236 = tpu.memref_slice %arg4[%add3A_1173, %dma_start3A_1229, %add3A_759, %dma_start3A_1234, %dma_start3A_1235] : memref<200x4x128x8x128xf32, #tpu.memory_space<hbm>> -> memref<1x1x1x8x128xf32, #tpu.memory_space<hbm>>
        %dma_start3A_1237 = tpu.memref_squeeze %dma_start3A_1236 : memref<1x1x1x8x128xf32, #tpu.memory_space<hbm>> -> memref<8x128xf32, #tpu.memory_space<hbm>>
        %dma_start3A_1238 = arith.constant 0 : i32
        %dma_start3A_1239 = arith.constant 0 : i32
        %dma_start3A_1240 = tpu.memref_slice %arg4[%add3A_1173, %dma_start3A_1229, %add3A_759, %dma_start3A_1238, %dma_start3A_1239] : memref<200x4x128x8x128xf32, #tpu.memory_space<hbm>> -> memref<1x1x1x8x128xf32, #tpu.memory_space<hbm>>
        %dma_start3A_1241 = tpu.memref_squeeze %dma_start3A_1240 : memref<1x1x1x8x128xf32, #tpu.memory_space<hbm>> -> memref<8x128xf32, #tpu.memory_space<hbm>>
        %dma_start3A_1242 = arith.constant 24 : i32
        %dma_start3A_1243 = arith.constant 0 : i32
        %dma_start3A_1244 = tpu.memref_slice %arg7[%dma_start3A_1228, %dma_start3A_1242, %dma_start3A_1243] : memref<4x32x129xf32, #tpu.memory_space<vmem>> -> memref<1x8x128xf32, #tpu.memory_space<vmem>>
        %dma_start3A_1245 = tpu.memref_squeeze %dma_start3A_1244 : memref<1x8x128xf32, #tpu.memory_space<vmem>> -> memref<8x128xf32, #tpu.memory_space<vmem>>
        tpu.enqueue_dma source(%dma_start3A_1245 : memref<8x128xf32, #tpu.memory_space<vmem>>) target(%dma_start3A_1241 : memref<8x128xf32, #tpu.memory_space<hbm>>) target_semaphore(%arg13 : memref<!tpu.dma_semaphore, #tpu.memory_space<semaphore_mem>>)
        %mul3A_1246 = arith.constant 4 : i32
        %mul3A_1247 = arith.muli %mul3A_1246, %scan3A_918 : i32
        %add3A_1248 = arith.constant 2 : i32
        %add3A_1249 = arith.addi %mul3A_1247, %add3A_1248 : i32
        %dma_wait3A_1250 = arith.constant 2 : i32
        %dma_wait3A_1251 = arith.constant 0 : i32
        %dma_wait3A_1252 = arith.constant 0 : i32
        %dma_wait3A_1253 = arith.constant 0 : i32
        %dma_wait3A_1254 = arith.constant 0 : i32
        %dma_wait3A_1255 = arith.constant 0 : i32
        %dma_wait3A_1256 = tpu.memref_slice %arg7[%dma_wait3A_1250, %dma_wait3A_1254, %dma_wait3A_1255] : memref<4x32x129xf32, #tpu.memory_space<vmem>> -> memref<1x8x128xf32, #tpu.memory_space<vmem>>
        %dma_wait3A_1257 = tpu.memref_squeeze %dma_wait3A_1256 : memref<1x8x128xf32, #tpu.memory_space<vmem>> -> memref<8x128xf32, #tpu.memory_space<vmem>>
        %dma_wait3A_1258 = arith.constant 0 : i32
        %dma_wait3A_1259 = arith.constant 0 : i32
        %dma_wait3A_1260 = tpu.memref_slice %arg4[%dma_wait3A_1251, %dma_wait3A_1252, %dma_wait3A_1253, %dma_wait3A_1258, %dma_wait3A_1259] : memref<200x4x128x8x128xf32, #tpu.memory_space<hbm>> -> memref<1x1x1x8x128xf32, #tpu.memory_space<hbm>>
        %dma_wait3A_1261 = tpu.memref_squeeze %dma_wait3A_1260 : memref<1x1x1x8x128xf32, #tpu.memory_space<hbm>> -> memref<8x128xf32, #tpu.memory_space<hbm>>
        %dma_wait3A_1262 = arith.constant 0 : i32
        %dma_wait3A_1263 = arith.constant 0 : i32
        %dma_wait3A_1264 = tpu.memref_slice %arg4[%dma_wait3A_1251, %dma_wait3A_1252, %dma_wait3A_1253, %dma_wait3A_1262, %dma_wait3A_1263] : memref<200x4x128x8x128xf32, #tpu.memory_space<hbm>> -> memref<1x1x1x8x128xf32, #tpu.memory_space<hbm>>
        %dma_wait3A_1265 = tpu.memref_squeeze %dma_wait3A_1264 : memref<1x1x1x8x128xf32, #tpu.memory_space<hbm>> -> memref<8x128xf32, #tpu.memory_space<hbm>>
        %dma_wait3A_1266 = arith.constant 0 : i32
        %dma_wait3A_1267 = arith.constant 0 : i32
        %dma_wait3A_1268 = tpu.memref_slice %arg7[%dma_wait3A_1250, %dma_wait3A_1266, %dma_wait3A_1267] : memref<4x32x129xf32, #tpu.memory_space<vmem>> -> memref<1x8x128xf32, #tpu.memory_space<vmem>>
        %dma_wait3A_1269 = tpu.memref_squeeze %dma_wait3A_1268 : memref<1x8x128xf32, #tpu.memory_space<vmem>> -> memref<8x128xf32, #tpu.memory_space<vmem>>
        tpu.wait_dma2 semaphore(%arg14 : memref<!tpu.dma_semaphore, #tpu.memory_space<semaphore_mem>>) src(%dma_wait3A_1269 : memref<8x128xf32, #tpu.memory_space<vmem>>) dst(%dma_wait3A_1265 : memref<8x128xf32, #tpu.memory_space<hbm>>)
        %dma_wait3A_1270 = arith.constant 2 : i32
        %dma_wait3A_1271 = arith.constant 0 : i32
        %dma_wait3A_1272 = arith.constant 1 : i32
        %dma_wait3A_1273 = arith.constant 0 : i32
        %dma_wait3A_1274 = arith.constant 8 : i32
        %dma_wait3A_1275 = arith.constant 0 : i32
        %dma_wait3A_1276 = tpu.memref_slice %arg7[%dma_wait3A_1270, %dma_wait3A_1274, %dma_wait3A_1275] : memref<4x32x129xf32, #tpu.memory_space<vmem>> -> memref<1x8x128xf32, #tpu.memory_space<vmem>>
        %dma_wait3A_1277 = tpu.memref_squeeze %dma_wait3A_1276 : memref<1x8x128xf32, #tpu.memory_space<vmem>> -> memref<8x128xf32, #tpu.memory_space<vmem>>
        %dma_wait3A_1278 = arith.constant 0 : i32
        %dma_wait3A_1279 = arith.constant 0 : i32
        %dma_wait3A_1280 = tpu.memref_slice %arg4[%dma_wait3A_1271, %dma_wait3A_1272, %dma_wait3A_1273, %dma_wait3A_1278, %dma_wait3A_1279] : memref<200x4x128x8x128xf32, #tpu.memory_space<hbm>> -> memref<1x1x1x8x128xf32, #tpu.memory_space<hbm>>
        %dma_wait3A_1281 = tpu.memref_squeeze %dma_wait3A_1280 : memref<1x1x1x8x128xf32, #tpu.memory_space<hbm>> -> memref<8x128xf32, #tpu.memory_space<hbm>>
        %dma_wait3A_1282 = arith.constant 0 : i32
        %dma_wait3A_1283 = arith.constant 0 : i32
        %dma_wait3A_1284 = tpu.memref_slice %arg4[%dma_wait3A_1271, %dma_wait3A_1272, %dma_wait3A_1273, %dma_wait3A_1282, %dma_wait3A_1283] : memref<200x4x128x8x128xf32, #tpu.memory_space<hbm>> -> memref<1x1x1x8x128xf32, #tpu.memory_space<hbm>>
        %dma_wait3A_1285 = tpu.memref_squeeze %dma_wait3A_1284 : memref<1x1x1x8x128xf32, #tpu.memory_space<hbm>> -> memref<8x128xf32, #tpu.memory_space<hbm>>
        %dma_wait3A_1286 = arith.constant 8 : i32
        %dma_wait3A_1287 = arith.constant 0 : i32
        %dma_wait3A_1288 = tpu.memref_slice %arg7[%dma_wait3A_1270, %dma_wait3A_1286, %dma_wait3A_1287] : memref<4x32x129xf32, #tpu.memory_space<vmem>> -> memref<1x8x128xf32, #tpu.memory_space<vmem>>
        %dma_wait3A_1289 = tpu.memref_squeeze %dma_wait3A_1288 : memref<1x8x128xf32, #tpu.memory_space<vmem>> -> memref<8x128xf32, #tpu.memory_space<vmem>>
        tpu.wait_dma2 semaphore(%arg14 : memref<!tpu.dma_semaphore, #tpu.memory_space<semaphore_mem>>) src(%dma_wait3A_1289 : memref<8x128xf32, #tpu.memory_space<vmem>>) dst(%dma_wait3A_1285 : memref<8x128xf32, #tpu.memory_space<hbm>>)
        %dma_wait3A_1290 = arith.constant 2 : i32
        %dma_wait3A_1291 = arith.constant 0 : i32
        %dma_wait3A_1292 = arith.constant 2 : i32
        %dma_wait3A_1293 = arith.constant 0 : i32
        %dma_wait3A_1294 = arith.constant 16 : i32
        %dma_wait3A_1295 = arith.constant 0 : i32
        %dma_wait3A_1296 = tpu.memref_slice %arg7[%dma_wait3A_1290, %dma_wait3A_1294, %dma_wait3A_1295] : memref<4x32x129xf32, #tpu.memory_space<vmem>> -> memref<1x8x128xf32, #tpu.memory_space<vmem>>
        %dma_wait3A_1297 = tpu.memref_squeeze %dma_wait3A_1296 : memref<1x8x128xf32, #tpu.memory_space<vmem>> -> memref<8x128xf32, #tpu.memory_space<vmem>>
        %dma_wait3A_1298 = arith.constant 0 : i32
        %dma_wait3A_1299 = arith.constant 0 : i32
        %dma_wait3A_1300 = tpu.memref_slice %arg4[%dma_wait3A_1291, %dma_wait3A_1292, %dma_wait3A_1293, %dma_wait3A_1298, %dma_wait3A_1299] : memref<200x4x128x8x128xf32, #tpu.memory_space<hbm>> -> memref<1x1x1x8x128xf32, #tpu.memory_space<hbm>>
        %dma_wait3A_1301 = tpu.memref_squeeze %dma_wait3A_1300 : memref<1x1x1x8x128xf32, #tpu.memory_space<hbm>> -> memref<8x128xf32, #tpu.memory_space<hbm>>
        %dma_wait3A_1302 = arith.constant 0 : i32
        %dma_wait3A_1303 = arith.constant 0 : i32
        %dma_wait3A_1304 = tpu.memref_slice %arg4[%dma_wait3A_1291, %dma_wait3A_1292, %dma_wait3A_1293, %dma_wait3A_1302, %dma_wait3A_1303] : memref<200x4x128x8x128xf32, #tpu.memory_space<hbm>> -> memref<1x1x1x8x128xf32, #tpu.memory_space<hbm>>
        %dma_wait3A_1305 = tpu.memref_squeeze %dma_wait3A_1304 : memref<1x1x1x8x128xf32, #tpu.memory_space<hbm>> -> memref<8x128xf32, #tpu.memory_space<hbm>>
        %dma_wait3A_1306 = arith.constant 16 : i32
        %dma_wait3A_1307 = arith.constant 0 : i32
        %dma_wait3A_1308 = tpu.memref_slice %arg7[%dma_wait3A_1290, %dma_wait3A_1306, %dma_wait3A_1307] : memref<4x32x129xf32, #tpu.memory_space<vmem>> -> memref<1x8x128xf32, #tpu.memory_space<vmem>>
        %dma_wait3A_1309 = tpu.memref_squeeze %dma_wait3A_1308 : memref<1x8x128xf32, #tpu.memory_space<vmem>> -> memref<8x128xf32, #tpu.memory_space<vmem>>
        tpu.wait_dma2 semaphore(%arg14 : memref<!tpu.dma_semaphore, #tpu.memory_space<semaphore_mem>>) src(%dma_wait3A_1309 : memref<8x128xf32, #tpu.memory_space<vmem>>) dst(%dma_wait3A_1305 : memref<8x128xf32, #tpu.memory_space<hbm>>)
        %dma_wait3A_1310 = arith.constant 2 : i32
        %dma_wait3A_1311 = arith.constant 0 : i32
        %dma_wait3A_1312 = arith.constant 3 : i32
        %dma_wait3A_1313 = arith.constant 0 : i32
        %dma_wait3A_1314 = arith.constant 24 : i32
        %dma_wait3A_1315 = arith.constant 0 : i32
        %dma_wait3A_1316 = tpu.memref_slice %arg7[%dma_wait3A_1310, %dma_wait3A_1314, %dma_wait3A_1315] : memref<4x32x129xf32, #tpu.memory_space<vmem>> -> memref<1x8x128xf32, #tpu.memory_space<vmem>>
        %dma_wait3A_1317 = tpu.memref_squeeze %dma_wait3A_1316 : memref<1x8x128xf32, #tpu.memory_space<vmem>> -> memref<8x128xf32, #tpu.memory_space<vmem>>
        %dma_wait3A_1318 = arith.constant 0 : i32
        %dma_wait3A_1319 = arith.constant 0 : i32
        %dma_wait3A_1320 = tpu.memref_slice %arg4[%dma_wait3A_1311, %dma_wait3A_1312, %dma_wait3A_1313, %dma_wait3A_1318, %dma_wait3A_1319] : memref<200x4x128x8x128xf32, #tpu.memory_space<hbm>> -> memref<1x1x1x8x128xf32, #tpu.memory_space<hbm>>
        %dma_wait3A_1321 = tpu.memref_squeeze %dma_wait3A_1320 : memref<1x1x1x8x128xf32, #tpu.memory_space<hbm>> -> memref<8x128xf32, #tpu.memory_space<hbm>>
        %dma_wait3A_1322 = arith.constant 0 : i32
        %dma_wait3A_1323 = arith.constant 0 : i32
        %dma_wait3A_1324 = tpu.memref_slice %arg4[%dma_wait3A_1311, %dma_wait3A_1312, %dma_wait3A_1313, %dma_wait3A_1322, %dma_wait3A_1323] : memref<200x4x128x8x128xf32, #tpu.memory_space<hbm>> -> memref<1x1x1x8x128xf32, #tpu.memory_space<hbm>>
        %dma_wait3A_1325 = tpu.memref_squeeze %dma_wait3A_1324 : memref<1x1x1x8x128xf32, #tpu.memory_space<hbm>> -> memref<8x128xf32, #tpu.memory_space<hbm>>
        %dma_wait3A_1326 = arith.constant 24 : i32
        %dma_wait3A_1327 = arith.constant 0 : i32
        %dma_wait3A_1328 = tpu.memref_slice %arg7[%dma_wait3A_1310, %dma_wait3A_1326, %dma_wait3A_1327] : memref<4x32x129xf32, #tpu.memory_space<vmem>> -> memref<1x8x128xf32, #tpu.memory_space<vmem>>
        %dma_wait3A_1329 = tpu.memref_squeeze %dma_wait3A_1328 : memref<1x8x128xf32, #tpu.memory_space<vmem>> -> memref<8x128xf32, #tpu.memory_space<vmem>>
        tpu.wait_dma2 semaphore(%arg14 : memref<!tpu.dma_semaphore, #tpu.memory_space<semaphore_mem>>) src(%dma_wait3A_1329 : memref<8x128xf32, #tpu.memory_space<vmem>>) dst(%dma_wait3A_1325 : memref<8x128xf32, #tpu.memory_space<hbm>>)
        %mul3A_1330 = arith.constant 128 : i32
        %mul3A_1331 = arith.muli %add3A_1249, %mul3A_1330 : i32
        %parallel_loop3A_1332 = arith.constant 0 : i32
        %parallel_loop3A_1333 = arith.constant 128 : i32
        %parallel_loop3A_1334 = arith.constant 1 : i32
        scf.for %parallel_loop3A_1574 = %parallel_loop3A_1332 to %parallel_loop3A_1333 step %parallel_loop3A_1334  : i32 {
          %parallel_loop3A_1575 = arith.addi %mul3A_1331, %parallel_loop3A_1574 : i32
          %parallel_loop3A_1576 = vector.broadcast %parallel_loop3A_1574 : i32 to vector<16xi32>
          %parallel_loop3A_1577 = arith.addi %broadcast_in_dim3A_824, %parallel_loop3A_1576 : vector<16xi32>
          %parallel_loop3A_1578 = arith.constant 0 : i32
          %parallel_loop3A_1579 = arith.index_cast %parallel_loop3A_1578 : i32 to index
          %parallel_loop3A_1580 = arith.index_cast %parallel_loop3A_1575 : i32 to index
          %parallel_loop3A_1581 = arith.constant 0 : index
          %parallel_loop3A_1582 = tpu.vector_load %arg6[%parallel_loop3A_1579, %parallel_loop3A_1580, %parallel_loop3A_1581] {strides = array<i32>} : memref<2x1024x32xf32, #tpu.memory_space<vmem>>, vector<16xf32>,
          %parallel_loop3A_1583 = arith.constant 0 : i32
          %parallel_loop3A_1584 = arith.index_cast %parallel_loop3A_1583 : i32 to index
          %parallel_loop3A_1585 = arith.index_cast %parallel_loop3A_1575 : i32 to index
          %parallel_loop3A_1586 = arith.constant 16 : index
          %parallel_loop3A_1587 = tpu.vector_load %arg6[%parallel_loop3A_1584, %parallel_loop3A_1585, %parallel_loop3A_1586] {strides = array<i32>} : memref<2x1024x32xf32, #tpu.memory_space<vmem>>, vector<16xf32>,
          %parallel_loop3A_1588 = arith.constant 2 : i32
          %parallel_loop3A_1589 = arith.constant 0 : i32
          %parallel_loop3A_1590 = arith.constant 0 : i32
          %parallel_loop3A_1591 = tpu.memref_slice %arg7[%parallel_loop3A_1588, %parallel_loop3A_1589, %parallel_loop3A_1590] : memref<4x32x129xf32, #tpu.memory_space<vmem>> -> memref<1x32x129xf32, #tpu.memory_space<vmem>>
          %parallel_loop3A_1592 = tpu.memref_squeeze %parallel_loop3A_1591 : memref<1x32x129xf32, #tpu.memory_space<vmem>> -> memref<32x129xf32, #tpu.memory_space<vmem>>
          tpu.vector_store_idx %parallel_loop3A_1592[%iota3A, %parallel_loop3A_1577], %parallel_loop3A_1582 : memref<32x129xf32, #tpu.memory_space<vmem>>[vector<16xi32>, vector<16xi32>], vector<16xf32>,
          %parallel_loop3A_1593 = arith.constant 2 : i32
          %parallel_loop3A_1594 = arith.constant 0 : i32
          %parallel_loop3A_1595 = arith.constant 0 : i32
          %parallel_loop3A_1596 = tpu.memref_slice %arg7[%parallel_loop3A_1593, %parallel_loop3A_1594, %parallel_loop3A_1595] : memref<4x32x129xf32, #tpu.memory_space<vmem>> -> memref<1x32x129xf32, #tpu.memory_space<vmem>>
          %parallel_loop3A_1597 = tpu.memref_squeeze %parallel_loop3A_1596 : memref<1x32x129xf32, #tpu.memory_space<vmem>> -> memref<32x129xf32, #tpu.memory_space<vmem>>
          tpu.vector_store_idx %parallel_loop3A_1597[%add3A_827, %parallel_loop3A_1577], %parallel_loop3A_1587 : memref<32x129xf32, #tpu.memory_space<vmem>>[vector<16xi32>, vector<16xi32>], vector<16xf32>,
        } {sc.loop_unroll_factor = 8 : i64, sc.parallel_access}
        %mul3A_1335 = arith.constant 8 : i32
        %mul3A_1336 = arith.muli %shift_right_logical3A_752, %mul3A_1335 : i32
        %add3A_1337 = arith.addi %mul3A_1336, %add3A_1249 : i32
        %dma_start3A_1338 = arith.constant 2 : i32
        %dma_start3A_1339 = arith.constant 0 : i32
        %dma_start3A_1340 = arith.constant 0 : i32
        %dma_start3A_1341 = arith.constant 0 : i32
        %dma_start3A_1342 = tpu.memref_slice %arg7[%dma_start3A_1338, %dma_start3A_1340, %dma_start3A_1341] : memref<4x32x129xf32, #tpu.memory_space<vmem>> -> memref<1x8x128xf32, #tpu.memory_space<vmem>>
        %dma_start3A_1343 = tpu.memref_squeeze %dma_start3A_1342 : memref<1x8x128xf32, #tpu.memory_space<vmem>> -> memref<8x128xf32, #tpu.memory_space<vmem>>
        %dma_start3A_1344 = arith.constant 0 : i32
        %dma_start3A_1345 = arith.constant 0 : i32
        %dma_start3A_1346 = tpu.memref_slice %arg4[%add3A_1337, %dma_start3A_1339, %add3A_759, %dma_start3A_1344, %dma_start3A_1345] : memref<200x4x128x8x128xf32, #tpu.memory_space<hbm>> -> memref<1x1x1x8x128xf32, #tpu.memory_space<hbm>>
        %dma_start3A_1347 = tpu.memref_squeeze %dma_start3A_1346 : memref<1x1x1x8x128xf32, #tpu.memory_space<hbm>> -> memref<8x128xf32, #tpu.memory_space<hbm>>
        %dma_start3A_1348 = arith.constant 0 : i32
        %dma_start3A_1349 = arith.constant 0 : i32
        %dma_start3A_1350 = tpu.memref_slice %arg4[%add3A_1337, %dma_start3A_1339, %add3A_759, %dma_start3A_1348, %dma_start3A_1349] : memref<200x4x128x8x128xf32, #tpu.memory_space<hbm>> -> memref<1x1x1x8x128xf32, #tpu.memory_space<hbm>>
        %dma_start3A_1351 = tpu.memref_squeeze %dma_start3A_1350 : memref<1x1x1x8x128xf32, #tpu.memory_space<hbm>> -> memref<8x128xf32, #tpu.memory_space<hbm>>
        %dma_start3A_1352 = arith.constant 0 : i32
        %dma_start3A_1353 = arith.constant 0 : i32
        %dma_start3A_1354 = tpu.memref_slice %arg7[%dma_start3A_1338, %dma_start3A_1352, %dma_start3A_1353] : memref<4x32x129xf32, #tpu.memory_space<vmem>> -> memref<1x8x128xf32, #tpu.memory_space<vmem>>
        %dma_start3A_1355 = tpu.memref_squeeze %dma_start3A_1354 : memref<1x8x128xf32, #tpu.memory_space<vmem>> -> memref<8x128xf32, #tpu.memory_space<vmem>>
        tpu.enqueue_dma source(%dma_start3A_1355 : memref<8x128xf32, #tpu.memory_space<vmem>>) target(%dma_start3A_1351 : memref<8x128xf32, #tpu.memory_space<hbm>>) target_semaphore(%arg14 : memref<!tpu.dma_semaphore, #tpu.memory_space<semaphore_mem>>)
        %dma_start3A_1356 = arith.constant 2 : i32
        %dma_start3A_1357 = arith.constant 1 : i32
        %dma_start3A_1358 = arith.constant 8 : i32
        %dma_start3A_1359 = arith.constant 0 : i32
        %dma_start3A_1360 = tpu.memref_slice %arg7[%dma_start3A_1356, %dma_start3A_1358, %dma_start3A_1359] : memref<4x32x129xf32, #tpu.memory_space<vmem>> -> memref<1x8x128xf32, #tpu.memory_space<vmem>>
        %dma_start3A_1361 = tpu.memref_squeeze %dma_start3A_1360 : memref<1x8x128xf32, #tpu.memory_space<vmem>> -> memref<8x128xf32, #tpu.memory_space<vmem>>
        %dma_start3A_1362 = arith.constant 0 : i32
        %dma_start3A_1363 = arith.constant 0 : i32
        %dma_start3A_1364 = tpu.memref_slice %arg4[%add3A_1337, %dma_start3A_1357, %add3A_759, %dma_start3A_1362, %dma_start3A_1363] : memref<200x4x128x8x128xf32, #tpu.memory_space<hbm>> -> memref<1x1x1x8x128xf32, #tpu.memory_space<hbm>>
        %dma_start3A_1365 = tpu.memref_squeeze %dma_start3A_1364 : memref<1x1x1x8x128xf32, #tpu.memory_space<hbm>> -> memref<8x128xf32, #tpu.memory_space<hbm>>
        %dma_start3A_1366 = arith.constant 0 : i32
        %dma_start3A_1367 = arith.constant 0 : i32
        %dma_start3A_1368 = tpu.memref_slice %arg4[%add3A_1337, %dma_start3A_1357, %add3A_759, %dma_start3A_1366, %dma_start3A_1367] : memref<200x4x128x8x128xf32, #tpu.memory_space<hbm>> -> memref<1x1x1x8x128xf32, #tpu.memory_space<hbm>>
        %dma_start3A_1369 = tpu.memref_squeeze %dma_start3A_1368 : memref<1x1x1x8x128xf32, #tpu.memory_space<hbm>> -> memref<8x128xf32, #tpu.memory_space<hbm>>
        %dma_start3A_1370 = arith.constant 8 : i32
        %dma_start3A_1371 = arith.constant 0 : i32
        %dma_start3A_1372 = tpu.memref_slice %arg7[%dma_start3A_1356, %dma_start3A_1370, %dma_start3A_1371] : memref<4x32x129xf32, #tpu.memory_space<vmem>> -> memref<1x8x128xf32, #tpu.memory_space<vmem>>
        %dma_start3A_1373 = tpu.memref_squeeze %dma_start3A_1372 : memref<1x8x128xf32, #tpu.memory_space<vmem>> -> memref<8x128xf32, #tpu.memory_space<vmem>>
        tpu.enqueue_dma source(%dma_start3A_1373 : memref<8x128xf32, #tpu.memory_space<vmem>>) target(%dma_start3A_1369 : memref<8x128xf32, #tpu.memory_space<hbm>>) target_semaphore(%arg14 : memref<!tpu.dma_semaphore, #tpu.memory_space<semaphore_mem>>)
        %dma_start3A_1374 = arith.constant 2 : i32
        %dma_start3A_1375 = arith.constant 2 : i32
        %dma_start3A_1376 = arith.constant 16 : i32
        %dma_start3A_1377 = arith.constant 0 : i32
        %dma_start3A_1378 = tpu.memref_slice %arg7[%dma_start3A_1374, %dma_start3A_1376, %dma_start3A_1377] : memref<4x32x129xf32, #tpu.memory_space<vmem>> -> memref<1x8x128xf32, #tpu.memory_space<vmem>>
        %dma_start3A_1379 = tpu.memref_squeeze %dma_start3A_1378 : memref<1x8x128xf32, #tpu.memory_space<vmem>> -> memref<8x128xf32, #tpu.memory_space<vmem>>
        %dma_start3A_1380 = arith.constant 0 : i32
        %dma_start3A_1381 = arith.constant 0 : i32
        %dma_start3A_1382 = tpu.memref_slice %arg4[%add3A_1337, %dma_start3A_1375, %add3A_759, %dma_start3A_1380, %dma_start3A_1381] : memref<200x4x128x8x128xf32, #tpu.memory_space<hbm>> -> memref<1x1x1x8x128xf32, #tpu.memory_space<hbm>>
        %dma_start3A_1383 = tpu.memref_squeeze %dma_start3A_1382 : memref<1x1x1x8x128xf32, #tpu.memory_space<hbm>> -> memref<8x128xf32, #tpu.memory_space<hbm>>
        %dma_start3A_1384 = arith.constant 0 : i32
        %dma_start3A_1385 = arith.constant 0 : i32
        %dma_start3A_1386 = tpu.memref_slice %arg4[%add3A_1337, %dma_start3A_1375, %add3A_759, %dma_start3A_1384, %dma_start3A_1385] : memref<200x4x128x8x128xf32, #tpu.memory_space<hbm>> -> memref<1x1x1x8x128xf32, #tpu.memory_space<hbm>>
        %dma_start3A_1387 = tpu.memref_squeeze %dma_start3A_1386 : memref<1x1x1x8x128xf32, #tpu.memory_space<hbm>> -> memref<8x128xf32, #tpu.memory_space<hbm>>
        %dma_start3A_1388 = arith.constant 16 : i32
        %dma_start3A_1389 = arith.constant 0 : i32
        %dma_start3A_1390 = tpu.memref_slice %arg7[%dma_start3A_1374, %dma_start3A_1388, %dma_start3A_1389] : memref<4x32x129xf32, #tpu.memory_space<vmem>> -> memref<1x8x128xf32, #tpu.memory_space<vmem>>
        %dma_start3A_1391 = tpu.memref_squeeze %dma_start3A_1390 : memref<1x8x128xf32, #tpu.memory_space<vmem>> -> memref<8x128xf32, #tpu.memory_space<vmem>>
        tpu.enqueue_dma source(%dma_start3A_1391 : memref<8x128xf32, #tpu.memory_space<vmem>>) target(%dma_start3A_1387 : memref<8x128xf32, #tpu.memory_space<hbm>>) target_semaphore(%arg14 : memref<!tpu.dma_semaphore, #tpu.memory_space<semaphore_mem>>)
        %dma_start3A_1392 = arith.constant 2 : i32
        %dma_start3A_1393 = arith.constant 3 : i32
        %dma_start3A_1394 = arith.constant 24 : i32
        %dma_start3A_1395 = arith.constant 0 : i32
        %dma_start3A_1396 = tpu.memref_slice %arg7[%dma_start3A_1392, %dma_start3A_1394, %dma_start3A_1395] : memref<4x32x129xf32, #tpu.memory_space<vmem>> -> memref<1x8x128xf32, #tpu.memory_space<vmem>>
        %dma_start3A_1397 = tpu.memref_squeeze %dma_start3A_1396 : memref<1x8x128xf32, #tpu.memory_space<vmem>> -> memref<8x128xf32, #tpu.memory_space<vmem>>
        %dma_start3A_1398 = arith.constant 0 : i32
        %dma_start3A_1399 = arith.constant 0 : i32
        %dma_start3A_1400 = tpu.memref_slice %arg4[%add3A_1337, %dma_start3A_1393, %add3A_759, %dma_start3A_1398, %dma_start3A_1399] : memref<200x4x128x8x128xf32, #tpu.memory_space<hbm>> -> memref<1x1x1x8x128xf32, #tpu.memory_space<hbm>>
        %dma_start3A_1401 = tpu.memref_squeeze %dma_start3A_1400 : memref<1x1x1x8x128xf32, #tpu.memory_space<hbm>> -> memref<8x128xf32, #tpu.memory_space<hbm>>
        %dma_start3A_1402 = arith.constant 0 : i32
        %dma_start3A_1403 = arith.constant 0 : i32
        %dma_start3A_1404 = tpu.memref_slice %arg4[%add3A_1337, %dma_start3A_1393, %add3A_759, %dma_start3A_1402, %dma_start3A_1403] : memref<200x4x128x8x128xf32, #tpu.memory_space<hbm>> -> memref<1x1x1x8x128xf32, #tpu.memory_space<hbm>>
        %dma_start3A_1405 = tpu.memref_squeeze %dma_start3A_1404 : memref<1x1x1x8x128xf32, #tpu.memory_space<hbm>> -> memref<8x128xf32, #tpu.memory_space<hbm>>
        %dma_start3A_1406 = arith.constant 24 : i32
        %dma_start3A_1407 = arith.constant 0 : i32
        %dma_start3A_1408 = tpu.memref_slice %arg7[%dma_start3A_1392, %dma_start3A_1406, %dma_start3A_1407] : memref<4x32x129xf32, #tpu.memory_space<vmem>> -> memref<1x8x128xf32, #tpu.memory_space<vmem>>
        %dma_start3A_1409 = tpu.memref_squeeze %dma_start3A_1408 : memref<1x8x128xf32, #tpu.memory_space<vmem>> -> memref<8x128xf32, #tpu.memory_space<vmem>>
        tpu.enqueue_dma source(%dma_start3A_1409 : memref<8x128xf32, #tpu.memory_space<vmem>>) target(%dma_start3A_1405 : memref<8x128xf32, #tpu.memory_space<hbm>>) target_semaphore(%arg14 : memref<!tpu.dma_semaphore, #tpu.memory_space<semaphore_mem>>)
        %mul3A_1410 = arith.constant 4 : i32
        %mul3A_1411 = arith.muli %mul3A_1410, %scan3A_918 : i32
        %add3A_1412 = arith.constant 3 : i32
        %add3A_1413 = arith.addi %mul3A_1411, %add3A_1412 : i32
        %dma_wait3A_1414 = arith.constant 3 : i32
        %dma_wait3A_1415 = arith.constant 0 : i32
        %dma_wait3A_1416 = arith.constant 0 : i32
        %dma_wait3A_1417 = arith.constant 0 : i32
        %dma_wait3A_1418 = arith.constant 0 : i32
        %dma_wait3A_1419 = arith.constant 0 : i32
        %dma_wait3A_1420 = tpu.memref_slice %arg7[%dma_wait3A_1414, %dma_wait3A_1418, %dma_wait3A_1419] : memref<4x32x129xf32, #tpu.memory_space<vmem>> -> memref<1x8x128xf32, #tpu.memory_space<vmem>>
        %dma_wait3A_1421 = tpu.memref_squeeze %dma_wait3A_1420 : memref<1x8x128xf32, #tpu.memory_space<vmem>> -> memref<8x128xf32, #tpu.memory_space<vmem>>
        %dma_wait3A_1422 = arith.constant 0 : i32
        %dma_wait3A_1423 = arith.constant 0 : i32
        %dma_wait3A_1424 = tpu.memref_slice %arg4[%dma_wait3A_1415, %dma_wait3A_1416, %dma_wait3A_1417, %dma_wait3A_1422, %dma_wait3A_1423] : memref<200x4x128x8x128xf32, #tpu.memory_space<hbm>> -> memref<1x1x1x8x128xf32, #tpu.memory_space<hbm>>
        %dma_wait3A_1425 = tpu.memref_squeeze %dma_wait3A_1424 : memref<1x1x1x8x128xf32, #tpu.memory_space<hbm>> -> memref<8x128xf32, #tpu.memory_space<hbm>>
        %dma_wait3A_1426 = arith.constant 0 : i32
        %dma_wait3A_1427 = arith.constant 0 : i32
        %dma_wait3A_1428 = tpu.memref_slice %arg4[%dma_wait3A_1415, %dma_wait3A_1416, %dma_wait3A_1417, %dma_wait3A_1426, %dma_wait3A_1427] : memref<200x4x128x8x128xf32, #tpu.memory_space<hbm>> -> memref<1x1x1x8x128xf32, #tpu.memory_space<hbm>>
        %dma_wait3A_1429 = tpu.memref_squeeze %dma_wait3A_1428 : memref<1x1x1x8x128xf32, #tpu.memory_space<hbm>> -> memref<8x128xf32, #tpu.memory_space<hbm>>
        %dma_wait3A_1430 = arith.constant 0 : i32
        %dma_wait3A_1431 = arith.constant 0 : i32
        %dma_wait3A_1432 = tpu.memref_slice %arg7[%dma_wait3A_1414, %dma_wait3A_1430, %dma_wait3A_1431] : memref<4x32x129xf32, #tpu.memory_space<vmem>> -> memref<1x8x128xf32, #tpu.memory_space<vmem>>
        %dma_wait3A_1433 = tpu.memref_squeeze %dma_wait3A_1432 : memref<1x8x128xf32, #tpu.memory_space<vmem>> -> memref<8x128xf32, #tpu.memory_space<vmem>>
        tpu.wait_dma2 semaphore(%arg15 : memref<!tpu.dma_semaphore, #tpu.memory_space<semaphore_mem>>) src(%dma_wait3A_1433 : memref<8x128xf32, #tpu.memory_space<vmem>>) dst(%dma_wait3A_1429 : memref<8x128xf32, #tpu.memory_space<hbm>>)
        %dma_wait3A_1434 = arith.constant 3 : i32
        %dma_wait3A_1435 = arith.constant 0 : i32
        %dma_wait3A_1436 = arith.constant 1 : i32
        %dma_wait3A_1437 = arith.constant 0 : i32
        %dma_wait3A_1438 = arith.constant 8 : i32
        %dma_wait3A_1439 = arith.constant 0 : i32
        %dma_wait3A_1440 = tpu.memref_slice %arg7[%dma_wait3A_1434, %dma_wait3A_1438, %dma_wait3A_1439] : memref<4x32x129xf32, #tpu.memory_space<vmem>> -> memref<1x8x128xf32, #tpu.memory_space<vmem>>
        %dma_wait3A_1441 = tpu.memref_squeeze %dma_wait3A_1440 : memref<1x8x128xf32, #tpu.memory_space<vmem>> -> memref<8x128xf32, #tpu.memory_space<vmem>>
        %dma_wait3A_1442 = arith.constant 0 : i32
        %dma_wait3A_1443 = arith.constant 0 : i32
        %dma_wait3A_1444 = tpu.memref_slice %arg4[%dma_wait3A_1435, %dma_wait3A_1436, %dma_wait3A_1437, %dma_wait3A_1442, %dma_wait3A_1443] : memref<200x4x128x8x128xf32, #tpu.memory_space<hbm>> -> memref<1x1x1x8x128xf32, #tpu.memory_space<hbm>>
        %dma_wait3A_1445 = tpu.memref_squeeze %dma_wait3A_1444 : memref<1x1x1x8x128xf32, #tpu.memory_space<hbm>> -> memref<8x128xf32, #tpu.memory_space<hbm>>
        %dma_wait3A_1446 = arith.constant 0 : i32
        %dma_wait3A_1447 = arith.constant 0 : i32
        %dma_wait3A_1448 = tpu.memref_slice %arg4[%dma_wait3A_1435, %dma_wait3A_1436, %dma_wait3A_1437, %dma_wait3A_1446, %dma_wait3A_1447] : memref<200x4x128x8x128xf32, #tpu.memory_space<hbm>> -> memref<1x1x1x8x128xf32, #tpu.memory_space<hbm>>
        %dma_wait3A_1449 = tpu.memref_squeeze %dma_wait3A_1448 : memref<1x1x1x8x128xf32, #tpu.memory_space<hbm>> -> memref<8x128xf32, #tpu.memory_space<hbm>>
        %dma_wait3A_1450 = arith.constant 8 : i32
        %dma_wait3A_1451 = arith.constant 0 : i32
        %dma_wait3A_1452 = tpu.memref_slice %arg7[%dma_wait3A_1434, %dma_wait3A_1450, %dma_wait3A_1451] : memref<4x32x129xf32, #tpu.memory_space<vmem>> -> memref<1x8x128xf32, #tpu.memory_space<vmem>>
        %dma_wait3A_1453 = tpu.memref_squeeze %dma_wait3A_1452 : memref<1x8x128xf32, #tpu.memory_space<vmem>> -> memref<8x128xf32, #tpu.memory_space<vmem>>
        tpu.wait_dma2 semaphore(%arg15 : memref<!tpu.dma_semaphore, #tpu.memory_space<semaphore_mem>>) src(%dma_wait3A_1453 : memref<8x128xf32, #tpu.memory_space<vmem>>) dst(%dma_wait3A_1449 : memref<8x128xf32, #tpu.memory_space<hbm>>)
        %dma_wait3A_1454 = arith.constant 3 : i32
        %dma_wait3A_1455 = arith.constant 0 : i32
        %dma_wait3A_1456 = arith.constant 2 : i32
        %dma_wait3A_1457 = arith.constant 0 : i32
        %dma_wait3A_1458 = arith.constant 16 : i32
        %dma_wait3A_1459 = arith.constant 0 : i32
        %dma_wait3A_1460 = tpu.memref_slice %arg7[%dma_wait3A_1454, %dma_wait3A_1458, %dma_wait3A_1459] : memref<4x32x129xf32, #tpu.memory_space<vmem>> -> memref<1x8x128xf32, #tpu.memory_space<vmem>>
        %dma_wait3A_1461 = tpu.memref_squeeze %dma_wait3A_1460 : memref<1x8x128xf32, #tpu.memory_space<vmem>> -> memref<8x128xf32, #tpu.memory_space<vmem>>
        %dma_wait3A_1462 = arith.constant 0 : i32
        %dma_wait3A_1463 = arith.constant 0 : i32
        %dma_wait3A_1464 = tpu.memref_slice %arg4[%dma_wait3A_1455, %dma_wait3A_1456, %dma_wait3A_1457, %dma_wait3A_1462, %dma_wait3A_1463] : memref<200x4x128x8x128xf32, #tpu.memory_space<hbm>> -> memref<1x1x1x8x128xf32, #tpu.memory_space<hbm>>
        %dma_wait3A_1465 = tpu.memref_squeeze %dma_wait3A_1464 : memref<1x1x1x8x128xf32, #tpu.memory_space<hbm>> -> memref<8x128xf32, #tpu.memory_space<hbm>>
        %dma_wait3A_1466 = arith.constant 0 : i32
        %dma_wait3A_1467 = arith.constant 0 : i32
        %dma_wait3A_1468 = tpu.memref_slice %arg4[%dma_wait3A_1455, %dma_wait3A_1456, %dma_wait3A_1457, %dma_wait3A_1466, %dma_wait3A_1467] : memref<200x4x128x8x128xf32, #tpu.memory_space<hbm>> -> memref<1x1x1x8x128xf32, #tpu.memory_space<hbm>>
        %dma_wait3A_1469 = tpu.memref_squeeze %dma_wait3A_1468 : memref<1x1x1x8x128xf32, #tpu.memory_space<hbm>> -> memref<8x128xf32, #tpu.memory_space<hbm>>
        %dma_wait3A_1470 = arith.constant 16 : i32
        %dma_wait3A_1471 = arith.constant 0 : i32
        %dma_wait3A_1472 = tpu.memref_slice %arg7[%dma_wait3A_1454, %dma_wait3A_1470, %dma_wait3A_1471] : memref<4x32x129xf32, #tpu.memory_space<vmem>> -> memref<1x8x128xf32, #tpu.memory_space<vmem>>
        %dma_wait3A_1473 = tpu.memref_squeeze %dma_wait3A_1472 : memref<1x8x128xf32, #tpu.memory_space<vmem>> -> memref<8x128xf32, #tpu.memory_space<vmem>>
        tpu.wait_dma2 semaphore(%arg15 : memref<!tpu.dma_semaphore, #tpu.memory_space<semaphore_mem>>) src(%dma_wait3A_1473 : memref<8x128xf32, #tpu.memory_space<vmem>>) dst(%dma_wait3A_1469 : memref<8x128xf32, #tpu.memory_space<hbm>>)
        %dma_wait3A_1474 = arith.constant 3 : i32
        %dma_wait3A_1475 = arith.constant 0 : i32
        %dma_wait3A_1476 = arith.constant 3 : i32
        %dma_wait3A_1477 = arith.constant 0 : i32
        %dma_wait3A_1478 = arith.constant 24 : i32
        %dma_wait3A_1479 = arith.constant 0 : i32
        %dma_wait3A_1480 = tpu.memref_slice %arg7[%dma_wait3A_1474, %dma_wait3A_1478, %dma_wait3A_1479] : memref<4x32x129xf32, #tpu.memory_space<vmem>> -> memref<1x8x128xf32, #tpu.memory_space<vmem>>
        %dma_wait3A_1481 = tpu.memref_squeeze %dma_wait3A_1480 : memref<1x8x128xf32, #tpu.memory_space<vmem>> -> memref<8x128xf32, #tpu.memory_space<vmem>>
        %dma_wait3A_1482 = arith.constant 0 : i32
        %dma_wait3A_1483 = arith.constant 0 : i32
        %dma_wait3A_1484 = tpu.memref_slice %arg4[%dma_wait3A_1475, %dma_wait3A_1476, %dma_wait3A_1477, %dma_wait3A_1482, %dma_wait3A_1483] : memref<200x4x128x8x128xf32, #tpu.memory_space<hbm>> -> memref<1x1x1x8x128xf32, #tpu.memory_space<hbm>>
        %dma_wait3A_1485 = tpu.memref_squeeze %dma_wait3A_1484 : memref<1x1x1x8x128xf32, #tpu.memory_space<hbm>> -> memref<8x128xf32, #tpu.memory_space<hbm>>
        %dma_wait3A_1486 = arith.constant 0 : i32
        %dma_wait3A_1487 = arith.constant 0 : i32
        %dma_wait3A_1488 = tpu.memref_slice %arg4[%dma_wait3A_1475, %dma_wait3A_1476, %dma_wait3A_1477, %dma_wait3A_1486, %dma_wait3A_1487] : memref<200x4x128x8x128xf32, #tpu.memory_space<hbm>> -> memref<1x1x1x8x128xf32, #tpu.memory_space<hbm>>
        %dma_wait3A_1489 = tpu.memref_squeeze %dma_wait3A_1488 : memref<1x1x1x8x128xf32, #tpu.memory_space<hbm>> -> memref<8x128xf32, #tpu.memory_space<hbm>>
        %dma_wait3A_1490 = arith.constant 24 : i32
        %dma_wait3A_1491 = arith.constant 0 : i32
        %dma_wait3A_1492 = tpu.memref_slice %arg7[%dma_wait3A_1474, %dma_wait3A_1490, %dma_wait3A_1491] : memref<4x32x129xf32, #tpu.memory_space<vmem>> -> memref<1x8x128xf32, #tpu.memory_space<vmem>>
        %dma_wait3A_1493 = tpu.memref_squeeze %dma_wait3A_1492 : memref<1x8x128xf32, #tpu.memory_space<vmem>> -> memref<8x128xf32, #tpu.memory_space<vmem>>
        tpu.wait_dma2 semaphore(%arg15 : memref<!tpu.dma_semaphore, #tpu.memory_space<semaphore_mem>>) src(%dma_wait3A_1493 : memref<8x128xf32, #tpu.memory_space<vmem>>) dst(%dma_wait3A_1489 : memref<8x128xf32, #tpu.memory_space<hbm>>)
        %mul3A_1494 = arith.constant 128 : i32
        %mul3A_1495 = arith.muli %add3A_1413, %mul3A_1494 : i32
        %parallel_loop3A_1496 = arith.constant 0 : i32
        %parallel_loop3A_1497 = arith.constant 128 : i32
        %parallel_loop3A_1498 = arith.constant 1 : i32
        scf.for %parallel_loop3A_1574 = %parallel_loop3A_1496 to %parallel_loop3A_1497 step %parallel_loop3A_1498  : i32 {
          %parallel_loop3A_1575 = arith.addi %mul3A_1495, %parallel_loop3A_1574 : i32
          %parallel_loop3A_1576 = vector.broadcast %parallel_loop3A_1574 : i32 to vector<16xi32>
          %parallel_loop3A_1577 = arith.addi %broadcast_in_dim3A_824, %parallel_loop3A_1576 : vector<16xi32>
          %parallel_loop3A_1578 = arith.constant 0 : i32
          %parallel_loop3A_1579 = arith.index_cast %parallel_loop3A_1578 : i32 to index
          %parallel_loop3A_1580 = arith.index_cast %parallel_loop3A_1575 : i32 to index
          %parallel_loop3A_1581 = arith.constant 0 : index
          %parallel_loop3A_1582 = tpu.vector_load %arg6[%parallel_loop3A_1579, %parallel_loop3A_1580, %parallel_loop3A_1581] {strides = array<i32>} : memref<2x1024x32xf32, #tpu.memory_space<vmem>>, vector<16xf32>,
          %parallel_loop3A_1583 = arith.constant 0 : i32
          %parallel_loop3A_1584 = arith.index_cast %parallel_loop3A_1583 : i32 to index
          %parallel_loop3A_1585 = arith.index_cast %parallel_loop3A_1575 : i32 to index
          %parallel_loop3A_1586 = arith.constant 16 : index
          %parallel_loop3A_1587 = tpu.vector_load %arg6[%parallel_loop3A_1584, %parallel_loop3A_1585, %parallel_loop3A_1586] {strides = array<i32>} : memref<2x1024x32xf32, #tpu.memory_space<vmem>>, vector<16xf32>,
          %parallel_loop3A_1588 = arith.constant 3 : i32
          %parallel_loop3A_1589 = arith.constant 0 : i32
          %parallel_loop3A_1590 = arith.constant 0 : i32
          %parallel_loop3A_1591 = tpu.memref_slice %arg7[%parallel_loop3A_1588, %parallel_loop3A_1589, %parallel_loop3A_1590] : memref<4x32x129xf32, #tpu.memory_space<vmem>> -> memref<1x32x129xf32, #tpu.memory_space<vmem>>
          %parallel_loop3A_1592 = tpu.memref_squeeze %parallel_loop3A_1591 : memref<1x32x129xf32, #tpu.memory_space<vmem>> -> memref<32x129xf32, #tpu.memory_space<vmem>>
          tpu.vector_store_idx %parallel_loop3A_1592[%iota3A, %parallel_loop3A_1577], %parallel_loop3A_1582 : memref<32x129xf32, #tpu.memory_space<vmem>>[vector<16xi32>, vector<16xi32>], vector<16xf32>,
          %parallel_loop3A_1593 = arith.constant 3 : i32
          %parallel_loop3A_1594 = arith.constant 0 : i32
          %parallel_loop3A_1595 = arith.constant 0 : i32
          %parallel_loop3A_1596 = tpu.memref_slice %arg7[%parallel_loop3A_1593, %parallel_loop3A_1594, %parallel_loop3A_1595] : memref<4x32x129xf32, #tpu.memory_space<vmem>> -> memref<1x32x129xf32, #tpu.memory_space<vmem>>
          %parallel_loop3A_1597 = tpu.memref_squeeze %parallel_loop3A_1596 : memref<1x32x129xf32, #tpu.memory_space<vmem>> -> memref<32x129xf32, #tpu.memory_space<vmem>>
          tpu.vector_store_idx %parallel_loop3A_1597[%add3A_827, %parallel_loop3A_1577], %parallel_loop3A_1587 : memref<32x129xf32, #tpu.memory_space<vmem>>[vector<16xi32>, vector<16xi32>], vector<16xf32>,
        } {sc.loop_unroll_factor = 8 : i64, sc.parallel_access}
        %mul3A_1499 = arith.constant 8 : i32
        %mul3A_1500 = arith.muli %shift_right_logical3A_752, %mul3A_1499 : i32
        %add3A_1501 = arith.addi %mul3A_1500, %add3A_1413 : i32
        %dma_start3A_1502 = arith.constant 3 : i32
        %dma_start3A_1503 = arith.constant 0 : i32
        %dma_start3A_1504 = arith.constant 0 : i32
        %dma_start3A_1505 = arith.constant 0 : i32
        %dma_start3A_1506 = tpu.memref_slice %arg7[%dma_start3A_1502, %dma_start3A_1504, %dma_start3A_1505] : memref<4x32x129xf32, #tpu.memory_space<vmem>> -> memref<1x8x128xf32, #tpu.memory_space<vmem>>
        %dma_start3A_1507 = tpu.memref_squeeze %dma_start3A_1506 : memref<1x8x128xf32, #tpu.memory_space<vmem>> -> memref<8x128xf32, #tpu.memory_space<vmem>>
        %dma_start3A_1508 = arith.constant 0 : i32
        %dma_start3A_1509 = arith.constant 0 : i32
        %dma_start3A_1510 = tpu.memref_slice %arg4[%add3A_1501, %dma_start3A_1503, %add3A_759, %dma_start3A_1508, %dma_start3A_1509] : memref<200x4x128x8x128xf32, #tpu.memory_space<hbm>> -> memref<1x1x1x8x128xf32, #tpu.memory_space<hbm>>
        %dma_start3A_1511 = tpu.memref_squeeze %dma_start3A_1510 : memref<1x1x1x8x128xf32, #tpu.memory_space<hbm>> -> memref<8x128xf32, #tpu.memory_space<hbm>>
        %dma_start3A_1512 = arith.constant 0 : i32
        %dma_start3A_1513 = arith.constant 0 : i32
        %dma_start3A_1514 = tpu.memref_slice %arg4[%add3A_1501, %dma_start3A_1503, %add3A_759, %dma_start3A_1512, %dma_start3A_1513] : memref<200x4x128x8x128xf32, #tpu.memory_space<hbm>> -> memref<1x1x1x8x128xf32, #tpu.memory_space<hbm>>
        %dma_start3A_1515 = tpu.memref_squeeze %dma_start3A_1514 : memref<1x1x1x8x128xf32, #tpu.memory_space<hbm>> -> memref<8x128xf32, #tpu.memory_space<hbm>>
        %dma_start3A_1516 = arith.constant 0 : i32
        %dma_start3A_1517 = arith.constant 0 : i32
        %dma_start3A_1518 = tpu.memref_slice %arg7[%dma_start3A_1502, %dma_start3A_1516, %dma_start3A_1517] : memref<4x32x129xf32, #tpu.memory_space<vmem>> -> memref<1x8x128xf32, #tpu.memory_space<vmem>>
        %dma_start3A_1519 = tpu.memref_squeeze %dma_start3A_1518 : memref<1x8x128xf32, #tpu.memory_space<vmem>> -> memref<8x128xf32, #tpu.memory_space<vmem>>
        tpu.enqueue_dma source(%dma_start3A_1519 : memref<8x128xf32, #tpu.memory_space<vmem>>) target(%dma_start3A_1515 : memref<8x128xf32, #tpu.memory_space<hbm>>) target_semaphore(%arg15 : memref<!tpu.dma_semaphore, #tpu.memory_space<semaphore_mem>>)
        %dma_start3A_1520 = arith.constant 3 : i32
        %dma_start3A_1521 = arith.constant 1 : i32
        %dma_start3A_1522 = arith.constant 8 : i32
        %dma_start3A_1523 = arith.constant 0 : i32
        %dma_start3A_1524 = tpu.memref_slice %arg7[%dma_start3A_1520, %dma_start3A_1522, %dma_start3A_1523] : memref<4x32x129xf32, #tpu.memory_space<vmem>> -> memref<1x8x128xf32, #tpu.memory_space<vmem>>
        %dma_start3A_1525 = tpu.memref_squeeze %dma_start3A_1524 : memref<1x8x128xf32, #tpu.memory_space<vmem>> -> memref<8x128xf32, #tpu.memory_space<vmem>>
        %dma_start3A_1526 = arith.constant 0 : i32
        %dma_start3A_1527 = arith.constant 0 : i32
        %dma_start3A_1528 = tpu.memref_slice %arg4[%add3A_1501, %dma_start3A_1521, %add3A_759, %dma_start3A_1526, %dma_start3A_1527] : memref<200x4x128x8x128xf32, #tpu.memory_space<hbm>> -> memref<1x1x1x8x128xf32, #tpu.memory_space<hbm>>
        %dma_start3A_1529 = tpu.memref_squeeze %dma_start3A_1528 : memref<1x1x1x8x128xf32, #tpu.memory_space<hbm>> -> memref<8x128xf32, #tpu.memory_space<hbm>>
        %dma_start3A_1530 = arith.constant 0 : i32
        %dma_start3A_1531 = arith.constant 0 : i32
        %dma_start3A_1532 = tpu.memref_slice %arg4[%add3A_1501, %dma_start3A_1521, %add3A_759, %dma_start3A_1530, %dma_start3A_1531] : memref<200x4x128x8x128xf32, #tpu.memory_space<hbm>> -> memref<1x1x1x8x128xf32, #tpu.memory_space<hbm>>
        %dma_start3A_1533 = tpu.memref_squeeze %dma_start3A_1532 : memref<1x1x1x8x128xf32, #tpu.memory_space<hbm>> -> memref<8x128xf32, #tpu.memory_space<hbm>>
        %dma_start3A_1534 = arith.constant 8 : i32
        %dma_start3A_1535 = arith.constant 0 : i32
        %dma_start3A_1536 = tpu.memref_slice %arg7[%dma_start3A_1520, %dma_start3A_1534, %dma_start3A_1535] : memref<4x32x129xf32, #tpu.memory_space<vmem>> -> memref<1x8x128xf32, #tpu.memory_space<vmem>>
        %dma_start3A_1537 = tpu.memref_squeeze %dma_start3A_1536 : memref<1x8x128xf32, #tpu.memory_space<vmem>> -> memref<8x128xf32, #tpu.memory_space<vmem>>
        tpu.enqueue_dma source(%dma_start3A_1537 : memref<8x128xf32, #tpu.memory_space<vmem>>) target(%dma_start3A_1533 : memref<8x128xf32, #tpu.memory_space<hbm>>) target_semaphore(%arg15 : memref<!tpu.dma_semaphore, #tpu.memory_space<semaphore_mem>>)
        %dma_start3A_1538 = arith.constant 3 : i32
        %dma_start3A_1539 = arith.constant 2 : i32
        %dma_start3A_1540 = arith.constant 16 : i32
        %dma_start3A_1541 = arith.constant 0 : i32
        %dma_start3A_1542 = tpu.memref_slice %arg7[%dma_start3A_1538, %dma_start3A_1540, %dma_start3A_1541] : memref<4x32x129xf32, #tpu.memory_space<vmem>> -> memref<1x8x128xf32, #tpu.memory_space<vmem>>
        %dma_start3A_1543 = tpu.memref_squeeze %dma_start3A_1542 : memref<1x8x128xf32, #tpu.memory_space<vmem>> -> memref<8x128xf32, #tpu.memory_space<vmem>>
        %dma_start3A_1544 = arith.constant 0 : i32
        %dma_start3A_1545 = arith.constant 0 : i32
        %dma_start3A_1546 = tpu.memref_slice %arg4[%add3A_1501, %dma_start3A_1539, %add3A_759, %dma_start3A_1544, %dma_start3A_1545] : memref<200x4x128x8x128xf32, #tpu.memory_space<hbm>> -> memref<1x1x1x8x128xf32, #tpu.memory_space<hbm>>
        %dma_start3A_1547 = tpu.memref_squeeze %dma_start3A_1546 : memref<1x1x1x8x128xf32, #tpu.memory_space<hbm>> -> memref<8x128xf32, #tpu.memory_space<hbm>>
        %dma_start3A_1548 = arith.constant 0 : i32
        %dma_start3A_1549 = arith.constant 0 : i32
        %dma_start3A_1550 = tpu.memref_slice %arg4[%add3A_1501, %dma_start3A_1539, %add3A_759, %dma_start3A_1548, %dma_start3A_1549] : memref<200x4x128x8x128xf32, #tpu.memory_space<hbm>> -> memref<1x1x1x8x128xf32, #tpu.memory_space<hbm>>
        %dma_start3A_1551 = tpu.memref_squeeze %dma_start3A_1550 : memref<1x1x1x8x128xf32, #tpu.memory_space<hbm>> -> memref<8x128xf32, #tpu.memory_space<hbm>>
        %dma_start3A_1552 = arith.constant 16 : i32
        %dma_start3A_1553 = arith.constant 0 : i32
        %dma_start3A_1554 = tpu.memref_slice %arg7[%dma_start3A_1538, %dma_start3A_1552, %dma_start3A_1553] : memref<4x32x129xf32, #tpu.memory_space<vmem>> -> memref<1x8x128xf32, #tpu.memory_space<vmem>>
        %dma_start3A_1555 = tpu.memref_squeeze %dma_start3A_1554 : memref<1x8x128xf32, #tpu.memory_space<vmem>> -> memref<8x128xf32, #tpu.memory_space<vmem>>
        tpu.enqueue_dma source(%dma_start3A_1555 : memref<8x128xf32, #tpu.memory_space<vmem>>) target(%dma_start3A_1551 : memref<8x128xf32, #tpu.memory_space<hbm>>) target_semaphore(%arg15 : memref<!tpu.dma_semaphore, #tpu.memory_space<semaphore_mem>>)
        %dma_start3A_1556 = arith.constant 3 : i32
        %dma_start3A_1557 = arith.constant 3 : i32
        %dma_start3A_1558 = arith.constant 24 : i32
        %dma_start3A_1559 = arith.constant 0 : i32
        %dma_start3A_1560 = tpu.memref_slice %arg7[%dma_start3A_1556, %dma_start3A_1558, %dma_start3A_1559] : memref<4x32x129xf32, #tpu.memory_space<vmem>> -> memref<1x8x128xf32, #tpu.memory_space<vmem>>
        %dma_start3A_1561 = tpu.memref_squeeze %dma_start3A_1560 : memref<1x8x128xf32, #tpu.memory_space<vmem>> -> memref<8x128xf32, #tpu.memory_space<vmem>>
        %dma_start3A_1562 = arith.constant 0 : i32
        %dma_start3A_1563 = arith.constant 0 : i32
        %dma_start3A_1564 = tpu.memref_slice %arg4[%add3A_1501, %dma_start3A_1557, %add3A_759, %dma_start3A_1562, %dma_start3A_1563] : memref<200x4x128x8x128xf32, #tpu.memory_space<hbm>> -> memref<1x1x1x8x128xf32, #tpu.memory_space<hbm>>
        %dma_start3A_1565 = tpu.memref_squeeze %dma_start3A_1564 : memref<1x1x1x8x128xf32, #tpu.memory_space<hbm>> -> memref<8x128xf32, #tpu.memory_space<hbm>>
        %dma_start3A_1566 = arith.constant 0 : i32
        %dma_start3A_1567 = arith.constant 0 : i32
        %dma_start3A_1568 = tpu.memref_slice %arg4[%add3A_1501, %dma_start3A_1557, %add3A_759, %dma_start3A_1566, %dma_start3A_1567] : memref<200x4x128x8x128xf32, #tpu.memory_space<hbm>> -> memref<1x1x1x8x128xf32, #tpu.memory_space<hbm>>
        %dma_start3A_1569 = tpu.memref_squeeze %dma_start3A_1568 : memref<1x1x1x8x128xf32, #tpu.memory_space<hbm>> -> memref<8x128xf32, #tpu.memory_space<hbm>>
        %dma_start3A_1570 = arith.constant 24 : i32
        %dma_start3A_1571 = arith.constant 0 : i32
        %dma_start3A_1572 = tpu.memref_slice %arg7[%dma_start3A_1556, %dma_start3A_1570, %dma_start3A_1571] : memref<4x32x129xf32, #tpu.memory_space<vmem>> -> memref<1x8x128xf32, #tpu.memory_space<vmem>>
        %dma_start3A_1573 = tpu.memref_squeeze %dma_start3A_1572 : memref<1x8x128xf32, #tpu.memory_space<vmem>> -> memref<8x128xf32, #tpu.memory_space<vmem>>
        tpu.enqueue_dma source(%dma_start3A_1573 : memref<8x128xf32, #tpu.memory_space<vmem>>) target(%dma_start3A_1569 : memref<8x128xf32, #tpu.memory_space<hbm>>) target_semaphore(%arg15 : memref<!tpu.dma_semaphore, #tpu.memory_space<semaphore_mem>>)
      }
      %scan3A_833 = arith.constant 2 : i32
      %shift_right_logical3A_834 = arith.constant 1 : i32
      %shift_right_logical3A_835 = arith.shrui %scan3A_750, %shift_right_logical3A_834 : i32
      %and3A_836 = arith.constant 1 : i32
      %and3A_837 = arith.andi %scan3A_750, %and3A_836 : i32
      %mul3A_838 = arith.constant 2 : i32
      %mul3A_839 = arith.muli %and3A_837, %mul3A_838 : i32
      %add3A_840 = arith.constant 1 : i32
      %add3A_841 = arith.addi %mul3A_839, %add3A_840 : i32
      %add3A_842 = arith.addi %mul3A_2, %add3A_841 : i32
      %dma_wait3A_843 = arith.constant 1 : i32
      %dma_wait3A_844 = arith.constant 1 : i32
      %dma_wait3A_845 = arith.constant 0 : i32
      %dma_wait3A_846 = arith.constant 0 : i32
      %dma_wait3A_847 = tpu.memref_slice %arg6[%dma_wait3A_844, %dma_wait3A_845, %dma_wait3A_846] : memref<2x1024x32xf32, #tpu.memory_space<vmem>> -> memref<1x1024x32xf32, #tpu.memory_space<vmem>>
      %dma_wait3A_848 = tpu.memref_squeeze %dma_wait3A_847 : memref<1x1024x32xf32, #tpu.memory_space<vmem>> -> memref<1024x32xf32, #tpu.memory_space<vmem>>
      %dma_wait3A_849 = arith.constant 0 : i32
      %dma_wait3A_850 = tpu.memref_slice %arg5[%dma_wait3A_843, %dma_wait3A_849] : memref<2x1024xi32, #tpu.memory_space<vmem>> -> memref<1x1024xi32, #tpu.memory_space<vmem>>
      %dma_wait3A_851 = tpu.memref_squeeze %dma_wait3A_850 : memref<1x1024xi32, #tpu.memory_space<vmem>> -> memref<1024xi32, #tpu.memory_space<vmem>>
      %dma_wait3A_852 = arith.constant 0 : i32
      %dma_wait3A_853 = arith.constant 0 : i32
      %dma_wait3A_854 = tpu.memref_slice %arg3[%dma_wait3A_852, %dma_wait3A_853] : memref<1000000x32xf32, #tpu.memory_space<hbm>> -> memref<1000000x32xf32, #tpu.memory_space<hbm>>
      tpu.wait_indirect_dma semaphore(%arg11 : memref<!tpu.dma_semaphore, #tpu.memory_space<semaphore_mem>>) src(%dma_wait3A_854 : memref<1000000x32xf32, #tpu.memory_space<hbm>>) dst(%dma_wait3A_848 : memref<1024x32xf32, #tpu.memory_space<vmem>>)
      %dma_wait3A_855 = arith.constant 0 : i32
      %dma_wait3A_856 = arith.constant 0 : i32
      %dma_wait3A_857 = arith.constant 0 : i32
      %dma_wait3A_858 = arith.constant 0 : i32
      %dma_wait3A_859 = tpu.memref_slice %arg5[%dma_wait3A_857, %dma_wait3A_858] : memref<2x1024xi32, #tpu.memory_space<vmem>> -> memref<1x1024xi32, #tpu.memory_space<vmem>>
      %dma_wait3A_860 = tpu.memref_squeeze %dma_wait3A_859 : memref<1x1024xi32, #tpu.memory_space<vmem>> -> memref<1024xi32, #tpu.memory_space<vmem>>
      %dma_wait3A_861 = arith.constant 0 : i32
      %dma_wait3A_862 = tpu.memref_slice %arg2[%dma_wait3A_855, %dma_wait3A_856, %dma_wait3A_861] : memref<25x128x1024xi32, #tpu.memory_space<hbm>> -> memref<1x1x1024xi32, #tpu.memory_space<hbm>>
      %dma_wait3A_863 = tpu.memref_squeeze %dma_wait3A_862 : memref<1x1x1024xi32, #tpu.memory_space<hbm>> -> memref<1024xi32, #tpu.memory_space<hbm>>
      %dma_wait3A_864 = arith.constant 0 : i32
      %dma_wait3A_865 = tpu.memref_slice %arg5[%dma_wait3A_857, %dma_wait3A_864] : memref<2x1024xi32, #tpu.memory_space<vmem>> -> memref<1x1024xi32, #tpu.memory_space<vmem>>
      %dma_wait3A_866 = tpu.memref_squeeze %dma_wait3A_865 : memref<1x1024xi32, #tpu.memory_space<vmem>> -> memref<1024xi32, #tpu.memory_space<vmem>>
      %dma_wait3A_867 = arith.constant 0 : i32
      %dma_wait3A_868 = tpu.memref_slice %arg2[%dma_wait3A_855, %dma_wait3A_856, %dma_wait3A_867] : memref<25x128x1024xi32, #tpu.memory_space<hbm>> -> memref<1x1x1024xi32, #tpu.memory_space<hbm>>
      %dma_wait3A_869 = tpu.memref_squeeze %dma_wait3A_868 : memref<1x1x1024xi32, #tpu.memory_space<hbm>> -> memref<1024xi32, #tpu.memory_space<hbm>>
      tpu.wait_dma2 semaphore(%arg8 : memref<!tpu.dma_semaphore, #tpu.memory_space<semaphore_mem>>) src(%dma_wait3A_869 : memref<1024xi32, #tpu.memory_space<hbm>>) dst(%dma_wait3A_866 : memref<1024xi32, #tpu.memory_space<vmem>>)
      %dma_start3A_870 = arith.constant 0 : i32
      %dma_start3A_871 = arith.constant 0 : i32
      %dma_start3A_872 = arith.constant 0 : i32
      %dma_start3A_873 = arith.constant 0 : i32
      %dma_start3A_874 = tpu.memref_slice %arg6[%dma_start3A_871, %dma_start3A_872, %dma_start3A_873] : memref<2x1024x32xf32, #tpu.memory_space<vmem>> -> memref<1x1024x32xf32, #tpu.memory_space<vmem>>
      %dma_start3A_875 = tpu.memref_squeeze %dma_start3A_874 : memref<1x1024x32xf32, #tpu.memory_space<vmem>> -> memref<1024x32xf32, #tpu.memory_space<vmem>>
      %dma_start3A_876 = arith.constant 0 : i32
      %dma_start3A_877 = tpu.memref_slice %arg5[%dma_start3A_870, %dma_start3A_876] : memref<2x1024xi32, #tpu.memory_space<vmem>> -> memref<1x1024xi32, #tpu.memory_space<vmem>>
      %dma_start3A_878 = tpu.memref_squeeze %dma_start3A_877 : memref<1x1024xi32, #tpu.memory_space<vmem>> -> memref<1024xi32, #tpu.memory_space<vmem>>
      %dma_start3A_879 = arith.constant 0 : i32
      %dma_start3A_880 = arith.constant 0 : i32
      %dma_start3A_881 = tpu.memref_slice %arg3[%dma_start3A_879, %dma_start3A_880] : memref<1000000x32xf32, #tpu.memory_space<hbm>> -> memref<1000000x32xf32, #tpu.memory_space<hbm>>
      tpu.enqueue_indirect_dma source(%dma_start3A_881 : memref<1000000x32xf32, #tpu.memory_space<hbm>>) target(%dma_start3A_875 : memref<1024x32xf32, #tpu.memory_space<vmem>>) offsets(%dma_start3A_878 : memref<1024xi32, #tpu.memory_space<vmem>>) semaphore(%arg10 : memref<!tpu.dma_semaphore, #tpu.memory_space<semaphore_mem>>)
      %add3A_882 = arith.constant 1 : i32
      %add3A_883 = arith.addi %scan3A_750, %add3A_882 : i32
      %shift_right_logical3A_884 = arith.constant 1 : i32
      %shift_right_logical3A_885 = arith.shrui %add3A_883, %shift_right_logical3A_884 : i32
      %and3A_886 = arith.constant 1 : i32
      %and3A_887 = arith.andi %add3A_883, %and3A_886 : i32
      %mul3A_888 = arith.constant 2 : i32
      %mul3A_889 = arith.muli %and3A_887, %mul3A_888 : i32
      %add3A_890 = arith.constant 1 : i32
      %add3A_891 = arith.addi %mul3A_889, %add3A_890 : i32
      %add3A_892 = arith.addi %mul3A_2, %add3A_891 : i32
      %min3A_893 = arith.minsi %shift_right_logical3A_885, %scan3A_397 : i32
      %dma_start3A_894 = arith.constant 1 : i32
      %dma_start3A_895 = arith.constant 0 : i32
      %dma_start3A_896 = tpu.memref_slice %arg5[%dma_start3A_894, %dma_start3A_895] : memref<2x1024xi32, #tpu.memory_space<vmem>> -> memref<1x1024xi32, #tpu.memory_space<vmem>>
      %dma_start3A_897 = tpu.memref_squeeze %dma_start3A_896 : memref<1x1024xi32, #tpu.memory_space<vmem>> -> memref<1024xi32, #tpu.memory_space<vmem>>
      %dma_start3A_898 = arith.constant 0 : i32
      %dma_start3A_899 = tpu.memref_slice %arg2[%min3A_893, %add3A_892, %dma_start3A_898] : memref<25x128x1024xi32, #tpu.memory_space<hbm>> -> memref<1x1x1024xi32, #tpu.memory_space<hbm>>
      %dma_start3A_900 = tpu.memref_squeeze %dma_start3A_899 : memref<1x1x1024xi32, #tpu.memory_space<hbm>> -> memref<1024xi32, #tpu.memory_space<hbm>>
      %dma_start3A_901 = arith.constant 0 : i32
      %dma_start3A_902 = tpu.memref_slice %arg5[%dma_start3A_894, %dma_start3A_901] : memref<2x1024xi32, #tpu.memory_space<vmem>> -> memref<1x1024xi32, #tpu.memory_space<vmem>>
      %dma_start3A_903 = tpu.memref_squeeze %dma_start3A_902 : memref<1x1024xi32, #tpu.memory_space<vmem>> -> memref<1024xi32, #tpu.memory_space<vmem>>
      %dma_start3A_904 = arith.constant 0 : i32
      %dma_start3A_905 = tpu.memref_slice %arg2[%min3A_893, %add3A_892, %dma_start3A_904] : memref<25x128x1024xi32, #tpu.memory_space<hbm>> -> memref<1x1x1024xi32, #tpu.memory_space<hbm>>
      %dma_start3A_906 = tpu.memref_squeeze %dma_start3A_905 : memref<1x1x1024xi32, #tpu.memory_space<hbm>> -> memref<1024xi32, #tpu.memory_space<hbm>>
      tpu.enqueue_dma source(%dma_start3A_906 : memref<1024xi32, #tpu.memory_space<hbm>>) target(%dma_start3A_903 : memref<1024xi32, #tpu.memory_space<vmem>>) target_semaphore(%arg9 : memref<!tpu.dma_semaphore, #tpu.memory_space<semaphore_mem>>)
      %broadcast_in_dim3A_907 = arith.constant 0 : i32
      %broadcast_in_dim3A_908 = vector.broadcast %broadcast_in_dim3A_907 : i32 to vector<16xi32>
      %add3A_909 = arith.constant 16 : i32
      %add3A_910 = vector.broadcast %add3A_909 : i32 to vector<16xi32>
      %add3A_911 = arith.addi %iota3A, %add3A_910 : vector<16xi32>
      %scan3A_912 = arith.constant 0 : i32
      %scan3A_913 = arith.constant 0 : i32
      %scan3A_914 = arith.constant 2 : i32
      %scan3A_915 = arith.addi %scan3A_913, %scan3A_914 : i32
      %scan3A_916 = arith.constant 1 : i32
      scf.for %scan3A_918 = %scan3A_913 to %scan3A_915 step %scan3A_916  : i32 {
        %mul3A_919 = arith.constant 4 : i32
        %mul3A_920 = arith.muli %mul3A_919, %scan3A_918 : i32
        %add3A_921 = arith.constant 0 : i32
        %add3A_922 = arith.addi %mul3A_920, %add3A_921 : i32
        %dma_wait3A_923 = arith.constant 0 : i32
        %dma_wait3A_924 = arith.constant 0 : i32
        %dma_wait3A_925 = arith.constant 0 : i32
        %dma_wait3A_926 = arith.constant 0 : i32
        %dma_wait3A_927 = arith.constant 0 : i32
        %dma_wait3A_928 = arith.constant 0 : i32
        %dma_wait3A_929 = tpu.memref_slice %arg7[%dma_wait3A_923, %dma_wait3A_927, %dma_wait3A_928] : memref<4x32x129xf32, #tpu.memory_space<vmem>> -> memref<1x8x128xf32, #tpu.memory_space<vmem>>
        %dma_wait3A_930 = tpu.memref_squeeze %dma_wait3A_929 : memref<1x8x128xf32, #tpu.memory_space<vmem>> -> memref<8x128xf32, #tpu.memory_space<vmem>>
        %dma_wait3A_931 = arith.constant 0 : i32
        %dma_wait3A_932 = arith.constant 0 : i32
        %dma_wait3A_933 = tpu.memref_slice %arg4[%dma_wait3A_924, %dma_wait3A_925, %dma_wait3A_926, %dma_wait3A_931, %dma_wait3A_932] : memref<200x4x128x8x128xf32, #tpu.memory_space<hbm>> -> memref<1x1x1x8x128xf32, #tpu.memory_space<hbm>>
        %dma_wait3A_934 = tpu.memref_squeeze %dma_wait3A_933 : memref<1x1x1x8x128xf32, #tpu.memory_space<hbm>> -> memref<8x128xf32, #tpu.memory_space<hbm>>
        %dma_wait3A_935 = arith.constant 0 : i32
        %dma_wait3A_936 = arith.constant 0 : i32
        %dma_wait3A_937 = tpu.memref_slice %arg4[%dma_wait3A_924, %dma_wait3A_925, %dma_wait3A_926, %dma_wait3A_935, %dma_wait3A_936] : memref<200x4x128x8x128xf32, #tpu.memory_space<hbm>> -> memref<1x1x1x8x128xf32, #tpu.memory_space<hbm>>
        %dma_wait3A_938 = tpu.memref_squeeze %dma_wait3A_937 : memref<1x1x1x8x128xf32, #tpu.memory_space<hbm>> -> memref<8x128xf32, #tpu.memory_space<hbm>>
        %dma_wait3A_939 = arith.constant 0 : i32
        %dma_wait3A_940 = arith.constant 0 : i32
        %dma_wait3A_941 = tpu.memref_slice %arg7[%dma_wait3A_923, %dma_wait3A_939, %dma_wait3A_940] : memref<4x32x129xf32, #tpu.memory_space<vmem>> -> memref<1x8x128xf32, #tpu.memory_space<vmem>>
        %dma_wait3A_942 = tpu.memref_squeeze %dma_wait3A_941 : memref<1x8x128xf32, #tpu.memory_space<vmem>> -> memref<8x128xf32, #tpu.memory_space<vmem>>
        tpu.wait_dma2 semaphore(%arg12 : memref<!tpu.dma_semaphore, #tpu.memory_space<semaphore_mem>>) src(%dma_wait3A_942 : memref<8x128xf32, #tpu.memory_space<vmem>>) dst(%dma_wait3A_938 : memref<8x128xf32, #tpu.memory_space<hbm>>)
        %dma_wait3A_943 = arith.constant 0 : i32
        %dma_wait3A_944 = arith.constant 0 : i32
        %dma_wait3A_945 = arith.constant 1 : i32
        %dma_wait3A_946 = arith.constant 0 : i32
        %dma_wait3A_947 = arith.constant 8 : i32
        %dma_wait3A_948 = arith.constant 0 : i32
        %dma_wait3A_949 = tpu.memref_slice %arg7[%dma_wait3A_943, %dma_wait3A_947, %dma_wait3A_948] : memref<4x32x129xf32, #tpu.memory_space<vmem>> -> memref<1x8x128xf32, #tpu.memory_space<vmem>>
        %dma_wait3A_950 = tpu.memref_squeeze %dma_wait3A_949 : memref<1x8x128xf32, #tpu.memory_space<vmem>> -> memref<8x128xf32, #tpu.memory_space<vmem>>
        %dma_wait3A_951 = arith.constant 0 : i32
        %dma_wait3A_952 = arith.constant 0 : i32
        %dma_wait3A_953 = tpu.memref_slice %arg4[%dma_wait3A_944, %dma_wait3A_945, %dma_wait3A_946, %dma_wait3A_951, %dma_wait3A_952] : memref<200x4x128x8x128xf32, #tpu.memory_space<hbm>> -> memref<1x1x1x8x128xf32, #tpu.memory_space<hbm>>
        %dma_wait3A_954 = tpu.memref_squeeze %dma_wait3A_953 : memref<1x1x1x8x128xf32, #tpu.memory_space<hbm>> -> memref<8x128xf32, #tpu.memory_space<hbm>>
        %dma_wait3A_955 = arith.constant 0 : i32
        %dma_wait3A_956 = arith.constant 0 : i32
        %dma_wait3A_957 = tpu.memref_slice %arg4[%dma_wait3A_944, %dma_wait3A_945, %dma_wait3A_946, %dma_wait3A_955, %dma_wait3A_956] : memref<200x4x128x8x128xf32, #tpu.memory_space<hbm>> -> memref<1x1x1x8x128xf32, #tpu.memory_space<hbm>>
        %dma_wait3A_958 = tpu.memref_squeeze %dma_wait3A_957 : memref<1x1x1x8x128xf32, #tpu.memory_space<hbm>> -> memref<8x128xf32, #tpu.memory_space<hbm>>
        %dma_wait3A_959 = arith.constant 8 : i32
        %dma_wait3A_960 = arith.constant 0 : i32
        %dma_wait3A_961 = tpu.memref_slice %arg7[%dma_wait3A_943, %dma_wait3A_959, %dma_wait3A_960] : memref<4x32x129xf32, #tpu.memory_space<vmem>> -> memref<1x8x128xf32, #tpu.memory_space<vmem>>
        %dma_wait3A_962 = tpu.memref_squeeze %dma_wait3A_961 : memref<1x8x128xf32, #tpu.memory_space<vmem>> -> memref<8x128xf32, #tpu.memory_space<vmem>>
        tpu.wait_dma2 semaphore(%arg12 : memref<!tpu.dma_semaphore, #tpu.memory_space<semaphore_mem>>) src(%dma_wait3A_962 : memref<8x128xf32, #tpu.memory_space<vmem>>) dst(%dma_wait3A_958 : memref<8x128xf32, #tpu.memory_space<hbm>>)
        %dma_wait3A_963 = arith.constant 0 : i32
        %dma_wait3A_964 = arith.constant 0 : i32
        %dma_wait3A_965 = arith.constant 2 : i32
        %dma_wait3A_966 = arith.constant 0 : i32
        %dma_wait3A_967 = arith.constant 16 : i32
        %dma_wait3A_968 = arith.constant 0 : i32
        %dma_wait3A_969 = tpu.memref_slice %arg7[%dma_wait3A_963, %dma_wait3A_967, %dma_wait3A_968] : memref<4x32x129xf32, #tpu.memory_space<vmem>> -> memref<1x8x128xf32, #tpu.memory_space<vmem>>
        %dma_wait3A_970 = tpu.memref_squeeze %dma_wait3A_969 : memref<1x8x128xf32, #tpu.memory_space<vmem>> -> memref<8x128xf32, #tpu.memory_space<vmem>>
        %dma_wait3A_971 = arith.constant 0 : i32
        %dma_wait3A_972 = arith.constant 0 : i32
        %dma_wait3A_973 = tpu.memref_slice %arg4[%dma_wait3A_964, %dma_wait3A_965, %dma_wait3A_966, %dma_wait3A_971, %dma_wait3A_972] : memref<200x4x128x8x128xf32, #tpu.memory_space<hbm>> -> memref<1x1x1x8x128xf32, #tpu.memory_space<hbm>>
        %dma_wait3A_974 = tpu.memref_squeeze %dma_wait3A_973 : memref<1x1x1x8x128xf32, #tpu.memory_space<hbm>> -> memref<8x128xf32, #tpu.memory_space<hbm>>
        %dma_wait3A_975 = arith.constant 0 : i32
        %dma_wait3A_976 = arith.constant 0 : i32
        %dma_wait3A_977 = tpu.memref_slice %arg4[%dma_wait3A_964, %dma_wait3A_965, %dma_wait3A_966, %dma_wait3A_975, %dma_wait3A_976] : memref<200x4x128x8x128xf32, #tpu.memory_space<hbm>> -> memref<1x1x1x8x128xf32, #tpu.memory_space<hbm>>
        %dma_wait3A_978 = tpu.memref_squeeze %dma_wait3A_977 : memref<1x1x1x8x128xf32, #tpu.memory_space<hbm>> -> memref<8x128xf32, #tpu.memory_space<hbm>>
        %dma_wait3A_979 = arith.constant 16 : i32
        %dma_wait3A_980 = arith.constant 0 : i32
        %dma_wait3A_981 = tpu.memref_slice %arg7[%dma_wait3A_963, %dma_wait3A_979, %dma_wait3A_980] : memref<4x32x129xf32, #tpu.memory_space<vmem>> -> memref<1x8x128xf32, #tpu.memory_space<vmem>>
        %dma_wait3A_982 = tpu.memref_squeeze %dma_wait3A_981 : memref<1x8x128xf32, #tpu.memory_space<vmem>> -> memref<8x128xf32, #tpu.memory_space<vmem>>
        tpu.wait_dma2 semaphore(%arg12 : memref<!tpu.dma_semaphore, #tpu.memory_space<semaphore_mem>>) src(%dma_wait3A_982 : memref<8x128xf32, #tpu.memory_space<vmem>>) dst(%dma_wait3A_978 : memref<8x128xf32, #tpu.memory_space<hbm>>)
        %dma_wait3A_983 = arith.constant 0 : i32
        %dma_wait3A_984 = arith.constant 0 : i32
        %dma_wait3A_985 = arith.constant 3 : i32
        %dma_wait3A_986 = arith.constant 0 : i32
        %dma_wait3A_987 = arith.constant 24 : i32
        %dma_wait3A_988 = arith.constant 0 : i32
        %dma_wait3A_989 = tpu.memref_slice %arg7[%dma_wait3A_983, %dma_wait3A_987, %dma_wait3A_988] : memref<4x32x129xf32, #tpu.memory_space<vmem>> -> memref<1x8x128xf32, #tpu.memory_space<vmem>>
        %dma_wait3A_990 = tpu.memref_squeeze %dma_wait3A_989 : memref<1x8x128xf32, #tpu.memory_space<vmem>> -> memref<8x128xf32, #tpu.memory_space<vmem>>
        %dma_wait3A_991 = arith.constant 0 : i32
        %dma_wait3A_992 = arith.constant 0 : i32
        %dma_wait3A_993 = tpu.memref_slice %arg4[%dma_wait3A_984, %dma_wait3A_985, %dma_wait3A_986, %dma_wait3A_991, %dma_wait3A_992] : memref<200x4x128x8x128xf32, #tpu.memory_space<hbm>> -> memref<1x1x1x8x128xf32, #tpu.memory_space<hbm>>
        %dma_wait3A_994 = tpu.memref_squeeze %dma_wait3A_993 : memref<1x1x1x8x128xf32, #tpu.memory_space<hbm>> -> memref<8x128xf32, #tpu.memory_space<hbm>>
        %dma_wait3A_995 = arith.constant 0 : i32
        %dma_wait3A_996 = arith.constant 0 : i32
        %dma_wait3A_997 = tpu.memref_slice %arg4[%dma_wait3A_984, %dma_wait3A_985, %dma_wait3A_986, %dma_wait3A_995, %dma_wait3A_996] : memref<200x4x128x8x128xf32, #tpu.memory_space<hbm>> -> memref<1x1x1x8x128xf32, #tpu.memory_space<hbm>>
        %dma_wait3A_998 = tpu.memref_squeeze %dma_wait3A_997 : memref<1x1x1x8x128xf32, #tpu.memory_space<hbm>> -> memref<8x128xf32, #tpu.memory_space<hbm>>
        %dma_wait3A_999 = arith.constant 24 : i32
        %dma_wait3A_1000 = arith.constant 0 : i32
        %dma_wait3A_1001 = tpu.memref_slice %arg7[%dma_wait3A_983, %dma_wait3A_999, %dma_wait3A_1000] : memref<4x32x129xf32, #tpu.memory_space<vmem>> -> memref<1x8x128xf32, #tpu.memory_space<vmem>>
        %dma_wait3A_1002 = tpu.memref_squeeze %dma_wait3A_1001 : memref<1x8x128xf32, #tpu.memory_space<vmem>> -> memref<8x128xf32, #tpu.memory_space<vmem>>
        tpu.wait_dma2 semaphore(%arg12 : memref<!tpu.dma_semaphore, #tpu.memory_space<semaphore_mem>>) src(%dma_wait3A_1002 : memref<8x128xf32, #tpu.memory_space<vmem>>) dst(%dma_wait3A_998 : memref<8x128xf32, #tpu.memory_space<hbm>>)
        %mul3A_1003 = arith.constant 128 : i32
        %mul3A_1004 = arith.muli %add3A_922, %mul3A_1003 : i32
        %parallel_loop3A = arith.constant 0 : i32
        %parallel_loop3A_1005 = arith.constant 128 : i32
        %parallel_loop3A_1006 = arith.constant 1 : i32
        scf.for %parallel_loop3A_1574 = %parallel_loop3A to %parallel_loop3A_1005 step %parallel_loop3A_1006  : i32 {
          %parallel_loop3A_1575 = arith.addi %mul3A_1004, %parallel_loop3A_1574 : i32
          %parallel_loop3A_1576 = vector.broadcast %parallel_loop3A_1574 : i32 to vector<16xi32>
          %parallel_loop3A_1577 = arith.addi %broadcast_in_dim3A_908, %parallel_loop3A_1576 : vector<16xi32>
          %parallel_loop3A_1578 = arith.constant 1 : i32
          %parallel_loop3A_1579 = arith.index_cast %parallel_loop3A_1578 : i32 to index
          %parallel_loop3A_1580 = arith.index_cast %parallel_loop3A_1575 : i32 to index
          %parallel_loop3A_1581 = arith.constant 0 : index
          %parallel_loop3A_1582 = tpu.vector_load %arg6[%parallel_loop3A_1579, %parallel_loop3A_1580, %parallel_loop3A_1581] {strides = array<i32>} : memref<2x1024x32xf32, #tpu.memory_space<vmem>>, vector<16xf32>,
          %parallel_loop3A_1583 = arith.constant 1 : i32
          %parallel_loop3A_1584 = arith.index_cast %parallel_loop3A_1583 : i32 to index
          %parallel_loop3A_1585 = arith.index_cast %parallel_loop3A_1575 : i32 to index
          %parallel_loop3A_1586 = arith.constant 16 : index
          %parallel_loop3A_1587 = tpu.vector_load %arg6[%parallel_loop3A_1584, %parallel_loop3A_1585, %parallel_loop3A_1586] {strides = array<i32>} : memref<2x1024x32xf32, #tpu.memory_space<vmem>>, vector<16xf32>,
          %parallel_loop3A_1588 = arith.constant 0 : i32
          %parallel_loop3A_1589 = arith.constant 0 : i32
          %parallel_loop3A_1590 = arith.constant 0 : i32
          %parallel_loop3A_1591 = tpu.memref_slice %arg7[%parallel_loop3A_1588, %parallel_loop3A_1589, %parallel_loop3A_1590] : memref<4x32x129xf32, #tpu.memory_space<vmem>> -> memref<1x32x129xf32, #tpu.memory_space<vmem>>
          %parallel_loop3A_1592 = tpu.memref_squeeze %parallel_loop3A_1591 : memref<1x32x129xf32, #tpu.memory_space<vmem>> -> memref<32x129xf32, #tpu.memory_space<vmem>>
          tpu.vector_store_idx %parallel_loop3A_1592[%iota3A, %parallel_loop3A_1577], %parallel_loop3A_1582 : memref<32x129xf32, #tpu.memory_space<vmem>>[vector<16xi32>, vector<16xi32>], vector<16xf32>,
          %parallel_loop3A_1593 = arith.constant 0 : i32
          %parallel_loop3A_1594 = arith.constant 0 : i32
          %parallel_loop3A_1595 = arith.constant 0 : i32
          %parallel_loop3A_1596 = tpu.memref_slice %arg7[%parallel_loop3A_1593, %parallel_loop3A_1594, %parallel_loop3A_1595] : memref<4x32x129xf32, #tpu.memory_space<vmem>> -> memref<1x32x129xf32, #tpu.memory_space<vmem>>
          %parallel_loop3A_1597 = tpu.memref_squeeze %parallel_loop3A_1596 : memref<1x32x129xf32, #tpu.memory_space<vmem>> -> memref<32x129xf32, #tpu.memory_space<vmem>>
          tpu.vector_store_idx %parallel_loop3A_1597[%add3A_911, %parallel_loop3A_1577], %parallel_loop3A_1587 : memref<32x129xf32, #tpu.memory_space<vmem>>[vector<16xi32>, vector<16xi32>], vector<16xf32>,
        } {sc.loop_unroll_factor = 8 : i64, sc.parallel_access}
        %mul3A_1007 = arith.constant 8 : i32
        %mul3A_1008 = arith.muli %shift_right_logical3A_835, %mul3A_1007 : i32
        %add3A_1009 = arith.addi %mul3A_1008, %add3A_922 : i32
        %dma_start3A_1010 = arith.constant 0 : i32
        %dma_start3A_1011 = arith.constant 0 : i32
        %dma_start3A_1012 = arith.constant 0 : i32
        %dma_start3A_1013 = arith.constant 0 : i32
        %dma_start3A_1014 = tpu.memref_slice %arg7[%dma_start3A_1010, %dma_start3A_1012, %dma_start3A_1013] : memref<4x32x129xf32, #tpu.memory_space<vmem>> -> memref<1x8x128xf32, #tpu.memory_space<vmem>>
        %dma_start3A_1015 = tpu.memref_squeeze %dma_start3A_1014 : memref<1x8x128xf32, #tpu.memory_space<vmem>> -> memref<8x128xf32, #tpu.memory_space<vmem>>
        %dma_start3A_1016 = arith.constant 0 : i32
        %dma_start3A_1017 = arith.constant 0 : i32
        %dma_start3A_1018 = tpu.memref_slice %arg4[%add3A_1009, %dma_start3A_1011, %add3A_842, %dma_start3A_1016, %dma_start3A_1017] : memref<200x4x128x8x128xf32, #tpu.memory_space<hbm>> -> memref<1x1x1x8x128xf32, #tpu.memory_space<hbm>>
        %dma_start3A_1019 = tpu.memref_squeeze %dma_start3A_1018 : memref<1x1x1x8x128xf32, #tpu.memory_space<hbm>> -> memref<8x128xf32, #tpu.memory_space<hbm>>
        %dma_start3A_1020 = arith.constant 0 : i32
        %dma_start3A_1021 = arith.constant 0 : i32
        %dma_start3A_1022 = tpu.memref_slice %arg4[%add3A_1009, %dma_start3A_1011, %add3A_842, %dma_start3A_1020, %dma_start3A_1021] : memref<200x4x128x8x128xf32, #tpu.memory_space<hbm>> -> memref<1x1x1x8x128xf32, #tpu.memory_space<hbm>>
        %dma_start3A_1023 = tpu.memref_squeeze %dma_start3A_1022 : memref<1x1x1x8x128xf32, #tpu.memory_space<hbm>> -> memref<8x128xf32, #tpu.memory_space<hbm>>
        %dma_start3A_1024 = arith.constant 0 : i32
        %dma_start3A_1025 = arith.constant 0 : i32
        %dma_start3A_1026 = tpu.memref_slice %arg7[%dma_start3A_1010, %dma_start3A_1024, %dma_start3A_1025] : memref<4x32x129xf32, #tpu.memory_space<vmem>> -> memref<1x8x128xf32, #tpu.memory_space<vmem>>
        %dma_start3A_1027 = tpu.memref_squeeze %dma_start3A_1026 : memref<1x8x128xf32, #tpu.memory_space<vmem>> -> memref<8x128xf32, #tpu.memory_space<vmem>>
        tpu.enqueue_dma source(%dma_start3A_1027 : memref<8x128xf32, #tpu.memory_space<vmem>>) target(%dma_start3A_1023 : memref<8x128xf32, #tpu.memory_space<hbm>>) target_semaphore(%arg12 : memref<!tpu.dma_semaphore, #tpu.memory_space<semaphore_mem>>)
        %dma_start3A_1028 = arith.constant 0 : i32
        %dma_start3A_1029 = arith.constant 1 : i32
        %dma_start3A_1030 = arith.constant 8 : i32
        %dma_start3A_1031 = arith.constant 0 : i32
        %dma_start3A_1032 = tpu.memref_slice %arg7[%dma_start3A_1028, %dma_start3A_1030, %dma_start3A_1031] : memref<4x32x129xf32, #tpu.memory_space<vmem>> -> memref<1x8x128xf32, #tpu.memory_space<vmem>>
        %dma_start3A_1033 = tpu.memref_squeeze %dma_start3A_1032 : memref<1x8x128xf32, #tpu.memory_space<vmem>> -> memref<8x128xf32, #tpu.memory_space<vmem>>
        %dma_start3A_1034 = arith.constant 0 : i32
        %dma_start3A_1035 = arith.constant 0 : i32
        %dma_start3A_1036 = tpu.memref_slice %arg4[%add3A_1009, %dma_start3A_1029, %add3A_842, %dma_start3A_1034, %dma_start3A_1035] : memref<200x4x128x8x128xf32, #tpu.memory_space<hbm>> -> memref<1x1x1x8x128xf32, #tpu.memory_space<hbm>>
        %dma_start3A_1037 = tpu.memref_squeeze %dma_start3A_1036 : memref<1x1x1x8x128xf32, #tpu.memory_space<hbm>> -> memref<8x128xf32, #tpu.memory_space<hbm>>
        %dma_start3A_1038 = arith.constant 0 : i32
        %dma_start3A_1039 = arith.constant 0 : i32
        %dma_start3A_1040 = tpu.memref_slice %arg4[%add3A_1009, %dma_start3A_1029, %add3A_842, %dma_start3A_1038, %dma_start3A_1039] : memref<200x4x128x8x128xf32, #tpu.memory_space<hbm>> -> memref<1x1x1x8x128xf32, #tpu.memory_space<hbm>>
        %dma_start3A_1041 = tpu.memref_squeeze %dma_start3A_1040 : memref<1x1x1x8x128xf32, #tpu.memory_space<hbm>> -> memref<8x128xf32, #tpu.memory_space<hbm>>
        %dma_start3A_1042 = arith.constant 8 : i32
        %dma_start3A_1043 = arith.constant 0 : i32
        %dma_start3A_1044 = tpu.memref_slice %arg7[%dma_start3A_1028, %dma_start3A_1042, %dma_start3A_1043] : memref<4x32x129xf32, #tpu.memory_space<vmem>> -> memref<1x8x128xf32, #tpu.memory_space<vmem>>
        %dma_start3A_1045 = tpu.memref_squeeze %dma_start3A_1044 : memref<1x8x128xf32, #tpu.memory_space<vmem>> -> memref<8x128xf32, #tpu.memory_space<vmem>>
        tpu.enqueue_dma source(%dma_start3A_1045 : memref<8x128xf32, #tpu.memory_space<vmem>>) target(%dma_start3A_1041 : memref<8x128xf32, #tpu.memory_space<hbm>>) target_semaphore(%arg12 : memref<!tpu.dma_semaphore, #tpu.memory_space<semaphore_mem>>)
        %dma_start3A_1046 = arith.constant 0 : i32
        %dma_start3A_1047 = arith.constant 2 : i32
        %dma_start3A_1048 = arith.constant 16 : i32
        %dma_start3A_1049 = arith.constant 0 : i32
        %dma_start3A_1050 = tpu.memref_slice %arg7[%dma_start3A_1046, %dma_start3A_1048, %dma_start3A_1049] : memref<4x32x129xf32, #tpu.memory_space<vmem>> -> memref<1x8x128xf32, #tpu.memory_space<vmem>>
        %dma_start3A_1051 = tpu.memref_squeeze %dma_start3A_1050 : memref<1x8x128xf32, #tpu.memory_space<vmem>> -> memref<8x128xf32, #tpu.memory_space<vmem>>
        %dma_start3A_1052 = arith.constant 0 : i32
        %dma_start3A_1053 = arith.constant 0 : i32
        %dma_start3A_1054 = tpu.memref_slice %arg4[%add3A_1009, %dma_start3A_1047, %add3A_842, %dma_start3A_1052, %dma_start3A_1053] : memref<200x4x128x8x128xf32, #tpu.memory_space<hbm>> -> memref<1x1x1x8x128xf32, #tpu.memory_space<hbm>>
        %dma_start3A_1055 = tpu.memref_squeeze %dma_start3A_1054 : memref<1x1x1x8x128xf32, #tpu.memory_space<hbm>> -> memref<8x128xf32, #tpu.memory_space<hbm>>
        %dma_start3A_1056 = arith.constant 0 : i32
        %dma_start3A_1057 = arith.constant 0 : i32
        %dma_start3A_1058 = tpu.memref_slice %arg4[%add3A_1009, %dma_start3A_1047, %add3A_842, %dma_start3A_1056, %dma_start3A_1057] : memref<200x4x128x8x128xf32, #tpu.memory_space<hbm>> -> memref<1x1x1x8x128xf32, #tpu.memory_space<hbm>>
        %dma_start3A_1059 = tpu.memref_squeeze %dma_start3A_1058 : memref<1x1x1x8x128xf32, #tpu.memory_space<hbm>> -> memref<8x128xf32, #tpu.memory_space<hbm>>
        %dma_start3A_1060 = arith.constant 16 : i32
        %dma_start3A_1061 = arith.constant 0 : i32
        %dma_start3A_1062 = tpu.memref_slice %arg7[%dma_start3A_1046, %dma_start3A_1060, %dma_start3A_1061] : memref<4x32x129xf32, #tpu.memory_space<vmem>> -> memref<1x8x128xf32, #tpu.memory_space<vmem>>
        %dma_start3A_1063 = tpu.memref_squeeze %dma_start3A_1062 : memref<1x8x128xf32, #tpu.memory_space<vmem>> -> memref<8x128xf32, #tpu.memory_space<vmem>>
        tpu.enqueue_dma source(%dma_start3A_1063 : memref<8x128xf32, #tpu.memory_space<vmem>>) target(%dma_start3A_1059 : memref<8x128xf32, #tpu.memory_space<hbm>>) target_semaphore(%arg12 : memref<!tpu.dma_semaphore, #tpu.memory_space<semaphore_mem>>)
        %dma_start3A_1064 = arith.constant 0 : i32
        %dma_start3A_1065 = arith.constant 3 : i32
        %dma_start3A_1066 = arith.constant 24 : i32
        %dma_start3A_1067 = arith.constant 0 : i32
        %dma_start3A_1068 = tpu.memref_slice %arg7[%dma_start3A_1064, %dma_start3A_1066, %dma_start3A_1067] : memref<4x32x129xf32, #tpu.memory_space<vmem>> -> memref<1x8x128xf32, #tpu.memory_space<vmem>>
        %dma_start3A_1069 = tpu.memref_squeeze %dma_start3A_1068 : memref<1x8x128xf32, #tpu.memory_space<vmem>> -> memref<8x128xf32, #tpu.memory_space<vmem>>
        %dma_start3A_1070 = arith.constant 0 : i32
        %dma_start3A_1071 = arith.constant 0 : i32
        %dma_start3A_1072 = tpu.memref_slice %arg4[%add3A_1009, %dma_start3A_1065, %add3A_842, %dma_start3A_1070, %dma_start3A_1071] : memref<200x4x128x8x128xf32, #tpu.memory_space<hbm>> -> memref<1x1x1x8x128xf32, #tpu.memory_space<hbm>>
        %dma_start3A_1073 = tpu.memref_squeeze %dma_start3A_1072 : memref<1x1x1x8x128xf32, #tpu.memory_space<hbm>> -> memref<8x128xf32, #tpu.memory_space<hbm>>
        %dma_start3A_1074 = arith.constant 0 : i32
        %dma_start3A_1075 = arith.constant 0 : i32
        %dma_start3A_1076 = tpu.memref_slice %arg4[%add3A_1009, %dma_start3A_1065, %add3A_842, %dma_start3A_1074, %dma_start3A_1075] : memref<200x4x128x8x128xf32, #tpu.memory_space<hbm>> -> memref<1x1x1x8x128xf32, #tpu.memory_space<hbm>>
        %dma_start3A_1077 = tpu.memref_squeeze %dma_start3A_1076 : memref<1x1x1x8x128xf32, #tpu.memory_space<hbm>> -> memref<8x128xf32, #tpu.memory_space<hbm>>
        %dma_start3A_1078 = arith.constant 24 : i32
        %dma_start3A_1079 = arith.constant 0 : i32
        %dma_start3A_1080 = tpu.memref_slice %arg7[%dma_start3A_1064, %dma_start3A_1078, %dma_start3A_1079] : memref<4x32x129xf32, #tpu.memory_space<vmem>> -> memref<1x8x128xf32, #tpu.memory_space<vmem>>
        %dma_start3A_1081 = tpu.memref_squeeze %dma_start3A_1080 : memref<1x8x128xf32, #tpu.memory_space<vmem>> -> memref<8x128xf32, #tpu.memory_space<vmem>>
        tpu.enqueue_dma source(%dma_start3A_1081 : memref<8x128xf32, #tpu.memory_space<vmem>>) target(%dma_start3A_1077 : memref<8x128xf32, #tpu.memory_space<hbm>>) target_semaphore(%arg12 : memref<!tpu.dma_semaphore, #tpu.memory_space<semaphore_mem>>)
        %mul3A_1082 = arith.constant 4 : i32
        %mul3A_1083 = arith.muli %mul3A_1082, %scan3A_918 : i32
        %add3A_1084 = arith.constant 1 : i32
        %add3A_1085 = arith.addi %mul3A_1083, %add3A_1084 : i32
        %dma_wait3A_1086 = arith.constant 1 : i32
        %dma_wait3A_1087 = arith.constant 0 : i32
        %dma_wait3A_1088 = arith.constant 0 : i32
        %dma_wait3A_1089 = arith.constant 0 : i32
        %dma_wait3A_1090 = arith.constant 0 : i32
        %dma_wait3A_1091 = arith.constant 0 : i32
        %dma_wait3A_1092 = tpu.memref_slice %arg7[%dma_wait3A_1086, %dma_wait3A_1090, %dma_wait3A_1091] : memref<4x32x129xf32, #tpu.memory_space<vmem>> -> memref<1x8x128xf32, #tpu.memory_space<vmem>>
        %dma_wait3A_1093 = tpu.memref_squeeze %dma_wait3A_1092 : memref<1x8x128xf32, #tpu.memory_space<vmem>> -> memref<8x128xf32, #tpu.memory_space<vmem>>
        %dma_wait3A_1094 = arith.constant 0 : i32
        %dma_wait3A_1095 = arith.constant 0 : i32
        %dma_wait3A_1096 = tpu.memref_slice %arg4[%dma_wait3A_1087, %dma_wait3A_1088, %dma_wait3A_1089, %dma_wait3A_1094, %dma_wait3A_1095] : memref<200x4x128x8x128xf32, #tpu.memory_space<hbm>> -> memref<1x1x1x8x128xf32, #tpu.memory_space<hbm>>
        %dma_wait3A_1097 = tpu.memref_squeeze %dma_wait3A_1096 : memref<1x1x1x8x128xf32, #tpu.memory_space<hbm>> -> memref<8x128xf32, #tpu.memory_space<hbm>>
        %dma_wait3A_1098 = arith.constant 0 : i32
        %dma_wait3A_1099 = arith.constant 0 : i32
        %dma_wait3A_1100 = tpu.memref_slice %arg4[%dma_wait3A_1087, %dma_wait3A_1088, %dma_wait3A_1089, %dma_wait3A_1098, %dma_wait3A_1099] : memref<200x4x128x8x128xf32, #tpu.memory_space<hbm>> -> memref<1x1x1x8x128xf32, #tpu.memory_space<hbm>>
        %dma_wait3A_1101 = tpu.memref_squeeze %dma_wait3A_1100 : memref<1x1x1x8x128xf32, #tpu.memory_space<hbm>> -> memref<8x128xf32, #tpu.memory_space<hbm>>
        %dma_wait3A_1102 = arith.constant 0 : i32
        %dma_wait3A_1103 = arith.constant 0 : i32
        %dma_wait3A_1104 = tpu.memref_slice %arg7[%dma_wait3A_1086, %dma_wait3A_1102, %dma_wait3A_1103] : memref<4x32x129xf32, #tpu.memory_space<vmem>> -> memref<1x8x128xf32, #tpu.memory_space<vmem>>
        %dma_wait3A_1105 = tpu.memref_squeeze %dma_wait3A_1104 : memref<1x8x128xf32, #tpu.memory_space<vmem>> -> memref<8x128xf32, #tpu.memory_space<vmem>>
        tpu.wait_dma2 semaphore(%arg13 : memref<!tpu.dma_semaphore, #tpu.memory_space<semaphore_mem>>) src(%dma_wait3A_1105 : memref<8x128xf32, #tpu.memory_space<vmem>>) dst(%dma_wait3A_1101 : memref<8x128xf32, #tpu.memory_space<hbm>>)
        %dma_wait3A_1106 = arith.constant 1 : i32
        %dma_wait3A_1107 = arith.constant 0 : i32
        %dma_wait3A_1108 = arith.constant 1 : i32
        %dma_wait3A_1109 = arith.constant 0 : i32
        %dma_wait3A_1110 = arith.constant 8 : i32
        %dma_wait3A_1111 = arith.constant 0 : i32
        %dma_wait3A_1112 = tpu.memref_slice %arg7[%dma_wait3A_1106, %dma_wait3A_1110, %dma_wait3A_1111] : memref<4x32x129xf32, #tpu.memory_space<vmem>> -> memref<1x8x128xf32, #tpu.memory_space<vmem>>
        %dma_wait3A_1113 = tpu.memref_squeeze %dma_wait3A_1112 : memref<1x8x128xf32, #tpu.memory_space<vmem>> -> memref<8x128xf32, #tpu.memory_space<vmem>>
        %dma_wait3A_1114 = arith.constant 0 : i32
        %dma_wait3A_1115 = arith.constant 0 : i32
        %dma_wait3A_1116 = tpu.memref_slice %arg4[%dma_wait3A_1107, %dma_wait3A_1108, %dma_wait3A_1109, %dma_wait3A_1114, %dma_wait3A_1115] : memref<200x4x128x8x128xf32, #tpu.memory_space<hbm>> -> memref<1x1x1x8x128xf32, #tpu.memory_space<hbm>>
        %dma_wait3A_1117 = tpu.memref_squeeze %dma_wait3A_1116 : memref<1x1x1x8x128xf32, #tpu.memory_space<hbm>> -> memref<8x128xf32, #tpu.memory_space<hbm>>
        %dma_wait3A_1118 = arith.constant 0 : i32
        %dma_wait3A_1119 = arith.constant 0 : i32
        %dma_wait3A_1120 = tpu.memref_slice %arg4[%dma_wait3A_1107, %dma_wait3A_1108, %dma_wait3A_1109, %dma_wait3A_1118, %dma_wait3A_1119] : memref<200x4x128x8x128xf32, #tpu.memory_space<hbm>> -> memref<1x1x1x8x128xf32, #tpu.memory_space<hbm>>
        %dma_wait3A_1121 = tpu.memref_squeeze %dma_wait3A_1120 : memref<1x1x1x8x128xf32, #tpu.memory_space<hbm>> -> memref<8x128xf32, #tpu.memory_space<hbm>>
        %dma_wait3A_1122 = arith.constant 8 : i32
        %dma_wait3A_1123 = arith.constant 0 : i32
        %dma_wait3A_1124 = tpu.memref_slice %arg7[%dma_wait3A_1106, %dma_wait3A_1122, %dma_wait3A_1123] : memref<4x32x129xf32, #tpu.memory_space<vmem>> -> memref<1x8x128xf32, #tpu.memory_space<vmem>>
        %dma_wait3A_1125 = tpu.memref_squeeze %dma_wait3A_1124 : memref<1x8x128xf32, #tpu.memory_space<vmem>> -> memref<8x128xf32, #tpu.memory_space<vmem>>
        tpu.wait_dma2 semaphore(%arg13 : memref<!tpu.dma_semaphore, #tpu.memory_space<semaphore_mem>>) src(%dma_wait3A_1125 : memref<8x128xf32, #tpu.memory_space<vmem>>) dst(%dma_wait3A_1121 : memref<8x128xf32, #tpu.memory_space<hbm>>)
        %dma_wait3A_1126 = arith.constant 1 : i32
        %dma_wait3A_1127 = arith.constant 0 : i32
        %dma_wait3A_1128 = arith.constant 2 : i32
        %dma_wait3A_1129 = arith.constant 0 : i32
        %dma_wait3A_1130 = arith.constant 16 : i32
        %dma_wait3A_1131 = arith.constant 0 : i32
        %dma_wait3A_1132 = tpu.memref_slice %arg7[%dma_wait3A_1126, %dma_wait3A_1130, %dma_wait3A_1131] : memref<4x32x129xf32, #tpu.memory_space<vmem>> -> memref<1x8x128xf32, #tpu.memory_space<vmem>>
        %dma_wait3A_1133 = tpu.memref_squeeze %dma_wait3A_1132 : memref<1x8x128xf32, #tpu.memory_space<vmem>> -> memref<8x128xf32, #tpu.memory_space<vmem>>
        %dma_wait3A_1134 = arith.constant 0 : i32
        %dma_wait3A_1135 = arith.constant 0 : i32
        %dma_wait3A_1136 = tpu.memref_slice %arg4[%dma_wait3A_1127, %dma_wait3A_1128, %dma_wait3A_1129, %dma_wait3A_1134, %dma_wait3A_1135] : memref<200x4x128x8x128xf32, #tpu.memory_space<hbm>> -> memref<1x1x1x8x128xf32, #tpu.memory_space<hbm>>
        %dma_wait3A_1137 = tpu.memref_squeeze %dma_wait3A_1136 : memref<1x1x1x8x128xf32, #tpu.memory_space<hbm>> -> memref<8x128xf32, #tpu.memory_space<hbm>>
        %dma_wait3A_1138 = arith.constant 0 : i32
        %dma_wait3A_1139 = arith.constant 0 : i32
        %dma_wait3A_1140 = tpu.memref_slice %arg4[%dma_wait3A_1127, %dma_wait3A_1128, %dma_wait3A_1129, %dma_wait3A_1138, %dma_wait3A_1139] : memref<200x4x128x8x128xf32, #tpu.memory_space<hbm>> -> memref<1x1x1x8x128xf32, #tpu.memory_space<hbm>>
        %dma_wait3A_1141 = tpu.memref_squeeze %dma_wait3A_1140 : memref<1x1x1x8x128xf32, #tpu.memory_space<hbm>> -> memref<8x128xf32, #tpu.memory_space<hbm>>
        %dma_wait3A_1142 = arith.constant 16 : i32
        %dma_wait3A_1143 = arith.constant 0 : i32
        %dma_wait3A_1144 = tpu.memref_slice %arg7[%dma_wait3A_1126, %dma_wait3A_1142, %dma_wait3A_1143] : memref<4x32x129xf32, #tpu.memory_space<vmem>> -> memref<1x8x128xf32, #tpu.memory_space<vmem>>
        %dma_wait3A_1145 = tpu.memref_squeeze %dma_wait3A_1144 : memref<1x8x128xf32, #tpu.memory_space<vmem>> -> memref<8x128xf32, #tpu.memory_space<vmem>>
        tpu.wait_dma2 semaphore(%arg13 : memref<!tpu.dma_semaphore, #tpu.memory_space<semaphore_mem>>) src(%dma_wait3A_1145 : memref<8x128xf32, #tpu.memory_space<vmem>>) dst(%dma_wait3A_1141 : memref<8x128xf32, #tpu.memory_space<hbm>>)
        %dma_wait3A_1146 = arith.constant 1 : i32
        %dma_wait3A_1147 = arith.constant 0 : i32
        %dma_wait3A_1148 = arith.constant 3 : i32
        %dma_wait3A_1149 = arith.constant 0 : i32
        %dma_wait3A_1150 = arith.constant 24 : i32
        %dma_wait3A_1151 = arith.constant 0 : i32
        %dma_wait3A_1152 = tpu.memref_slice %arg7[%dma_wait3A_1146, %dma_wait3A_1150, %dma_wait3A_1151] : memref<4x32x129xf32, #tpu.memory_space<vmem>> -> memref<1x8x128xf32, #tpu.memory_space<vmem>>
        %dma_wait3A_1153 = tpu.memref_squeeze %dma_wait3A_1152 : memref<1x8x128xf32, #tpu.memory_space<vmem>> -> memref<8x128xf32, #tpu.memory_space<vmem>>
        %dma_wait3A_1154 = arith.constant 0 : i32
        %dma_wait3A_1155 = arith.constant 0 : i32
        %dma_wait3A_1156 = tpu.memref_slice %arg4[%dma_wait3A_1147, %dma_wait3A_1148, %dma_wait3A_1149, %dma_wait3A_1154, %dma_wait3A_1155] : memref<200x4x128x8x128xf32, #tpu.memory_space<hbm>> -> memref<1x1x1x8x128xf32, #tpu.memory_space<hbm>>
        %dma_wait3A_1157 = tpu.memref_squeeze %dma_wait3A_1156 : memref<1x1x1x8x128xf32, #tpu.memory_space<hbm>> -> memref<8x128xf32, #tpu.memory_space<hbm>>
        %dma_wait3A_1158 = arith.constant 0 : i32
        %dma_wait3A_1159 = arith.constant 0 : i32
        %dma_wait3A_1160 = tpu.memref_slice %arg4[%dma_wait3A_1147, %dma_wait3A_1148, %dma_wait3A_1149, %dma_wait3A_1158, %dma_wait3A_1159] : memref<200x4x128x8x128xf32, #tpu.memory_space<hbm>> -> memref<1x1x1x8x128xf32, #tpu.memory_space<hbm>>
        %dma_wait3A_1161 = tpu.memref_squeeze %dma_wait3A_1160 : memref<1x1x1x8x128xf32, #tpu.memory_space<hbm>> -> memref<8x128xf32, #tpu.memory_space<hbm>>
        %dma_wait3A_1162 = arith.constant 24 : i32
        %dma_wait3A_1163 = arith.constant 0 : i32
        %dma_wait3A_1164 = tpu.memref_slice %arg7[%dma_wait3A_1146, %dma_wait3A_1162, %dma_wait3A_1163] : memref<4x32x129xf32, #tpu.memory_space<vmem>> -> memref<1x8x128xf32, #tpu.memory_space<vmem>>
        %dma_wait3A_1165 = tpu.memref_squeeze %dma_wait3A_1164 : memref<1x8x128xf32, #tpu.memory_space<vmem>> -> memref<8x128xf32, #tpu.memory_space<vmem>>
        tpu.wait_dma2 semaphore(%arg13 : memref<!tpu.dma_semaphore, #tpu.memory_space<semaphore_mem>>) src(%dma_wait3A_1165 : memref<8x128xf32, #tpu.memory_space<vmem>>) dst(%dma_wait3A_1161 : memref<8x128xf32, #tpu.memory_space<hbm>>)
        %mul3A_1166 = arith.constant 128 : i32
        %mul3A_1167 = arith.muli %add3A_1085, %mul3A_1166 : i32
        %parallel_loop3A_1168 = arith.constant 0 : i32
        %parallel_loop3A_1169 = arith.constant 128 : i32
        %parallel_loop3A_1170 = arith.constant 1 : i32
        scf.for %parallel_loop3A_1574 = %parallel_loop3A_1168 to %parallel_loop3A_1169 step %parallel_loop3A_1170  : i32 {
          %parallel_loop3A_1575 = arith.addi %mul3A_1167, %parallel_loop3A_1574 : i32
          %parallel_loop3A_1576 = vector.broadcast %parallel_loop3A_1574 : i32 to vector<16xi32>
          %parallel_loop3A_1577 = arith.addi %broadcast_in_dim3A_908, %parallel_loop3A_1576 : vector<16xi32>
          %parallel_loop3A_1578 = arith.constant 1 : i32
          %parallel_loop3A_1579 = arith.index_cast %parallel_loop3A_1578 : i32 to index
          %parallel_loop3A_1580 = arith.index_cast %parallel_loop3A_1575 : i32 to index
          %parallel_loop3A_1581 = arith.constant 0 : index
          %parallel_loop3A_1582 = tpu.vector_load %arg6[%parallel_loop3A_1579, %parallel_loop3A_1580, %parallel_loop3A_1581] {strides = array<i32>} : memref<2x1024x32xf32, #tpu.memory_space<vmem>>, vector<16xf32>,
          %parallel_loop3A_1583 = arith.constant 1 : i32
          %parallel_loop3A_1584 = arith.index_cast %parallel_loop3A_1583 : i32 to index
          %parallel_loop3A_1585 = arith.index_cast %parallel_loop3A_1575 : i32 to index
          %parallel_loop3A_1586 = arith.constant 16 : index
          %parallel_loop3A_1587 = tpu.vector_load %arg6[%parallel_loop3A_1584, %parallel_loop3A_1585, %parallel_loop3A_1586] {strides = array<i32>} : memref<2x1024x32xf32, #tpu.memory_space<vmem>>, vector<16xf32>,
          %parallel_loop3A_1588 = arith.constant 1 : i32
          %parallel_loop3A_1589 = arith.constant 0 : i32
          %parallel_loop3A_1590 = arith.constant 0 : i32
          %parallel_loop3A_1591 = tpu.memref_slice %arg7[%parallel_loop3A_1588, %parallel_loop3A_1589, %parallel_loop3A_1590] : memref<4x32x129xf32, #tpu.memory_space<vmem>> -> memref<1x32x129xf32, #tpu.memory_space<vmem>>
          %parallel_loop3A_1592 = tpu.memref_squeeze %parallel_loop3A_1591 : memref<1x32x129xf32, #tpu.memory_space<vmem>> -> memref<32x129xf32, #tpu.memory_space<vmem>>
          tpu.vector_store_idx %parallel_loop3A_1592[%iota3A, %parallel_loop3A_1577], %parallel_loop3A_1582 : memref<32x129xf32, #tpu.memory_space<vmem>>[vector<16xi32>, vector<16xi32>], vector<16xf32>,
          %parallel_loop3A_1593 = arith.constant 1 : i32
          %parallel_loop3A_1594 = arith.constant 0 : i32
          %parallel_loop3A_1595 = arith.constant 0 : i32
          %parallel_loop3A_1596 = tpu.memref_slice %arg7[%parallel_loop3A_1593, %parallel_loop3A_1594, %parallel_loop3A_1595] : memref<4x32x129xf32, #tpu.memory_space<vmem>> -> memref<1x32x129xf32, #tpu.memory_space<vmem>>
          %parallel_loop3A_1597 = tpu.memref_squeeze %parallel_loop3A_1596 : memref<1x32x129xf32, #tpu.memory_space<vmem>> -> memref<32x129xf32, #tpu.memory_space<vmem>>
          tpu.vector_store_idx %parallel_loop3A_1597[%add3A_911, %parallel_loop3A_1577], %parallel_loop3A_1587 : memref<32x129xf32, #tpu.memory_space<vmem>>[vector<16xi32>, vector<16xi32>], vector<16xf32>,
        } {sc.loop_unroll_factor = 8 : i64, sc.parallel_access}
        %mul3A_1171 = arith.constant 8 : i32
        %mul3A_1172 = arith.muli %shift_right_logical3A_835, %mul3A_1171 : i32
        %add3A_1173 = arith.addi %mul3A_1172, %add3A_1085 : i32
        %dma_start3A_1174 = arith.constant 1 : i32
        %dma_start3A_1175 = arith.constant 0 : i32
        %dma_start3A_1176 = arith.constant 0 : i32
        %dma_start3A_1177 = arith.constant 0 : i32
        %dma_start3A_1178 = tpu.memref_slice %arg7[%dma_start3A_1174, %dma_start3A_1176, %dma_start3A_1177] : memref<4x32x129xf32, #tpu.memory_space<vmem>> -> memref<1x8x128xf32, #tpu.memory_space<vmem>>
        %dma_start3A_1179 = tpu.memref_squeeze %dma_start3A_1178 : memref<1x8x128xf32, #tpu.memory_space<vmem>> -> memref<8x128xf32, #tpu.memory_space<vmem>>
        %dma_start3A_1180 = arith.constant 0 : i32
        %dma_start3A_1181 = arith.constant 0 : i32
        %dma_start3A_1182 = tpu.memref_slice %arg4[%add3A_1173, %dma_start3A_1175, %add3A_842, %dma_start3A_1180, %dma_start3A_1181] : memref<200x4x128x8x128xf32, #tpu.memory_space<hbm>> -> memref<1x1x1x8x128xf32, #tpu.memory_space<hbm>>
        %dma_start3A_1183 = tpu.memref_squeeze %dma_start3A_1182 : memref<1x1x1x8x128xf32, #tpu.memory_space<hbm>> -> memref<8x128xf32, #tpu.memory_space<hbm>>
        %dma_start3A_1184 = arith.constant 0 : i32
        %dma_start3A_1185 = arith.constant 0 : i32
        %dma_start3A_1186 = tpu.memref_slice %arg4[%add3A_1173, %dma_start3A_1175, %add3A_842, %dma_start3A_1184, %dma_start3A_1185] : memref<200x4x128x8x128xf32, #tpu.memory_space<hbm>> -> memref<1x1x1x8x128xf32, #tpu.memory_space<hbm>>
        %dma_start3A_1187 = tpu.memref_squeeze %dma_start3A_1186 : memref<1x1x1x8x128xf32, #tpu.memory_space<hbm>> -> memref<8x128xf32, #tpu.memory_space<hbm>>
        %dma_start3A_1188 = arith.constant 0 : i32
        %dma_start3A_1189 = arith.constant 0 : i32
        %dma_start3A_1190 = tpu.memref_slice %arg7[%dma_start3A_1174, %dma_start3A_1188, %dma_start3A_1189] : memref<4x32x129xf32, #tpu.memory_space<vmem>> -> memref<1x8x128xf32, #tpu.memory_space<vmem>>
        %dma_start3A_1191 = tpu.memref_squeeze %dma_start3A_1190 : memref<1x8x128xf32, #tpu.memory_space<vmem>> -> memref<8x128xf32, #tpu.memory_space<vmem>>
        tpu.enqueue_dma source(%dma_start3A_1191 : memref<8x128xf32, #tpu.memory_space<vmem>>) target(%dma_start3A_1187 : memref<8x128xf32, #tpu.memory_space<hbm>>) target_semaphore(%arg13 : memref<!tpu.dma_semaphore, #tpu.memory_space<semaphore_mem>>)
        %dma_start3A_1192 = arith.constant 1 : i32
        %dma_start3A_1193 = arith.constant 1 : i32
        %dma_start3A_1194 = arith.constant 8 : i32
        %dma_start3A_1195 = arith.constant 0 : i32
        %dma_start3A_1196 = tpu.memref_slice %arg7[%dma_start3A_1192, %dma_start3A_1194, %dma_start3A_1195] : memref<4x32x129xf32, #tpu.memory_space<vmem>> -> memref<1x8x128xf32, #tpu.memory_space<vmem>>
        %dma_start3A_1197 = tpu.memref_squeeze %dma_start3A_1196 : memref<1x8x128xf32, #tpu.memory_space<vmem>> -> memref<8x128xf32, #tpu.memory_space<vmem>>
        %dma_start3A_1198 = arith.constant 0 : i32
        %dma_start3A_1199 = arith.constant 0 : i32
        %dma_start3A_1200 = tpu.memref_slice %arg4[%add3A_1173, %dma_start3A_1193, %add3A_842, %dma_start3A_1198, %dma_start3A_1199] : memref<200x4x128x8x128xf32, #tpu.memory_space<hbm>> -> memref<1x1x1x8x128xf32, #tpu.memory_space<hbm>>
        %dma_start3A_1201 = tpu.memref_squeeze %dma_start3A_1200 : memref<1x1x1x8x128xf32, #tpu.memory_space<hbm>> -> memref<8x128xf32, #tpu.memory_space<hbm>>
        %dma_start3A_1202 = arith.constant 0 : i32
        %dma_start3A_1203 = arith.constant 0 : i32
        %dma_start3A_1204 = tpu.memref_slice %arg4[%add3A_1173, %dma_start3A_1193, %add3A_842, %dma_start3A_1202, %dma_start3A_1203] : memref<200x4x128x8x128xf32, #tpu.memory_space<hbm>> -> memref<1x1x1x8x128xf32, #tpu.memory_space<hbm>>
        %dma_start3A_1205 = tpu.memref_squeeze %dma_start3A_1204 : memref<1x1x1x8x128xf32, #tpu.memory_space<hbm>> -> memref<8x128xf32, #tpu.memory_space<hbm>>
        %dma_start3A_1206 = arith.constant 8 : i32
        %dma_start3A_1207 = arith.constant 0 : i32
        %dma_start3A_1208 = tpu.memref_slice %arg7[%dma_start3A_1192, %dma_start3A_1206, %dma_start3A_1207] : memref<4x32x129xf32, #tpu.memory_space<vmem>> -> memref<1x8x128xf32, #tpu.memory_space<vmem>>
        %dma_start3A_1209 = tpu.memref_squeeze %dma_start3A_1208 : memref<1x8x128xf32, #tpu.memory_space<vmem>> -> memref<8x128xf32, #tpu.memory_space<vmem>>
        tpu.enqueue_dma source(%dma_start3A_1209 : memref<8x128xf32, #tpu.memory_space<vmem>>) target(%dma_start3A_1205 : memref<8x128xf32, #tpu.memory_space<hbm>>) target_semaphore(%arg13 : memref<!tpu.dma_semaphore, #tpu.memory_space<semaphore_mem>>)
        %dma_start3A_1210 = arith.constant 1 : i32
        %dma_start3A_1211 = arith.constant 2 : i32
        %dma_start3A_1212 = arith.constant 16 : i32
        %dma_start3A_1213 = arith.constant 0 : i32
        %dma_start3A_1214 = tpu.memref_slice %arg7[%dma_start3A_1210, %dma_start3A_1212, %dma_start3A_1213] : memref<4x32x129xf32, #tpu.memory_space<vmem>> -> memref<1x8x128xf32, #tpu.memory_space<vmem>>
        %dma_start3A_1215 = tpu.memref_squeeze %dma_start3A_1214 : memref<1x8x128xf32, #tpu.memory_space<vmem>> -> memref<8x128xf32, #tpu.memory_space<vmem>>
        %dma_start3A_1216 = arith.constant 0 : i32
        %dma_start3A_1217 = arith.constant 0 : i32
        %dma_start3A_1218 = tpu.memref_slice %arg4[%add3A_1173, %dma_start3A_1211, %add3A_842, %dma_start3A_1216, %dma_start3A_1217] : memref<200x4x128x8x128xf32, #tpu.memory_space<hbm>> -> memref<1x1x1x8x128xf32, #tpu.memory_space<hbm>>
        %dma_start3A_1219 = tpu.memref_squeeze %dma_start3A_1218 : memref<1x1x1x8x128xf32, #tpu.memory_space<hbm>> -> memref<8x128xf32, #tpu.memory_space<hbm>>
        %dma_start3A_1220 = arith.constant 0 : i32
        %dma_start3A_1221 = arith.constant 0 : i32
        %dma_start3A_1222 = tpu.memref_slice %arg4[%add3A_1173, %dma_start3A_1211, %add3A_842, %dma_start3A_1220, %dma_start3A_1221] : memref<200x4x128x8x128xf32, #tpu.memory_space<hbm>> -> memref<1x1x1x8x128xf32, #tpu.memory_space<hbm>>
        %dma_start3A_1223 = tpu.memref_squeeze %dma_start3A_1222 : memref<1x1x1x8x128xf32, #tpu.memory_space<hbm>> -> memref<8x128xf32, #tpu.memory_space<hbm>>
        %dma_start3A_1224 = arith.constant 16 : i32
        %dma_start3A_1225 = arith.constant 0 : i32
        %dma_start3A_1226 = tpu.memref_slice %arg7[%dma_start3A_1210, %dma_start3A_1224, %dma_start3A_1225] : memref<4x32x129xf32, #tpu.memory_space<vmem>> -> memref<1x8x128xf32, #tpu.memory_space<vmem>>
        %dma_start3A_1227 = tpu.memref_squeeze %dma_start3A_1226 : memref<1x8x128xf32, #tpu.memory_space<vmem>> -> memref<8x128xf32, #tpu.memory_space<vmem>>
        tpu.enqueue_dma source(%dma_start3A_1227 : memref<8x128xf32, #tpu.memory_space<vmem>>) target(%dma_start3A_1223 : memref<8x128xf32, #tpu.memory_space<hbm>>) target_semaphore(%arg13 : memref<!tpu.dma_semaphore, #tpu.memory_space<semaphore_mem>>)
        %dma_start3A_1228 = arith.constant 1 : i32
        %dma_start3A_1229 = arith.constant 3 : i32
        %dma_start3A_1230 = arith.constant 24 : i32
        %dma_start3A_1231 = arith.constant 0 : i32
        %dma_start3A_1232 = tpu.memref_slice %arg7[%dma_start3A_1228, %dma_start3A_1230, %dma_start3A_1231] : memref<4x32x129xf32, #tpu.memory_space<vmem>> -> memref<1x8x128xf32, #tpu.memory_space<vmem>>
        %dma_start3A_1233 = tpu.memref_squeeze %dma_start3A_1232 : memref<1x8x128xf32, #tpu.memory_space<vmem>> -> memref<8x128xf32, #tpu.memory_space<vmem>>
        %dma_start3A_1234 = arith.constant 0 : i32
        %dma_start3A_1235 = arith.constant 0 : i32
        %dma_start3A_1236 = tpu.memref_slice %arg4[%add3A_1173, %dma_start3A_1229, %add3A_842, %dma_start3A_1234, %dma_start3A_1235] : memref<200x4x128x8x128xf32, #tpu.memory_space<hbm>> -> memref<1x1x1x8x128xf32, #tpu.memory_space<hbm>>
        %dma_start3A_1237 = tpu.memref_squeeze %dma_start3A_1236 : memref<1x1x1x8x128xf32, #tpu.memory_space<hbm>> -> memref<8x128xf32, #tpu.memory_space<hbm>>
        %dma_start3A_1238 = arith.constant 0 : i32
        %dma_start3A_1239 = arith.constant 0 : i32
        %dma_start3A_1240 = tpu.memref_slice %arg4[%add3A_1173, %dma_start3A_1229, %add3A_842, %dma_start3A_1238, %dma_start3A_1239] : memref<200x4x128x8x128xf32, #tpu.memory_space<hbm>> -> memref<1x1x1x8x128xf32, #tpu.memory_space<hbm>>
        %dma_start3A_1241 = tpu.memref_squeeze %dma_start3A_1240 : memref<1x1x1x8x128xf32, #tpu.memory_space<hbm>> -> memref<8x128xf32, #tpu.memory_space<hbm>>
        %dma_start3A_1242 = arith.constant 24 : i32
        %dma_start3A_1243 = arith.constant 0 : i32
        %dma_start3A_1244 = tpu.memref_slice %arg7[%dma_start3A_1228, %dma_start3A_1242, %dma_start3A_1243] : memref<4x32x129xf32, #tpu.memory_space<vmem>> -> memref<1x8x128xf32, #tpu.memory_space<vmem>>
        %dma_start3A_1245 = tpu.memref_squeeze %dma_start3A_1244 : memref<1x8x128xf32, #tpu.memory_space<vmem>> -> memref<8x128xf32, #tpu.memory_space<vmem>>
        tpu.enqueue_dma source(%dma_start3A_1245 : memref<8x128xf32, #tpu.memory_space<vmem>>) target(%dma_start3A_1241 : memref<8x128xf32, #tpu.memory_space<hbm>>) target_semaphore(%arg13 : memref<!tpu.dma_semaphore, #tpu.memory_space<semaphore_mem>>)
        %mul3A_1246 = arith.constant 4 : i32
        %mul3A_1247 = arith.muli %mul3A_1246, %scan3A_918 : i32
        %add3A_1248 = arith.constant 2 : i32
        %add3A_1249 = arith.addi %mul3A_1247, %add3A_1248 : i32
        %dma_wait3A_1250 = arith.constant 2 : i32
        %dma_wait3A_1251 = arith.constant 0 : i32
        %dma_wait3A_1252 = arith.constant 0 : i32
        %dma_wait3A_1253 = arith.constant 0 : i32
        %dma_wait3A_1254 = arith.constant 0 : i32
        %dma_wait3A_1255 = arith.constant 0 : i32
        %dma_wait3A_1256 = tpu.memref_slice %arg7[%dma_wait3A_1250, %dma_wait3A_1254, %dma_wait3A_1255] : memref<4x32x129xf32, #tpu.memory_space<vmem>> -> memref<1x8x128xf32, #tpu.memory_space<vmem>>
        %dma_wait3A_1257 = tpu.memref_squeeze %dma_wait3A_1256 : memref<1x8x128xf32, #tpu.memory_space<vmem>> -> memref<8x128xf32, #tpu.memory_space<vmem>>
        %dma_wait3A_1258 = arith.constant 0 : i32
        %dma_wait3A_1259 = arith.constant 0 : i32
        %dma_wait3A_1260 = tpu.memref_slice %arg4[%dma_wait3A_1251, %dma_wait3A_1252, %dma_wait3A_1253, %dma_wait3A_1258, %dma_wait3A_1259] : memref<200x4x128x8x128xf32, #tpu.memory_space<hbm>> -> memref<1x1x1x8x128xf32, #tpu.memory_space<hbm>>
        %dma_wait3A_1261 = tpu.memref_squeeze %dma_wait3A_1260 : memref<1x1x1x8x128xf32, #tpu.memory_space<hbm>> -> memref<8x128xf32, #tpu.memory_space<hbm>>
        %dma_wait3A_1262 = arith.constant 0 : i32
        %dma_wait3A_1263 = arith.constant 0 : i32
        %dma_wait3A_1264 = tpu.memref_slice %arg4[%dma_wait3A_1251, %dma_wait3A_1252, %dma_wait3A_1253, %dma_wait3A_1262, %dma_wait3A_1263] : memref<200x4x128x8x128xf32, #tpu.memory_space<hbm>> -> memref<1x1x1x8x128xf32, #tpu.memory_space<hbm>>
        %dma_wait3A_1265 = tpu.memref_squeeze %dma_wait3A_1264 : memref<1x1x1x8x128xf32, #tpu.memory_space<hbm>> -> memref<8x128xf32, #tpu.memory_space<hbm>>
        %dma_wait3A_1266 = arith.constant 0 : i32
        %dma_wait3A_1267 = arith.constant 0 : i32
        %dma_wait3A_1268 = tpu.memref_slice %arg7[%dma_wait3A_1250, %dma_wait3A_1266, %dma_wait3A_1267] : memref<4x32x129xf32, #tpu.memory_space<vmem>> -> memref<1x8x128xf32, #tpu.memory_space<vmem>>
        %dma_wait3A_1269 = tpu.memref_squeeze %dma_wait3A_1268 : memref<1x8x128xf32, #tpu.memory_space<vmem>> -> memref<8x128xf32, #tpu.memory_space<vmem>>
        tpu.wait_dma2 semaphore(%arg14 : memref<!tpu.dma_semaphore, #tpu.memory_space<semaphore_mem>>) src(%dma_wait3A_1269 : memref<8x128xf32, #tpu.memory_space<vmem>>) dst(%dma_wait3A_1265 : memref<8x128xf32, #tpu.memory_space<hbm>>)
        %dma_wait3A_1270 = arith.constant 2 : i32
        %dma_wait3A_1271 = arith.constant 0 : i32
        %dma_wait3A_1272 = arith.constant 1 : i32
        %dma_wait3A_1273 = arith.constant 0 : i32
        %dma_wait3A_1274 = arith.constant 8 : i32
        %dma_wait3A_1275 = arith.constant 0 : i32
        %dma_wait3A_1276 = tpu.memref_slice %arg7[%dma_wait3A_1270, %dma_wait3A_1274, %dma_wait3A_1275] : memref<4x32x129xf32, #tpu.memory_space<vmem>> -> memref<1x8x128xf32, #tpu.memory_space<vmem>>
        %dma_wait3A_1277 = tpu.memref_squeeze %dma_wait3A_1276 : memref<1x8x128xf32, #tpu.memory_space<vmem>> -> memref<8x128xf32, #tpu.memory_space<vmem>>
        %dma_wait3A_1278 = arith.constant 0 : i32
        %dma_wait3A_1279 = arith.constant 0 : i32
        %dma_wait3A_1280 = tpu.memref_slice %arg4[%dma_wait3A_1271, %dma_wait3A_1272, %dma_wait3A_1273, %dma_wait3A_1278, %dma_wait3A_1279] : memref<200x4x128x8x128xf32, #tpu.memory_space<hbm>> -> memref<1x1x1x8x128xf32, #tpu.memory_space<hbm>>
        %dma_wait3A_1281 = tpu.memref_squeeze %dma_wait3A_1280 : memref<1x1x1x8x128xf32, #tpu.memory_space<hbm>> -> memref<8x128xf32, #tpu.memory_space<hbm>>
        %dma_wait3A_1282 = arith.constant 0 : i32
        %dma_wait3A_1283 = arith.constant 0 : i32
        %dma_wait3A_1284 = tpu.memref_slice %arg4[%dma_wait3A_1271, %dma_wait3A_1272, %dma_wait3A_1273, %dma_wait3A_1282, %dma_wait3A_1283] : memref<200x4x128x8x128xf32, #tpu.memory_space<hbm>> -> memref<1x1x1x8x128xf32, #tpu.memory_space<hbm>>
        %dma_wait3A_1285 = tpu.memref_squeeze %dma_wait3A_1284 : memref<1x1x1x8x128xf32, #tpu.memory_space<hbm>> -> memref<8x128xf32, #tpu.memory_space<hbm>>
        %dma_wait3A_1286 = arith.constant 8 : i32
        %dma_wait3A_1287 = arith.constant 0 : i32
        %dma_wait3A_1288 = tpu.memref_slice %arg7[%dma_wait3A_1270, %dma_wait3A_1286, %dma_wait3A_1287] : memref<4x32x129xf32, #tpu.memory_space<vmem>> -> memref<1x8x128xf32, #tpu.memory_space<vmem>>
        %dma_wait3A_1289 = tpu.memref_squeeze %dma_wait3A_1288 : memref<1x8x128xf32, #tpu.memory_space<vmem>> -> memref<8x128xf32, #tpu.memory_space<vmem>>
        tpu.wait_dma2 semaphore(%arg14 : memref<!tpu.dma_semaphore, #tpu.memory_space<semaphore_mem>>) src(%dma_wait3A_1289 : memref<8x128xf32, #tpu.memory_space<vmem>>) dst(%dma_wait3A_1285 : memref<8x128xf32, #tpu.memory_space<hbm>>)
        %dma_wait3A_1290 = arith.constant 2 : i32
        %dma_wait3A_1291 = arith.constant 0 : i32
        %dma_wait3A_1292 = arith.constant 2 : i32
        %dma_wait3A_1293 = arith.constant 0 : i32
        %dma_wait3A_1294 = arith.constant 16 : i32
        %dma_wait3A_1295 = arith.constant 0 : i32
        %dma_wait3A_1296 = tpu.memref_slice %arg7[%dma_wait3A_1290, %dma_wait3A_1294, %dma_wait3A_1295] : memref<4x32x129xf32, #tpu.memory_space<vmem>> -> memref<1x8x128xf32, #tpu.memory_space<vmem>>
        %dma_wait3A_1297 = tpu.memref_squeeze %dma_wait3A_1296 : memref<1x8x128xf32, #tpu.memory_space<vmem>> -> memref<8x128xf32, #tpu.memory_space<vmem>>
        %dma_wait3A_1298 = arith.constant 0 : i32
        %dma_wait3A_1299 = arith.constant 0 : i32
        %dma_wait3A_1300 = tpu.memref_slice %arg4[%dma_wait3A_1291, %dma_wait3A_1292, %dma_wait3A_1293, %dma_wait3A_1298, %dma_wait3A_1299] : memref<200x4x128x8x128xf32, #tpu.memory_space<hbm>> -> memref<1x1x1x8x128xf32, #tpu.memory_space<hbm>>
        %dma_wait3A_1301 = tpu.memref_squeeze %dma_wait3A_1300 : memref<1x1x1x8x128xf32, #tpu.memory_space<hbm>> -> memref<8x128xf32, #tpu.memory_space<hbm>>
        %dma_wait3A_1302 = arith.constant 0 : i32
        %dma_wait3A_1303 = arith.constant 0 : i32
        %dma_wait3A_1304 = tpu.memref_slice %arg4[%dma_wait3A_1291, %dma_wait3A_1292, %dma_wait3A_1293, %dma_wait3A_1302, %dma_wait3A_1303] : memref<200x4x128x8x128xf32, #tpu.memory_space<hbm>> -> memref<1x1x1x8x128xf32, #tpu.memory_space<hbm>>
        %dma_wait3A_1305 = tpu.memref_squeeze %dma_wait3A_1304 : memref<1x1x1x8x128xf32, #tpu.memory_space<hbm>> -> memref<8x128xf32, #tpu.memory_space<hbm>>
        %dma_wait3A_1306 = arith.constant 16 : i32
        %dma_wait3A_1307 = arith.constant 0 : i32
        %dma_wait3A_1308 = tpu.memref_slice %arg7[%dma_wait3A_1290, %dma_wait3A_1306, %dma_wait3A_1307] : memref<4x32x129xf32, #tpu.memory_space<vmem>> -> memref<1x8x128xf32, #tpu.memory_space<vmem>>
        %dma_wait3A_1309 = tpu.memref_squeeze %dma_wait3A_1308 : memref<1x8x128xf32, #tpu.memory_space<vmem>> -> memref<8x128xf32, #tpu.memory_space<vmem>>
        tpu.wait_dma2 semaphore(%arg14 : memref<!tpu.dma_semaphore, #tpu.memory_space<semaphore_mem>>) src(%dma_wait3A_1309 : memref<8x128xf32, #tpu.memory_space<vmem>>) dst(%dma_wait3A_1305 : memref<8x128xf32, #tpu.memory_space<hbm>>)
        %dma_wait3A_1310 = arith.constant 2 : i32
        %dma_wait3A_1311 = arith.constant 0 : i32
        %dma_wait3A_1312 = arith.constant 3 : i32
        %dma_wait3A_1313 = arith.constant 0 : i32
        %dma_wait3A_1314 = arith.constant 24 : i32
        %dma_wait3A_1315 = arith.constant 0 : i32
        %dma_wait3A_1316 = tpu.memref_slice %arg7[%dma_wait3A_1310, %dma_wait3A_1314, %dma_wait3A_1315] : memref<4x32x129xf32, #tpu.memory_space<vmem>> -> memref<1x8x128xf32, #tpu.memory_space<vmem>>
        %dma_wait3A_1317 = tpu.memref_squeeze %dma_wait3A_1316 : memref<1x8x128xf32, #tpu.memory_space<vmem>> -> memref<8x128xf32, #tpu.memory_space<vmem>>
        %dma_wait3A_1318 = arith.constant 0 : i32
        %dma_wait3A_1319 = arith.constant 0 : i32
        %dma_wait3A_1320 = tpu.memref_slice %arg4[%dma_wait3A_1311, %dma_wait3A_1312, %dma_wait3A_1313, %dma_wait3A_1318, %dma_wait3A_1319] : memref<200x4x128x8x128xf32, #tpu.memory_space<hbm>> -> memref<1x1x1x8x128xf32, #tpu.memory_space<hbm>>
        %dma_wait3A_1321 = tpu.memref_squeeze %dma_wait3A_1320 : memref<1x1x1x8x128xf32, #tpu.memory_space<hbm>> -> memref<8x128xf32, #tpu.memory_space<hbm>>
        %dma_wait3A_1322 = arith.constant 0 : i32
        %dma_wait3A_1323 = arith.constant 0 : i32
        %dma_wait3A_1324 = tpu.memref_slice %arg4[%dma_wait3A_1311, %dma_wait3A_1312, %dma_wait3A_1313, %dma_wait3A_1322, %dma_wait3A_1323] : memref<200x4x128x8x128xf32, #tpu.memory_space<hbm>> -> memref<1x1x1x8x128xf32, #tpu.memory_space<hbm>>
        %dma_wait3A_1325 = tpu.memref_squeeze %dma_wait3A_1324 : memref<1x1x1x8x128xf32, #tpu.memory_space<hbm>> -> memref<8x128xf32, #tpu.memory_space<hbm>>
        %dma_wait3A_1326 = arith.constant 24 : i32
        %dma_wait3A_1327 = arith.constant 0 : i32
        %dma_wait3A_1328 = tpu.memref_slice %arg7[%dma_wait3A_1310, %dma_wait3A_1326, %dma_wait3A_1327] : memref<4x32x129xf32, #tpu.memory_space<vmem>> -> memref<1x8x128xf32, #tpu.memory_space<vmem>>
        %dma_wait3A_1329 = tpu.memref_squeeze %dma_wait3A_1328 : memref<1x8x128xf32, #tpu.memory_space<vmem>> -> memref<8x128xf32, #tpu.memory_space<vmem>>
        tpu.wait_dma2 semaphore(%arg14 : memref<!tpu.dma_semaphore, #tpu.memory_space<semaphore_mem>>) src(%dma_wait3A_1329 : memref<8x128xf32, #tpu.memory_space<vmem>>) dst(%dma_wait3A_1325 : memref<8x128xf32, #tpu.memory_space<hbm>>)
        %mul3A_1330 = arith.constant 128 : i32
        %mul3A_1331 = arith.muli %add3A_1249, %mul3A_1330 : i32
        %parallel_loop3A_1332 = arith.constant 0 : i32
        %parallel_loop3A_1333 = arith.constant 128 : i32
        %parallel_loop3A_1334 = arith.constant 1 : i32
        scf.for %parallel_loop3A_1574 = %parallel_loop3A_1332 to %parallel_loop3A_1333 step %parallel_loop3A_1334  : i32 {
          %parallel_loop3A_1575 = arith.addi %mul3A_1331, %parallel_loop3A_1574 : i32
          %parallel_loop3A_1576 = vector.broadcast %parallel_loop3A_1574 : i32 to vector<16xi32>
          %parallel_loop3A_1577 = arith.addi %broadcast_in_dim3A_908, %parallel_loop3A_1576 : vector<16xi32>
          %parallel_loop3A_1578 = arith.constant 1 : i32
          %parallel_loop3A_1579 = arith.index_cast %parallel_loop3A_1578 : i32 to index
          %parallel_loop3A_1580 = arith.index_cast %parallel_loop3A_1575 : i32 to index
          %parallel_loop3A_1581 = arith.constant 0 : index
          %parallel_loop3A_1582 = tpu.vector_load %arg6[%parallel_loop3A_1579, %parallel_loop3A_1580, %parallel_loop3A_1581] {strides = array<i32>} : memref<2x1024x32xf32, #tpu.memory_space<vmem>>, vector<16xf32>,
          %parallel_loop3A_1583 = arith.constant 1 : i32
          %parallel_loop3A_1584 = arith.index_cast %parallel_loop3A_1583 : i32 to index
          %parallel_loop3A_1585 = arith.index_cast %parallel_loop3A_1575 : i32 to index
          %parallel_loop3A_1586 = arith.constant 16 : index
          %parallel_loop3A_1587 = tpu.vector_load %arg6[%parallel_loop3A_1584, %parallel_loop3A_1585, %parallel_loop3A_1586] {strides = array<i32>} : memref<2x1024x32xf32, #tpu.memory_space<vmem>>, vector<16xf32>,
          %parallel_loop3A_1588 = arith.constant 2 : i32
          %parallel_loop3A_1589 = arith.constant 0 : i32
          %parallel_loop3A_1590 = arith.constant 0 : i32
          %parallel_loop3A_1591 = tpu.memref_slice %arg7[%parallel_loop3A_1588, %parallel_loop3A_1589, %parallel_loop3A_1590] : memref<4x32x129xf32, #tpu.memory_space<vmem>> -> memref<1x32x129xf32, #tpu.memory_space<vmem>>
          %parallel_loop3A_1592 = tpu.memref_squeeze %parallel_loop3A_1591 : memref<1x32x129xf32, #tpu.memory_space<vmem>> -> memref<32x129xf32, #tpu.memory_space<vmem>>
          tpu.vector_store_idx %parallel_loop3A_1592[%iota3A, %parallel_loop3A_1577], %parallel_loop3A_1582 : memref<32x129xf32, #tpu.memory_space<vmem>>[vector<16xi32>, vector<16xi32>], vector<16xf32>,
          %parallel_loop3A_1593 = arith.constant 2 : i32
          %parallel_loop3A_1594 = arith.constant 0 : i32
          %parallel_loop3A_1595 = arith.constant 0 : i32
          %parallel_loop3A_1596 = tpu.memref_slice %arg7[%parallel_loop3A_1593, %parallel_loop3A_1594, %parallel_loop3A_1595] : memref<4x32x129xf32, #tpu.memory_space<vmem>> -> memref<1x32x129xf32, #tpu.memory_space<vmem>>
          %parallel_loop3A_1597 = tpu.memref_squeeze %parallel_loop3A_1596 : memref<1x32x129xf32, #tpu.memory_space<vmem>> -> memref<32x129xf32, #tpu.memory_space<vmem>>
          tpu.vector_store_idx %parallel_loop3A_1597[%add3A_911, %parallel_loop3A_1577], %parallel_loop3A_1587 : memref<32x129xf32, #tpu.memory_space<vmem>>[vector<16xi32>, vector<16xi32>], vector<16xf32>,
        } {sc.loop_unroll_factor = 8 : i64, sc.parallel_access}
        %mul3A_1335 = arith.constant 8 : i32
        %mul3A_1336 = arith.muli %shift_right_logical3A_835, %mul3A_1335 : i32
        %add3A_1337 = arith.addi %mul3A_1336, %add3A_1249 : i32
        %dma_start3A_1338 = arith.constant 2 : i32
        %dma_start3A_1339 = arith.constant 0 : i32
        %dma_start3A_1340 = arith.constant 0 : i32
        %dma_start3A_1341 = arith.constant 0 : i32
        %dma_start3A_1342 = tpu.memref_slice %arg7[%dma_start3A_1338, %dma_start3A_1340, %dma_start3A_1341] : memref<4x32x129xf32, #tpu.memory_space<vmem>> -> memref<1x8x128xf32, #tpu.memory_space<vmem>>
        %dma_start3A_1343 = tpu.memref_squeeze %dma_start3A_1342 : memref<1x8x128xf32, #tpu.memory_space<vmem>> -> memref<8x128xf32, #tpu.memory_space<vmem>>
        %dma_start3A_1344 = arith.constant 0 : i32
        %dma_start3A_1345 = arith.constant 0 : i32
        %dma_start3A_1346 = tpu.memref_slice %arg4[%add3A_1337, %dma_start3A_1339, %add3A_842, %dma_start3A_1344, %dma_start3A_1345] : memref<200x4x128x8x128xf32, #tpu.memory_space<hbm>> -> memref<1x1x1x8x128xf32, #tpu.memory_space<hbm>>
        %dma_start3A_1347 = tpu.memref_squeeze %dma_start3A_1346 : memref<1x1x1x8x128xf32, #tpu.memory_space<hbm>> -> memref<8x128xf32, #tpu.memory_space<hbm>>
        %dma_start3A_1348 = arith.constant 0 : i32
        %dma_start3A_1349 = arith.constant 0 : i32
        %dma_start3A_1350 = tpu.memref_slice %arg4[%add3A_1337, %dma_start3A_1339, %add3A_842, %dma_start3A_1348, %dma_start3A_1349] : memref<200x4x128x8x128xf32, #tpu.memory_space<hbm>> -> memref<1x1x1x8x128xf32, #tpu.memory_space<hbm>>
        %dma_start3A_1351 = tpu.memref_squeeze %dma_start3A_1350 : memref<1x1x1x8x128xf32, #tpu.memory_space<hbm>> -> memref<8x128xf32, #tpu.memory_space<hbm>>
        %dma_start3A_1352 = arith.constant 0 : i32
        %dma_start3A_1353 = arith.constant 0 : i32
        %dma_start3A_1354 = tpu.memref_slice %arg7[%dma_start3A_1338, %dma_start3A_1352, %dma_start3A_1353] : memref<4x32x129xf32, #tpu.memory_space<vmem>> -> memref<1x8x128xf32, #tpu.memory_space<vmem>>
        %dma_start3A_1355 = tpu.memref_squeeze %dma_start3A_1354 : memref<1x8x128xf32, #tpu.memory_space<vmem>> -> memref<8x128xf32, #tpu.memory_space<vmem>>
        tpu.enqueue_dma source(%dma_start3A_1355 : memref<8x128xf32, #tpu.memory_space<vmem>>) target(%dma_start3A_1351 : memref<8x128xf32, #tpu.memory_space<hbm>>) target_semaphore(%arg14 : memref<!tpu.dma_semaphore, #tpu.memory_space<semaphore_mem>>)
        %dma_start3A_1356 = arith.constant 2 : i32
        %dma_start3A_1357 = arith.constant 1 : i32
        %dma_start3A_1358 = arith.constant 8 : i32
        %dma_start3A_1359 = arith.constant 0 : i32
        %dma_start3A_1360 = tpu.memref_slice %arg7[%dma_start3A_1356, %dma_start3A_1358, %dma_start3A_1359] : memref<4x32x129xf32, #tpu.memory_space<vmem>> -> memref<1x8x128xf32, #tpu.memory_space<vmem>>
        %dma_start3A_1361 = tpu.memref_squeeze %dma_start3A_1360 : memref<1x8x128xf32, #tpu.memory_space<vmem>> -> memref<8x128xf32, #tpu.memory_space<vmem>>
        %dma_start3A_1362 = arith.constant 0 : i32
        %dma_start3A_1363 = arith.constant 0 : i32
        %dma_start3A_1364 = tpu.memref_slice %arg4[%add3A_1337, %dma_start3A_1357, %add3A_842, %dma_start3A_1362, %dma_start3A_1363] : memref<200x4x128x8x128xf32, #tpu.memory_space<hbm>> -> memref<1x1x1x8x128xf32, #tpu.memory_space<hbm>>
        %dma_start3A_1365 = tpu.memref_squeeze %dma_start3A_1364 : memref<1x1x1x8x128xf32, #tpu.memory_space<hbm>> -> memref<8x128xf32, #tpu.memory_space<hbm>>
        %dma_start3A_1366 = arith.constant 0 : i32
        %dma_start3A_1367 = arith.constant 0 : i32
        %dma_start3A_1368 = tpu.memref_slice %arg4[%add3A_1337, %dma_start3A_1357, %add3A_842, %dma_start3A_1366, %dma_start3A_1367] : memref<200x4x128x8x128xf32, #tpu.memory_space<hbm>> -> memref<1x1x1x8x128xf32, #tpu.memory_space<hbm>>
        %dma_start3A_1369 = tpu.memref_squeeze %dma_start3A_1368 : memref<1x1x1x8x128xf32, #tpu.memory_space<hbm>> -> memref<8x128xf32, #tpu.memory_space<hbm>>
        %dma_start3A_1370 = arith.constant 8 : i32
        %dma_start3A_1371 = arith.constant 0 : i32
        %dma_start3A_1372 = tpu.memref_slice %arg7[%dma_start3A_1356, %dma_start3A_1370, %dma_start3A_1371] : memref<4x32x129xf32, #tpu.memory_space<vmem>> -> memref<1x8x128xf32, #tpu.memory_space<vmem>>
        %dma_start3A_1373 = tpu.memref_squeeze %dma_start3A_1372 : memref<1x8x128xf32, #tpu.memory_space<vmem>> -> memref<8x128xf32, #tpu.memory_space<vmem>>
        tpu.enqueue_dma source(%dma_start3A_1373 : memref<8x128xf32, #tpu.memory_space<vmem>>) target(%dma_start3A_1369 : memref<8x128xf32, #tpu.memory_space<hbm>>) target_semaphore(%arg14 : memref<!tpu.dma_semaphore, #tpu.memory_space<semaphore_mem>>)
        %dma_start3A_1374 = arith.constant 2 : i32
        %dma_start3A_1375 = arith.constant 2 : i32
        %dma_start3A_1376 = arith.constant 16 : i32
        %dma_start3A_1377 = arith.constant 0 : i32
        %dma_start3A_1378 = tpu.memref_slice %arg7[%dma_start3A_1374, %dma_start3A_1376, %dma_start3A_1377] : memref<4x32x129xf32, #tpu.memory_space<vmem>> -> memref<1x8x128xf32, #tpu.memory_space<vmem>>
        %dma_start3A_1379 = tpu.memref_squeeze %dma_start3A_1378 : memref<1x8x128xf32, #tpu.memory_space<vmem>> -> memref<8x128xf32, #tpu.memory_space<vmem>>
        %dma_start3A_1380 = arith.constant 0 : i32
        %dma_start3A_1381 = arith.constant 0 : i32
        %dma_start3A_1382 = tpu.memref_slice %arg4[%add3A_1337, %dma_start3A_1375, %add3A_842, %dma_start3A_1380, %dma_start3A_1381] : memref<200x4x128x8x128xf32, #tpu.memory_space<hbm>> -> memref<1x1x1x8x128xf32, #tpu.memory_space<hbm>>
        %dma_start3A_1383 = tpu.memref_squeeze %dma_start3A_1382 : memref<1x1x1x8x128xf32, #tpu.memory_space<hbm>> -> memref<8x128xf32, #tpu.memory_space<hbm>>
        %dma_start3A_1384 = arith.constant 0 : i32
        %dma_start3A_1385 = arith.constant 0 : i32
        %dma_start3A_1386 = tpu.memref_slice %arg4[%add3A_1337, %dma_start3A_1375, %add3A_842, %dma_start3A_1384, %dma_start3A_1385] : memref<200x4x128x8x128xf32, #tpu.memory_space<hbm>> -> memref<1x1x1x8x128xf32, #tpu.memory_space<hbm>>
        %dma_start3A_1387 = tpu.memref_squeeze %dma_start3A_1386 : memref<1x1x1x8x128xf32, #tpu.memory_space<hbm>> -> memref<8x128xf32, #tpu.memory_space<hbm>>
        %dma_start3A_1388 = arith.constant 16 : i32
        %dma_start3A_1389 = arith.constant 0 : i32
        %dma_start3A_1390 = tpu.memref_slice %arg7[%dma_start3A_1374, %dma_start3A_1388, %dma_start3A_1389] : memref<4x32x129xf32, #tpu.memory_space<vmem>> -> memref<1x8x128xf32, #tpu.memory_space<vmem>>
        %dma_start3A_1391 = tpu.memref_squeeze %dma_start3A_1390 : memref<1x8x128xf32, #tpu.memory_space<vmem>> -> memref<8x128xf32, #tpu.memory_space<vmem>>
        tpu.enqueue_dma source(%dma_start3A_1391 : memref<8x128xf32, #tpu.memory_space<vmem>>) target(%dma_start3A_1387 : memref<8x128xf32, #tpu.memory_space<hbm>>) target_semaphore(%arg14 : memref<!tpu.dma_semaphore, #tpu.memory_space<semaphore_mem>>)
        %dma_start3A_1392 = arith.constant 2 : i32
        %dma_start3A_1393 = arith.constant 3 : i32
        %dma_start3A_1394 = arith.constant 24 : i32
        %dma_start3A_1395 = arith.constant 0 : i32
        %dma_start3A_1396 = tpu.memref_slice %arg7[%dma_start3A_1392, %dma_start3A_1394, %dma_start3A_1395] : memref<4x32x129xf32, #tpu.memory_space<vmem>> -> memref<1x8x128xf32, #tpu.memory_space<vmem>>
        %dma_start3A_1397 = tpu.memref_squeeze %dma_start3A_1396 : memref<1x8x128xf32, #tpu.memory_space<vmem>> -> memref<8x128xf32, #tpu.memory_space<vmem>>
        %dma_start3A_1398 = arith.constant 0 : i32
        %dma_start3A_1399 = arith.constant 0 : i32
        %dma_start3A_1400 = tpu.memref_slice %arg4[%add3A_1337, %dma_start3A_1393, %add3A_842, %dma_start3A_1398, %dma_start3A_1399] : memref<200x4x128x8x128xf32, #tpu.memory_space<hbm>> -> memref<1x1x1x8x128xf32, #tpu.memory_space<hbm>>
        %dma_start3A_1401 = tpu.memref_squeeze %dma_start3A_1400 : memref<1x1x1x8x128xf32, #tpu.memory_space<hbm>> -> memref<8x128xf32, #tpu.memory_space<hbm>>
        %dma_start3A_1402 = arith.constant 0 : i32
        %dma_start3A_1403 = arith.constant 0 : i32
        %dma_start3A_1404 = tpu.memref_slice %arg4[%add3A_1337, %dma_start3A_1393, %add3A_842, %dma_start3A_1402, %dma_start3A_1403] : memref<200x4x128x8x128xf32, #tpu.memory_space<hbm>> -> memref<1x1x1x8x128xf32, #tpu.memory_space<hbm>>
        %dma_start3A_1405 = tpu.memref_squeeze %dma_start3A_1404 : memref<1x1x1x8x128xf32, #tpu.memory_space<hbm>> -> memref<8x128xf32, #tpu.memory_space<hbm>>
        %dma_start3A_1406 = arith.constant 24 : i32
        %dma_start3A_1407 = arith.constant 0 : i32
        %dma_start3A_1408 = tpu.memref_slice %arg7[%dma_start3A_1392, %dma_start3A_1406, %dma_start3A_1407] : memref<4x32x129xf32, #tpu.memory_space<vmem>> -> memref<1x8x128xf32, #tpu.memory_space<vmem>>
        %dma_start3A_1409 = tpu.memref_squeeze %dma_start3A_1408 : memref<1x8x128xf32, #tpu.memory_space<vmem>> -> memref<8x128xf32, #tpu.memory_space<vmem>>
        tpu.enqueue_dma source(%dma_start3A_1409 : memref<8x128xf32, #tpu.memory_space<vmem>>) target(%dma_start3A_1405 : memref<8x128xf32, #tpu.memory_space<hbm>>) target_semaphore(%arg14 : memref<!tpu.dma_semaphore, #tpu.memory_space<semaphore_mem>>)
        %mul3A_1410 = arith.constant 4 : i32
        %mul3A_1411 = arith.muli %mul3A_1410, %scan3A_918 : i32
        %add3A_1412 = arith.constant 3 : i32
        %add3A_1413 = arith.addi %mul3A_1411, %add3A_1412 : i32
        %dma_wait3A_1414 = arith.constant 3 : i32
        %dma_wait3A_1415 = arith.constant 0 : i32
        %dma_wait3A_1416 = arith.constant 0 : i32
        %dma_wait3A_1417 = arith.constant 0 : i32
        %dma_wait3A_1418 = arith.constant 0 : i32
        %dma_wait3A_1419 = arith.constant 0 : i32
        %dma_wait3A_1420 = tpu.memref_slice %arg7[%dma_wait3A_1414, %dma_wait3A_1418, %dma_wait3A_1419] : memref<4x32x129xf32, #tpu.memory_space<vmem>> -> memref<1x8x128xf32, #tpu.memory_space<vmem>>
        %dma_wait3A_1421 = tpu.memref_squeeze %dma_wait3A_1420 : memref<1x8x128xf32, #tpu.memory_space<vmem>> -> memref<8x128xf32, #tpu.memory_space<vmem>>
        %dma_wait3A_1422 = arith.constant 0 : i32
        %dma_wait3A_1423 = arith.constant 0 : i32
        %dma_wait3A_1424 = tpu.memref_slice %arg4[%dma_wait3A_1415, %dma_wait3A_1416, %dma_wait3A_1417, %dma_wait3A_1422, %dma_wait3A_1423] : memref<200x4x128x8x128xf32, #tpu.memory_space<hbm>> -> memref<1x1x1x8x128xf32, #tpu.memory_space<hbm>>
        %dma_wait3A_1425 = tpu.memref_squeeze %dma_wait3A_1424 : memref<1x1x1x8x128xf32, #tpu.memory_space<hbm>> -> memref<8x128xf32, #tpu.memory_space<hbm>>
        %dma_wait3A_1426 = arith.constant 0 : i32
        %dma_wait3A_1427 = arith.constant 0 : i32
        %dma_wait3A_1428 = tpu.memref_slice %arg4[%dma_wait3A_1415, %dma_wait3A_1416, %dma_wait3A_1417, %dma_wait3A_1426, %dma_wait3A_1427] : memref<200x4x128x8x128xf32, #tpu.memory_space<hbm>> -> memref<1x1x1x8x128xf32, #tpu.memory_space<hbm>>
        %dma_wait3A_1429 = tpu.memref_squeeze %dma_wait3A_1428 : memref<1x1x1x8x128xf32, #tpu.memory_space<hbm>> -> memref<8x128xf32, #tpu.memory_space<hbm>>
        %dma_wait3A_1430 = arith.constant 0 : i32
        %dma_wait3A_1431 = arith.constant 0 : i32
        %dma_wait3A_1432 = tpu.memref_slice %arg7[%dma_wait3A_1414, %dma_wait3A_1430, %dma_wait3A_1431] : memref<4x32x129xf32, #tpu.memory_space<vmem>> -> memref<1x8x128xf32, #tpu.memory_space<vmem>>
        %dma_wait3A_1433 = tpu.memref_squeeze %dma_wait3A_1432 : memref<1x8x128xf32, #tpu.memory_space<vmem>> -> memref<8x128xf32, #tpu.memory_space<vmem>>
        tpu.wait_dma2 semaphore(%arg15 : memref<!tpu.dma_semaphore, #tpu.memory_space<semaphore_mem>>) src(%dma_wait3A_1433 : memref<8x128xf32, #tpu.memory_space<vmem>>) dst(%dma_wait3A_1429 : memref<8x128xf32, #tpu.memory_space<hbm>>)
        %dma_wait3A_1434 = arith.constant 3 : i32
        %dma_wait3A_1435 = arith.constant 0 : i32
        %dma_wait3A_1436 = arith.constant 1 : i32
        %dma_wait3A_1437 = arith.constant 0 : i32
        %dma_wait3A_1438 = arith.constant 8 : i32
        %dma_wait3A_1439 = arith.constant 0 : i32
        %dma_wait3A_1440 = tpu.memref_slice %arg7[%dma_wait3A_1434, %dma_wait3A_1438, %dma_wait3A_1439] : memref<4x32x129xf32, #tpu.memory_space<vmem>> -> memref<1x8x128xf32, #tpu.memory_space<vmem>>
        %dma_wait3A_1441 = tpu.memref_squeeze %dma_wait3A_1440 : memref<1x8x128xf32, #tpu.memory_space<vmem>> -> memref<8x128xf32, #tpu.memory_space<vmem>>
        %dma_wait3A_1442 = arith.constant 0 : i32
        %dma_wait3A_1443 = arith.constant 0 : i32
        %dma_wait3A_1444 = tpu.memref_slice %arg4[%dma_wait3A_1435, %dma_wait3A_1436, %dma_wait3A_1437, %dma_wait3A_1442, %dma_wait3A_1443] : memref<200x4x128x8x128xf32, #tpu.memory_space<hbm>> -> memref<1x1x1x8x128xf32, #tpu.memory_space<hbm>>
        %dma_wait3A_1445 = tpu.memref_squeeze %dma_wait3A_1444 : memref<1x1x1x8x128xf32, #tpu.memory_space<hbm>> -> memref<8x128xf32, #tpu.memory_space<hbm>>
        %dma_wait3A_1446 = arith.constant 0 : i32
        %dma_wait3A_1447 = arith.constant 0 : i32
        %dma_wait3A_1448 = tpu.memref_slice %arg4[%dma_wait3A_1435, %dma_wait3A_1436, %dma_wait3A_1437, %dma_wait3A_1446, %dma_wait3A_1447] : memref<200x4x128x8x128xf32, #tpu.memory_space<hbm>> -> memref<1x1x1x8x128xf32, #tpu.memory_space<hbm>>
        %dma_wait3A_1449 = tpu.memref_squeeze %dma_wait3A_1448 : memref<1x1x1x8x128xf32, #tpu.memory_space<hbm>> -> memref<8x128xf32, #tpu.memory_space<hbm>>
        %dma_wait3A_1450 = arith.constant 8 : i32
        %dma_wait3A_1451 = arith.constant 0 : i32
        %dma_wait3A_1452 = tpu.memref_slice %arg7[%dma_wait3A_1434, %dma_wait3A_1450, %dma_wait3A_1451] : memref<4x32x129xf32, #tpu.memory_space<vmem>> -> memref<1x8x128xf32, #tpu.memory_space<vmem>>
        %dma_wait3A_1453 = tpu.memref_squeeze %dma_wait3A_1452 : memref<1x8x128xf32, #tpu.memory_space<vmem>> -> memref<8x128xf32, #tpu.memory_space<vmem>>
        tpu.wait_dma2 semaphore(%arg15 : memref<!tpu.dma_semaphore, #tpu.memory_space<semaphore_mem>>) src(%dma_wait3A_1453 : memref<8x128xf32, #tpu.memory_space<vmem>>) dst(%dma_wait3A_1449 : memref<8x128xf32, #tpu.memory_space<hbm>>)
        %dma_wait3A_1454 = arith.constant 3 : i32
        %dma_wait3A_1455 = arith.constant 0 : i32
        %dma_wait3A_1456 = arith.constant 2 : i32
        %dma_wait3A_1457 = arith.constant 0 : i32
        %dma_wait3A_1458 = arith.constant 16 : i32
        %dma_wait3A_1459 = arith.constant 0 : i32
        %dma_wait3A_1460 = tpu.memref_slice %arg7[%dma_wait3A_1454, %dma_wait3A_1458, %dma_wait3A_1459] : memref<4x32x129xf32, #tpu.memory_space<vmem>> -> memref<1x8x128xf32, #tpu.memory_space<vmem>>
        %dma_wait3A_1461 = tpu.memref_squeeze %dma_wait3A_1460 : memref<1x8x128xf32, #tpu.memory_space<vmem>> -> memref<8x128xf32, #tpu.memory_space<vmem>>
        %dma_wait3A_1462 = arith.constant 0 : i32
        %dma_wait3A_1463 = arith.constant 0 : i32
        %dma_wait3A_1464 = tpu.memref_slice %arg4[%dma_wait3A_1455, %dma_wait3A_1456, %dma_wait3A_1457, %dma_wait3A_1462, %dma_wait3A_1463] : memref<200x4x128x8x128xf32, #tpu.memory_space<hbm>> -> memref<1x1x1x8x128xf32, #tpu.memory_space<hbm>>
        %dma_wait3A_1465 = tpu.memref_squeeze %dma_wait3A_1464 : memref<1x1x1x8x128xf32, #tpu.memory_space<hbm>> -> memref<8x128xf32, #tpu.memory_space<hbm>>
        %dma_wait3A_1466 = arith.constant 0 : i32
        %dma_wait3A_1467 = arith.constant 0 : i32
        %dma_wait3A_1468 = tpu.memref_slice %arg4[%dma_wait3A_1455, %dma_wait3A_1456, %dma_wait3A_1457, %dma_wait3A_1466, %dma_wait3A_1467] : memref<200x4x128x8x128xf32, #tpu.memory_space<hbm>> -> memref<1x1x1x8x128xf32, #tpu.memory_space<hbm>>
        %dma_wait3A_1469 = tpu.memref_squeeze %dma_wait3A_1468 : memref<1x1x1x8x128xf32, #tpu.memory_space<hbm>> -> memref<8x128xf32, #tpu.memory_space<hbm>>
        %dma_wait3A_1470 = arith.constant 16 : i32
        %dma_wait3A_1471 = arith.constant 0 : i32
        %dma_wait3A_1472 = tpu.memref_slice %arg7[%dma_wait3A_1454, %dma_wait3A_1470, %dma_wait3A_1471] : memref<4x32x129xf32, #tpu.memory_space<vmem>> -> memref<1x8x128xf32, #tpu.memory_space<vmem>>
        %dma_wait3A_1473 = tpu.memref_squeeze %dma_wait3A_1472 : memref<1x8x128xf32, #tpu.memory_space<vmem>> -> memref<8x128xf32, #tpu.memory_space<vmem>>
        tpu.wait_dma2 semaphore(%arg15 : memref<!tpu.dma_semaphore, #tpu.memory_space<semaphore_mem>>) src(%dma_wait3A_1473 : memref<8x128xf32, #tpu.memory_space<vmem>>) dst(%dma_wait3A_1469 : memref<8x128xf32, #tpu.memory_space<hbm>>)
        %dma_wait3A_1474 = arith.constant 3 : i32
        %dma_wait3A_1475 = arith.constant 0 : i32
        %dma_wait3A_1476 = arith.constant 3 : i32
        %dma_wait3A_1477 = arith.constant 0 : i32
        %dma_wait3A_1478 = arith.constant 24 : i32
        %dma_wait3A_1479 = arith.constant 0 : i32
        %dma_wait3A_1480 = tpu.memref_slice %arg7[%dma_wait3A_1474, %dma_wait3A_1478, %dma_wait3A_1479] : memref<4x32x129xf32, #tpu.memory_space<vmem>> -> memref<1x8x128xf32, #tpu.memory_space<vmem>>
        %dma_wait3A_1481 = tpu.memref_squeeze %dma_wait3A_1480 : memref<1x8x128xf32, #tpu.memory_space<vmem>> -> memref<8x128xf32, #tpu.memory_space<vmem>>
        %dma_wait3A_1482 = arith.constant 0 : i32
        %dma_wait3A_1483 = arith.constant 0 : i32
        %dma_wait3A_1484 = tpu.memref_slice %arg4[%dma_wait3A_1475, %dma_wait3A_1476, %dma_wait3A_1477, %dma_wait3A_1482, %dma_wait3A_1483] : memref<200x4x128x8x128xf32, #tpu.memory_space<hbm>> -> memref<1x1x1x8x128xf32, #tpu.memory_space<hbm>>
        %dma_wait3A_1485 = tpu.memref_squeeze %dma_wait3A_1484 : memref<1x1x1x8x128xf32, #tpu.memory_space<hbm>> -> memref<8x128xf32, #tpu.memory_space<hbm>>
        %dma_wait3A_1486 = arith.constant 0 : i32
        %dma_wait3A_1487 = arith.constant 0 : i32
        %dma_wait3A_1488 = tpu.memref_slice %arg4[%dma_wait3A_1475, %dma_wait3A_1476, %dma_wait3A_1477, %dma_wait3A_1486, %dma_wait3A_1487] : memref<200x4x128x8x128xf32, #tpu.memory_space<hbm>> -> memref<1x1x1x8x128xf32, #tpu.memory_space<hbm>>
        %dma_wait3A_1489 = tpu.memref_squeeze %dma_wait3A_1488 : memref<1x1x1x8x128xf32, #tpu.memory_space<hbm>> -> memref<8x128xf32, #tpu.memory_space<hbm>>
        %dma_wait3A_1490 = arith.constant 24 : i32
        %dma_wait3A_1491 = arith.constant 0 : i32
        %dma_wait3A_1492 = tpu.memref_slice %arg7[%dma_wait3A_1474, %dma_wait3A_1490, %dma_wait3A_1491] : memref<4x32x129xf32, #tpu.memory_space<vmem>> -> memref<1x8x128xf32, #tpu.memory_space<vmem>>
        %dma_wait3A_1493 = tpu.memref_squeeze %dma_wait3A_1492 : memref<1x8x128xf32, #tpu.memory_space<vmem>> -> memref<8x128xf32, #tpu.memory_space<vmem>>
        tpu.wait_dma2 semaphore(%arg15 : memref<!tpu.dma_semaphore, #tpu.memory_space<semaphore_mem>>) src(%dma_wait3A_1493 : memref<8x128xf32, #tpu.memory_space<vmem>>) dst(%dma_wait3A_1489 : memref<8x128xf32, #tpu.memory_space<hbm>>)
        %mul3A_1494 = arith.constant 128 : i32
        %mul3A_1495 = arith.muli %add3A_1413, %mul3A_1494 : i32
        %parallel_loop3A_1496 = arith.constant 0 : i32
        %parallel_loop3A_1497 = arith.constant 128 : i32
        %parallel_loop3A_1498 = arith.constant 1 : i32
        scf.for %parallel_loop3A_1574 = %parallel_loop3A_1496 to %parallel_loop3A_1497 step %parallel_loop3A_1498  : i32 {
          %parallel_loop3A_1575 = arith.addi %mul3A_1495, %parallel_loop3A_1574 : i32
          %parallel_loop3A_1576 = vector.broadcast %parallel_loop3A_1574 : i32 to vector<16xi32>
          %parallel_loop3A_1577 = arith.addi %broadcast_in_dim3A_908, %parallel_loop3A_1576 : vector<16xi32>
          %parallel_loop3A_1578 = arith.constant 1 : i32
          %parallel_loop3A_1579 = arith.index_cast %parallel_loop3A_1578 : i32 to index
          %parallel_loop3A_1580 = arith.index_cast %parallel_loop3A_1575 : i32 to index
          %parallel_loop3A_1581 = arith.constant 0 : index
          %parallel_loop3A_1582 = tpu.vector_load %arg6[%parallel_loop3A_1579, %parallel_loop3A_1580, %parallel_loop3A_1581] {strides = array<i32>} : memref<2x1024x32xf32, #tpu.memory_space<vmem>>, vector<16xf32>,
          %parallel_loop3A_1583 = arith.constant 1 : i32
          %parallel_loop3A_1584 = arith.index_cast %parallel_loop3A_1583 : i32 to index
          %parallel_loop3A_1585 = arith.index_cast %parallel_loop3A_1575 : i32 to index
          %parallel_loop3A_1586 = arith.constant 16 : index
          %parallel_loop3A_1587 = tpu.vector_load %arg6[%parallel_loop3A_1584, %parallel_loop3A_1585, %parallel_loop3A_1586] {strides = array<i32>} : memref<2x1024x32xf32, #tpu.memory_space<vmem>>, vector<16xf32>,
          %parallel_loop3A_1588 = arith.constant 3 : i32
          %parallel_loop3A_1589 = arith.constant 0 : i32
          %parallel_loop3A_1590 = arith.constant 0 : i32
          %parallel_loop3A_1591 = tpu.memref_slice %arg7[%parallel_loop3A_1588, %parallel_loop3A_1589, %parallel_loop3A_1590] : memref<4x32x129xf32, #tpu.memory_space<vmem>> -> memref<1x32x129xf32, #tpu.memory_space<vmem>>
          %parallel_loop3A_1592 = tpu.memref_squeeze %parallel_loop3A_1591 : memref<1x32x129xf32, #tpu.memory_space<vmem>> -> memref<32x129xf32, #tpu.memory_space<vmem>>
          tpu.vector_store_idx %parallel_loop3A_1592[%iota3A, %parallel_loop3A_1577], %parallel_loop3A_1582 : memref<32x129xf32, #tpu.memory_space<vmem>>[vector<16xi32>, vector<16xi32>], vector<16xf32>,
          %parallel_loop3A_1593 = arith.constant 3 : i32
          %parallel_loop3A_1594 = arith.constant 0 : i32
          %parallel_loop3A_1595 = arith.constant 0 : i32
          %parallel_loop3A_1596 = tpu.memref_slice %arg7[%parallel_loop3A_1593, %parallel_loop3A_1594, %parallel_loop3A_1595] : memref<4x32x129xf32, #tpu.memory_space<vmem>> -> memref<1x32x129xf32, #tpu.memory_space<vmem>>
          %parallel_loop3A_1597 = tpu.memref_squeeze %parallel_loop3A_1596 : memref<1x32x129xf32, #tpu.memory_space<vmem>> -> memref<32x129xf32, #tpu.memory_space<vmem>>
          tpu.vector_store_idx %parallel_loop3A_1597[%add3A_911, %parallel_loop3A_1577], %parallel_loop3A_1587 : memref<32x129xf32, #tpu.memory_space<vmem>>[vector<16xi32>, vector<16xi32>], vector<16xf32>,
        } {sc.loop_unroll_factor = 8 : i64, sc.parallel_access}
        %mul3A_1499 = arith.constant 8 : i32
        %mul3A_1500 = arith.muli %shift_right_logical3A_835, %mul3A_1499 : i32
        %add3A_1501 = arith.addi %mul3A_1500, %add3A_1413 : i32
        %dma_start3A_1502 = arith.constant 3 : i32
        %dma_start3A_1503 = arith.constant 0 : i32
        %dma_start3A_1504 = arith.constant 0 : i32
        %dma_start3A_1505 = arith.constant 0 : i32
        %dma_start3A_1506 = tpu.memref_slice %arg7[%dma_start3A_1502, %dma_start3A_1504, %dma_start3A_1505] : memref<4x32x129xf32, #tpu.memory_space<vmem>> -> memref<1x8x128xf32, #tpu.memory_space<vmem>>
        %dma_start3A_1507 = tpu.memref_squeeze %dma_start3A_1506 : memref<1x8x128xf32, #tpu.memory_space<vmem>> -> memref<8x128xf32, #tpu.memory_space<vmem>>
        %dma_start3A_1508 = arith.constant 0 : i32
        %dma_start3A_1509 = arith.constant 0 : i32
        %dma_start3A_1510 = tpu.memref_slice %arg4[%add3A_1501, %dma_start3A_1503, %add3A_842, %dma_start3A_1508, %dma_start3A_1509] : memref<200x4x128x8x128xf32, #tpu.memory_space<hbm>> -> memref<1x1x1x8x128xf32, #tpu.memory_space<hbm>>
        %dma_start3A_1511 = tpu.memref_squeeze %dma_start3A_1510 : memref<1x1x1x8x128xf32, #tpu.memory_space<hbm>> -> memref<8x128xf32, #tpu.memory_space<hbm>>
        %dma_start3A_1512 = arith.constant 0 : i32
        %dma_start3A_1513 = arith.constant 0 : i32
        %dma_start3A_1514 = tpu.memref_slice %arg4[%add3A_1501, %dma_start3A_1503, %add3A_842, %dma_start3A_1512, %dma_start3A_1513] : memref<200x4x128x8x128xf32, #tpu.memory_space<hbm>> -> memref<1x1x1x8x128xf32, #tpu.memory_space<hbm>>
        %dma_start3A_1515 = tpu.memref_squeeze %dma_start3A_1514 : memref<1x1x1x8x128xf32, #tpu.memory_space<hbm>> -> memref<8x128xf32, #tpu.memory_space<hbm>>
        %dma_start3A_1516 = arith.constant 0 : i32
        %dma_start3A_1517 = arith.constant 0 : i32
        %dma_start3A_1518 = tpu.memref_slice %arg7[%dma_start3A_1502, %dma_start3A_1516, %dma_start3A_1517] : memref<4x32x129xf32, #tpu.memory_space<vmem>> -> memref<1x8x128xf32, #tpu.memory_space<vmem>>
        %dma_start3A_1519 = tpu.memref_squeeze %dma_start3A_1518 : memref<1x8x128xf32, #tpu.memory_space<vmem>> -> memref<8x128xf32, #tpu.memory_space<vmem>>
        tpu.enqueue_dma source(%dma_start3A_1519 : memref<8x128xf32, #tpu.memory_space<vmem>>) target(%dma_start3A_1515 : memref<8x128xf32, #tpu.memory_space<hbm>>) target_semaphore(%arg15 : memref<!tpu.dma_semaphore, #tpu.memory_space<semaphore_mem>>)
        %dma_start3A_1520 = arith.constant 3 : i32
        %dma_start3A_1521 = arith.constant 1 : i32
        %dma_start3A_1522 = arith.constant 8 : i32
        %dma_start3A_1523 = arith.constant 0 : i32
        %dma_start3A_1524 = tpu.memref_slice %arg7[%dma_start3A_1520, %dma_start3A_1522, %dma_start3A_1523] : memref<4x32x129xf32, #tpu.memory_space<vmem>> -> memref<1x8x128xf32, #tpu.memory_space<vmem>>
        %dma_start3A_1525 = tpu.memref_squeeze %dma_start3A_1524 : memref<1x8x128xf32, #tpu.memory_space<vmem>> -> memref<8x128xf32, #tpu.memory_space<vmem>>
        %dma_start3A_1526 = arith.constant 0 : i32
        %dma_start3A_1527 = arith.constant 0 : i32
        %dma_start3A_1528 = tpu.memref_slice %arg4[%add3A_1501, %dma_start3A_1521, %add3A_842, %dma_start3A_1526, %dma_start3A_1527] : memref<200x4x128x8x128xf32, #tpu.memory_space<hbm>> -> memref<1x1x1x8x128xf32, #tpu.memory_space<hbm>>
        %dma_start3A_1529 = tpu.memref_squeeze %dma_start3A_1528 : memref<1x1x1x8x128xf32, #tpu.memory_space<hbm>> -> memref<8x128xf32, #tpu.memory_space<hbm>>
        %dma_start3A_1530 = arith.constant 0 : i32
        %dma_start3A_1531 = arith.constant 0 : i32
        %dma_start3A_1532 = tpu.memref_slice %arg4[%add3A_1501, %dma_start3A_1521, %add3A_842, %dma_start3A_1530, %dma_start3A_1531] : memref<200x4x128x8x128xf32, #tpu.memory_space<hbm>> -> memref<1x1x1x8x128xf32, #tpu.memory_space<hbm>>
        %dma_start3A_1533 = tpu.memref_squeeze %dma_start3A_1532 : memref<1x1x1x8x128xf32, #tpu.memory_space<hbm>> -> memref<8x128xf32, #tpu.memory_space<hbm>>
        %dma_start3A_1534 = arith.constant 8 : i32
        %dma_start3A_1535 = arith.constant 0 : i32
        %dma_start3A_1536 = tpu.memref_slice %arg7[%dma_start3A_1520, %dma_start3A_1534, %dma_start3A_1535] : memref<4x32x129xf32, #tpu.memory_space<vmem>> -> memref<1x8x128xf32, #tpu.memory_space<vmem>>
        %dma_start3A_1537 = tpu.memref_squeeze %dma_start3A_1536 : memref<1x8x128xf32, #tpu.memory_space<vmem>> -> memref<8x128xf32, #tpu.memory_space<vmem>>
        tpu.enqueue_dma source(%dma_start3A_1537 : memref<8x128xf32, #tpu.memory_space<vmem>>) target(%dma_start3A_1533 : memref<8x128xf32, #tpu.memory_space<hbm>>) target_semaphore(%arg15 : memref<!tpu.dma_semaphore, #tpu.memory_space<semaphore_mem>>)
        %dma_start3A_1538 = arith.constant 3 : i32
        %dma_start3A_1539 = arith.constant 2 : i32
        %dma_start3A_1540 = arith.constant 16 : i32
        %dma_start3A_1541 = arith.constant 0 : i32
        %dma_start3A_1542 = tpu.memref_slice %arg7[%dma_start3A_1538, %dma_start3A_1540, %dma_start3A_1541] : memref<4x32x129xf32, #tpu.memory_space<vmem>> -> memref<1x8x128xf32, #tpu.memory_space<vmem>>
        %dma_start3A_1543 = tpu.memref_squeeze %dma_start3A_1542 : memref<1x8x128xf32, #tpu.memory_space<vmem>> -> memref<8x128xf32, #tpu.memory_space<vmem>>
        %dma_start3A_1544 = arith.constant 0 : i32
        %dma_start3A_1545 = arith.constant 0 : i32
        %dma_start3A_1546 = tpu.memref_slice %arg4[%add3A_1501, %dma_start3A_1539, %add3A_842, %dma_start3A_1544, %dma_start3A_1545] : memref<200x4x128x8x128xf32, #tpu.memory_space<hbm>> -> memref<1x1x1x8x128xf32, #tpu.memory_space<hbm>>
        %dma_start3A_1547 = tpu.memref_squeeze %dma_start3A_1546 : memref<1x1x1x8x128xf32, #tpu.memory_space<hbm>> -> memref<8x128xf32, #tpu.memory_space<hbm>>
        %dma_start3A_1548 = arith.constant 0 : i32
        %dma_start3A_1549 = arith.constant 0 : i32
        %dma_start3A_1550 = tpu.memref_slice %arg4[%add3A_1501, %dma_start3A_1539, %add3A_842, %dma_start3A_1548, %dma_start3A_1549] : memref<200x4x128x8x128xf32, #tpu.memory_space<hbm>> -> memref<1x1x1x8x128xf32, #tpu.memory_space<hbm>>
        %dma_start3A_1551 = tpu.memref_squeeze %dma_start3A_1550 : memref<1x1x1x8x128xf32, #tpu.memory_space<hbm>> -> memref<8x128xf32, #tpu.memory_space<hbm>>
        %dma_start3A_1552 = arith.constant 16 : i32
        %dma_start3A_1553 = arith.constant 0 : i32
        %dma_start3A_1554 = tpu.memref_slice %arg7[%dma_start3A_1538, %dma_start3A_1552, %dma_start3A_1553] : memref<4x32x129xf32, #tpu.memory_space<vmem>> -> memref<1x8x128xf32, #tpu.memory_space<vmem>>
        %dma_start3A_1555 = tpu.memref_squeeze %dma_start3A_1554 : memref<1x8x128xf32, #tpu.memory_space<vmem>> -> memref<8x128xf32, #tpu.memory_space<vmem>>
        tpu.enqueue_dma source(%dma_start3A_1555 : memref<8x128xf32, #tpu.memory_space<vmem>>) target(%dma_start3A_1551 : memref<8x128xf32, #tpu.memory_space<hbm>>) target_semaphore(%arg15 : memref<!tpu.dma_semaphore, #tpu.memory_space<semaphore_mem>>)
        %dma_start3A_1556 = arith.constant 3 : i32
        %dma_start3A_1557 = arith.constant 3 : i32
        %dma_start3A_1558 = arith.constant 24 : i32
        %dma_start3A_1559 = arith.constant 0 : i32
        %dma_start3A_1560 = tpu.memref_slice %arg7[%dma_start3A_1556, %dma_start3A_1558, %dma_start3A_1559] : memref<4x32x129xf32, #tpu.memory_space<vmem>> -> memref<1x8x128xf32, #tpu.memory_space<vmem>>
        %dma_start3A_1561 = tpu.memref_squeeze %dma_start3A_1560 : memref<1x8x128xf32, #tpu.memory_space<vmem>> -> memref<8x128xf32, #tpu.memory_space<vmem>>
        %dma_start3A_1562 = arith.constant 0 : i32
        %dma_start3A_1563 = arith.constant 0 : i32
        %dma_start3A_1564 = tpu.memref_slice %arg4[%add3A_1501, %dma_start3A_1557, %add3A_842, %dma_start3A_1562, %dma_start3A_1563] : memref<200x4x128x8x128xf32, #tpu.memory_space<hbm>> -> memref<1x1x1x8x128xf32, #tpu.memory_space<hbm>>
        %dma_start3A_1565 = tpu.memref_squeeze %dma_start3A_1564 : memref<1x1x1x8x128xf32, #tpu.memory_space<hbm>> -> memref<8x128xf32, #tpu.memory_space<hbm>>
        %dma_start3A_1566 = arith.constant 0 : i32
        %dma_start3A_1567 = arith.constant 0 : i32
        %dma_start3A_1568 = tpu.memref_slice %arg4[%add3A_1501, %dma_start3A_1557, %add3A_842, %dma_start3A_1566, %dma_start3A_1567] : memref<200x4x128x8x128xf32, #tpu.memory_space<hbm>> -> memref<1x1x1x8x128xf32, #tpu.memory_space<hbm>>
        %dma_start3A_1569 = tpu.memref_squeeze %dma_start3A_1568 : memref<1x1x1x8x128xf32, #tpu.memory_space<hbm>> -> memref<8x128xf32, #tpu.memory_space<hbm>>
        %dma_start3A_1570 = arith.constant 24 : i32
        %dma_start3A_1571 = arith.constant 0 : i32
        %dma_start3A_1572 = tpu.memref_slice %arg7[%dma_start3A_1556, %dma_start3A_1570, %dma_start3A_1571] : memref<4x32x129xf32, #tpu.memory_space<vmem>> -> memref<1x8x128xf32, #tpu.memory_space<vmem>>
        %dma_start3A_1573 = tpu.memref_squeeze %dma_start3A_1572 : memref<1x8x128xf32, #tpu.memory_space<vmem>> -> memref<8x128xf32, #tpu.memory_space<vmem>>
        tpu.enqueue_dma source(%dma_start3A_1573 : memref<8x128xf32, #tpu.memory_space<vmem>>) target(%dma_start3A_1569 : memref<8x128xf32, #tpu.memory_space<hbm>>) target_semaphore(%arg15 : memref<!tpu.dma_semaphore, #tpu.memory_space<semaphore_mem>>)
      }
      %scan3A_917 = arith.constant 2 : i32
    }
    %scan3A_402 = arith.constant 50 : i32
    %dma_wait3A_403 = arith.constant 0 : i32
    %dma_wait3A_404 = arith.constant 0 : i32
    %dma_wait3A_405 = arith.constant 0 : i32
    %dma_wait3A_406 = arith.constant 0 : i32
    %dma_wait3A_407 = tpu.memref_slice %arg6[%dma_wait3A_404, %dma_wait3A_405, %dma_wait3A_406] : memref<2x1024x32xf32, #tpu.memory_space<vmem>> -> memref<1x1024x32xf32, #tpu.memory_space<vmem>>
    %dma_wait3A_408 = tpu.memref_squeeze %dma_wait3A_407 : memref<1x1024x32xf32, #tpu.memory_space<vmem>> -> memref<1024x32xf32, #tpu.memory_space<vmem>>
    %dma_wait3A_409 = arith.constant 0 : i32
    %dma_wait3A_410 = tpu.memref_slice %arg5[%dma_wait3A_403, %dma_wait3A_409] : memref<2x1024xi32, #tpu.memory_space<vmem>> -> memref<1x1024xi32, #tpu.memory_space<vmem>>
    %dma_wait3A_411 = tpu.memref_squeeze %dma_wait3A_410 : memref<1x1024xi32, #tpu.memory_space<vmem>> -> memref<1024xi32, #tpu.memory_space<vmem>>
    %dma_wait3A_412 = arith.constant 0 : i32
    %dma_wait3A_413 = arith.constant 0 : i32
    %dma_wait3A_414 = tpu.memref_slice %arg3[%dma_wait3A_412, %dma_wait3A_413] : memref<1000000x32xf32, #tpu.memory_space<hbm>> -> memref<1000000x32xf32, #tpu.memory_space<hbm>>
    tpu.wait_indirect_dma semaphore(%arg10 : memref<!tpu.dma_semaphore, #tpu.memory_space<semaphore_mem>>) src(%dma_wait3A_414 : memref<1000000x32xf32, #tpu.memory_space<hbm>>) dst(%dma_wait3A_408 : memref<1024x32xf32, #tpu.memory_space<vmem>>)
    %dma_wait3A_415 = arith.constant 0 : i32
    %dma_wait3A_416 = arith.constant 0 : i32
    %dma_wait3A_417 = arith.constant 1 : i32
    %dma_wait3A_418 = arith.constant 0 : i32
    %dma_wait3A_419 = tpu.memref_slice %arg5[%dma_wait3A_417, %dma_wait3A_418] : memref<2x1024xi32, #tpu.memory_space<vmem>> -> memref<1x1024xi32, #tpu.memory_space<vmem>>
    %dma_wait3A_420 = tpu.memref_squeeze %dma_wait3A_419 : memref<1x1024xi32, #tpu.memory_space<vmem>> -> memref<1024xi32, #tpu.memory_space<vmem>>
    %dma_wait3A_421 = arith.constant 0 : i32
    %dma_wait3A_422 = tpu.memref_slice %arg2[%dma_wait3A_415, %dma_wait3A_416, %dma_wait3A_421] : memref<25x128x1024xi32, #tpu.memory_space<hbm>> -> memref<1x1x1024xi32, #tpu.memory_space<hbm>>
    %dma_wait3A_423 = tpu.memref_squeeze %dma_wait3A_422 : memref<1x1x1024xi32, #tpu.memory_space<hbm>> -> memref<1024xi32, #tpu.memory_space<hbm>>
    %dma_wait3A_424 = arith.constant 0 : i32
    %dma_wait3A_425 = tpu.memref_slice %arg5[%dma_wait3A_417, %dma_wait3A_424] : memref<2x1024xi32, #tpu.memory_space<vmem>> -> memref<1x1024xi32, #tpu.memory_space<vmem>>
    %dma_wait3A_426 = tpu.memref_squeeze %dma_wait3A_425 : memref<1x1024xi32, #tpu.memory_space<vmem>> -> memref<1024xi32, #tpu.memory_space<vmem>>
    %dma_wait3A_427 = arith.constant 0 : i32
    %dma_wait3A_428 = tpu.memref_slice %arg2[%dma_wait3A_415, %dma_wait3A_416, %dma_wait3A_427] : memref<25x128x1024xi32, #tpu.memory_space<hbm>> -> memref<1x1x1024xi32, #tpu.memory_space<hbm>>
    %dma_wait3A_429 = tpu.memref_squeeze %dma_wait3A_428 : memref<1x1x1024xi32, #tpu.memory_space<hbm>> -> memref<1024xi32, #tpu.memory_space<hbm>>
    tpu.wait_dma2 semaphore(%arg9 : memref<!tpu.dma_semaphore, #tpu.memory_space<semaphore_mem>>) src(%dma_wait3A_429 : memref<1024xi32, #tpu.memory_space<hbm>>) dst(%dma_wait3A_426 : memref<1024xi32, #tpu.memory_space<vmem>>)
    %dma_wait3A_430 = arith.constant 0 : i32
    %dma_wait3A_431 = arith.constant 0 : i32
    %dma_wait3A_432 = arith.constant 0 : i32
    %dma_wait3A_433 = arith.constant 0 : i32
    %dma_wait3A_434 = arith.constant 0 : i32
    %dma_wait3A_435 = arith.constant 0 : i32
    %dma_wait3A_436 = tpu.memref_slice %arg7[%dma_wait3A_430, %dma_wait3A_434, %dma_wait3A_435] : memref<4x32x129xf32, #tpu.memory_space<vmem>> -> memref<1x8x128xf32, #tpu.memory_space<vmem>>
    %dma_wait3A_437 = tpu.memref_squeeze %dma_wait3A_436 : memref<1x8x128xf32, #tpu.memory_space<vmem>> -> memref<8x128xf32, #tpu.memory_space<vmem>>
    %dma_wait3A_438 = arith.constant 0 : i32
    %dma_wait3A_439 = arith.constant 0 : i32
    %dma_wait3A_440 = tpu.memref_slice %arg4[%dma_wait3A_431, %dma_wait3A_432, %dma_wait3A_433, %dma_wait3A_438, %dma_wait3A_439] : memref<200x4x128x8x128xf32, #tpu.memory_space<hbm>> -> memref<1x1x1x8x128xf32, #tpu.memory_space<hbm>>
    %dma_wait3A_441 = tpu.memref_squeeze %dma_wait3A_440 : memref<1x1x1x8x128xf32, #tpu.memory_space<hbm>> -> memref<8x128xf32, #tpu.memory_space<hbm>>
    %dma_wait3A_442 = arith.constant 0 : i32
    %dma_wait3A_443 = arith.constant 0 : i32
    %dma_wait3A_444 = tpu.memref_slice %arg4[%dma_wait3A_431, %dma_wait3A_432, %dma_wait3A_433, %dma_wait3A_442, %dma_wait3A_443] : memref<200x4x128x8x128xf32, #tpu.memory_space<hbm>> -> memref<1x1x1x8x128xf32, #tpu.memory_space<hbm>>
    %dma_wait3A_445 = tpu.memref_squeeze %dma_wait3A_444 : memref<1x1x1x8x128xf32, #tpu.memory_space<hbm>> -> memref<8x128xf32, #tpu.memory_space<hbm>>
    %dma_wait3A_446 = arith.constant 0 : i32
    %dma_wait3A_447 = arith.constant 0 : i32
    %dma_wait3A_448 = tpu.memref_slice %arg7[%dma_wait3A_430, %dma_wait3A_446, %dma_wait3A_447] : memref<4x32x129xf32, #tpu.memory_space<vmem>> -> memref<1x8x128xf32, #tpu.memory_space<vmem>>
    %dma_wait3A_449 = tpu.memref_squeeze %dma_wait3A_448 : memref<1x8x128xf32, #tpu.memory_space<vmem>> -> memref<8x128xf32, #tpu.memory_space<vmem>>
    tpu.wait_dma2 semaphore(%arg12 : memref<!tpu.dma_semaphore, #tpu.memory_space<semaphore_mem>>) src(%dma_wait3A_449 : memref<8x128xf32, #tpu.memory_space<vmem>>) dst(%dma_wait3A_445 : memref<8x128xf32, #tpu.memory_space<hbm>>)
    %dma_wait3A_450 = arith.constant 0 : i32
    %dma_wait3A_451 = arith.constant 0 : i32
    %dma_wait3A_452 = arith.constant 1 : i32
    %dma_wait3A_453 = arith.constant 0 : i32
    %dma_wait3A_454 = arith.constant 8 : i32
    %dma_wait3A_455 = arith.constant 0 : i32
    %dma_wait3A_456 = tpu.memref_slice %arg7[%dma_wait3A_450, %dma_wait3A_454, %dma_wait3A_455] : memref<4x32x129xf32, #tpu.memory_space<vmem>> -> memref<1x8x128xf32, #tpu.memory_space<vmem>>
    %dma_wait3A_457 = tpu.memref_squeeze %dma_wait3A_456 : memref<1x8x128xf32, #tpu.memory_space<vmem>> -> memref<8x128xf32, #tpu.memory_space<vmem>>
    %dma_wait3A_458 = arith.constant 0 : i32
    %dma_wait3A_459 = arith.constant 0 : i32
    %dma_wait3A_460 = tpu.memref_slice %arg4[%dma_wait3A_451, %dma_wait3A_452, %dma_wait3A_453, %dma_wait3A_458, %dma_wait3A_459] : memref<200x4x128x8x128xf32, #tpu.memory_space<hbm>> -> memref<1x1x1x8x128xf32, #tpu.memory_space<hbm>>
    %dma_wait3A_461 = tpu.memref_squeeze %dma_wait3A_460 : memref<1x1x1x8x128xf32, #tpu.memory_space<hbm>> -> memref<8x128xf32, #tpu.memory_space<hbm>>
    %dma_wait3A_462 = arith.constant 0 : i32
    %dma_wait3A_463 = arith.constant 0 : i32
    %dma_wait3A_464 = tpu.memref_slice %arg4[%dma_wait3A_451, %dma_wait3A_452, %dma_wait3A_453, %dma_wait3A_462, %dma_wait3A_463] : memref<200x4x128x8x128xf32, #tpu.memory_space<hbm>> -> memref<1x1x1x8x128xf32, #tpu.memory_space<hbm>>
    %dma_wait3A_465 = tpu.memref_squeeze %dma_wait3A_464 : memref<1x1x1x8x128xf32, #tpu.memory_space<hbm>> -> memref<8x128xf32, #tpu.memory_space<hbm>>
    %dma_wait3A_466 = arith.constant 8 : i32
    %dma_wait3A_467 = arith.constant 0 : i32
    %dma_wait3A_468 = tpu.memref_slice %arg7[%dma_wait3A_450, %dma_wait3A_466, %dma_wait3A_467] : memref<4x32x129xf32, #tpu.memory_space<vmem>> -> memref<1x8x128xf32, #tpu.memory_space<vmem>>
    %dma_wait3A_469 = tpu.memref_squeeze %dma_wait3A_468 : memref<1x8x128xf32, #tpu.memory_space<vmem>> -> memref<8x128xf32, #tpu.memory_space<vmem>>
    tpu.wait_dma2 semaphore(%arg12 : memref<!tpu.dma_semaphore, #tpu.memory_space<semaphore_mem>>) src(%dma_wait3A_469 : memref<8x128xf32, #tpu.memory_space<vmem>>) dst(%dma_wait3A_465 : memref<8x128xf32, #tpu.memory_space<hbm>>)
    %dma_wait3A_470 = arith.constant 0 : i32
    %dma_wait3A_471 = arith.constant 0 : i32
    %dma_wait3A_472 = arith.constant 2 : i32
    %dma_wait3A_473 = arith.constant 0 : i32
    %dma_wait3A_474 = arith.constant 16 : i32
    %dma_wait3A_475 = arith.constant 0 : i32
    %dma_wait3A_476 = tpu.memref_slice %arg7[%dma_wait3A_470, %dma_wait3A_474, %dma_wait3A_475] : memref<4x32x129xf32, #tpu.memory_space<vmem>> -> memref<1x8x128xf32, #tpu.memory_space<vmem>>
    %dma_wait3A_477 = tpu.memref_squeeze %dma_wait3A_476 : memref<1x8x128xf32, #tpu.memory_space<vmem>> -> memref<8x128xf32, #tpu.memory_space<vmem>>
    %dma_wait3A_478 = arith.constant 0 : i32
    %dma_wait3A_479 = arith.constant 0 : i32
    %dma_wait3A_480 = tpu.memref_slice %arg4[%dma_wait3A_471, %dma_wait3A_472, %dma_wait3A_473, %dma_wait3A_478, %dma_wait3A_479] : memref<200x4x128x8x128xf32, #tpu.memory_space<hbm>> -> memref<1x1x1x8x128xf32, #tpu.memory_space<hbm>>
    %dma_wait3A_481 = tpu.memref_squeeze %dma_wait3A_480 : memref<1x1x1x8x128xf32, #tpu.memory_space<hbm>> -> memref<8x128xf32, #tpu.memory_space<hbm>>
    %dma_wait3A_482 = arith.constant 0 : i32
    %dma_wait3A_483 = arith.constant 0 : i32
    %dma_wait3A_484 = tpu.memref_slice %arg4[%dma_wait3A_471, %dma_wait3A_472, %dma_wait3A_473, %dma_wait3A_482, %dma_wait3A_483] : memref<200x4x128x8x128xf32, #tpu.memory_space<hbm>> -> memref<1x1x1x8x128xf32, #tpu.memory_space<hbm>>
    %dma_wait3A_485 = tpu.memref_squeeze %dma_wait3A_484 : memref<1x1x1x8x128xf32, #tpu.memory_space<hbm>> -> memref<8x128xf32, #tpu.memory_space<hbm>>
    %dma_wait3A_486 = arith.constant 16 : i32
    %dma_wait3A_487 = arith.constant 0 : i32
    %dma_wait3A_488 = tpu.memref_slice %arg7[%dma_wait3A_470, %dma_wait3A_486, %dma_wait3A_487] : memref<4x32x129xf32, #tpu.memory_space<vmem>> -> memref<1x8x128xf32, #tpu.memory_space<vmem>>
    %dma_wait3A_489 = tpu.memref_squeeze %dma_wait3A_488 : memref<1x8x128xf32, #tpu.memory_space<vmem>> -> memref<8x128xf32, #tpu.memory_space<vmem>>
    tpu.wait_dma2 semaphore(%arg12 : memref<!tpu.dma_semaphore, #tpu.memory_space<semaphore_mem>>) src(%dma_wait3A_489 : memref<8x128xf32, #tpu.memory_space<vmem>>) dst(%dma_wait3A_485 : memref<8x128xf32, #tpu.memory_space<hbm>>)
    %dma_wait3A_490 = arith.constant 0 : i32
    %dma_wait3A_491 = arith.constant 0 : i32
    %dma_wait3A_492 = arith.constant 3 : i32
    %dma_wait3A_493 = arith.constant 0 : i32
    %dma_wait3A_494 = arith.constant 24 : i32
    %dma_wait3A_495 = arith.constant 0 : i32
    %dma_wait3A_496 = tpu.memref_slice %arg7[%dma_wait3A_490, %dma_wait3A_494, %dma_wait3A_495] : memref<4x32x129xf32, #tpu.memory_space<vmem>> -> memref<1x8x128xf32, #tpu.memory_space<vmem>>
    %dma_wait3A_497 = tpu.memref_squeeze %dma_wait3A_496 : memref<1x8x128xf32, #tpu.memory_space<vmem>> -> memref<8x128xf32, #tpu.memory_space<vmem>>
    %dma_wait3A_498 = arith.constant 0 : i32
    %dma_wait3A_499 = arith.constant 0 : i32
    %dma_wait3A_500 = tpu.memref_slice %arg4[%dma_wait3A_491, %dma_wait3A_492, %dma_wait3A_493, %dma_wait3A_498, %dma_wait3A_499] : memref<200x4x128x8x128xf32, #tpu.memory_space<hbm>> -> memref<1x1x1x8x128xf32, #tpu.memory_space<hbm>>
    %dma_wait3A_501 = tpu.memref_squeeze %dma_wait3A_500 : memref<1x1x1x8x128xf32, #tpu.memory_space<hbm>> -> memref<8x128xf32, #tpu.memory_space<hbm>>
    %dma_wait3A_502 = arith.constant 0 : i32
    %dma_wait3A_503 = arith.constant 0 : i32
    %dma_wait3A_504 = tpu.memref_slice %arg4[%dma_wait3A_491, %dma_wait3A_492, %dma_wait3A_493, %dma_wait3A_502, %dma_wait3A_503] : memref<200x4x128x8x128xf32, #tpu.memory_space<hbm>> -> memref<1x1x1x8x128xf32, #tpu.memory_space<hbm>>
    %dma_wait3A_505 = tpu.memref_squeeze %dma_wait3A_504 : memref<1x1x1x8x128xf32, #tpu.memory_space<hbm>> -> memref<8x128xf32, #tpu.memory_space<hbm>>
    %dma_wait3A_506 = arith.constant 24 : i32
    %dma_wait3A_507 = arith.constant 0 : i32
    %dma_wait3A_508 = tpu.memref_slice %arg7[%dma_wait3A_490, %dma_wait3A_506, %dma_wait3A_507] : memref<4x32x129xf32, #tpu.memory_space<vmem>> -> memref<1x8x128xf32, #tpu.memory_space<vmem>>
    %dma_wait3A_509 = tpu.memref_squeeze %dma_wait3A_508 : memref<1x8x128xf32, #tpu.memory_space<vmem>> -> memref<8x128xf32, #tpu.memory_space<vmem>>
    tpu.wait_dma2 semaphore(%arg12 : memref<!tpu.dma_semaphore, #tpu.memory_space<semaphore_mem>>) src(%dma_wait3A_509 : memref<8x128xf32, #tpu.memory_space<vmem>>) dst(%dma_wait3A_505 : memref<8x128xf32, #tpu.memory_space<hbm>>)
    %dma_wait3A_510 = arith.constant 1 : i32
    %dma_wait3A_511 = arith.constant 0 : i32
    %dma_wait3A_512 = arith.constant 0 : i32
    %dma_wait3A_513 = arith.constant 0 : i32
    %dma_wait3A_514 = arith.constant 0 : i32
    %dma_wait3A_515 = arith.constant 0 : i32
    %dma_wait3A_516 = tpu.memref_slice %arg7[%dma_wait3A_510, %dma_wait3A_514, %dma_wait3A_515] : memref<4x32x129xf32, #tpu.memory_space<vmem>> -> memref<1x8x128xf32, #tpu.memory_space<vmem>>
    %dma_wait3A_517 = tpu.memref_squeeze %dma_wait3A_516 : memref<1x8x128xf32, #tpu.memory_space<vmem>> -> memref<8x128xf32, #tpu.memory_space<vmem>>
    %dma_wait3A_518 = arith.constant 0 : i32
    %dma_wait3A_519 = arith.constant 0 : i32
    %dma_wait3A_520 = tpu.memref_slice %arg4[%dma_wait3A_511, %dma_wait3A_512, %dma_wait3A_513, %dma_wait3A_518, %dma_wait3A_519] : memref<200x4x128x8x128xf32, #tpu.memory_space<hbm>> -> memref<1x1x1x8x128xf32, #tpu.memory_space<hbm>>
    %dma_wait3A_521 = tpu.memref_squeeze %dma_wait3A_520 : memref<1x1x1x8x128xf32, #tpu.memory_space<hbm>> -> memref<8x128xf32, #tpu.memory_space<hbm>>
    %dma_wait3A_522 = arith.constant 0 : i32
    %dma_wait3A_523 = arith.constant 0 : i32
    %dma_wait3A_524 = tpu.memref_slice %arg4[%dma_wait3A_511, %dma_wait3A_512, %dma_wait3A_513, %dma_wait3A_522, %dma_wait3A_523] : memref<200x4x128x8x128xf32, #tpu.memory_space<hbm>> -> memref<1x1x1x8x128xf32, #tpu.memory_space<hbm>>
    %dma_wait3A_525 = tpu.memref_squeeze %dma_wait3A_524 : memref<1x1x1x8x128xf32, #tpu.memory_space<hbm>> -> memref<8x128xf32, #tpu.memory_space<hbm>>
    %dma_wait3A_526 = arith.constant 0 : i32
    %dma_wait3A_527 = arith.constant 0 : i32
    %dma_wait3A_528 = tpu.memref_slice %arg7[%dma_wait3A_510, %dma_wait3A_526, %dma_wait3A_527] : memref<4x32x129xf32, #tpu.memory_space<vmem>> -> memref<1x8x128xf32, #tpu.memory_space<vmem>>
    %dma_wait3A_529 = tpu.memref_squeeze %dma_wait3A_528 : memref<1x8x128xf32, #tpu.memory_space<vmem>> -> memref<8x128xf32, #tpu.memory_space<vmem>>
    tpu.wait_dma2 semaphore(%arg13 : memref<!tpu.dma_semaphore, #tpu.memory_space<semaphore_mem>>) src(%dma_wait3A_529 : memref<8x128xf32, #tpu.memory_space<vmem>>) dst(%dma_wait3A_525 : memref<8x128xf32, #tpu.memory_space<hbm>>)
    %dma_wait3A_530 = arith.constant 1 : i32
    %dma_wait3A_531 = arith.constant 0 : i32
    %dma_wait3A_532 = arith.constant 1 : i32
    %dma_wait3A_533 = arith.constant 0 : i32
    %dma_wait3A_534 = arith.constant 8 : i32
    %dma_wait3A_535 = arith.constant 0 : i32
    %dma_wait3A_536 = tpu.memref_slice %arg7[%dma_wait3A_530, %dma_wait3A_534, %dma_wait3A_535] : memref<4x32x129xf32, #tpu.memory_space<vmem>> -> memref<1x8x128xf32, #tpu.memory_space<vmem>>
    %dma_wait3A_537 = tpu.memref_squeeze %dma_wait3A_536 : memref<1x8x128xf32, #tpu.memory_space<vmem>> -> memref<8x128xf32, #tpu.memory_space<vmem>>
    %dma_wait3A_538 = arith.constant 0 : i32
    %dma_wait3A_539 = arith.constant 0 : i32
    %dma_wait3A_540 = tpu.memref_slice %arg4[%dma_wait3A_531, %dma_wait3A_532, %dma_wait3A_533, %dma_wait3A_538, %dma_wait3A_539] : memref<200x4x128x8x128xf32, #tpu.memory_space<hbm>> -> memref<1x1x1x8x128xf32, #tpu.memory_space<hbm>>
    %dma_wait3A_541 = tpu.memref_squeeze %dma_wait3A_540 : memref<1x1x1x8x128xf32, #tpu.memory_space<hbm>> -> memref<8x128xf32, #tpu.memory_space<hbm>>
    %dma_wait3A_542 = arith.constant 0 : i32
    %dma_wait3A_543 = arith.constant 0 : i32
    %dma_wait3A_544 = tpu.memref_slice %arg4[%dma_wait3A_531, %dma_wait3A_532, %dma_wait3A_533, %dma_wait3A_542, %dma_wait3A_543] : memref<200x4x128x8x128xf32, #tpu.memory_space<hbm>> -> memref<1x1x1x8x128xf32, #tpu.memory_space<hbm>>
    %dma_wait3A_545 = tpu.memref_squeeze %dma_wait3A_544 : memref<1x1x1x8x128xf32, #tpu.memory_space<hbm>> -> memref<8x128xf32, #tpu.memory_space<hbm>>
    %dma_wait3A_546 = arith.constant 8 : i32
    %dma_wait3A_547 = arith.constant 0 : i32
    %dma_wait3A_548 = tpu.memref_slice %arg7[%dma_wait3A_530, %dma_wait3A_546, %dma_wait3A_547] : memref<4x32x129xf32, #tpu.memory_space<vmem>> -> memref<1x8x128xf32, #tpu.memory_space<vmem>>
    %dma_wait3A_549 = tpu.memref_squeeze %dma_wait3A_548 : memref<1x8x128xf32, #tpu.memory_space<vmem>> -> memref<8x128xf32, #tpu.memory_space<vmem>>
    tpu.wait_dma2 semaphore(%arg13 : memref<!tpu.dma_semaphore, #tpu.memory_space<semaphore_mem>>) src(%dma_wait3A_549 : memref<8x128xf32, #tpu.memory_space<vmem>>) dst(%dma_wait3A_545 : memref<8x128xf32, #tpu.memory_space<hbm>>)
    %dma_wait3A_550 = arith.constant 1 : i32
    %dma_wait3A_551 = arith.constant 0 : i32
    %dma_wait3A_552 = arith.constant 2 : i32
    %dma_wait3A_553 = arith.constant 0 : i32
    %dma_wait3A_554 = arith.constant 16 : i32
    %dma_wait3A_555 = arith.constant 0 : i32
    %dma_wait3A_556 = tpu.memref_slice %arg7[%dma_wait3A_550, %dma_wait3A_554, %dma_wait3A_555] : memref<4x32x129xf32, #tpu.memory_space<vmem>> -> memref<1x8x128xf32, #tpu.memory_space<vmem>>
    %dma_wait3A_557 = tpu.memref_squeeze %dma_wait3A_556 : memref<1x8x128xf32, #tpu.memory_space<vmem>> -> memref<8x128xf32, #tpu.memory_space<vmem>>
    %dma_wait3A_558 = arith.constant 0 : i32
    %dma_wait3A_559 = arith.constant 0 : i32
    %dma_wait3A_560 = tpu.memref_slice %arg4[%dma_wait3A_551, %dma_wait3A_552, %dma_wait3A_553, %dma_wait3A_558, %dma_wait3A_559] : memref<200x4x128x8x128xf32, #tpu.memory_space<hbm>> -> memref<1x1x1x8x128xf32, #tpu.memory_space<hbm>>
    %dma_wait3A_561 = tpu.memref_squeeze %dma_wait3A_560 : memref<1x1x1x8x128xf32, #tpu.memory_space<hbm>> -> memref<8x128xf32, #tpu.memory_space<hbm>>
    %dma_wait3A_562 = arith.constant 0 : i32
    %dma_wait3A_563 = arith.constant 0 : i32
    %dma_wait3A_564 = tpu.memref_slice %arg4[%dma_wait3A_551, %dma_wait3A_552, %dma_wait3A_553, %dma_wait3A_562, %dma_wait3A_563] : memref<200x4x128x8x128xf32, #tpu.memory_space<hbm>> -> memref<1x1x1x8x128xf32, #tpu.memory_space<hbm>>
    %dma_wait3A_565 = tpu.memref_squeeze %dma_wait3A_564 : memref<1x1x1x8x128xf32, #tpu.memory_space<hbm>> -> memref<8x128xf32, #tpu.memory_space<hbm>>
    %dma_wait3A_566 = arith.constant 16 : i32
    %dma_wait3A_567 = arith.constant 0 : i32
    %dma_wait3A_568 = tpu.memref_slice %arg7[%dma_wait3A_550, %dma_wait3A_566, %dma_wait3A_567] : memref<4x32x129xf32, #tpu.memory_space<vmem>> -> memref<1x8x128xf32, #tpu.memory_space<vmem>>
    %dma_wait3A_569 = tpu.memref_squeeze %dma_wait3A_568 : memref<1x8x128xf32, #tpu.memory_space<vmem>> -> memref<8x128xf32, #tpu.memory_space<vmem>>
    tpu.wait_dma2 semaphore(%arg13 : memref<!tpu.dma_semaphore, #tpu.memory_space<semaphore_mem>>) src(%dma_wait3A_569 : memref<8x128xf32, #tpu.memory_space<vmem>>) dst(%dma_wait3A_565 : memref<8x128xf32, #tpu.memory_space<hbm>>)
    %dma_wait3A_570 = arith.constant 1 : i32
    %dma_wait3A_571 = arith.constant 0 : i32
    %dma_wait3A_572 = arith.constant 3 : i32
    %dma_wait3A_573 = arith.constant 0 : i32
    %dma_wait3A_574 = arith.constant 24 : i32
    %dma_wait3A_575 = arith.constant 0 : i32
    %dma_wait3A_576 = tpu.memref_slice %arg7[%dma_wait3A_570, %dma_wait3A_574, %dma_wait3A_575] : memref<4x32x129xf32, #tpu.memory_space<vmem>> -> memref<1x8x128xf32, #tpu.memory_space<vmem>>
    %dma_wait3A_577 = tpu.memref_squeeze %dma_wait3A_576 : memref<1x8x128xf32, #tpu.memory_space<vmem>> -> memref<8x128xf32, #tpu.memory_space<vmem>>
    %dma_wait3A_578 = arith.constant 0 : i32
    %dma_wait3A_579 = arith.constant 0 : i32
    %dma_wait3A_580 = tpu.memref_slice %arg4[%dma_wait3A_571, %dma_wait3A_572, %dma_wait3A_573, %dma_wait3A_578, %dma_wait3A_579] : memref<200x4x128x8x128xf32, #tpu.memory_space<hbm>> -> memref<1x1x1x8x128xf32, #tpu.memory_space<hbm>>
    %dma_wait3A_581 = tpu.memref_squeeze %dma_wait3A_580 : memref<1x1x1x8x128xf32, #tpu.memory_space<hbm>> -> memref<8x128xf32, #tpu.memory_space<hbm>>
    %dma_wait3A_582 = arith.constant 0 : i32
    %dma_wait3A_583 = arith.constant 0 : i32
    %dma_wait3A_584 = tpu.memref_slice %arg4[%dma_wait3A_571, %dma_wait3A_572, %dma_wait3A_573, %dma_wait3A_582, %dma_wait3A_583] : memref<200x4x128x8x128xf32, #tpu.memory_space<hbm>> -> memref<1x1x1x8x128xf32, #tpu.memory_space<hbm>>
    %dma_wait3A_585 = tpu.memref_squeeze %dma_wait3A_584 : memref<1x1x1x8x128xf32, #tpu.memory_space<hbm>> -> memref<8x128xf32, #tpu.memory_space<hbm>>
    %dma_wait3A_586 = arith.constant 24 : i32
    %dma_wait3A_587 = arith.constant 0 : i32
    %dma_wait3A_588 = tpu.memref_slice %arg7[%dma_wait3A_570, %dma_wait3A_586, %dma_wait3A_587] : memref<4x32x129xf32, #tpu.memory_space<vmem>> -> memref<1x8x128xf32, #tpu.memory_space<vmem>>
    %dma_wait3A_589 = tpu.memref_squeeze %dma_wait3A_588 : memref<1x8x128xf32, #tpu.memory_space<vmem>> -> memref<8x128xf32, #tpu.memory_space<vmem>>
    tpu.wait_dma2 semaphore(%arg13 : memref<!tpu.dma_semaphore, #tpu.memory_space<semaphore_mem>>) src(%dma_wait3A_589 : memref<8x128xf32, #tpu.memory_space<vmem>>) dst(%dma_wait3A_585 : memref<8x128xf32, #tpu.memory_space<hbm>>)
    %dma_wait3A_590 = arith.constant 2 : i32
    %dma_wait3A_591 = arith.constant 0 : i32
    %dma_wait3A_592 = arith.constant 0 : i32
    %dma_wait3A_593 = arith.constant 0 : i32
    %dma_wait3A_594 = arith.constant 0 : i32
    %dma_wait3A_595 = arith.constant 0 : i32
    %dma_wait3A_596 = tpu.memref_slice %arg7[%dma_wait3A_590, %dma_wait3A_594, %dma_wait3A_595] : memref<4x32x129xf32, #tpu.memory_space<vmem>> -> memref<1x8x128xf32, #tpu.memory_space<vmem>>
    %dma_wait3A_597 = tpu.memref_squeeze %dma_wait3A_596 : memref<1x8x128xf32, #tpu.memory_space<vmem>> -> memref<8x128xf32, #tpu.memory_space<vmem>>
    %dma_wait3A_598 = arith.constant 0 : i32
    %dma_wait3A_599 = arith.constant 0 : i32
    %dma_wait3A_600 = tpu.memref_slice %arg4[%dma_wait3A_591, %dma_wait3A_592, %dma_wait3A_593, %dma_wait3A_598, %dma_wait3A_599] : memref<200x4x128x8x128xf32, #tpu.memory_space<hbm>> -> memref<1x1x1x8x128xf32, #tpu.memory_space<hbm>>
    %dma_wait3A_601 = tpu.memref_squeeze %dma_wait3A_600 : memref<1x1x1x8x128xf32, #tpu.memory_space<hbm>> -> memref<8x128xf32, #tpu.memory_space<hbm>>
    %dma_wait3A_602 = arith.constant 0 : i32
    %dma_wait3A_603 = arith.constant 0 : i32
    %dma_wait3A_604 = tpu.memref_slice %arg4[%dma_wait3A_591, %dma_wait3A_592, %dma_wait3A_593, %dma_wait3A_602, %dma_wait3A_603] : memref<200x4x128x8x128xf32, #tpu.memory_space<hbm>> -> memref<1x1x1x8x128xf32, #tpu.memory_space<hbm>>
    %dma_wait3A_605 = tpu.memref_squeeze %dma_wait3A_604 : memref<1x1x1x8x128xf32, #tpu.memory_space<hbm>> -> memref<8x128xf32, #tpu.memory_space<hbm>>
    %dma_wait3A_606 = arith.constant 0 : i32
    %dma_wait3A_607 = arith.constant 0 : i32
    %dma_wait3A_608 = tpu.memref_slice %arg7[%dma_wait3A_590, %dma_wait3A_606, %dma_wait3A_607] : memref<4x32x129xf32, #tpu.memory_space<vmem>> -> memref<1x8x128xf32, #tpu.memory_space<vmem>>
    %dma_wait3A_609 = tpu.memref_squeeze %dma_wait3A_608 : memref<1x8x128xf32, #tpu.memory_space<vmem>> -> memref<8x128xf32, #tpu.memory_space<vmem>>
    tpu.wait_dma2 semaphore(%arg14 : memref<!tpu.dma_semaphore, #tpu.memory_space<semaphore_mem>>) src(%dma_wait3A_609 : memref<8x128xf32, #tpu.memory_space<vmem>>) dst(%dma_wait3A_605 : memref<8x128xf32, #tpu.memory_space<hbm>>)
    %dma_wait3A_610 = arith.constant 2 : i32
    %dma_wait3A_611 = arith.constant 0 : i32
    %dma_wait3A_612 = arith.constant 1 : i32
    %dma_wait3A_613 = arith.constant 0 : i32
    %dma_wait3A_614 = arith.constant 8 : i32
    %dma_wait3A_615 = arith.constant 0 : i32
    %dma_wait3A_616 = tpu.memref_slice %arg7[%dma_wait3A_610, %dma_wait3A_614, %dma_wait3A_615] : memref<4x32x129xf32, #tpu.memory_space<vmem>> -> memref<1x8x128xf32, #tpu.memory_space<vmem>>
    %dma_wait3A_617 = tpu.memref_squeeze %dma_wait3A_616 : memref<1x8x128xf32, #tpu.memory_space<vmem>> -> memref<8x128xf32, #tpu.memory_space<vmem>>
    %dma_wait3A_618 = arith.constant 0 : i32
    %dma_wait3A_619 = arith.constant 0 : i32
    %dma_wait3A_620 = tpu.memref_slice %arg4[%dma_wait3A_611, %dma_wait3A_612, %dma_wait3A_613, %dma_wait3A_618, %dma_wait3A_619] : memref<200x4x128x8x128xf32, #tpu.memory_space<hbm>> -> memref<1x1x1x8x128xf32, #tpu.memory_space<hbm>>
    %dma_wait3A_621 = tpu.memref_squeeze %dma_wait3A_620 : memref<1x1x1x8x128xf32, #tpu.memory_space<hbm>> -> memref<8x128xf32, #tpu.memory_space<hbm>>
    %dma_wait3A_622 = arith.constant 0 : i32
    %dma_wait3A_623 = arith.constant 0 : i32
    %dma_wait3A_624 = tpu.memref_slice %arg4[%dma_wait3A_611, %dma_wait3A_612, %dma_wait3A_613, %dma_wait3A_622, %dma_wait3A_623] : memref<200x4x128x8x128xf32, #tpu.memory_space<hbm>> -> memref<1x1x1x8x128xf32, #tpu.memory_space<hbm>>
    %dma_wait3A_625 = tpu.memref_squeeze %dma_wait3A_624 : memref<1x1x1x8x128xf32, #tpu.memory_space<hbm>> -> memref<8x128xf32, #tpu.memory_space<hbm>>
    %dma_wait3A_626 = arith.constant 8 : i32
    %dma_wait3A_627 = arith.constant 0 : i32
    %dma_wait3A_628 = tpu.memref_slice %arg7[%dma_wait3A_610, %dma_wait3A_626, %dma_wait3A_627] : memref<4x32x129xf32, #tpu.memory_space<vmem>> -> memref<1x8x128xf32, #tpu.memory_space<vmem>>
    %dma_wait3A_629 = tpu.memref_squeeze %dma_wait3A_628 : memref<1x8x128xf32, #tpu.memory_space<vmem>> -> memref<8x128xf32, #tpu.memory_space<vmem>>
    tpu.wait_dma2 semaphore(%arg14 : memref<!tpu.dma_semaphore, #tpu.memory_space<semaphore_mem>>) src(%dma_wait3A_629 : memref<8x128xf32, #tpu.memory_space<vmem>>) dst(%dma_wait3A_625 : memref<8x128xf32, #tpu.memory_space<hbm>>)
    %dma_wait3A_630 = arith.constant 2 : i32
    %dma_wait3A_631 = arith.constant 0 : i32
    %dma_wait3A_632 = arith.constant 2 : i32
    %dma_wait3A_633 = arith.constant 0 : i32
    %dma_wait3A_634 = arith.constant 16 : i32
    %dma_wait3A_635 = arith.constant 0 : i32
    %dma_wait3A_636 = tpu.memref_slice %arg7[%dma_wait3A_630, %dma_wait3A_634, %dma_wait3A_635] : memref<4x32x129xf32, #tpu.memory_space<vmem>> -> memref<1x8x128xf32, #tpu.memory_space<vmem>>
    %dma_wait3A_637 = tpu.memref_squeeze %dma_wait3A_636 : memref<1x8x128xf32, #tpu.memory_space<vmem>> -> memref<8x128xf32, #tpu.memory_space<vmem>>
    %dma_wait3A_638 = arith.constant 0 : i32
    %dma_wait3A_639 = arith.constant 0 : i32
    %dma_wait3A_640 = tpu.memref_slice %arg4[%dma_wait3A_631, %dma_wait3A_632, %dma_wait3A_633, %dma_wait3A_638, %dma_wait3A_639] : memref<200x4x128x8x128xf32, #tpu.memory_space<hbm>> -> memref<1x1x1x8x128xf32, #tpu.memory_space<hbm>>
    %dma_wait3A_641 = tpu.memref_squeeze %dma_wait3A_640 : memref<1x1x1x8x128xf32, #tpu.memory_space<hbm>> -> memref<8x128xf32, #tpu.memory_space<hbm>>
    %dma_wait3A_642 = arith.constant 0 : i32
    %dma_wait3A_643 = arith.constant 0 : i32
    %dma_wait3A_644 = tpu.memref_slice %arg4[%dma_wait3A_631, %dma_wait3A_632, %dma_wait3A_633, %dma_wait3A_642, %dma_wait3A_643] : memref<200x4x128x8x128xf32, #tpu.memory_space<hbm>> -> memref<1x1x1x8x128xf32, #tpu.memory_space<hbm>>
    %dma_wait3A_645 = tpu.memref_squeeze %dma_wait3A_644 : memref<1x1x1x8x128xf32, #tpu.memory_space<hbm>> -> memref<8x128xf32, #tpu.memory_space<hbm>>
    %dma_wait3A_646 = arith.constant 16 : i32
    %dma_wait3A_647 = arith.constant 0 : i32
    %dma_wait3A_648 = tpu.memref_slice %arg7[%dma_wait3A_630, %dma_wait3A_646, %dma_wait3A_647] : memref<4x32x129xf32, #tpu.memory_space<vmem>> -> memref<1x8x128xf32, #tpu.memory_space<vmem>>
    %dma_wait3A_649 = tpu.memref_squeeze %dma_wait3A_648 : memref<1x8x128xf32, #tpu.memory_space<vmem>> -> memref<8x128xf32, #tpu.memory_space<vmem>>
    tpu.wait_dma2 semaphore(%arg14 : memref<!tpu.dma_semaphore, #tpu.memory_space<semaphore_mem>>) src(%dma_wait3A_649 : memref<8x128xf32, #tpu.memory_space<vmem>>) dst(%dma_wait3A_645 : memref<8x128xf32, #tpu.memory_space<hbm>>)
    %dma_wait3A_650 = arith.constant 2 : i32
    %dma_wait3A_651 = arith.constant 0 : i32
    %dma_wait3A_652 = arith.constant 3 : i32
    %dma_wait3A_653 = arith.constant 0 : i32
    %dma_wait3A_654 = arith.constant 24 : i32
    %dma_wait3A_655 = arith.constant 0 : i32
    %dma_wait3A_656 = tpu.memref_slice %arg7[%dma_wait3A_650, %dma_wait3A_654, %dma_wait3A_655] : memref<4x32x129xf32, #tpu.memory_space<vmem>> -> memref<1x8x128xf32, #tpu.memory_space<vmem>>
    %dma_wait3A_657 = tpu.memref_squeeze %dma_wait3A_656 : memref<1x8x128xf32, #tpu.memory_space<vmem>> -> memref<8x128xf32, #tpu.memory_space<vmem>>
    %dma_wait3A_658 = arith.constant 0 : i32
    %dma_wait3A_659 = arith.constant 0 : i32
    %dma_wait3A_660 = tpu.memref_slice %arg4[%dma_wait3A_651, %dma_wait3A_652, %dma_wait3A_653, %dma_wait3A_658, %dma_wait3A_659] : memref<200x4x128x8x128xf32, #tpu.memory_space<hbm>> -> memref<1x1x1x8x128xf32, #tpu.memory_space<hbm>>
    %dma_wait3A_661 = tpu.memref_squeeze %dma_wait3A_660 : memref<1x1x1x8x128xf32, #tpu.memory_space<hbm>> -> memref<8x128xf32, #tpu.memory_space<hbm>>
    %dma_wait3A_662 = arith.constant 0 : i32
    %dma_wait3A_663 = arith.constant 0 : i32
    %dma_wait3A_664 = tpu.memref_slice %arg4[%dma_wait3A_651, %dma_wait3A_652, %dma_wait3A_653, %dma_wait3A_662, %dma_wait3A_663] : memref<200x4x128x8x128xf32, #tpu.memory_space<hbm>> -> memref<1x1x1x8x128xf32, #tpu.memory_space<hbm>>
    %dma_wait3A_665 = tpu.memref_squeeze %dma_wait3A_664 : memref<1x1x1x8x128xf32, #tpu.memory_space<hbm>> -> memref<8x128xf32, #tpu.memory_space<hbm>>
    %dma_wait3A_666 = arith.constant 24 : i32
    %dma_wait3A_667 = arith.constant 0 : i32
    %dma_wait3A_668 = tpu.memref_slice %arg7[%dma_wait3A_650, %dma_wait3A_666, %dma_wait3A_667] : memref<4x32x129xf32, #tpu.memory_space<vmem>> -> memref<1x8x128xf32, #tpu.memory_space<vmem>>
    %dma_wait3A_669 = tpu.memref_squeeze %dma_wait3A_668 : memref<1x8x128xf32, #tpu.memory_space<vmem>> -> memref<8x128xf32, #tpu.memory_space<vmem>>
    tpu.wait_dma2 semaphore(%arg14 : memref<!tpu.dma_semaphore, #tpu.memory_space<semaphore_mem>>) src(%dma_wait3A_669 : memref<8x128xf32, #tpu.memory_space<vmem>>) dst(%dma_wait3A_665 : memref<8x128xf32, #tpu.memory_space<hbm>>)
    %dma_wait3A_670 = arith.constant 3 : i32
    %dma_wait3A_671 = arith.constant 0 : i32
    %dma_wait3A_672 = arith.constant 0 : i32
    %dma_wait3A_673 = arith.constant 0 : i32
    %dma_wait3A_674 = arith.constant 0 : i32
    %dma_wait3A_675 = arith.constant 0 : i32
    %dma_wait3A_676 = tpu.memref_slice %arg7[%dma_wait3A_670, %dma_wait3A_674, %dma_wait3A_675] : memref<4x32x129xf32, #tpu.memory_space<vmem>> -> memref<1x8x128xf32, #tpu.memory_space<vmem>>
    %dma_wait3A_677 = tpu.memref_squeeze %dma_wait3A_676 : memref<1x8x128xf32, #tpu.memory_space<vmem>> -> memref<8x128xf32, #tpu.memory_space<vmem>>
    %dma_wait3A_678 = arith.constant 0 : i32
    %dma_wait3A_679 = arith.constant 0 : i32
    %dma_wait3A_680 = tpu.memref_slice %arg4[%dma_wait3A_671, %dma_wait3A_672, %dma_wait3A_673, %dma_wait3A_678, %dma_wait3A_679] : memref<200x4x128x8x128xf32, #tpu.memory_space<hbm>> -> memref<1x1x1x8x128xf32, #tpu.memory_space<hbm>>
    %dma_wait3A_681 = tpu.memref_squeeze %dma_wait3A_680 : memref<1x1x1x8x128xf32, #tpu.memory_space<hbm>> -> memref<8x128xf32, #tpu.memory_space<hbm>>
    %dma_wait3A_682 = arith.constant 0 : i32
    %dma_wait3A_683 = arith.constant 0 : i32
    %dma_wait3A_684 = tpu.memref_slice %arg4[%dma_wait3A_671, %dma_wait3A_672, %dma_wait3A_673, %dma_wait3A_682, %dma_wait3A_683] : memref<200x4x128x8x128xf32, #tpu.memory_space<hbm>> -> memref<1x1x1x8x128xf32, #tpu.memory_space<hbm>>
    %dma_wait3A_685 = tpu.memref_squeeze %dma_wait3A_684 : memref<1x1x1x8x128xf32, #tpu.memory_space<hbm>> -> memref<8x128xf32, #tpu.memory_space<hbm>>
    %dma_wait3A_686 = arith.constant 0 : i32
    %dma_wait3A_687 = arith.constant 0 : i32
    %dma_wait3A_688 = tpu.memref_slice %arg7[%dma_wait3A_670, %dma_wait3A_686, %dma_wait3A_687] : memref<4x32x129xf32, #tpu.memory_space<vmem>> -> memref<1x8x128xf32, #tpu.memory_space<vmem>>
    %dma_wait3A_689 = tpu.memref_squeeze %dma_wait3A_688 : memref<1x8x128xf32, #tpu.memory_space<vmem>> -> memref<8x128xf32, #tpu.memory_space<vmem>>
    tpu.wait_dma2 semaphore(%arg15 : memref<!tpu.dma_semaphore, #tpu.memory_space<semaphore_mem>>) src(%dma_wait3A_689 : memref<8x128xf32, #tpu.memory_space<vmem>>) dst(%dma_wait3A_685 : memref<8x128xf32, #tpu.memory_space<hbm>>)
    %dma_wait3A_690 = arith.constant 3 : i32
    %dma_wait3A_691 = arith.constant 0 : i32
    %dma_wait3A_692 = arith.constant 1 : i32
    %dma_wait3A_693 = arith.constant 0 : i32
    %dma_wait3A_694 = arith.constant 8 : i32
    %dma_wait3A_695 = arith.constant 0 : i32
    %dma_wait3A_696 = tpu.memref_slice %arg7[%dma_wait3A_690, %dma_wait3A_694, %dma_wait3A_695] : memref<4x32x129xf32, #tpu.memory_space<vmem>> -> memref<1x8x128xf32, #tpu.memory_space<vmem>>
    %dma_wait3A_697 = tpu.memref_squeeze %dma_wait3A_696 : memref<1x8x128xf32, #tpu.memory_space<vmem>> -> memref<8x128xf32, #tpu.memory_space<vmem>>
    %dma_wait3A_698 = arith.constant 0 : i32
    %dma_wait3A_699 = arith.constant 0 : i32
    %dma_wait3A_700 = tpu.memref_slice %arg4[%dma_wait3A_691, %dma_wait3A_692, %dma_wait3A_693, %dma_wait3A_698, %dma_wait3A_699] : memref<200x4x128x8x128xf32, #tpu.memory_space<hbm>> -> memref<1x1x1x8x128xf32, #tpu.memory_space<hbm>>
    %dma_wait3A_701 = tpu.memref_squeeze %dma_wait3A_700 : memref<1x1x1x8x128xf32, #tpu.memory_space<hbm>> -> memref<8x128xf32, #tpu.memory_space<hbm>>
    %dma_wait3A_702 = arith.constant 0 : i32
    %dma_wait3A_703 = arith.constant 0 : i32
    %dma_wait3A_704 = tpu.memref_slice %arg4[%dma_wait3A_691, %dma_wait3A_692, %dma_wait3A_693, %dma_wait3A_702, %dma_wait3A_703] : memref<200x4x128x8x128xf32, #tpu.memory_space<hbm>> -> memref<1x1x1x8x128xf32, #tpu.memory_space<hbm>>
    %dma_wait3A_705 = tpu.memref_squeeze %dma_wait3A_704 : memref<1x1x1x8x128xf32, #tpu.memory_space<hbm>> -> memref<8x128xf32, #tpu.memory_space<hbm>>
    %dma_wait3A_706 = arith.constant 8 : i32
    %dma_wait3A_707 = arith.constant 0 : i32
    %dma_wait3A_708 = tpu.memref_slice %arg7[%dma_wait3A_690, %dma_wait3A_706, %dma_wait3A_707] : memref<4x32x129xf32, #tpu.memory_space<vmem>> -> memref<1x8x128xf32, #tpu.memory_space<vmem>>
    %dma_wait3A_709 = tpu.memref_squeeze %dma_wait3A_708 : memref<1x8x128xf32, #tpu.memory_space<vmem>> -> memref<8x128xf32, #tpu.memory_space<vmem>>
    tpu.wait_dma2 semaphore(%arg15 : memref<!tpu.dma_semaphore, #tpu.memory_space<semaphore_mem>>) src(%dma_wait3A_709 : memref<8x128xf32, #tpu.memory_space<vmem>>) dst(%dma_wait3A_705 : memref<8x128xf32, #tpu.memory_space<hbm>>)
    %dma_wait3A_710 = arith.constant 3 : i32
    %dma_wait3A_711 = arith.constant 0 : i32
    %dma_wait3A_712 = arith.constant 2 : i32
    %dma_wait3A_713 = arith.constant 0 : i32
    %dma_wait3A_714 = arith.constant 16 : i32
    %dma_wait3A_715 = arith.constant 0 : i32
    %dma_wait3A_716 = tpu.memref_slice %arg7[%dma_wait3A_710, %dma_wait3A_714, %dma_wait3A_715] : memref<4x32x129xf32, #tpu.memory_space<vmem>> -> memref<1x8x128xf32, #tpu.memory_space<vmem>>
    %dma_wait3A_717 = tpu.memref_squeeze %dma_wait3A_716 : memref<1x8x128xf32, #tpu.memory_space<vmem>> -> memref<8x128xf32, #tpu.memory_space<vmem>>
    %dma_wait3A_718 = arith.constant 0 : i32
    %dma_wait3A_719 = arith.constant 0 : i32
    %dma_wait3A_720 = tpu.memref_slice %arg4[%dma_wait3A_711, %dma_wait3A_712, %dma_wait3A_713, %dma_wait3A_718, %dma_wait3A_719] : memref<200x4x128x8x128xf32, #tpu.memory_space<hbm>> -> memref<1x1x1x8x128xf32, #tpu.memory_space<hbm>>
    %dma_wait3A_721 = tpu.memref_squeeze %dma_wait3A_720 : memref<1x1x1x8x128xf32, #tpu.memory_space<hbm>> -> memref<8x128xf32, #tpu.memory_space<hbm>>
    %dma_wait3A_722 = arith.constant 0 : i32
    %dma_wait3A_723 = arith.constant 0 : i32
    %dma_wait3A_724 = tpu.memref_slice %arg4[%dma_wait3A_711, %dma_wait3A_712, %dma_wait3A_713, %dma_wait3A_722, %dma_wait3A_723] : memref<200x4x128x8x128xf32, #tpu.memory_space<hbm>> -> memref<1x1x1x8x128xf32, #tpu.memory_space<hbm>>
    %dma_wait3A_725 = tpu.memref_squeeze %dma_wait3A_724 : memref<1x1x1x8x128xf32, #tpu.memory_space<hbm>> -> memref<8x128xf32, #tpu.memory_space<hbm>>
    %dma_wait3A_726 = arith.constant 16 : i32
    %dma_wait3A_727 = arith.constant 0 : i32
    %dma_wait3A_728 = tpu.memref_slice %arg7[%dma_wait3A_710, %dma_wait3A_726, %dma_wait3A_727] : memref<4x32x129xf32, #tpu.memory_space<vmem>> -> memref<1x8x128xf32, #tpu.memory_space<vmem>>
    %dma_wait3A_729 = tpu.memref_squeeze %dma_wait3A_728 : memref<1x8x128xf32, #tpu.memory_space<vmem>> -> memref<8x128xf32, #tpu.memory_space<vmem>>
    tpu.wait_dma2 semaphore(%arg15 : memref<!tpu.dma_semaphore, #tpu.memory_space<semaphore_mem>>) src(%dma_wait3A_729 : memref<8x128xf32, #tpu.memory_space<vmem>>) dst(%dma_wait3A_725 : memref<8x128xf32, #tpu.memory_space<hbm>>)
    %dma_wait3A_730 = arith.constant 3 : i32
    %dma_wait3A_731 = arith.constant 0 : i32
    %dma_wait3A_732 = arith.constant 3 : i32
    %dma_wait3A_733 = arith.constant 0 : i32
    %dma_wait3A_734 = arith.constant 24 : i32
    %dma_wait3A_735 = arith.constant 0 : i32
    %dma_wait3A_736 = tpu.memref_slice %arg7[%dma_wait3A_730, %dma_wait3A_734, %dma_wait3A_735] : memref<4x32x129xf32, #tpu.memory_space<vmem>> -> memref<1x8x128xf32, #tpu.memory_space<vmem>>
    %dma_wait3A_737 = tpu.memref_squeeze %dma_wait3A_736 : memref<1x8x128xf32, #tpu.memory_space<vmem>> -> memref<8x128xf32, #tpu.memory_space<vmem>>
    %dma_wait3A_738 = arith.constant 0 : i32
    %dma_wait3A_739 = arith.constant 0 : i32
    %dma_wait3A_740 = tpu.memref_slice %arg4[%dma_wait3A_731, %dma_wait3A_732, %dma_wait3A_733, %dma_wait3A_738, %dma_wait3A_739] : memref<200x4x128x8x128xf32, #tpu.memory_space<hbm>> -> memref<1x1x1x8x128xf32, #tpu.memory_space<hbm>>
    %dma_wait3A_741 = tpu.memref_squeeze %dma_wait3A_740 : memref<1x1x1x8x128xf32, #tpu.memory_space<hbm>> -> memref<8x128xf32, #tpu.memory_space<hbm>>
    %dma_wait3A_742 = arith.constant 0 : i32
    %dma_wait3A_743 = arith.constant 0 : i32
    %dma_wait3A_744 = tpu.memref_slice %arg4[%dma_wait3A_731, %dma_wait3A_732, %dma_wait3A_733, %dma_wait3A_742, %dma_wait3A_743] : memref<200x4x128x8x128xf32, #tpu.memory_space<hbm>> -> memref<1x1x1x8x128xf32, #tpu.memory_space<hbm>>
    %dma_wait3A_745 = tpu.memref_squeeze %dma_wait3A_744 : memref<1x1x1x8x128xf32, #tpu.memory_space<hbm>> -> memref<8x128xf32, #tpu.memory_space<hbm>>
    %dma_wait3A_746 = arith.constant 24 : i32
    %dma_wait3A_747 = arith.constant 0 : i32
    %dma_wait3A_748 = tpu.memref_slice %arg7[%dma_wait3A_730, %dma_wait3A_746, %dma_wait3A_747] : memref<4x32x129xf32, #tpu.memory_space<vmem>> -> memref<1x8x128xf32, #tpu.memory_space<vmem>>
    %dma_wait3A_749 = tpu.memref_squeeze %dma_wait3A_748 : memref<1x8x128xf32, #tpu.memory_space<vmem>> -> memref<8x128xf32, #tpu.memory_space<vmem>>
    tpu.wait_dma2 semaphore(%arg15 : memref<!tpu.dma_semaphore, #tpu.memory_space<semaphore_mem>>) src(%dma_wait3A_749 : memref<8x128xf32, #tpu.memory_space<vmem>>) dst(%dma_wait3A_745 : memref<8x128xf32, #tpu.memory_space<hbm>>)
    return
  }
}

</mosaic_0001>

<sc_bundles>
// kernel: kernel.3.cloned.1.call-start
scs
__scs_entry_jumppad:
0x0: {  	(pc) =	sbr.rel $0x88, $3  }
0x1: {  	(tag) =	ssettag $0x0;
	lr =	simm.s32 $0x1  }
0x2: {  	[smem:$0x3F9F] =	sst lr;
	_ =	strace $0xD0000000  }
0x3: {  	_ = 	snop  }
0x4: {  	_ = 	snop  }
0x5: {  	_ = 	snop  }
0x6: {  	_ = 	snop  }
0x7: {  	_ = 	snop  }
__scs_overlays_trampoline_lowered:
0x8: {  	[smem:$0x3FAE] =	sst s0  }
0x9: {  	[smem:$0x3FAF] =	sst s1  }
0xa: {  	[smem:$0x3FB0] =	sst s2  }
0xb: {  	[smem:$0x3FB1] =	sst s3  }
0xc: {  	[smem:$0x3FB2] =	sst s4  }
0xd: {  	[smem:$0x3FB3] =	sst s5  }
0xe: {  	[smem:$0x3FB4] =	sst s6  }
0xf: {  	[smem:$0x3FB5] =	sst s7  }
0x10: {  	[smem:$0x3FB6] =	sst s8  }
0x11: {  	[smem:$0x3FB7] =	sst s9;
	s0 =	simm.s32 @!p0 $0x0  }
0x12: {  	s1 =	sld [smem:$0x3F9D];
	s0 =	simm.s32 @p0 $0x1  }
0x13: {  	[smem:$0x3FB8] =	sst s0;
	s0 =	simm.s32 @!p1 $0x0  }
0x14: {  	s2 =	sld [smem:$0x3F9C];
	s0 =	simm.s32 @p1 $0x1  }
0x15: {  	[smem:$0x3FB9] =	sst s0;
	s0 =	simm.s32 @!p2 $0x0  }
0x16: {  	s3 =	sld [smem:$0x3FDB];
	s0 =	simm.s32 @p2 $0x1  }
0x17: {  	s4 =	simm.s32 $0x1BF5;
	[smem:$0x3FBB] =	sst s0  }
0x18: {  	s0 =	sld [smem:$0x3F9E];
	_ =	swait.ge [sflag:s4], $0x0  }
0x19: {  	s7 =	sld [smem:$0x3F9F]  }
0x1a: {  	s8 =	sadd.s32 $0xFFFFE003, lr  }
0x1b: {  	s9 =	sadd.s32 $0xFFFFFEF7, lr;
	s5 =	simm.s32 $0xFFFFFFFF;
	p2 =	slt.u32 s8, $0xFFFFF086  }
0x1c: {  	p1 =	slt.u32 s9, $0xF7A;
	s5 =	simm.s32 @!p2 $0x0  }
0x1d: {  	s5 =	simm.s32 @p1 $0x1;
	p0 =	seq.s32 s7, s2  }
0x1e: {  	s7 =	smul.u32 @!p0 $0xF7A, s2;
	p2 =	seq.s32 @!p0 s5, $0x0  }
0x1f: {  	s9 =	smul.u32 $0xF7A, s1;
	s8 =	simm.s32 @!p0 $0x1BF5;
	p2 =	por !p2, p0  }
0x20: {  	[sflag:s8] =	ssyncset.s32 @!p0 $0xFFFFF086;
	s6 =	sadd.s32 @!p0 s3, s7;
	s7 =	simm.s32 @!p0 $0x108  }
0x21: {  	s3 =	sadd.s32 s3, s9;
	s6 =	sadd.s32 @!p0 $0x88, s6;
	s7 =	simm.s32 @p2 $0x1082  }
0x22: {  	[simem:s7], [sflag:s8] =	dma.local @!p0 [hbm:s6], $0xF7A  }
0x23: {  	s9 =	sor.u32 $0xD0000000, s2;
	s6 =	simm.s32 $0x108;
	_ =	swait.ge @!p0 [sflag:s8], $0x0  }
0x24: {  	s3 =	sadd.s32 $0x88, s3;
	s6 =	simm.s32 @!p1 $0x1082;
	[sflag:s4] =	ssyncset.s32 $0xFFFFF086  }
0x25: {  	[simem:s6], [sflag:s4] =	dma.local [hbm:s3], $0xF7A  }
0x26: {  	[smem:$0x3F9F] =	sst s1;
	(tag) =	ssettag s2;
	_ =	strace s9  }
0x27: {  	s1 =	sld [smem:$0x3FAF]  }
0x28: {  	s2 =	sld [smem:$0x3FB0]  }
0x29: {  	s4 =	sld [smem:$0x3FB2]  }
0x2a: {  	p0 =	seq.s32 s5, $0x0;
	s5 =	sld [smem:$0x3FB3]  }
0x2b: {  	s6 =	sld [smem:$0x3FB4]  }
0x2c: {  	s7 =	sld [smem:$0x3FB5]  }
0x2d: {  	s3 =	simm.s32 $0x108;
	s8 =	sld [smem:$0x3FB6]  }
0x2e: {  	s3 =	simm.s32 @!p0 $0x1082;
	s9 =	sld [smem:$0x3FB7]  }
0x2f: {  	lr =	sadd.s32 s0, s3;
	s0 =	sld [smem:$0x3FAE]  }
0x30: {  	s3 =	sld [smem:$0x3FB1]  }
0x31: {  	[smem:$0x3FBA] =	sst s10  }
0x32: {  	s10 =	sld [smem:$0x3FB8];
	_ =	sdelay $0x3  }
0x33: {  	p0 =	seq.s32 s10, $0x1;
	s10 =	sld [smem:$0x3FBA];
	_ =	sdelay $0x3  }
0x34: {  	[smem:$0x3FBA] =	sst s10  }
0x35: {  	s10 =	sld [smem:$0x3FB9];
	_ =	sdelay $0x3  }
0x36: {  	p1 =	seq.s32 s10, $0x1;
	s10 =	sld [smem:$0x3FBA];
	_ =	sdelay $0x3  }
0x37: {  	[smem:$0x3FBA] =	sst s10  }
0x38: {  	s10 =	sld [smem:$0x3FBB]  }
0x39: {  	_ = 	snop;
	(pc) =	sbr.ind lr, $3  }
0x3a: {  	_ = 	snop  }
0x3b: {  	_ = 	snop  }
0x3c: {  	p2 =	seq.s32 s10, $0x1;
	s10 =	sld [smem:$0x3FBA]  }
0x3d: {  	_ =	shalt  }
0x3e: {  	_ =	shalt  }
0x3f: {  	_ =	shalt  }
0x40: {  	_ =	shalt  }
0x41: {  	_ =	shalt  }
0x42: {  	_ =	shalt  }
0x43: {  	_ =	shalt  }
0x44: {  	_ =	shalt  }
0x45: {  	_ =	shalt  }
0x46: {  	_ =	shalt  }
0x47: {  	_ =	shalt  }
0x48: {  	_ =	shalt  }
0x49: {  	_ =	shalt  }
0x4a: {  	_ =	shalt  }
0x4b: {  	_ =	shalt  }
0x4c: {  	_ =	shalt  }
0x4d: {  	_ =	shalt  }
0x4e: {  	_ =	shalt  }
0x4f: {  	_ =	shalt  }
0x50: {  	_ =	shalt  }
0x51: {  	_ =	shalt  }
0x52: {  	_ =	shalt  }
0x53: {  	_ =	shalt  }
0x54: {  	_ =	shalt  }
0x55: {  	_ =	shalt  }
0x56: {  	_ =	shalt  }
0x57: {  	_ =	shalt  }
0x58: {  	_ =	shalt  }
0x59: {  	_ =	shalt  }
0x5a: {  	_ =	shalt  }
0x5b: {  	_ =	shalt  }
0x5c: {  	_ =	shalt  }
0x5d: {  	_ =	shalt  }
0x5e: {  	_ =	shalt  }
0x5f: {  	_ =	shalt  }
0x60: {  	_ =	shalt  }
0x61: {  	_ =	shalt  }
0x62: {  	_ =	shalt  }
0x63: {  	_ =	shalt  }
0x64: {  	_ =	shalt  }
0x65: {  	_ =	shalt  }
0x66: {  	_ =	shalt  }
0x67: {  	_ =	shalt  }
0x68: {  	_ =	shalt  }
0x69: {  	_ =	shalt  }
0x6a: {  	_ =	shalt  }
0x6b: {  	_ =	shalt  }
0x6c: {  	_ =	shalt  }
0x6d: {  	_ =	shalt  }
0x6e: {  	_ =	shalt  }
0x6f: {  	_ =	shalt  }
0x70: {  	_ =	shalt  }
0x71: {  	_ =	shalt  }
0x72: {  	_ =	shalt  }
0x73: {  	_ =	shalt  }
0x74: {  	_ =	shalt  }
0x75: {  	_ =	shalt  }
0x76: {  	_ =	shalt  }
0x77: {  	_ =	shalt  }
0x78: {  	_ =	shalt  }
0x79: {  	_ =	shalt  }
0x7a: {  	_ =	shalt  }
0x7b: {  	_ =	shalt  }
0x7c: {  	_ =	shalt  }
0x7d: {  	_ =	shalt  }
0x7e: {  	_ =	shalt  }
0x7f: {  	_ =	shalt  }
0x80: {  	_ =	shalt  }
0x81: {  	_ =	shalt  }
0x82: {  	_ =	shalt  }
0x83: {  	_ =	shalt  }
0x84: {  	_ =	shalt  }
0x85: {  	_ =	shalt  }
0x86: {  	_ =	shalt  }
0x87: {  	_ =	shalt  }
.Lfunc_end0:
.L_simem_size_0:
called_computation_lowered:
.L_overlay_start_0:
0x88: {  	s2 =	sld [smem:$0x3FD9]  }
0x89: {  	s3 =	sld [smem:$0x3FFE];
	_ =	sdelay $0x1  }
0x8a: {  	s1 =	srdreg.scid  }
0x8b: {  	s0 =	sand.u32 $0x1, s1  }
0x8c: {  	s17 =	sshll.u32 s0, $0xA;
	s2 =	sadd.s32 s3, s2  }
0x8d: {  	s2 =	sadd.s32 s2, s17  }
0x8e: {  	[smem:$0x3FC6] =	sst s2  }
0x8f: {  	_ = 	snop  }
0x90: {  	s2 =	sld [smem:$0x3FC9]  }
0x91: {  	s18 =	sld [smem:$0x3FD0];
	(tm) =	ssettm $0x1  }
0x92: {  	s4 =	sld [smem:$0x3FFB];
	_ =	sdelay $0x3  }
0x93: {  	_ =	strace s4  }
0x94: {  	s4 =	sld [smem:$0x3FFC];
	_ =	sdelay $0x3  }
0x95: {  	_ =	strace s4  }
0x96: {  	s4 =	sld [smem:$0x3FFD];
	_ =	sdelay $0x3  }
0x97: {  	_ =	strace s4  }
0x98: {  	_ =	strace $0x8FFFFFFF  }
0x99: {  	s19 =	sld [smem:$0x3FDB];
	_ =	sdelay $0x1  }
0x9a: {  	s5 =	simm.s32 $_scs_section_size  }
0x9b: {  	s6 =	simm.s32 $_size__tile_overlayer_lowered;
	s7 =	simm.s32 $_tile_overlayer_lowered  }
0x9c: {  	s22 =	simm.s32 $0x1BFF;
	s21 =	sshll.u32 s7, $0x1;
	s4 =	sadd.s32 s5, s19  }
0x9d: {  	s8 =	simm.s32 $0x0;
	s20 =	sshll.u32 s6, $0x1;
	s6 =	sadd.s32 s21, s4  }
0x9e: {  	[timem:s8], [sflag:s22] =	dma.local [hbm:s6], s20  }
0x9f: {  	_ =	swait.ge [sflag:s22], s20  }
0xa0: {  	s5 =	ssub.s32 $0x0, s20;
	[sflag:s22] =	ssyncset.done $0x0  }
0xa1: {  	[sflag:s22] =	ssyncadd.s32 s5;
	_ =	sdelay $0x1  }
0xa2: {  	s23 =	simm.s32 $0x1B8B  }
0xa3: {  	_ =	swait.ge [sflag:s23], $0x1  }
0xa4: {  	[sflag:s23] =	ssyncset.done $0x0  }
0xa5: {  	s25 =	simm.s32 $0x1B8E;
	s24 =	sld [smem:$0x3FFE];
	[sflag:s23] =	ssyncadd.s32 $0xFFFFFFFF  }
0xa6: {  	s26 =	simm.s32 $execute0_lowered;
	[smem:$0x3FD2] =	sst s25  }
0xa7: {  	s6 =	sshll.u32 s26, $0x1;
	_ =	strace $0x80000046;
	[dreg:$0x1] =	wrdreg $0xFFFFFFFF  }
0xa8: {  	s28 =	simm.s32 $_size_execute0_lowered;
	s4 =	sadd.s32 s4, s6;
	[dreg:$0x0] =	wrdreg $0x0  }
0xa9: {  	s6 =	sshll.u32 s28, $0x1;
	[dreg:$0x2] =	wrdreg s4  }
0xaa: {  	[dreg:$0x3] =	wrdreg s6  }
0xab: {  	[dreg:$0x4] =	wrdreg $0xC0  }
0xac: {  	_ =	task [dreg:s8], $0x5FFFF  }
0xad: {  	[dreg:$0x1] =	wrdreg $0xFFFFFFFF  }
0xae: {  	[dreg:$0x0] =	wrdreg $0x60  }
0xaf: {  	[dreg:$0x2] =	wrdreg s2  }
0xb0: {  	[dreg:$0x3] =	wrdreg s24  }
0xb1: {  	[dreg:$0x4] =	wrdreg s18  }
0xb2: {  	[dreg:$0x5] =	wrdreg $0x9  }
0xb3: {  	_ =	task.clear_ibuf [dreg:s8], $0x6FFFF;
	_ =	strace $0x90000046  }
0xb4: {  	s29 =	simm.s32 $0x9;
	_ =	strace $0x80000048  }
0xb5: {  	_ =	swait.ge [sflag:s29], $0x1  }
0xb6: {  	[sflag:s29] =	ssyncadd.s32 $0xFFFFFFFF  }
0xb7: {  	_ =	strace $0x90000048  }
0xb8: {  	_ =	sfence  }
0xb9: {  	s30 =	sld [smem:$0x0];
	_ =	sdelay $0x2  }
0xba: {  	s31 =	sshll.u32 s1, $0xD;
	s1 =	sshrl.u32 s1, $0x2  }
0xbb: {  	s3 =	sand.u32 $0x4000, s31;
	s1 =	sadd.s32 s1, s30  }
0xbc: {  	s0 =	sor.u32 s3, s0;
	s1 =	sshll.u32 s1, $0x11  }
0xbd: {  	s0 =	sor.u32 s1, s0  }
0xbe: {  	s0 =	sadd.s32 $0x8F2B, s0  }
0xbf: {  	[sflag:s0] =	ssyncadd.remote.s32 $0x1  }
0xc0: {  	_ =	sfence.sel $0xFFFF  }
0xc1: {  	[dreg:$0x0] =	wrdreg $0xFFFFFFFF;
	(pc) =	sbr.abs _section_cstart, $3  }
0xc2: {  	[dreg:$0x1] =	wrdreg $0xFFFFFFFF  }
0xc3: {  	_ =	task.clear_ibuf [dreg:s8], $0x2FFFF;
	_ =	strace $0x9FFFFFFF  }
0xc4: {  	(tm) =	ssettm $0x7FFFFFFF  }
0xc5: {  	_ =	shalt  }
tec
execute0_lowered:
.L_overlay_start_1:
0x0: {  	(tag) =	ssettag $0x1  }
0x1: {  	s7 =	rddreg [dreg:$0x0]  }
0x2: {  	s0 =	rddreg [dreg:$0x1]  }
0x3: {  	s2 =	rddreg [dreg:$0x2];
	s4 =	simm.s32 $0x0  }
0x4: {  	[smem:$0x7FF] =	sst s4;
	s0 =	sadd.s32 $0xF42800, s0  }
0x5: {  	s20 =	sadd.s32 $0x4000, s2;
	_ =	strace $0x80000047;
	[dreg:$0x5] =	wrdreg s0  }
0x6: {  	s21 =	sadd.s32 $0x8000, s2;
	[dreg:$0x6] =	wrdreg s20  }
0x7: {  	s22 =	sadd.s32 $0xC000, s2;
	[dreg:$0x7] =	wrdreg s21  }
0x8: {  	s23 =	sadd.s32 $0x10, s2;
	[dreg:$0x9] =	wrdreg s22  }
0x9: {  	s24 =	sadd.s32 $0x20, s2;
	[dreg:$0xc] =	wrdreg s23  }
0xa: {  	s25 =	sadd.s32 $0x30, s2;
	[dreg:$0xd] =	wrdreg s24  }
0xb: {  	s26 =	sadd.s32 $0x40, s2;
	[dreg:$0xe] =	wrdreg s25  }
0xc: {  	s8 =	sadd.s32 $0x4030, s2;
	[dreg:$0xf] =	wrdreg s26  }
0xd: {  	s1 =	srdreg.scid;
	s9 =	sadd.s32 $0x4040, s2;
	[dreg:$0x15] =	wrdreg s8  }
0xe: {  	s5 =	stileid.u32;
	s10 =	sadd.s32 $0x4050, s2;
	[dreg:$0x16] =	wrdreg s9  }
0xf: {  	s31 =	simm.s32 $0x13B00;
	s11 =	sadd.s32 $0x4060, s2;
	[dreg:$0x17] =	wrdreg s10  }
0x10: {  	s28 =	simm.s32 $0x14738;
	s12 =	sadd.s32 $0x4070, s2;
	[dreg:$0x18] =	wrdreg s11  }
0x11: {  	s29 =	simm.s32 $0x147C0;
	s13 =	sadd.s32 $0x8010, s2;
	[dreg:$0x19] =	wrdreg s12  }
0x12: {  	s30 =	simm.s32 $0x14848;
	s14 =	sadd.s32 $0x8020, s2;
	[dreg:$0x1a] =	wrdreg s13  }
0x13: {  	s1 =	sand.u32 $0x1, s1;
	s15 =	sadd.s32 $0x8030, s2;
	[dreg:$0x1b] =	wrdreg s14  }
0x14: {  	s5 =	sshll.u32 s5, $0x3;
	s16 =	sadd.s32 $0x8040, s2;
	[dreg:$0x1c] =	wrdreg s15  }
0x15: {  	s17 =	sadd.s32 $0x8050, s2;
	s18 =	sadd.s32 $0x8060, s2;
	[dreg:$0x1d] =	wrdreg s16  }
0x16: {  	s3 =	ssub.s32 $0x2, s1;
	s1 =	sshll.u32 s1, $0x2;
	[dreg:$0x1e] =	wrdreg s17  }
0x17: {  	[dreg:$0x1f] =	wrdreg s18;
	s20 =	sadd.s32 $0xC010, s2;
	s21 =	sadd.s32 $0xC020, s2  }
0x18: {  	s22 =	sadd.s32 $0xC030, s2;
	s23 =	sadd.s32 $0xC040, s2;
	[smem:$0x7F7] =	sst s20  }
0x19: {  	s24 =	sadd.s32 $0xC050, s2;
	s25 =	sadd.s32 $0xC060, s2;
	[smem:$0x7F8] =	sst s21  }
0x1a: {  	s26 =	sadd.s32 $0xC070, s2;
	s15 =	simm.s32 $0x10800;
	[smem:$0x7F9] =	sst s22  }
0x1b: {  	s11 =	simm.s32 $0x149E0;
	s12 =	simm.s32 $0x14A68;
	[smem:$0x7FA] =	sst s23  }
0x1c: {  	s9 =	simm.s32 $0x14AF0;
	s8 =	simm.s32 $0x5;
	[smem:$0x7FB] =	sst s24  }
0x1d: {  	s10 =	simm.s32 $0x6;
	s13 =	simm.s32 $0x7;
	[smem:$0x7FC] =	sst s25  }
0x1e: {  	s14 =	simm.s32 $0x8;
	s1 =	sor.u32 s1, s5;
	[smem:$0x7FD] =	sst s26  }
0x1f: {  	s6 =	sshrl.u32 s3, $0x1;
	s5 =	sadd.s32 $0x70, s2;
	[dreg:$0x4] =	wrdreg s1  }
0x20: {  	s19 =	ssub.s32 s3, s6;
	s3 =	sadd.s32 $0x60, s2;
	[dreg:$0x12] =	wrdreg s5  }
0x21: {  	v0 =	vlaneseq.u32;
	s1 =	sshll.u32 s1, $0x7;
	s6 =	sadd.s32 $0x4010, s2;
	[dreg:$0x11] =	wrdreg s3  }
0x22: {  	v1 =	vimm.s32 $0x0;
	vm0 =	vcmask $0x300;
	v0 =	vmul.u32 $0x88, v0;
	s24 =	simm.s32 $0x12A00;
	s1 =	sadd.s32 s7, s1;
	[dreg:$0x13] =	wrdreg s6  }
0x23: {  	v1 =	vsel vm0, $0x3, v1;
	s25 =	simm.s32 $0x14628;
	s0 =	smax.u32 s19, $0x1;
	[dreg:$0x8] =	wrdreg s1  }
0x24: {  	s26 =	simm.s32 $0x146B0;
	v2 =	vadd.s32 $0x880, v0;
	v3 =	vor.u32 $0x1, v0;
	v4 =	vadd.s32 $0x881, v0;
	s7 =	sadd.s32 $0x4020, s2;
	[dreg:$0xb] =	wrdreg s0  }
0x25: {  	v5 =	vor.u32 $0x2, v0;
	v6 =	vadd.s32 $0x882, v0;
	v7 =	vor.u32 $0x3, v0;
	s5 =	simm.s32 $0x0;
	s19 =	sadd.s32 $0x8070, s2;
	[dreg:$0x14] =	wrdreg s7  }
0x26: {  	v8 =	vadd.s32 $0x883, v0;
	v9 =	vor.u32 $0x4, v0;
	v10 =	vadd.s32 $0x884, v0;
	s3 =	simm.s32 $0x14958;
	s1 =	sadd.s32 $0x80, s1;
	[smem:$0x7F6] =	sst s19  }
0x27: {  	v11 =	vor.u32 $0x5, v0;
	v12 =	vadd.s32 $0x885, v0;
	v13 =	vor.u32 $0x6, v0;
	s19 =	simm.s32 $0x11900;
	[dreg:$0xa] =	wrdreg s1;
	s1 =	sadd.s32 $0x50, s2  }
0x28: {  	v14 =	vadd.s32 $0x886, v0;
	v15 =	vor.u32 $0x7, v0;
	v16 =	vadd.s32 $0x887, v0;
	s0 =	simm.s32 $0x148D0;
	s7 =	simm.s32 $0x14B78;
	[dreg:$0x10] =	wrdreg s1  }
.LBB2_1:
0x29: {  	[smem:$0x7F5] =	sst s5  }
0x2a: {  	[tilespmem:s15], [sflag:$0x5] =	stream.linear.gather [hbm4b:s2+s4], $0x80, $0x38;
	[tilespmem:$0x14C00] =	vst v63  }
0x2b: {  	s17 =	rddreg [dreg:$0xc];
	s1 =	simm.s32 $0x10888  }
0x2c: {  	[tilespmem:s1], [sflag:$0x5] =	stream.linear.gather [hbm4b:s17+s4], $0x80, $0x38;
	[tilespmem:$0x14C00] =	vst v63  }
0x2d: {  	s18 =	rddreg [dreg:$0xd];
	s20 =	simm.s32 $0x10910  }
0x2e: {  	[tilespmem:s20], [sflag:$0x5] =	stream.linear.gather [hbm4b:s18+s4], $0x80, $0x38;
	[tilespmem:$0x14C00] =	vst v63  }
0x2f: {  	s21 =	rddreg [dreg:$0xe];
	s22 =	simm.s32 $0x10998  }
0x30: {  	[tilespmem:s22], [sflag:$0x5] =	stream.linear.gather [hbm4b:s21+s4], $0x80, $0x38;
	[tilespmem:$0x14C00] =	vst v63  }
0x31: {  	s6 =	simm.s32 $0x10A20;
	s1 =	rddreg [dreg:$0xf]  }
0x32: {  	[tilespmem:s6], [sflag:$0x5] =	stream.linear.gather [hbm4b:s1+s4], $0x80, $0x38;
	[tilespmem:$0x14C00] =	vst v63  }
0x33: {  	s16 =	rddreg [dreg:$0x10];
	s23 =	smov.u32 s17;
	s17 =	simm.s32 $0x10AA8  }
0x34: {  	[tilespmem:s17], [sflag:$0x5] =	stream.linear.gather [hbm4b:s16+s4], $0x80, $0x38;
	[tilespmem:$0x14C00] =	vst v63  }
0x35: {  	s18 =	rddreg [dreg:$0x11];
	s20 =	simm.s32 $0x10B30  }
0x36: {  	[tilespmem:s20], [sflag:$0x5] =	stream.linear.gather [hbm4b:s18+s4], $0x80, $0x38;
	[tilespmem:$0x14C00] =	vst v63  }
0x37: {  	s21 =	rddreg [dreg:$0x12];
	s22 =	simm.s32 $0x10BB8  }
0x38: {  	[tilespmem:s22], [sflag:$0x5] =	stream.linear.gather [hbm4b:s21+s4], $0x80, $0x38;
	[tilespmem:$0x14C00] =	vst v63  }
0x39: {  	s5 =	rddreg [dreg:$0x6];
	s6 =	simm.s32 $0x10C40  }
0x3a: {  	[tilespmem:s6], [sflag:$0x5] =	stream.linear.gather [hbm4b:s5+s4], $0x80, $0x38;
	[tilespmem:$0x14C00] =	vst v63  }
0x3b: {  	s16 =	rddreg [dreg:$0x13];
	s17 =	simm.s32 $0x10CC8  }
0x3c: {  	[tilespmem:s17], [sflag:$0x5] =	stream.linear.gather [hbm4b:s16+s4], $0x80, $0x38;
	[tilespmem:$0x14C00] =	vst v63  }
0x3d: {  	s18 =	rddreg [dreg:$0x14];
	s20 =	simm.s32 $0x10D50  }
0x3e: {  	[tilespmem:s20], [sflag:$0x5] =	stream.linear.gather [hbm4b:s18+s4], $0x80, $0x38;
	[tilespmem:$0x14C00] =	vst v63  }
0x3f: {  	s21 =	rddreg [dreg:$0x15];
	s22 =	simm.s32 $0x10DD8  }
0x40: {  	[tilespmem:s22], [sflag:$0x5] =	stream.linear.gather [hbm4b:s21+s4], $0x80, $0x38;
	[tilespmem:$0x14C00] =	vst v63  }
0x41: {  	s1 =	simm.s32 $0x10E60;
	s16 =	rddreg [dreg:$0x16]  }
0x42: {  	[tilespmem:s1], [sflag:$0x5] =	stream.linear.gather [hbm4b:s16+s4], $0x80, $0x38;
	[tilespmem:$0x14C00] =	vst v63  }
0x43: {  	s6 =	rddreg [dreg:$0x17];
	s17 =	simm.s32 $0x10EE8  }
0x44: {  	[tilespmem:s17], [sflag:$0x5] =	stream.linear.gather [hbm4b:s6+s4], $0x80, $0x38;
	[tilespmem:$0x14C00] =	vst v63  }
0x45: {  	s18 =	rddreg [dreg:$0x18];
	s20 =	simm.s32 $0x10F70  }
0x46: {  	[tilespmem:s20], [sflag:$0x5] =	stream.linear.gather [hbm4b:s18+s4], $0x80, $0x38;
	[tilespmem:$0x14C00] =	vst v63  }
0x47: {  	s21 =	simm.s32 $0x10FF8;
	s17 =	rddreg [dreg:$0x19]  }
0x48: {  	[tilespmem:s21], [sflag:$0x5] =	stream.linear.gather [hbm4b:s17+s4], $0x80, $0x38;
	[tilespmem:$0x14C00] =	vst v63  }
0x49: {  	s6 =	simm.s32 $0x11080;
	s21 =	rddreg [dreg:$0x7]  }
0x4a: {  	[tilespmem:s6], [sflag:$0x5] =	stream.linear.gather [hbm4b:s21+s4], $0x80, $0x38;
	[tilespmem:$0x14C00] =	vst v63  }
0x4b: {  	s5 =	simm.s32 $0x11108;
	s22 =	rddreg [dreg:$0x1a]  }
0x4c: {  	[tilespmem:s5], [sflag:$0x5] =	stream.linear.gather [hbm4b:s22+s4], $0x80, $0x38;
	[tilespmem:$0x14C00] =	vst v63  }
0x4d: {  	s18 =	simm.s32 $0x11190;
	s6 =	rddreg [dreg:$0x1b]  }
0x4e: {  	[tilespmem:s18], [sflag:$0x5] =	stream.linear.gather [hbm4b:s6+s4], $0x80, $0x38;
	[tilespmem:$0x14C00] =	vst v63  }
0x4f: {  	s20 =	simm.s32 $0x11218;
	s18 =	rddreg [dreg:$0x1c]  }
0x50: {  	[tilespmem:s20], [sflag:$0x5] =	stream.linear.gather [hbm4b:s18+s4], $0x80, $0x38;
	[tilespmem:$0x14C00] =	vst v63  }
0x51: {  	s22 =	rddreg [dreg:$0x1d];
	s5 =	simm.s32 $0x112A0  }
0x52: {  	[tilespmem:s5], [sflag:$0x5] =	stream.linear.gather [hbm4b:s22+s4], $0x80, $0x38;
	[tilespmem:$0x14C00] =	vst v63  }
0x53: {  	s20 =	rddreg [dreg:$0x1e];
	s22 =	simm.s32 $0x11328  }
0x54: {  	[tilespmem:s22], [sflag:$0x5] =	stream.linear.gather [hbm4b:s20+s4], $0x80, $0x38;
	[tilespmem:$0x14C00] =	vst v63  }
0x55: {  	s20 =	rddreg [dreg:$0x1f]  }
0x56: {  	s5 =	simm.s32 $0x113B0;
	s22 =	sld [smem:$0x7F6]  }
0x57: {  	[tilespmem:s5], [sflag:$0x5] =	stream.linear.gather [hbm4b:s20+s4], $0x80, $0x38;
	[tilespmem:$0x14C00] =	vst v63  }
0x58: {  	s5 =	simm.s32 $0x11438  }
0x59: {  	[tilespmem:s5], [sflag:$0x5] =	stream.linear.gather [hbm4b:s22+s4], $0x80, $0x38;
	[tilespmem:$0x14C00] =	vst v63  }
0x5a: {  	s6 =	rddreg [dreg:$0x9];
	s22 =	simm.s32 $0x114C0  }
0x5b: {  	[tilespmem:s22], [sflag:$0x5] =	stream.linear.gather [hbm4b:s6+s4], $0x80, $0x38;
	[tilespmem:$0x14C00] =	vst v63  }
0x5c: {  	s6 =	sld [smem:$0x7F7];
	_ =	sdelay $0x1  }
0x5d: {  	s22 =	simm.s32 $0x11548  }
0x5e: {  	[tilespmem:s22], [sflag:$0x5] =	stream.linear.gather [hbm4b:s6+s4], $0x80, $0x38;
	[tilespmem:$0x14C00] =	vst v63  }
0x5f: {  	s22 =	sld [smem:$0x7F8];
	_ =	sdelay $0x1  }
0x60: {  	s1 =	sld [smem:$0x7F9];
	s6 =	simm.s32 $0x115D0  }
0x61: {  	[tilespmem:s6], [sflag:$0x5] =	stream.linear.gather [hbm4b:s22+s4], $0x80, $0x38;
	[tilespmem:$0x14C00] =	vst v63  }
0x62: {  	s6 =	simm.s32 $0x11658  }
0x63: {  	[tilespmem:s6], [sflag:$0x5] =	stream.linear.gather [hbm4b:s1+s4], $0x80, $0x38;
	[tilespmem:$0x14C00] =	vst v63  }
0x64: {  	s1 =	sld [smem:$0x7FA];
	_ =	sdelay $0x1  }
0x65: {  	s6 =	simm.s32 $0x116E0  }
0x66: {  	[tilespmem:s6], [sflag:$0x5] =	stream.linear.gather [hbm4b:s1+s4], $0x80, $0x38;
	[tilespmem:$0x14C00] =	vst v63  }
0x67: {  	s1 =	sld [smem:$0x7FB];
	_ =	sdelay $0x1  }
0x68: {  	s6 =	simm.s32 $0x11768  }
0x69: {  	[tilespmem:s6], [sflag:$0x5] =	stream.linear.gather [hbm4b:s1+s4], $0x80, $0x38;
	[tilespmem:$0x14C00] =	vst v63  }
0x6a: {  	s1 =	sld [smem:$0x7FC];
	_ =	sdelay $0x1  }
0x6b: {  	s6 =	simm.s32 $0x117F0  }
0x6c: {  	[tilespmem:s6], [sflag:$0x5] =	stream.linear.gather [hbm4b:s1+s4], $0x80, $0x38;
	[tilespmem:$0x14C00] =	vst v63  }
0x6d: {  	s1 =	sld [smem:$0x7FD];
	_ =	sdelay $0x1  }
0x6e: {  	s6 =	simm.s32 $0x11878  }
0x6f: {  	[tilespmem:s6], [sflag:$0x5] =	stream.linear.gather [hbm4b:s1+s4], $0x80, $0x38;
	[tilespmem:$0x14C00] =	vst v63  }
0x70: {  	_ = 	snop  }
0x71: {  	[tilespmem:s19], [sflag:$0x6] =	stream.linear.gather [hbm4b:s2+s4], $0x80, $0x38;
	[tilespmem:$0x14C00] =	vst v63  }
0x72: {  	s5 =	simm.s32 $0x11988  }
0x73: {  	[tilespmem:s5], [sflag:$0x6] =	stream.linear.gather [hbm4b:s23+s4], $0x80, $0x38;
	[tilespmem:$0x14C00] =	vst v63  }
0x74: {  	s6 =	simm.s32 $0x11A10;
	s23 =	rddreg [dreg:$0xd]  }
0x75: {  	[tilespmem:s6], [sflag:$0x6] =	stream.linear.gather [hbm4b:s23+s4], $0x80, $0x38;
	[tilespmem:$0x14C00] =	vst v63  }
0x76: {  	s5 =	simm.s32 $0x11A98;
	s6 =	rddreg [dreg:$0xe]  }
0x77: {  	[tilespmem:s5], [sflag:$0x6] =	stream.linear.gather [hbm4b:s6+s4], $0x80, $0x38;
	[tilespmem:$0x14C00] =	vst v63  }
0x78: {  	s5 =	simm.s32 $0x11B20;
	s6 =	rddreg [dreg:$0xf]  }
0x79: {  	[tilespmem:s5], [sflag:$0x6] =	stream.linear.gather [hbm4b:s6+s4], $0x80, $0x38;
	[tilespmem:$0x14C00] =	vst v63  }
0x7a: {  	s5 =	simm.s32 $0x11BA8;
	s6 =	rddreg [dreg:$0x10]  }
0x7b: {  	[tilespmem:s5], [sflag:$0x6] =	stream.linear.gather [hbm4b:s6+s4], $0x80, $0x38;
	[tilespmem:$0x14C00] =	vst v63  }
0x7c: {  	s5 =	simm.s32 $0x11C30;
	s6 =	rddreg [dreg:$0x11]  }
0x7d: {  	[tilespmem:s5], [sflag:$0x6] =	stream.linear.gather [hbm4b:s6+s4], $0x80, $0x38;
	[tilespmem:$0x14C00] =	vst v63  }
0x7e: {  	s5 =	simm.s32 $0x11CB8;
	s6 =	rddreg [dreg:$0x12]  }
0x7f: {  	[tilespmem:s5], [sflag:$0x6] =	stream.linear.gather [hbm4b:s6+s4], $0x80, $0x38;
	[tilespmem:$0x14C00] =	vst v63  }
0x80: {  	s5 =	simm.s32 $0x11D40;
	s6 =	rddreg [dreg:$0x6]  }
0x81: {  	[tilespmem:s5], [sflag:$0x6] =	stream.linear.gather [hbm4b:s6+s4], $0x80, $0x38;
	[tilespmem:$0x14C00] =	vst v63  }
0x82: {  	s5 =	simm.s32 $0x11DC8;
	s6 =	rddreg [dreg:$0x13]  }
0x83: {  	[tilespmem:s5], [sflag:$0x6] =	stream.linear.gather [hbm4b:s6+s4], $0x80, $0x38;
	[tilespmem:$0x14C00] =	vst v63  }
0x84: {  	s1 =	simm.s32 $0x11E50;
	s5 =	rddreg [dreg:$0x14]  }
0x85: {  	[tilespmem:s1], [sflag:$0x6] =	stream.linear.gather [hbm4b:s5+s4], $0x80, $0x38;
	[tilespmem:$0x14C00] =	vst v63  }
0x86: {  	s1 =	simm.s32 $0x11ED8;
	s5 =	rddreg [dreg:$0x15]  }
0x87: {  	[tilespmem:s1], [sflag:$0x6] =	stream.linear.gather [hbm4b:s5+s4], $0x80, $0x38;
	[tilespmem:$0x14C00] =	vst v63  }
0x88: {  	s5 =	simm.s32 $0x11F60  }
0x89: {  	[tilespmem:s5], [sflag:$0x6] =	stream.linear.gather [hbm4b:s16+s4], $0x80, $0x38;
	[tilespmem:$0x14C00] =	vst v63  }
0x8a: {  	s5 =	simm.s32 $0x11FE8;
	s16 =	rddreg [dreg:$0x17]  }
0x8b: {  	[tilespmem:s5], [sflag:$0x6] =	stream.linear.gather [hbm4b:s16+s4], $0x80, $0x38;
	[tilespmem:$0x14C00] =	vst v63  }
0x8c: {  	s1 =	simm.s32 $0x12070;
	s5 =	rddreg [dreg:$0x18]  }
0x8d: {  	[tilespmem:s1], [sflag:$0x6] =	stream.linear.gather [hbm4b:s5+s4], $0x80, $0x38;
	[tilespmem:$0x14C00] =	vst v63  }
0x8e: {  	s5 =	simm.s32 $0x120F8  }
0x8f: {  	[tilespmem:s5], [sflag:$0x6] =	stream.linear.gather [hbm4b:s17+s4], $0x80, $0x38;
	[tilespmem:$0x14C00] =	vst v63  }
0x90: {  	s17 =	simm.s32 $0x12180  }
0x91: {  	[tilespmem:s17], [sflag:$0x6] =	stream.linear.gather [hbm4b:s21+s4], $0x80, $0x38;
	[tilespmem:$0x14C00] =	vst v63  }
0x92: {  	s21 =	simm.s32 $0x12208;
	s17 =	rddreg [dreg:$0x1a]  }
0x93: {  	[tilespmem:s21], [sflag:$0x6] =	stream.linear.gather [hbm4b:s17+s4], $0x80, $0x38;
	[tilespmem:$0x14C00] =	vst v63  }
0x94: {  	s5 =	simm.s32 $0x12290;
	s21 =	rddreg [dreg:$0x1b]  }
0x95: {  	[tilespmem:s5], [sflag:$0x6] =	stream.linear.gather [hbm4b:s21+s4], $0x80, $0x38;
	[tilespmem:$0x14C00] =	vst v63  }
0x96: {  	s5 =	simm.s32 $0x12318  }
0x97: {  	[tilespmem:s5], [sflag:$0x6] =	stream.linear.gather [hbm4b:s18+s4], $0x80, $0x38;
	[tilespmem:$0x14C00] =	vst v63  }
0x98: {  	s21 =	simm.s32 $0x123A0;
	s18 =	rddreg [dreg:$0x1d]  }
0x99: {  	[tilespmem:s21], [sflag:$0x6] =	stream.linear.gather [hbm4b:s18+s4], $0x80, $0x38;
	[tilespmem:$0x14C00] =	vst v63  }
0x9a: {  	s5 =	simm.s32 $0x12428;
	s21 =	rddreg [dreg:$0x1e]  }
0x9b: {  	[tilespmem:s5], [sflag:$0x6] =	stream.linear.gather [hbm4b:s21+s4], $0x80, $0x38;
	[tilespmem:$0x14C00] =	vst v63  }
0x9c: {  	s5 =	simm.s32 $0x124B0  }
0x9d: {  	[tilespmem:s5], [sflag:$0x6] =	stream.linear.gather [hbm4b:s20+s4], $0x80, $0x38;
	[tilespmem:$0x14C00] =	vst v63  }
0x9e: {  	s20 =	sld [smem:$0x7F6];
	_ =	sdelay $0x1  }
0x9f: {  	s21 =	simm.s32 $0x12538  }
0xa0: {  	[tilespmem:s21], [sflag:$0x6] =	stream.linear.gather [hbm4b:s20+s4], $0x80, $0x38;
	[tilespmem:$0x14C00] =	vst v63  }
0xa1: {  	s5 =	simm.s32 $0x125C0;
	s21 =	rddreg [dreg:$0x9]  }
0xa2: {  	[tilespmem:s5], [sflag:$0x6] =	stream.linear.gather [hbm4b:s21+s4], $0x80, $0x38;
	[tilespmem:$0x14C00] =	vst v63  }
0xa3: {  	s21 =	sld [smem:$0x7F7];
	_ =	sdelay $0x1  }
0xa4: {  	s5 =	simm.s32 $0x12648  }
0xa5: {  	[tilespmem:s5], [sflag:$0x6] =	stream.linear.gather [hbm4b:s21+s4], $0x80, $0x38;
	[tilespmem:$0x14C00] =	vst v63  }
0xa6: {  	s21 =	simm.s32 $0x126D0  }
0xa7: {  	[tilespmem:s21], [sflag:$0x6] =	stream.linear.gather [hbm4b:s22+s4], $0x80, $0x38;
	[tilespmem:$0x14C00] =	vst v63  }
0xa8: {  	s21 =	sld [smem:$0x7F9];
	_ =	sdelay $0x1  }
0xa9: {  	s22 =	simm.s32 $0x12758  }
0xaa: {  	[tilespmem:s22], [sflag:$0x6] =	stream.linear.gather [hbm4b:s21+s4], $0x80, $0x38;
	[tilespmem:$0x14C00] =	vst v63  }
0xab: {  	s22 =	sld [smem:$0x7FA];
	_ =	sdelay $0x1  }
0xac: {  	s5 =	simm.s32 $0x127E0  }
0xad: {  	[tilespmem:s5], [sflag:$0x6] =	stream.linear.gather [hbm4b:s22+s4], $0x80, $0x38;
	[tilespmem:$0x14C00] =	vst v63  }
0xae: {  	s22 =	sld [smem:$0x7FB];
	_ =	sdelay $0x1  }
0xaf: {  	s5 =	simm.s32 $0x12868  }
0xb0: {  	[tilespmem:s5], [sflag:$0x6] =	stream.linear.gather [hbm4b:s22+s4], $0x80, $0x38;
	[tilespmem:$0x14C00] =	vst v63  }
0xb1: {  	s5 =	sld [smem:$0x7FC];
	_ =	sdelay $0x1  }
0xb2: {  	s1 =	simm.s32 $0x128F0  }
0xb3: {  	[tilespmem:s1], [sflag:$0x6] =	stream.linear.gather [hbm4b:s5+s4], $0x80, $0x38;
	[tilespmem:$0x14C00] =	vst v63  }
0xb4: {  	s5 =	sld [smem:$0x7FD];
	_ =	sdelay $0x1  }
0xb5: {  	s1 =	simm.s32 $0x12978  }
0xb6: {  	[tilespmem:s1], [sflag:$0x6] =	stream.linear.gather [hbm4b:s5+s4], $0x80, $0x38;
	[tilespmem:$0x14C00] =	vst v63  }
0xb7: {  	_ = 	snop  }
0xb8: {  	[tilespmem:s24], [sflag:$0x7] =	stream.linear.gather [hbm4b:s2+s4], $0x80, $0x38;
	[tilespmem:$0x14C00] =	vst v63  }
0xb9: {  	s1 =	simm.s32 $0x12A88;
	s5 =	rddreg [dreg:$0xc]  }
0xba: {  	[tilespmem:s1], [sflag:$0x7] =	stream.linear.gather [hbm4b:s5+s4], $0x80, $0x38;
	[tilespmem:$0x14C00] =	vst v63  }
0xbb: {  	s5 =	simm.s32 $0x12B10  }
0xbc: {  	[tilespmem:s5], [sflag:$0x7] =	stream.linear.gather [hbm4b:s23+s4], $0x80, $0x38;
	[tilespmem:$0x14C00] =	vst v63  }
0xbd: {  	s5 =	simm.s32 $0x12B98;
	s23 =	rddreg [dreg:$0xe]  }
0xbe: {  	[tilespmem:s5], [sflag:$0x7] =	stream.linear.gather [hbm4b:s23+s4], $0x80, $0x38;
	[tilespmem:$0x14C00] =	vst v63  }
0xbf: {  	s23 =	simm.s32 $0x12C20;
	s5 =	rddreg [dreg:$0xf]  }
0xc0: {  	[tilespmem:s23], [sflag:$0x7] =	stream.linear.gather [hbm4b:s5+s4], $0x80, $0x38;
	[tilespmem:$0x14C00] =	vst v63  }
0xc1: {  	s23 =	simm.s32 $0x12CA8;
	s5 =	rddreg [dreg:$0x10]  }
0xc2: {  	[tilespmem:s23], [sflag:$0x7] =	stream.linear.gather [hbm4b:s5+s4], $0x80, $0x38;
	[tilespmem:$0x14C00] =	vst v63  }
0xc3: {  	s23 =	simm.s32 $0x12D30;
	s5 =	rddreg [dreg:$0x11]  }
0xc4: {  	[tilespmem:s23], [sflag:$0x7] =	stream.linear.gather [hbm4b:s5+s4], $0x80, $0x38;
	[tilespmem:$0x14C00] =	vst v63  }
0xc5: {  	s23 =	simm.s32 $0x12DB8;
	s5 =	rddreg [dreg:$0x12]  }
0xc6: {  	[tilespmem:s23], [sflag:$0x7] =	stream.linear.gather [hbm4b:s5+s4], $0x80, $0x38;
	[tilespmem:$0x14C00] =	vst v63  }
0xc7: {  	s5 =	simm.s32 $0x12E40;
	s23 =	rddreg [dreg:$0x6]  }
0xc8: {  	[tilespmem:s5], [sflag:$0x7] =	stream.linear.gather [hbm4b:s23+s4], $0x80, $0x38;
	[tilespmem:$0x14C00] =	vst v63  }
0xc9: {  	s5 =	simm.s32 $0x12EC8  }
0xca: {  	[tilespmem:s5], [sflag:$0x7] =	stream.linear.gather [hbm4b:s6+s4], $0x80, $0x38;
	[tilespmem:$0x14C00] =	vst v63  }
0xcb: {  	s6 =	simm.s32 $0x12F50;
	s5 =	rddreg [dreg:$0x14]  }
0xcc: {  	[tilespmem:s6], [sflag:$0x7] =	stream.linear.gather [hbm4b:s5+s4], $0x80, $0x38;
	[tilespmem:$0x14C00] =	vst v63  }
0xcd: {  	s23 =	simm.s32 $0x12FD8;
	s6 =	rddreg [dreg:$0x15]  }
0xce: {  	[tilespmem:s23], [sflag:$0x7] =	stream.linear.gather [hbm4b:s6+s4], $0x80, $0x38;
	[tilespmem:$0x14C00] =	vst v63  }
0xcf: {  	s1 =	simm.s32 $0x13060;
	s23 =	rddreg [dreg:$0x16]  }
0xd0: {  	[tilespmem:s1], [sflag:$0x7] =	stream.linear.gather [hbm4b:s23+s4], $0x80, $0x38;
	[tilespmem:$0x14C00] =	vst v63  }
0xd1: {  	s23 =	simm.s32 $0x130E8  }
0xd2: {  	[tilespmem:s23], [sflag:$0x7] =	stream.linear.gather [hbm4b:s16+s4], $0x80, $0x38;
	[tilespmem:$0x14C00] =	vst v63  }
0xd3: {  	s23 =	simm.s32 $0x13170;
	s16 =	rddreg [dreg:$0x18]  }
0xd4: {  	[tilespmem:s23], [sflag:$0x7] =	stream.linear.gather [hbm4b:s16+s4], $0x80, $0x38;
	[tilespmem:$0x14C00] =	vst v63  }
0xd5: {  	s1 =	simm.s32 $0x131F8;
	s23 =	rddreg [dreg:$0x19]  }
0xd6: {  	[tilespmem:s1], [sflag:$0x7] =	stream.linear.gather [hbm4b:s23+s4], $0x80, $0x38;
	[tilespmem:$0x14C00] =	vst v63  }
0xd7: {  	s1 =	simm.s32 $0x13280;
	s23 =	rddreg [dreg:$0x7]  }
0xd8: {  	[tilespmem:s1], [sflag:$0x7] =	stream.linear.gather [hbm4b:s23+s4], $0x80, $0x38;
	[tilespmem:$0x14C00] =	vst v63  }
0xd9: {  	s23 =	simm.s32 $0x13308  }
0xda: {  	[tilespmem:s23], [sflag:$0x7] =	stream.linear.gather [hbm4b:s17+s4], $0x80, $0x38;
	[tilespmem:$0x14C00] =	vst v63  }
0xdb: {  	s23 =	simm.s32 $0x13390;
	s17 =	rddreg [dreg:$0x1b]  }
0xdc: {  	[tilespmem:s23], [sflag:$0x7] =	stream.linear.gather [hbm4b:s17+s4], $0x80, $0x38;
	[tilespmem:$0x14C00] =	vst v63  }
0xdd: {  	s1 =	simm.s32 $0x13418;
	s23 =	rddreg [dreg:$0x1c]  }
0xde: {  	[tilespmem:s1], [sflag:$0x7] =	stream.linear.gather [hbm4b:s23+s4], $0x80, $0x38;
	[tilespmem:$0x14C00] =	vst v63  }
0xdf: {  	s23 =	simm.s32 $0x134A0  }
0xe0: {  	[tilespmem:s23], [sflag:$0x7] =	stream.linear.gather [hbm4b:s18+s4], $0x80, $0x38;
	[tilespmem:$0x14C00] =	vst v63  }
0xe1: {  	s23 =	simm.s32 $0x13528;
	s18 =	rddreg [dreg:$0x1e]  }
0xe2: {  	[tilespmem:s23], [sflag:$0x7] =	stream.linear.gather [hbm4b:s18+s4], $0x80, $0x38;
	[tilespmem:$0x14C00] =	vst v63  }
0xe3: {  	s1 =	simm.s32 $0x135B0;
	s23 =	rddreg [dreg:$0x1f]  }
0xe4: {  	[tilespmem:s1], [sflag:$0x7] =	stream.linear.gather [hbm4b:s23+s4], $0x80, $0x38;
	[tilespmem:$0x14C00] =	vst v63  }
0xe5: {  	s23 =	simm.s32 $0x13638  }
0xe6: {  	[tilespmem:s23], [sflag:$0x7] =	stream.linear.gather [hbm4b:s20+s4], $0x80, $0x38;
	[tilespmem:$0x14C00] =	vst v63  }
0xe7: {  	s20 =	simm.s32 $0x136C0;
	s23 =	rddreg [dreg:$0x9]  }
0xe8: {  	[tilespmem:s20], [sflag:$0x7] =	stream.linear.gather [hbm4b:s23+s4], $0x80, $0x38;
	[tilespmem:$0x14C00] =	vst v63  }
0xe9: {  	s20 =	sld [smem:$0x7F7];
	_ =	sdelay $0x1  }
0xea: {  	s23 =	simm.s32 $0x13748  }
0xeb: {  	[tilespmem:s23], [sflag:$0x7] =	stream.linear.gather [hbm4b:s20+s4], $0x80, $0x38;
	[tilespmem:$0x14C00] =	vst v63  }
0xec: {  	s23 =	sld [smem:$0x7F8];
	_ =	sdelay $0x1  }
0xed: {  	s1 =	simm.s32 $0x137D0  }
0xee: {  	[tilespmem:s1], [sflag:$0x7] =	stream.linear.gather [hbm4b:s23+s4], $0x80, $0x38;
	[tilespmem:$0x14C00] =	vst v63  }
0xef: {  	s23 =	simm.s32 $0x13858  }
0xf0: {  	[tilespmem:s23], [sflag:$0x7] =	stream.linear.gather [hbm4b:s21+s4], $0x80, $0x38;
	[tilespmem:$0x14C00] =	vst v63  }
0xf1: {  	s21 =	sld [smem:$0x7FA];
	_ =	sdelay $0x1  }
0xf2: {  	s23 =	simm.s32 $0x138E0  }
0xf3: {  	[tilespmem:s23], [sflag:$0x7] =	stream.linear.gather [hbm4b:s21+s4], $0x80, $0x38;
	[tilespmem:$0x14C00] =	vst v63  }
0xf4: {  	s23 =	simm.s32 $0x13968  }
0xf5: {  	[tilespmem:s23], [sflag:$0x7] =	stream.linear.gather [hbm4b:s22+s4], $0x80, $0x38;
	[tilespmem:$0x14C00] =	vst v63  }
0xf6: {  	s22 =	sld [smem:$0x7FC];
	_ =	sdelay $0x1  }
0xf7: {  	s23 =	simm.s32 $0x139F0  }
0xf8: {  	[tilespmem:s23], [sflag:$0x7] =	stream.linear.gather [hbm4b:s22+s4], $0x80, $0x38;
	[tilespmem:$0x14C00] =	vst v63  }
0xf9: {  	s23 =	sld [smem:$0x7FD];
	_ =	sdelay $0x1  }
0xfa: {  	s1 =	simm.s32 $0x13A78  }
0xfb: {  	[tilespmem:s1], [sflag:$0x7] =	stream.linear.gather [hbm4b:s23+s4], $0x80, $0x38;
	[tilespmem:$0x14C00] =	vst v63  }
0xfc: {  	_ = 	snop  }
0xfd: {  	[tilespmem:s31], [sflag:$0x8] =	stream.linear.gather [hbm4b:s2+s4], $0x80, $0x38;
	[tilespmem:$0x14C00] =	vst v63  }
0xfe: {  	s1 =	simm.s32 $0x13B88;
	s23 =	rddreg [dreg:$0xc]  }
0xff: {  	[tilespmem:s1], [sflag:$0x8] =	stream.linear.gather [hbm4b:s23+s4], $0x80, $0x38;
	[tilespmem:$0x14C00] =	vst v63  }
0x100: {  	s1 =	simm.s32 $0x13C10;
	s23 =	rddreg [dreg:$0xd]  }
0x101: {  	[tilespmem:s1], [sflag:$0x8] =	stream.linear.gather [hbm4b:s23+s4], $0x80, $0x38;
	[tilespmem:$0x14C00] =	vst v63  }
0x102: {  	s1 =	simm.s32 $0x13C98;
	s23 =	rddreg [dreg:$0xe]  }
0x103: {  	[tilespmem:s1], [sflag:$0x8] =	stream.linear.gather [hbm4b:s23+s4], $0x80, $0x38;
	[tilespmem:$0x14C00] =	vst v63  }
0x104: {  	s1 =	simm.s32 $0x13D20;
	s23 =	rddreg [dreg:$0xf]  }
0x105: {  	[tilespmem:s1], [sflag:$0x8] =	stream.linear.gather [hbm4b:s23+s4], $0x80, $0x38;
	[tilespmem:$0x14C00] =	vst v63  }
0x106: {  	s1 =	simm.s32 $0x13DA8;
	s23 =	rddreg [dreg:$0x10]  }
0x107: {  	[tilespmem:s1], [sflag:$0x8] =	stream.linear.gather [hbm4b:s23+s4], $0x80, $0x38;
	[tilespmem:$0x14C00] =	vst v63  }
0x108: {  	s1 =	simm.s32 $0x13E30;
	s23 =	rddreg [dreg:$0x11]  }
0x109: {  	[tilespmem:s1], [sflag:$0x8] =	stream.linear.gather [hbm4b:s23+s4], $0x80, $0x38;
	[tilespmem:$0x14C00] =	vst v63  }
0x10a: {  	s1 =	simm.s32 $0x13EB8;
	s23 =	rddreg [dreg:$0x12]  }
0x10b: {  	[tilespmem:s1], [sflag:$0x8] =	stream.linear.gather [hbm4b:s23+s4], $0x80, $0x38;
	[tilespmem:$0x14C00] =	vst v63  }
0x10c: {  	s1 =	simm.s32 $0x13F40;
	s23 =	rddreg [dreg:$0x6]  }
0x10d: {  	[tilespmem:s1], [sflag:$0x8] =	stream.linear.gather [hbm4b:s23+s4], $0x80, $0x38;
	[tilespmem:$0x14C00] =	vst v63  }
0x10e: {  	s1 =	simm.s32 $0x13FC8;
	s23 =	rddreg [dreg:$0x13]  }
0x10f: {  	[tilespmem:s1], [sflag:$0x8] =	stream.linear.gather [hbm4b:s23+s4], $0x80, $0x38;
	[tilespmem:$0x14C00] =	vst v63  }
0x110: {  	s23 =	simm.s32 $0x14050  }
0x111: {  	[tilespmem:s23], [sflag:$0x8] =	stream.linear.gather [hbm4b:s5+s4], $0x80, $0x38;
	[tilespmem:$0x14C00] =	vst v63  }
0x112: {  	s5 =	simm.s32 $0x140D8  }
0x113: {  	[tilespmem:s5], [sflag:$0x8] =	stream.linear.gather [hbm4b:s6+s4], $0x80, $0x38;
	[tilespmem:$0x14C00] =	vst v63  }
0x114: {  	s23 =	rddreg [dreg:$0x16];
	s6 =	simm.s32 $0x14160  }
0x115: {  	[tilespmem:s6], [sflag:$0x8] =	stream.linear.gather [hbm4b:s23+s4], $0x80, $0x38;
	[tilespmem:$0x14C00] =	vst v63  }
0x116: {  	s5 =	simm.s32 $0x141E8;
	s6 =	rddreg [dreg:$0x17]  }
0x117: {  	[tilespmem:s5], [sflag:$0x8] =	stream.linear.gather [hbm4b:s6+s4], $0x80, $0x38;
	[tilespmem:$0x14C00] =	vst v63  }
0x118: {  	s23 =	simm.s32 $0x14270  }
0x119: {  	[tilespmem:s23], [sflag:$0x8] =	stream.linear.gather [hbm4b:s16+s4], $0x80, $0x38;
	[tilespmem:$0x14C00] =	vst v63  }
0x11a: {  	s5 =	simm.s32 $0x142F8;
	s6 =	rddreg [dreg:$0x19]  }
0x11b: {  	[tilespmem:s5], [sflag:$0x8] =	stream.linear.gather [hbm4b:s6+s4], $0x80, $0x38;
	[tilespmem:$0x14C00] =	vst v63  }
0x11c: {  	s16 =	simm.s32 $0x14380;
	s23 =	rddreg [dreg:$0x7]  }
0x11d: {  	[tilespmem:s16], [sflag:$0x8] =	stream.linear.gather [hbm4b:s23+s4], $0x80, $0x38;
	[tilespmem:$0x14C00] =	vst v63  }
0x11e: {  	s5 =	simm.s32 $0x14408;
	s6 =	rddreg [dreg:$0x1a]  }
0x11f: {  	[tilespmem:s5], [sflag:$0x8] =	stream.linear.gather [hbm4b:s6+s4], $0x80, $0x38;
	[tilespmem:$0x14C00] =	vst v63  }
0x120: {  	s16 =	simm.s32 $0x14490  }
0x121: {  	[tilespmem:s16], [sflag:$0x8] =	stream.linear.gather [hbm4b:s17+s4], $0x80, $0x38;
	[tilespmem:$0x14C00] =	vst v63  }
0x122: {  	s23 =	rddreg [dreg:$0x1c];
	s17 =	simm.s32 $0x14518  }
0x123: {  	[tilespmem:s17], [sflag:$0x8] =	stream.linear.gather [hbm4b:s23+s4], $0x80, $0x38;
	[tilespmem:$0x14C00] =	vst v63  }
0x124: {  	s5 =	simm.s32 $0x145A0;
	s6 =	rddreg [dreg:$0x1d]  }
0x125: {  	[tilespmem:s5], [sflag:$0x8] =	stream.linear.gather [hbm4b:s6+s4], $0x80, $0x38;
	[tilespmem:$0x14C00] =	vst v63  }
0x126: {  	s16 =	rddreg [dreg:$0x1f]  }
0x127: {  	[tilespmem:s25], [sflag:$0x8] =	stream.linear.gather [hbm4b:s18+s4], $0x80, $0x38;
	[tilespmem:$0x14C00] =	vst v63  }
0x128: {  	s17 =	sld [smem:$0x7F6]  }
0x129: {  	[tilespmem:s26], [sflag:$0x8] =	stream.linear.gather [hbm4b:s16+s4], $0x80, $0x38;
	[tilespmem:$0x14C00] =	vst v63  }
0x12a: {  	_ = 	snop  }
0x12b: {  	[tilespmem:s28], [sflag:$0x8] =	stream.linear.gather [hbm4b:s17+s4], $0x80, $0x38;
	[tilespmem:$0x14C00] =	vst v63  }
0x12c: {  	s18 =	rddreg [dreg:$0x9]  }
0x12d: {  	[tilespmem:s29], [sflag:$0x8] =	stream.linear.gather [hbm4b:s18+s4], $0x80, $0x38;
	[tilespmem:$0x14C00] =	vst v63  }
0x12e: {  	s23 =	sld [smem:$0x7F8]  }
0x12f: {  	[tilespmem:s30], [sflag:$0x8] =	stream.linear.gather [hbm4b:s20+s4], $0x80, $0x38;
	[tilespmem:$0x14C00] =	vst v63  }
0x130: {  	s5 =	sld [smem:$0x7F9]  }
0x131: {  	[tilespmem:s0], [sflag:$0x8] =	stream.linear.gather [hbm4b:s23+s4], $0x80, $0x38;
	[tilespmem:$0x14C00] =	vst v63  }
0x132: {  	_ = 	snop  }
0x133: {  	[tilespmem:s3], [sflag:$0x8] =	stream.linear.gather [hbm4b:s5+s4], $0x80, $0x38;
	[tilespmem:$0x14C00] =	vst v63  }
0x134: {  	s6 =	sld [smem:$0x7FB]  }
0x135: {  	[tilespmem:s11], [sflag:$0x8] =	stream.linear.gather [hbm4b:s21+s4], $0x80, $0x38;
	[tilespmem:$0x14C00] =	vst v63  }
0x136: {  	_ = 	snop  }
0x137: {  	[tilespmem:s12], [sflag:$0x8] =	stream.linear.gather [hbm4b:s6+s4], $0x80, $0x38;
	[tilespmem:$0x14C00] =	vst v63  }
0x138: {  	s16 =	sld [smem:$0x7FD]  }
0x139: {  	[tilespmem:s9], [sflag:$0x8] =	stream.linear.gather [hbm4b:s22+s4], $0x80, $0x38;
	[tilespmem:$0x14C00] =	vst v63  }
0x13a: {  	_ = 	snop  }
0x13b: {  	[tilespmem:s7], [sflag:$0x8] =	stream.linear.gather [hbm4b:s16+s4], $0x80, $0x38;
	[tilespmem:$0x14C00] =	vst v63  }
0x13c: {  	s17 =	rddreg [dreg:$0x8]  }
0x13d: {  	[tilespmem:s4], [sflag:$0x1] =	stream.linear.gather [hbm4b:s17+s4], $0x400, $0x38;
	[tilespmem:$0x14C00] =	vst v63  }
0x13e: {  	s18 =	rddreg [dreg:$0xa];
	s20 =	simm.s32 $0x400;
	s21 =	simm.s32 $0x1  }
0x13f: {  	[tilespmem:s20], [sflag:$0x2] =	stream.linear.gather [hbm4b:s18+s4], $0x400, $0x38;
	[tilespmem:$0x14C00] =	vst v63  }
0x140: {  	_ =	swait.ge [sflag:s21], $0x400  }
0x141: {  	s23 =	simm.s32 $0x800;
	[sflag:s21] =	ssyncset.done $0x0  }
0x142: {  	s5 =	simm.s32 $0x0;
	s22 =	rddreg [dreg:$0x5];
	[sflag:s21] =	ssyncadd.s32 $0xFFFFFC00  }
0x143: {  	[tilespmem:s23], [sflag:$0x3] =	stream.indirect.gather [hbm4b:s22+s20], $0x20, s4, s20, $0xb8;
	[tilespmem:$0x14C00] =	vst v63  }
.LBB2_3:
0x144: {  	s1 =	simm.s32 $0x3  }
0x145: {  	_ =	swait.ge [sflag:s1], $0x8000  }
0x146: {  	s16 =	simm.s32 $0x2;
	s6 =	simm.s32 $0x400;
	[sflag:s1] =	ssyncset.done $0x0  }
0x147: {  	p1 =	por $0x1, $0x1;
	[sflag:s1] =	ssyncadd.s32 $0xFFFF8000;
	s1 =	smov.u32 s5  }
0x148: {  	_ =	swait.ge [sflag:s16], $0x400;
	s18 =	sadd.s32 $0x1, s1;
	s22 =	sshll.u32 s1, $0x1  }
0x149: {  	s1 =	sshll.u32 s1, $0x2;
	[sflag:s16] =	ssyncset.done $0x0;
	s17 =	rddreg [dreg:$0x5]  }
0x14a: {  	s20 =	sshll.u32 s18, $0x1;
	[sflag:s16] =	ssyncadd.s32 $0xFFFFFC00;
	s16 =	simm.s32 $0x8800  }
0x14b: {  	[tilespmem:s16], [sflag:$0x4] =	stream.indirect.gather [hbm4b:s17+s6], $0x20, s6, s6, $0xb8;
	[tilespmem:$0x14C00] =	vst v63  }
0x14c: {  	s5 =	sand.u32 $0x2, s20;
	s6 =	sshrl.u32 s18, $0x1;
	s17 =	rddreg [dreg:$0x4]  }
0x14d: {  	[smem:$0x7F4] =	sst s18;
	s6 =	smin.u32 s6, $0x18;
	s5 =	sor.u32 s17, s5  }
0x14e: {  	s1 =	sand.u32 $0x7FFFFFF8, s1;
	s6 =	sshll.u32 s6, $0xE;
	s5 =	sshll.u32 s5, $0x7  }
0x14f: {  	s23 =	rddreg [dreg:$0x0];
	s21 =	sor.u32 s6, s5;
	s5 =	sand.u32 $0x2, s22  }
0x150: {  	s6 =	simm.s32 $0x0;
	s16 =	sadd.s32 s23, s21;
	s5 =	sor.u32 s17, s5  }
0x151: {  	[tilespmem:s6], [sflag:$0x1] =	stream.linear.gather [hbm4b:s16+s6], $0x400, $0x38;
	[tilespmem:$0x14C00] =	vst v63  }
0x152: {  	[smem:$0x7F3] =	sst s21;
	s17 =	simm.s32 $0x0;
	s5 =	sshll.u32 s5, $0xA  }
.LBB2_4:
0x153: {  	_ =	swait.ge [sflag:s8], $0x400  }
0x154: {  	[sflag:s8] =	ssyncset.done $0x0  }
0x155: {  	[sflag:s8] =	ssyncadd.s32 $0xFFFFFC00  }
0x156: {  	_ =	swait.ge [sflag:s8], $0x400  }
0x157: {  	[sflag:s8] =	ssyncset.done $0x0  }
0x158: {  	[sflag:s8] =	ssyncadd.s32 $0xFFFFFC00  }
0x159: {  	s16 =	simm.s32 $0x7;
	_ =	swait.ge [sflag:s8], $0x400  }
0x15a: {  	v17 =	vmov s16;
	[sflag:s8] =	ssyncset.done $0x0  }
0x15b: {  	v18 =	vmov s6;
	v17 =	vshrl.u32 v17, $0x3;
	[sflag:s8] =	ssyncadd.s32 $0xFFFFFC00  }
0x15c: {  	s21 =	sshll.u32 s17, $0x10;
	s20 =	simm.s32 $0x1;
	v18 =	vshrl.u32 v18, $0x3;
	v17 =	vshll.u32 v17, v1;
	_ =	swait.ge [sflag:s8], $0x400  }
0x15d: {  	s16 =	sshra.s32 s21, $0x2;
	v19 =	vmov s20;
	v18 =	vshll.u32 v18, v1;
	v17 =	vbroadcast v17, $0x0;
	[sflag:s8] =	ssyncset.done $0x0  }
0x15e: {  	s22 =	simm.s32 $0x2;
	s18 =	sor.u32 $0x880, s16;
	v19 =	vshrl.u32 v19, $0x3;
	v18 =	vbroadcast v18, $0x0;
	[sflag:s8] =	ssyncadd.s32 $0xFFFFFC00  }
0x15f: {  	v22 =	vmov s22;
	v19 =	vshll.u32 v19, v1;
	v21 =	vadd.s32 v15, v17;
	v20 =	vld [tilespmem:s18+$0x60]  }
0x160: {  	v22 =	vshrl.u32 v22, $0x3;
	v19 =	vbroadcast v19, $0x0;
	v25 =	vadd.s32 v0, v18;
	v24 =	vld [tilespmem:s18+$0xFFFFFF80]  }
0x161: {  	s23 =	simm.s32 $0x3;
	v22 =	vshll.u32 v22, v1;
	v17 =	vadd.s32 v16, v17;
	v23 =	vld [tilespmem:s18+$0x70]  }
0x162: {  	v27 =	vmov s23;
	v22 =	vbroadcast v22, $0x0;
	v29 =	vadd.s32 v3, v19;
	v28 =	vld [tilespmem:s18+$0xFFFFFFA0]  }
0x163: {  	s21 =	simm.s32 $0x4;
	v27 =	vshrl.u32 v27, $0x3;
	v18 =	vadd.s32 v2, v18;
	v26 =	vld [tilespmem:s18+$0xFFFFFF90]  }
0x164: {  	v31 =	vmov s21;
	v27 =	vshll.u32 v27, v1;
	v33 =	vadd.s32 v5, v22;
	v32 =	vld [tilespmem:s18+$0xFFFFFFC0];
	[tilespmem:v21+s15+$0x0] =	vst.idx.msk $0xffff, v20  }
0x165: {  	s22 =	simm.s32 $0x5;
	v27 =	vbroadcast v27, $0x0;
	v19 =	vadd.s32 v4, v19;
	v30 =	vld [tilespmem:s18+$0xFFFFFFB0];
	v21 =	vshrl.u32 v31, $0x3;
	[tilespmem:v25+s15+$0x0] =	vst.idx.msk $0xffff, v24  }
0x166: {  	v20 =	vld [tilespmem:s18+$0xFFFFFFD0];
	v25 =	vadd.s32 v6, v22;
	[tilespmem:v17+s15+$0x0] =	vst.idx.msk $0xffff, v23;
	v22 =	vshll.u32 v21, v1;
	v23 =	vmov s22  }
0x167: {  	s23 =	simm.s32 $0x6;
	[tilespmem:v29+s15+$0x0] =	vst.idx.msk $0xffff, v28;
	v17 =	vld [tilespmem:s18+$0xFFFFFFE0];
	v21 =	vadd.s32 v7, v27;
	v24 =	vbroadcast v22, $0x0;
	v23 =	vshrl.u32 v23, $0x3  }
0x168: {  	v28 =	vmov s23;
	[tilespmem:v18+s15+$0x0] =	vst.idx.msk $0xffff, v26;
	v18 =	vld [tilespmem:s18+$0xFFFFFFF0];
	v22 =	vadd.s32 v8, v27;
	v27 =	vshll.u32 v23, v1  }
0x169: {  	s21 =	simm.s32 $0xF;
	[tilespmem:v33+s15+$0x0] =	vst.idx.msk $0xffff, v32;
	v29 =	vshrl.u32 v28, $0x3;
	v23 =	vld [tilespmem:s18+$0x0];
	v26 =	vadd.s32 v9, v24;
	v27 =	vbroadcast v27, $0x0  }
0x16a: {  	p0 =	por p1, p1;
	s20 =	simm.s32 $0x8;
	[tilespmem:v19+s15+$0x0] =	vst.idx.msk $0xffff, v30;
	v28 =	vmov s21;
	s21 =	simm.s32 $0x10;
	v19 =	vld [tilespmem:s18+$0x10];
	v29 =	vshll.u32 v29, v1;
	v24 =	vadd.s32 v10, v24  }
.LBB2_5:
0x16b: {  	p1 =	slt.u32 s21, $0x78;
	v28 =	vshrl.u32 v28, $0x3;
	[tilespmem:v25+s15+$0x0] =	vst.idx.msk $0xffff, v20;
	v20 =	vld [tilespmem:s18+$0x20];
	v25 =	vadd.s32 v11, v27;
	v29 =	vbroadcast v29, $0x0  }
0x16c: {  	v30 =	vmov s20;
	v28 =	vshll.u32 v28, v1;
	[tilespmem:v21+s15+$0x0] =	vst.idx.msk $0xffff, v17;
	v17 =	vld [tilespmem:s18+$0x30];
	v21 =	vadd.s32 v12, v27  }
0x16d: {  	s22 =	sadd.s32 $0x1, s20;
	v27 =	vshrl.u32 v30, $0x3;
	v28 =	vbroadcast v28, $0x0;
	[tilespmem:v22+s15+$0x0] =	vst.idx.msk $0xffff, v18;
	v18 =	vld [tilespmem:s18+$0x40];
	v22 =	vadd.s32 v13, v29  }
0x16e: {  	v30 =	vmov s22;
	v27 =	vshll.u32 v27, v1;
	[tilespmem:v26+s15+$0x0] =	vst.idx.msk $0xffff, v23;
	v23 =	vld [tilespmem:s18+$0x50];
	v26 =	vadd.s32 v14, v29;
	s18 =	sadd.s32 $0x100, s18  }
0x16f: {  	s22 =	sadd.s32 $0x2, s20;
	v27 =	vbroadcast v27, $0x0;
	v29 =	vshrl.u32 v30, $0x3;
	v30 =	vld [tilespmem:s18+$0x60];
	v31 =	vadd.s32 v15, v28;
	[tilespmem:v24+s15+$0x0] =	vst.idx.msk $0xffff, v19  }
0x170: {  	v19 =	vshll.u32 v29, v1;
	v24 =	vmov s22;
	v28 =	vadd.s32 v16, v28;
	v29 =	vld [tilespmem:s18+$0x70];
	[tilespmem:v25+s15+$0x0] =	vst.idx.msk $0xffff, v20  }
0x171: {  	s22 =	sadd.s32 $0x3, s20;
	v25 =	vadd.s32 v0, v27;
	v19 =	vbroadcast v19, $0x0;
	v24 =	vshrl.u32 v24, $0x3;
	v20 =	vld [tilespmem:s18+$0xFFFFFF80];
	[tilespmem:v21+s15+$0x0] =	vst.idx.msk $0xffff, v17  }
0x172: {  	v21 =	vadd.s32 v2, v27;
	v24 =	vshll.u32 v24, v1;
	v27 =	vmov s22;
	v17 =	vld [tilespmem:s18+$0xFFFFFF90];
	[tilespmem:v22+s15+$0x0] =	vst.idx.msk $0xffff, v18  }
0x173: {  	s22 =	sadd.s32 $0x4, s20;
	v22 =	vadd.s32 v3, v19;
	v24 =	vbroadcast v24, $0x0;
	v27 =	vshrl.u32 v27, $0x3;
	v18 =	vld [tilespmem:s18+$0xFFFFFFA0];
	[tilespmem:v26+s15+$0x0] =	vst.idx.msk $0xffff, v23  }
0x174: {  	v19 =	vadd.s32 v4, v19;
	v26 =	vshll.u32 v27, v1;
	v27 =	vmov s22;
	v23 =	vld [tilespmem:s18+$0xFFFFFFB0];
	[tilespmem:v31+s15+$0x0] =	vst.idx.msk $0xffff, v30  }
0x175: {  	s22 =	sadd.s32 $0x5, s20;
	v31 =	vadd.s32 v5, v24;
	v26 =	vbroadcast v26, $0x0;
	v27 =	vshrl.u32 v27, $0x3;
	v30 =	vld [tilespmem:s18+$0xFFFFFFC0];
	[tilespmem:v28+s15+$0x0] =	vst.idx.msk $0xffff, v29  }
.Ltmp0:
0x176: {  	[tilespmem:v25+s15+$0x0] =	vst.idx.msk $0xffff, v20;
	v20 =	vld [tilespmem:s18+$0xFFFFFFD0];
	v25 =	vadd.s32 v6, v24;
	v24 =	vshll.u32 v27, v1;
	v27 =	vmov s22;
	(pc) =	sbr.rel @p1 .LBB2_5-.Ltmp0, $4  }
0x177: {  	s22 =	sadd.s32 $0x6, s20;
	s20 =	smov.u32 s21;
	[tilespmem:v21+s15+$0x0] =	vst.idx.msk $0xffff, v17;
	v17 =	vld [tilespmem:s18+$0xFFFFFFE0];
	v21 =	vadd.s32 v7, v26;
	v24 =	vbroadcast v24, $0x0;
	v27 =	vshrl.u32 v27, $0x3  }
0x178: {  	v28 =	vmov s22;
	[tilespmem:v22+s15+$0x0] =	vst.idx.msk $0xffff, v18;
	v18 =	vld [tilespmem:s18+$0xFFFFFFF0];
	v22 =	vadd.s32 v8, v26;
	v27 =	vshll.u32 v27, v1  }
0x179: {  	s22 =	sadd.s32 $0x7, s21;
	v29 =	vshrl.u32 v28, $0x3;
	[tilespmem:v19+s15+$0x0] =	vst.idx.msk $0xffff, v23;
	v23 =	vld [tilespmem:s18+$0x0];
	v26 =	vadd.s32 v9, v24;
	v27 =	vbroadcast v27, $0x0  }
0x17a: {  	s21 =	sadd.s32 $0x8, s21;
	v28 =	vmov s22;
	v24 =	vadd.s32 v10, v24;
	v29 =	vshll.u32 v29, v1;
	[tilespmem:v31+s15+$0x0] =	vst.idx.msk $0xffff, v30;
	v19 =	vld [tilespmem:s18+$0x10]  }
0x17b: {  	_ =	sdelay $0x3  }
0x17c: {  	v28 =	vshrl.u32 v28, $0x3;
	[tilespmem:v25+s15+$0x0] =	vst.idx.msk $0xffff, v20;
	v20 =	vld [tilespmem:s18+$0x20];
	v25 =	vadd.s32 v11, v27;
	v29 =	vbroadcast v29, $0x0  }
0x17d: {  	v30 =	vmov s20;
	v28 =	vshll.u32 v28, v1;
	[tilespmem:v21+s15+$0x0] =	vst.idx.msk $0xffff, v17;
	v17 =	vld [tilespmem:s18+$0x30];
	v21 =	vadd.s32 v12, v27  }
0x17e: {  	s21 =	sadd.s32 $0x1, s20;
	v27 =	vshrl.u32 v30, $0x3;
	v28 =	vbroadcast v28, $0x0;
	[tilespmem:v22+s15+$0x0] =	vst.idx.msk $0xffff, v18;
	v18 =	vld [tilespmem:s18+$0x40];
	v22 =	vadd.s32 v13, v29  }
0x17f: {  	v30 =	vmov s21;
	v27 =	vshll.u32 v27, v1;
	[tilespmem:v26+s15+$0x0] =	vst.idx.msk $0xffff, v23;
	v23 =	vld [tilespmem:s18+$0x50];
	v26 =	vadd.s32 v14, v29;
	s18 =	sadd.s32 $0x100, s18  }
0x180: {  	s22 =	sadd.s32 $0x2, s20;
	v27 =	vbroadcast v27, $0x0;
	v29 =	vshrl.u32 v30, $0x3;
	v30 =	vld [tilespmem:s18+$0x60];
	v31 =	vadd.s32 v15, v28;
	[tilespmem:v24+s15+$0x0] =	vst.idx.msk $0xffff, v19  }
0x181: {  	v19 =	vshll.u32 v29, v1;
	v24 =	vmov s22;
	v29 =	vld [tilespmem:s18+$0x70];
	v28 =	vadd.s32 v16, v28;
	[tilespmem:v25+s15+$0x0] =	vst.idx.msk $0xffff, v20  }
0x182: {  	s23 =	sadd.s32 $0x3, s20;
	v20 =	vld [tilespmem:s18+$0xFFFFFF80];
	v25 =	vadd.s32 v0, v27;
	v19 =	vbroadcast v19, $0x0;
	v24 =	vshrl.u32 v24, $0x3;
	[tilespmem:v21+s15+$0x0] =	vst.idx.msk $0xffff, v17  }
0x183: {  	v17 =	vld [tilespmem:s18+$0xFFFFFF90];
	v21 =	vadd.s32 v2, v27;
	v24 =	vshll.u32 v24, v1;
	v27 =	vmov s23;
	[tilespmem:v22+s15+$0x0] =	vst.idx.msk $0xffff, v18  }
0x184: {  	s22 =	sadd.s32 $0x4, s20;
	v18 =	vld [tilespmem:s18+$0xFFFFFFA0];
	v22 =	vadd.s32 v3, v19;
	v24 =	vbroadcast v24, $0x0;
	v27 =	vshrl.u32 v27, $0x3;
	[tilespmem:v26+s15+$0x0] =	vst.idx.msk $0xffff, v23  }
0x185: {  	v19 =	vadd.s32 v4, v19;
	v23 =	vld [tilespmem:s18+$0xFFFFFFB0];
	v26 =	vshll.u32 v27, v1;
	v27 =	vmov s22;
	[tilespmem:v31+s15+$0x0] =	vst.idx.msk $0xffff, v30  }
0x186: {  	s23 =	sadd.s32 $0x5, s20;
	v30 =	vld [tilespmem:s18+$0xFFFFFFC0];
	v31 =	vadd.s32 v5, v24;
	v26 =	vbroadcast v26, $0x0;
	v27 =	vshrl.u32 v27, $0x3;
	[tilespmem:v28+s15+$0x0] =	vst.idx.msk $0xffff, v29  }
0x187: {  	v24 =	vadd.s32 v6, v24;
	[tilespmem:v25+s15+$0x0] =	vst.idx.msk $0xffff, v20;
	v20 =	vld [tilespmem:s18+$0xFFFFFFD0];
	v25 =	vshll.u32 v27, v1;
	v27 =	vmov s23  }
0x188: {  	s21 =	sadd.s32 $0x6, s20;
	[tilespmem:v21+s15+$0x0] =	vst.idx.msk $0xffff, v17;
	v17 =	vld [tilespmem:s18+$0xFFFFFFE0];
	v21 =	vadd.s32 v7, v26;
	v25 =	vbroadcast v25, $0x0;
	v27 =	vshrl.u32 v27, $0x3  }
0x189: {  	[tilespmem:v22+s15+$0x0] =	vst.idx.msk $0xffff, v18;
	v18 =	vld [tilespmem:s18+$0xFFFFFFF0];
	v22 =	vadd.s32 v8, v26;
	v26 =	vshll.u32 v27, v1;
	v27 =	vmov s21  }
0x18a: {  	[tilespmem:v19+s15+$0x0] =	vst.idx.msk $0xffff, v23;
	v19 =	vld [tilespmem:s18+$0x0];
	v23 =	vadd.s32 v9, v25;
	v26 =	vbroadcast v26, $0x0;
	v27 =	vshrl.u32 v27, $0x3  }
0x18b: {  	v28 =	vld [tilespmem:s18+$0x10];
	v25 =	vadd.s32 v10, v25;
	[tilespmem:v31+s15+$0x0] =	vst.idx.msk $0xffff, v30;
	v27 =	vshll.u32 v27, v1  }
0x18c: {  	[tilespmem:v24+s15+$0x0] =	vst.idx.msk $0xffff, v20;
	v20 =	vld [tilespmem:s18+$0x20];
	v24 =	vadd.s32 v11, v26;
	v27 =	vbroadcast v27, $0x0  }
0x18d: {  	[tilespmem:v21+s15+$0x0] =	vst.idx.msk $0xffff, v17;
	v17 =	vld [tilespmem:s18+$0x30];
	v21 =	vadd.s32 v12, v26  }
0x18e: {  	[tilespmem:v22+s15+$0x0] =	vst.idx.msk $0xffff, v18;
	v18 =	vld [tilespmem:s18+$0x40];
	v22 =	vadd.s32 v13, v27  }
0x18f: {  	s17 =	sshll.u32 s17, $0x2;
	[tilespmem:v23+s15+$0x0] =	vst.idx.msk $0xffff, v19;
	v19 =	vld [tilespmem:s18+$0x50];
	v23 =	vadd.s32 v14, v27  }
0x190: {  	s22 =	sor.u32 s1, s17;
	[tilespmem:v25+s15+$0x0] =	vst.idx.msk $0xffff, v28  }
0x191: {  	s18 =	sshll.u32 s22, $0x13;
	[tilespmem:v24+s15+$0x0] =	vst.idx.msk $0xffff, v20  }
0x192: {  	s18 =	sor.u32 s5, s18;
	[tilespmem:v21+s15+$0x0] =	vst.idx.msk $0xffff, v17  }
0x193: {  	s18 =	sshrl.u32 s18, $0x3;
	[tilespmem:v22+s15+$0x0] =	vst.idx.msk $0xffff, v18  }
0x194: {  	s20 =	sadd.s32 s2, s18;
	s18 =	simm.s32 $0x0;
	[tilespmem:v23+s15+$0x0] =	vst.idx.msk $0xffff, v19  }
0x195: {  	[hbm4b:s20+s18] =	stream.linear.scatter [tilespmem:s15], [sflag:$0x5], $0x80, $0x38;
	[tilespmem:$0x14C00] =	vst v63  }
0x196: {  	s22 =	simm.s32 $0x10888;
	s23 =	sadd.s32 $0x10, s20  }
0x197: {  	[hbm4b:s23+s18] =	stream.linear.scatter [tilespmem:s22], [sflag:$0x5], $0x80, $0x38;
	[tilespmem:$0x14C00] =	vst v63  }
0x198: {  	s22 =	sadd.s32 $0x20, s20;
	s23 =	simm.s32 $0x10910  }
0x199: {  	[hbm4b:s22+s18] =	stream.linear.scatter [tilespmem:s23], [sflag:$0x5], $0x80, $0x38;
	[tilespmem:$0x14C00] =	vst v63  }
0x19a: {  	s22 =	sadd.s32 $0x30, s20;
	s23 =	simm.s32 $0x10998  }
0x19b: {  	[hbm4b:s22+s18] =	stream.linear.scatter [tilespmem:s23], [sflag:$0x5], $0x80, $0x38;
	[tilespmem:$0x14C00] =	vst v63  }
0x19c: {  	s22 =	sadd.s32 $0x40, s20;
	s23 =	simm.s32 $0x10A20  }
0x19d: {  	[hbm4b:s22+s18] =	stream.linear.scatter [tilespmem:s23], [sflag:$0x5], $0x80, $0x38;
	[tilespmem:$0x14C00] =	vst v63  }
0x19e: {  	s22 =	sadd.s32 $0x50, s20;
	s23 =	simm.s32 $0x10AA8  }
0x19f: {  	[hbm4b:s22+s18] =	stream.linear.scatter [tilespmem:s23], [sflag:$0x5], $0x80, $0x38;
	[tilespmem:$0x14C00] =	vst v63  }
0x1a0: {  	s22 =	sadd.s32 $0x60, s20;
	s23 =	simm.s32 $0x10B30  }
0x1a1: {  	[hbm4b:s22+s18] =	stream.linear.scatter [tilespmem:s23], [sflag:$0x5], $0x80, $0x38;
	[tilespmem:$0x14C00] =	vst v63  }
0x1a2: {  	s22 =	sadd.s32 $0x70, s20;
	s23 =	simm.s32 $0x10BB8  }
0x1a3: {  	[hbm4b:s22+s18] =	stream.linear.scatter [tilespmem:s23], [sflag:$0x5], $0x80, $0x38;
	[tilespmem:$0x14C00] =	vst v63  }
0x1a4: {  	s22 =	sadd.s32 $0x4000, s20;
	s23 =	simm.s32 $0x10C40  }
0x1a5: {  	[hbm4b:s22+s18] =	stream.linear.scatter [tilespmem:s23], [sflag:$0x5], $0x80, $0x38;
	[tilespmem:$0x14C00] =	vst v63  }
0x1a6: {  	s22 =	sadd.s32 $0x4010, s20;
	s23 =	simm.s32 $0x10CC8  }
0x1a7: {  	[hbm4b:s22+s18] =	stream.linear.scatter [tilespmem:s23], [sflag:$0x5], $0x80, $0x38;
	[tilespmem:$0x14C00] =	vst v63  }
0x1a8: {  	s22 =	sadd.s32 $0x4020, s20;
	s23 =	simm.s32 $0x10D50  }
0x1a9: {  	[hbm4b:s22+s18] =	stream.linear.scatter [tilespmem:s23], [sflag:$0x5], $0x80, $0x38;
	[tilespmem:$0x14C00] =	vst v63  }
0x1aa: {  	s22 =	sadd.s32 $0x4030, s20;
	s23 =	simm.s32 $0x10DD8  }
0x1ab: {  	[hbm4b:s22+s18] =	stream.linear.scatter [tilespmem:s23], [sflag:$0x5], $0x80, $0x38;
	[tilespmem:$0x14C00] =	vst v63  }
0x1ac: {  	s22 =	sadd.s32 $0x4040, s20;
	s23 =	simm.s32 $0x10E60  }
0x1ad: {  	[hbm4b:s22+s18] =	stream.linear.scatter [tilespmem:s23], [sflag:$0x5], $0x80, $0x38;
	[tilespmem:$0x14C00] =	vst v63  }
0x1ae: {  	s22 =	sadd.s32 $0x4050, s20;
	s23 =	simm.s32 $0x10EE8  }
0x1af: {  	[hbm4b:s22+s18] =	stream.linear.scatter [tilespmem:s23], [sflag:$0x5], $0x80, $0x38;
	[tilespmem:$0x14C00] =	vst v63  }
0x1b0: {  	s22 =	sadd.s32 $0x4060, s20;
	s23 =	simm.s32 $0x10F70  }
0x1b1: {  	[hbm4b:s22+s18] =	stream.linear.scatter [tilespmem:s23], [sflag:$0x5], $0x80, $0x38;
	[tilespmem:$0x14C00] =	vst v63  }
0x1b2: {  	s22 =	sadd.s32 $0x4070, s20;
	s23 =	simm.s32 $0x10FF8  }
0x1b3: {  	[hbm4b:s22+s18] =	stream.linear.scatter [tilespmem:s23], [sflag:$0x5], $0x80, $0x38;
	[tilespmem:$0x14C00] =	vst v63  }
0x1b4: {  	s22 =	sadd.s32 $0x8000, s20;
	s23 =	simm.s32 $0x11080  }
0x1b5: {  	[hbm4b:s22+s18] =	stream.linear.scatter [tilespmem:s23], [sflag:$0x5], $0x80, $0x38;
	[tilespmem:$0x14C00] =	vst v63  }
0x1b6: {  	s22 =	sadd.s32 $0x8010, s20;
	s23 =	simm.s32 $0x11108  }
0x1b7: {  	[hbm4b:s22+s18] =	stream.linear.scatter [tilespmem:s23], [sflag:$0x5], $0x80, $0x38;
	[tilespmem:$0x14C00] =	vst v63  }
0x1b8: {  	s22 =	sadd.s32 $0x8020, s20;
	s23 =	simm.s32 $0x11190  }
0x1b9: {  	[hbm4b:s22+s18] =	stream.linear.scatter [tilespmem:s23], [sflag:$0x5], $0x80, $0x38;
	[tilespmem:$0x14C00] =	vst v63  }
0x1ba: {  	s22 =	sadd.s32 $0x8030, s20;
	s23 =	simm.s32 $0x11218  }
0x1bb: {  	[hbm4b:s22+s18] =	stream.linear.scatter [tilespmem:s23], [sflag:$0x5], $0x80, $0x38;
	[tilespmem:$0x14C00] =	vst v63  }
0x1bc: {  	s22 =	sadd.s32 $0x8040, s20;
	s23 =	simm.s32 $0x112A0  }
0x1bd: {  	[hbm4b:s22+s18] =	stream.linear.scatter [tilespmem:s23], [sflag:$0x5], $0x80, $0x38;
	[tilespmem:$0x14C00] =	vst v63  }
0x1be: {  	s22 =	sadd.s32 $0x8050, s20;
	s23 =	simm.s32 $0x11328  }
0x1bf: {  	[hbm4b:s22+s18] =	stream.linear.scatter [tilespmem:s23], [sflag:$0x5], $0x80, $0x38;
	[tilespmem:$0x14C00] =	vst v63  }
0x1c0: {  	s22 =	sadd.s32 $0x8060, s20;
	s23 =	simm.s32 $0x113B0  }
0x1c1: {  	[hbm4b:s22+s18] =	stream.linear.scatter [tilespmem:s23], [sflag:$0x5], $0x80, $0x38;
	[tilespmem:$0x14C00] =	vst v63  }
0x1c2: {  	s22 =	sadd.s32 $0x8070, s20;
	s23 =	simm.s32 $0x11438  }
0x1c3: {  	[hbm4b:s22+s18] =	stream.linear.scatter [tilespmem:s23], [sflag:$0x5], $0x80, $0x38;
	[tilespmem:$0x14C00] =	vst v63  }
0x1c4: {  	s22 =	sadd.s32 $0xC000, s20;
	s23 =	simm.s32 $0x114C0  }
0x1c5: {  	[hbm4b:s22+s18] =	stream.linear.scatter [tilespmem:s23], [sflag:$0x5], $0x80, $0x38;
	[tilespmem:$0x14C00] =	vst v63  }
0x1c6: {  	s22 =	sadd.s32 $0xC010, s20;
	s23 =	simm.s32 $0x11548  }
0x1c7: {  	[hbm4b:s22+s18] =	stream.linear.scatter [tilespmem:s23], [sflag:$0x5], $0x80, $0x38;
	[tilespmem:$0x14C00] =	vst v63  }
0x1c8: {  	s22 =	sadd.s32 $0xC020, s20;
	s23 =	simm.s32 $0x115D0  }
0x1c9: {  	[hbm4b:s22+s18] =	stream.linear.scatter [tilespmem:s23], [sflag:$0x5], $0x80, $0x38;
	[tilespmem:$0x14C00] =	vst v63  }
0x1ca: {  	s22 =	sadd.s32 $0xC030, s20;
	s23 =	simm.s32 $0x11658  }
0x1cb: {  	[hbm4b:s22+s18] =	stream.linear.scatter [tilespmem:s23], [sflag:$0x5], $0x80, $0x38;
	[tilespmem:$0x14C00] =	vst v63  }
0x1cc: {  	s22 =	sadd.s32 $0xC040, s20;
	s23 =	simm.s32 $0x116E0  }
0x1cd: {  	[hbm4b:s22+s18] =	stream.linear.scatter [tilespmem:s23], [sflag:$0x5], $0x80, $0x38;
	[tilespmem:$0x14C00] =	vst v63  }
0x1ce: {  	s22 =	sadd.s32 $0xC050, s20;
	s23 =	simm.s32 $0x11768  }
0x1cf: {  	[hbm4b:s22+s18] =	stream.linear.scatter [tilespmem:s23], [sflag:$0x5], $0x80, $0x38;
	[tilespmem:$0x14C00] =	vst v63  }
0x1d0: {  	s22 =	sadd.s32 $0xC060, s20;
	s23 =	simm.s32 $0x117F0  }
0x1d1: {  	[hbm4b:s22+s18] =	stream.linear.scatter [tilespmem:s23], [sflag:$0x5], $0x80, $0x38;
	[tilespmem:$0x14C00] =	vst v63  }
0x1d2: {  	s20 =	sadd.s32 $0xC070, s20;
	s23 =	simm.s32 $0x11878  }
0x1d3: {  	[hbm4b:s20+s18] =	stream.linear.scatter [tilespmem:s23], [sflag:$0x5], $0x80, $0x38;
	[tilespmem:$0x14C00] =	vst v63  }
0x1d4: {  	_ =	swait.ge [sflag:s10], $0x400  }
0x1d5: {  	[sflag:s10] =	ssyncset.done $0x0  }
0x1d6: {  	[sflag:s10] =	ssyncadd.s32 $0xFFFFFC00  }
0x1d7: {  	_ =	swait.ge [sflag:s10], $0x400  }
0x1d8: {  	[sflag:s10] =	ssyncset.done $0x0  }
0x1d9: {  	[sflag:s10] =	ssyncadd.s32 $0xFFFFFC00  }
0x1da: {  	s22 =	simm.s32 $0x7;
	_ =	swait.ge [sflag:s10], $0x400  }
0x1db: {  	v17 =	vmov s22;
	[sflag:s10] =	ssyncset.done $0x0  }
0x1dc: {  	v18 =	vmov s18;
	v17 =	vshrl.u32 v17, $0x3;
	[sflag:s10] =	ssyncadd.s32 $0xFFFFFC00  }
0x1dd: {  	v18 =	vshrl.u32 v18, $0x3;
	s23 =	simm.s32 $0x1;
	v17 =	vshll.u32 v17, v1;
	_ =	swait.ge [sflag:s10], $0x400  }
0x1de: {  	v18 =	vshll.u32 v18, v1;
	v19 =	vmov s23;
	v17 =	vbroadcast v17, $0x0;
	[sflag:s10] =	ssyncset.done $0x0  }
0x1df: {  	s21 =	simm.s32 $0x2;
	v18 =	vbroadcast v18, $0x0;
	s20 =	sadd.s32 $0x18F0, s16;
	v19 =	vshrl.u32 v19, $0x3;
	[sflag:s10] =	ssyncadd.s32 $0xFFFFFC00  }
0x1e0: {  	v22 =	vmov s21;
	v19 =	vshll.u32 v19, v1;
	v21 =	vadd.s32 v15, v17;
	v20 =	vld [tilespmem:s20+$0xFFFFFFF0]  }
0x1e1: {  	v22 =	vshrl.u32 v22, $0x3;
	v25 =	vadd.s32 v0, v18;
	v19 =	vbroadcast v19, $0x0;
	v24 =	vld [tilespmem:s20+$0xFFFFFF10]  }
0x1e2: {  	v22 =	vshll.u32 v22, v1;
	s22 =	simm.s32 $0x3;
	v17 =	vadd.s32 v16, v17;
	v23 =	vld [tilespmem:s20+$0x0]  }
0x1e3: {  	v22 =	vbroadcast v22, $0x0;
	v27 =	vmov s22;
	v29 =	vadd.s32 v3, v19;
	v28 =	vld [tilespmem:s20+$0xFFFFFF30]  }
0x1e4: {  	v18 =	vadd.s32 v2, v18;
	v27 =	vshrl.u32 v27, $0x3;
	s23 =	simm.s32 $0x4;
	v26 =	vld [tilespmem:s20+$0xFFFFFF20]  }
0x1e5: {  	v33 =	vadd.s32 v5, v22;
	v27 =	vshll.u32 v27, v1;
	v31 =	vmov s23;
	v32 =	vld [tilespmem:s20+$0xFFFFFF50];
	[tilespmem:v21+s19+$0x0] =	vst.idx.msk $0xffff, v20  }
0x1e6: {  	s21 =	simm.s32 $0x5;
	v27 =	vbroadcast v27, $0x0;
	v19 =	vadd.s32 v4, v19;
	v30 =	vld [tilespmem:s20+$0xFFFFFF40];
	v21 =	vshrl.u32 v31, $0x3;
	[tilespmem:v25+s19+$0x0] =	vst.idx.msk $0xffff, v24  }
0x1e7: {  	v20 =	vld [tilespmem:s20+$0xFFFFFF60];
	v25 =	vadd.s32 v6, v22;
	[tilespmem:v17+s19+$0x0] =	vst.idx.msk $0xffff, v23;
	v22 =	vshll.u32 v21, v1;
	v23 =	vmov s21  }
0x1e8: {  	s22 =	simm.s32 $0x6;
	[tilespmem:v29+s19+$0x0] =	vst.idx.msk $0xffff, v28;
	v17 =	vld [tilespmem:s20+$0xFFFFFF70];
	v21 =	vadd.s32 v7, v27;
	v24 =	vbroadcast v22, $0x0;
	v23 =	vshrl.u32 v23, $0x3  }
0x1e9: {  	v28 =	vmov s22;
	[tilespmem:v18+s19+$0x0] =	vst.idx.msk $0xffff, v26;
	v18 =	vld [tilespmem:s20+$0xFFFFFF80];
	v22 =	vadd.s32 v8, v27;
	v27 =	vshll.u32 v23, v1  }
0x1ea: {  	s23 =	simm.s32 $0xF;
	[tilespmem:v33+s19+$0x0] =	vst.idx.msk $0xffff, v32;
	v29 =	vshrl.u32 v28, $0x3;
	v23 =	vld [tilespmem:s20+$0xFFFFFF90];
	v26 =	vadd.s32 v9, v24;
	v27 =	vbroadcast v27, $0x0  }
0x1eb: {  	s18 =	sor.u32 $0x1, s17;
	s22 =	simm.s32 $0x10;
	[tilespmem:v19+s19+$0x0] =	vst.idx.msk $0xffff, v30;
	s21 =	simm.s32 $0x8;
	v28 =	vmov s23;
	v19 =	vld [tilespmem:s20+$0xFFFFFFA0];
	v29 =	vshll.u32 v29, v1;
	v24 =	vadd.s32 v10, v24  }
.LBB2_7:
0x1ec: {  	p1 =	slt.u32 s22, $0x78;
	v28 =	vshrl.u32 v28, $0x3;
	[tilespmem:v25+s19+$0x0] =	vst.idx.msk $0xffff, v20;
	v20 =	vld [tilespmem:s20+$0xFFFFFFB0];
	v25 =	vadd.s32 v11, v27;
	v29 =	vbroadcast v29, $0x0  }
0x1ed: {  	v30 =	vmov s21;
	v28 =	vshll.u32 v28, v1;
	[tilespmem:v21+s19+$0x0] =	vst.idx.msk $0xffff, v17;
	v17 =	vld [tilespmem:s20+$0xFFFFFFC0];
	v21 =	vadd.s32 v12, v27  }
0x1ee: {  	s23 =	sadd.s32 $0x1, s21;
	v27 =	vshrl.u32 v30, $0x3;
	v28 =	vbroadcast v28, $0x0;
	[tilespmem:v22+s19+$0x0] =	vst.idx.msk $0xffff, v18;
	v18 =	vld [tilespmem:s20+$0xFFFFFFD0];
	v22 =	vadd.s32 v13, v29  }
0x1ef: {  	v30 =	vmov s23;
	v27 =	vshll.u32 v27, v1;
	[tilespmem:v26+s19+$0x0] =	vst.idx.msk $0xffff, v23;
	v23 =	vld [tilespmem:s20+$0xFFFFFFE0];
	v26 =	vadd.s32 v14, v29;
	s20 =	sadd.s32 $0x100, s20  }
0x1f0: {  	s23 =	sadd.s32 $0x2, s21;
	v27 =	vbroadcast v27, $0x0;
	v29 =	vshrl.u32 v30, $0x3;
	v30 =	vld [tilespmem:s20+$0xFFFFFFF0];
	v31 =	vadd.s32 v15, v28;
	[tilespmem:v24+s19+$0x0] =	vst.idx.msk $0xffff, v19  }
0x1f1: {  	v19 =	vshll.u32 v29, v1;
	v24 =	vmov s23;
	v28 =	vadd.s32 v16, v28;
	v29 =	vld [tilespmem:s20+$0x0];
	[tilespmem:v25+s19+$0x0] =	vst.idx.msk $0xffff, v20  }
0x1f2: {  	s23 =	sadd.s32 $0x3, s21;
	v25 =	vadd.s32 v0, v27;
	v19 =	vbroadcast v19, $0x0;
	v24 =	vshrl.u32 v24, $0x3;
	v20 =	vld [tilespmem:s20+$0xFFFFFF10];
	[tilespmem:v21+s19+$0x0] =	vst.idx.msk $0xffff, v17  }
0x1f3: {  	v21 =	vadd.s32 v2, v27;
	v24 =	vshll.u32 v24, v1;
	v27 =	vmov s23;
	v17 =	vld [tilespmem:s20+$0xFFFFFF20];
	[tilespmem:v22+s19+$0x0] =	vst.idx.msk $0xffff, v18  }
0x1f4: {  	s23 =	sadd.s32 $0x4, s21;
	v22 =	vadd.s32 v3, v19;
	v24 =	vbroadcast v24, $0x0;
	v27 =	vshrl.u32 v27, $0x3;
	v18 =	vld [tilespmem:s20+$0xFFFFFF30];
	[tilespmem:v26+s19+$0x0] =	vst.idx.msk $0xffff, v23  }
0x1f5: {  	v19 =	vadd.s32 v4, v19;
	v26 =	vshll.u32 v27, v1;
	v27 =	vmov s23;
	v23 =	vld [tilespmem:s20+$0xFFFFFF40];
	[tilespmem:v31+s19+$0x0] =	vst.idx.msk $0xffff, v30  }
0x1f6: {  	s23 =	sadd.s32 $0x5, s21;
	v31 =	vadd.s32 v5, v24;
	v26 =	vbroadcast v26, $0x0;
	v27 =	vshrl.u32 v27, $0x3;
	v30 =	vld [tilespmem:s20+$0xFFFFFF50];
	[tilespmem:v28+s19+$0x0] =	vst.idx.msk $0xffff, v29  }
.Ltmp1:
0x1f7: {  	[tilespmem:v25+s19+$0x0] =	vst.idx.msk $0xffff, v20;
	v20 =	vld [tilespmem:s20+$0xFFFFFF60];
	v25 =	vadd.s32 v6, v24;
	v24 =	vshll.u32 v27, v1;
	v27 =	vmov s23;
	(pc) =	sbr.rel @p1 .LBB2_7-.Ltmp1, $4  }
0x1f8: {  	s23 =	sadd.s32 $0x6, s21;
	s21 =	smov.u32 s22;
	[tilespmem:v21+s19+$0x0] =	vst.idx.msk $0xffff, v17;
	v17 =	vld [tilespmem:s20+$0xFFFFFF70];
	v21 =	vadd.s32 v7, v26;
	v24 =	vbroadcast v24, $0x0;
	v27 =	vshrl.u32 v27, $0x3  }
0x1f9: {  	v28 =	vmov s23;
	[tilespmem:v22+s19+$0x0] =	vst.idx.msk $0xffff, v18;
	v18 =	vld [tilespmem:s20+$0xFFFFFF80];
	v22 =	vadd.s32 v8, v26;
	v27 =	vshll.u32 v27, v1  }
0x1fa: {  	s23 =	sadd.s32 $0x7, s22;
	v29 =	vshrl.u32 v28, $0x3;
	[tilespmem:v19+s19+$0x0] =	vst.idx.msk $0xffff, v23;
	v23 =	vld [tilespmem:s20+$0xFFFFFF90];
	v26 =	vadd.s32 v9, v24;
	v27 =	vbroadcast v27, $0x0  }
0x1fb: {  	s22 =	sadd.s32 $0x8, s22;
	v28 =	vmov s23;
	v24 =	vadd.s32 v10, v24;
	v29 =	vshll.u32 v29, v1;
	[tilespmem:v31+s19+$0x0] =	vst.idx.msk $0xffff, v30;
	v19 =	vld [tilespmem:s20+$0xFFFFFFA0]  }
0x1fc: {  	_ =	sdelay $0x3  }
0x1fd: {  	v28 =	vshrl.u32 v28, $0x3;
	[tilespmem:v25+s19+$0x0] =	vst.idx.msk $0xffff, v20;
	v20 =	vld [tilespmem:s20+$0xFFFFFFB0];
	v25 =	vadd.s32 v11, v27;
	v29 =	vbroadcast v29, $0x0  }
0x1fe: {  	v30 =	vmov s21;
	v28 =	vshll.u32 v28, v1;
	[tilespmem:v21+s19+$0x0] =	vst.idx.msk $0xffff, v17;
	v17 =	vld [tilespmem:s20+$0xFFFFFFC0];
	v21 =	vadd.s32 v12, v27  }
0x1ff: {  	s22 =	sadd.s32 $0x1, s21;
	v27 =	vshrl.u32 v30, $0x3;
	v28 =	vbroadcast v28, $0x0;
	[tilespmem:v22+s19+$0x0] =	vst.idx.msk $0xffff, v18;
	v18 =	vld [tilespmem:s20+$0xFFFFFFD0];
	v22 =	vadd.s32 v13, v29  }
0x200: {  	v30 =	vmov s22;
	v27 =	vshll.u32 v27, v1;
	[tilespmem:v26+s19+$0x0] =	vst.idx.msk $0xffff, v23;
	v23 =	vld [tilespmem:s20+$0xFFFFFFE0];
	v26 =	vadd.s32 v14, v29;
	s20 =	sadd.s32 $0x100, s20  }
0x201: {  	s23 =	sadd.s32 $0x2, s21;
	v27 =	vbroadcast v27, $0x0;
	v29 =	vshrl.u32 v30, $0x3;
	v30 =	vld [tilespmem:s20+$0xFFFFFFF0];
	v31 =	vadd.s32 v15, v28;
	[tilespmem:v24+s19+$0x0] =	vst.idx.msk $0xffff, v19  }
0x202: {  	v19 =	vshll.u32 v29, v1;
	v24 =	vmov s23;
	v29 =	vld [tilespmem:s20+$0x0];
	v28 =	vadd.s32 v16, v28;
	[tilespmem:v25+s19+$0x0] =	vst.idx.msk $0xffff, v20  }
0x203: {  	s23 =	sadd.s32 $0x3, s21;
	v20 =	vld [tilespmem:s20+$0xFFFFFF10];
	v25 =	vadd.s32 v0, v27;
	v19 =	vbroadcast v19, $0x0;
	v24 =	vshrl.u32 v24, $0x3;
	[tilespmem:v21+s19+$0x0] =	vst.idx.msk $0xffff, v17  }
0x204: {  	v17 =	vld [tilespmem:s20+$0xFFFFFF20];
	v21 =	vadd.s32 v2, v27;
	v24 =	vshll.u32 v24, v1;
	v27 =	vmov s23;
	[tilespmem:v22+s19+$0x0] =	vst.idx.msk $0xffff, v18  }
0x205: {  	s23 =	sadd.s32 $0x4, s21;
	v18 =	vld [tilespmem:s20+$0xFFFFFF30];
	v22 =	vadd.s32 v3, v19;
	v24 =	vbroadcast v24, $0x0;
	v27 =	vshrl.u32 v27, $0x3;
	[tilespmem:v26+s19+$0x0] =	vst.idx.msk $0xffff, v23  }
0x206: {  	v19 =	vadd.s32 v4, v19;
	v23 =	vld [tilespmem:s20+$0xFFFFFF40];
	v26 =	vshll.u32 v27, v1;
	v27 =	vmov s23;
	[tilespmem:v31+s19+$0x0] =	vst.idx.msk $0xffff, v30  }
0x207: {  	s23 =	sadd.s32 $0x5, s21;
	v30 =	vld [tilespmem:s20+$0xFFFFFF50];
	v31 =	vadd.s32 v5, v24;
	v26 =	vbroadcast v26, $0x0;
	v27 =	vshrl.u32 v27, $0x3;
	[tilespmem:v28+s19+$0x0] =	vst.idx.msk $0xffff, v29  }
0x208: {  	v24 =	vadd.s32 v6, v24;
	[tilespmem:v25+s19+$0x0] =	vst.idx.msk $0xffff, v20;
	v20 =	vld [tilespmem:s20+$0xFFFFFF60];
	v25 =	vshll.u32 v27, v1;
	v27 =	vmov s23  }
0x209: {  	s23 =	sadd.s32 $0x6, s21;
	[tilespmem:v21+s19+$0x0] =	vst.idx.msk $0xffff, v17;
	v17 =	vld [tilespmem:s20+$0xFFFFFF70];
	v21 =	vadd.s32 v7, v26;
	v25 =	vbroadcast v25, $0x0;
	v27 =	vshrl.u32 v27, $0x3  }
0x20a: {  	[tilespmem:v22+s19+$0x0] =	vst.idx.msk $0xffff, v18;
	v18 =	vld [tilespmem:s20+$0xFFFFFF80];
	v22 =	vadd.s32 v8, v26;
	v26 =	vshll.u32 v27, v1;
	v27 =	vmov s23  }
0x20b: {  	[tilespmem:v19+s19+$0x0] =	vst.idx.msk $0xffff, v23;
	v19 =	vld [tilespmem:s20+$0xFFFFFF90];
	v23 =	vadd.s32 v9, v25;
	v26 =	vbroadcast v26, $0x0;
	v27 =	vshrl.u32 v27, $0x3  }
0x20c: {  	v28 =	vld [tilespmem:s20+$0xFFFFFFA0];
	v25 =	vadd.s32 v10, v25;
	[tilespmem:v31+s19+$0x0] =	vst.idx.msk $0xffff, v30;
	v27 =	vshll.u32 v27, v1  }
0x20d: {  	[tilespmem:v24+s19+$0x0] =	vst.idx.msk $0xffff, v20;
	v20 =	vld [tilespmem:s20+$0xFFFFFFB0];
	v24 =	vadd.s32 v11, v26;
	v27 =	vbroadcast v27, $0x0  }
0x20e: {  	[tilespmem:v21+s19+$0x0] =	vst.idx.msk $0xffff, v17;
	v17 =	vld [tilespmem:s20+$0xFFFFFFC0];
	v21 =	vadd.s32 v12, v26  }
0x20f: {  	[tilespmem:v22+s19+$0x0] =	vst.idx.msk $0xffff, v18;
	v18 =	vld [tilespmem:s20+$0xFFFFFFD0];
	v22 =	vadd.s32 v13, v27  }
0x210: {  	[tilespmem:v23+s19+$0x0] =	vst.idx.msk $0xffff, v19;
	v19 =	vld [tilespmem:s20+$0xFFFFFFE0];
	v23 =	vadd.s32 v14, v27  }
0x211: {  	s18 =	sor.u32 s1, s18;
	[tilespmem:v25+s19+$0x0] =	vst.idx.msk $0xffff, v28  }
0x212: {  	s18 =	sshll.u32 s18, $0x13;
	[tilespmem:v24+s19+$0x0] =	vst.idx.msk $0xffff, v20  }
0x213: {  	s18 =	sor.u32 s5, s18;
	[tilespmem:v21+s19+$0x0] =	vst.idx.msk $0xffff, v17  }
0x214: {  	s18 =	sshrl.u32 s18, $0x3;
	[tilespmem:v22+s19+$0x0] =	vst.idx.msk $0xffff, v18  }
0x215: {  	s20 =	sadd.s32 s2, s18;
	s18 =	simm.s32 $0x0;
	[tilespmem:v23+s19+$0x0] =	vst.idx.msk $0xffff, v19  }
0x216: {  	[hbm4b:s20+s18] =	stream.linear.scatter [tilespmem:s19], [sflag:$0x6], $0x80, $0x38;
	[tilespmem:$0x14C00] =	vst v63  }
0x217: {  	s23 =	simm.s32 $0x11988;
	s22 =	sadd.s32 $0x10, s20  }
0x218: {  	[hbm4b:s22+s18] =	stream.linear.scatter [tilespmem:s23], [sflag:$0x6], $0x80, $0x38;
	[tilespmem:$0x14C00] =	vst v63  }
0x219: {  	s22 =	sadd.s32 $0x20, s20;
	s23 =	simm.s32 $0x11A10  }
0x21a: {  	[hbm4b:s22+s18] =	stream.linear.scatter [tilespmem:s23], [sflag:$0x6], $0x80, $0x38;
	[tilespmem:$0x14C00] =	vst v63  }
0x21b: {  	s22 =	sadd.s32 $0x30, s20;
	s23 =	simm.s32 $0x11A98  }
0x21c: {  	[hbm4b:s22+s18] =	stream.linear.scatter [tilespmem:s23], [sflag:$0x6], $0x80, $0x38;
	[tilespmem:$0x14C00] =	vst v63  }
0x21d: {  	s22 =	sadd.s32 $0x40, s20;
	s23 =	simm.s32 $0x11B20  }
0x21e: {  	[hbm4b:s22+s18] =	stream.linear.scatter [tilespmem:s23], [sflag:$0x6], $0x80, $0x38;
	[tilespmem:$0x14C00] =	vst v63  }
0x21f: {  	s22 =	sadd.s32 $0x50, s20;
	s23 =	simm.s32 $0x11BA8  }
0x220: {  	[hbm4b:s22+s18] =	stream.linear.scatter [tilespmem:s23], [sflag:$0x6], $0x80, $0x38;
	[tilespmem:$0x14C00] =	vst v63  }
0x221: {  	s22 =	sadd.s32 $0x60, s20;
	s23 =	simm.s32 $0x11C30  }
0x222: {  	[hbm4b:s22+s18] =	stream.linear.scatter [tilespmem:s23], [sflag:$0x6], $0x80, $0x38;
	[tilespmem:$0x14C00] =	vst v63  }
0x223: {  	s22 =	sadd.s32 $0x70, s20;
	s23 =	simm.s32 $0x11CB8  }
0x224: {  	[hbm4b:s22+s18] =	stream.linear.scatter [tilespmem:s23], [sflag:$0x6], $0x80, $0x38;
	[tilespmem:$0x14C00] =	vst v63  }
0x225: {  	s22 =	sadd.s32 $0x4000, s20;
	s23 =	simm.s32 $0x11D40  }
0x226: {  	[hbm4b:s22+s18] =	stream.linear.scatter [tilespmem:s23], [sflag:$0x6], $0x80, $0x38;
	[tilespmem:$0x14C00] =	vst v63  }
0x227: {  	s22 =	sadd.s32 $0x4010, s20;
	s23 =	simm.s32 $0x11DC8  }
0x228: {  	[hbm4b:s22+s18] =	stream.linear.scatter [tilespmem:s23], [sflag:$0x6], $0x80, $0x38;
	[tilespmem:$0x14C00] =	vst v63  }
0x229: {  	s22 =	sadd.s32 $0x4020, s20;
	s23 =	simm.s32 $0x11E50  }
0x22a: {  	[hbm4b:s22+s18] =	stream.linear.scatter [tilespmem:s23], [sflag:$0x6], $0x80, $0x38;
	[tilespmem:$0x14C00] =	vst v63  }
0x22b: {  	s22 =	sadd.s32 $0x4030, s20;
	s23 =	simm.s32 $0x11ED8  }
0x22c: {  	[hbm4b:s22+s18] =	stream.linear.scatter [tilespmem:s23], [sflag:$0x6], $0x80, $0x38;
	[tilespmem:$0x14C00] =	vst v63  }
0x22d: {  	s22 =	sadd.s32 $0x4040, s20;
	s23 =	simm.s32 $0x11F60  }
0x22e: {  	[hbm4b:s22+s18] =	stream.linear.scatter [tilespmem:s23], [sflag:$0x6], $0x80, $0x38;
	[tilespmem:$0x14C00] =	vst v63  }
0x22f: {  	s22 =	sadd.s32 $0x4050, s20;
	s23 =	simm.s32 $0x11FE8  }
0x230: {  	[hbm4b:s22+s18] =	stream.linear.scatter [tilespmem:s23], [sflag:$0x6], $0x80, $0x38;
	[tilespmem:$0x14C00] =	vst v63  }
0x231: {  	s22 =	sadd.s32 $0x4060, s20;
	s23 =	simm.s32 $0x12070  }
0x232: {  	[hbm4b:s22+s18] =	stream.linear.scatter [tilespmem:s23], [sflag:$0x6], $0x80, $0x38;
	[tilespmem:$0x14C00] =	vst v63  }
0x233: {  	s22 =	sadd.s32 $0x4070, s20;
	s23 =	simm.s32 $0x120F8  }
0x234: {  	[hbm4b:s22+s18] =	stream.linear.scatter [tilespmem:s23], [sflag:$0x6], $0x80, $0x38;
	[tilespmem:$0x14C00] =	vst v63  }
0x235: {  	s22 =	sadd.s32 $0x8000, s20;
	s23 =	simm.s32 $0x12180  }
0x236: {  	[hbm4b:s22+s18] =	stream.linear.scatter [tilespmem:s23], [sflag:$0x6], $0x80, $0x38;
	[tilespmem:$0x14C00] =	vst v63  }
0x237: {  	s22 =	sadd.s32 $0x8010, s20;
	s23 =	simm.s32 $0x12208  }
0x238: {  	[hbm4b:s22+s18] =	stream.linear.scatter [tilespmem:s23], [sflag:$0x6], $0x80, $0x38;
	[tilespmem:$0x14C00] =	vst v63  }
0x239: {  	s22 =	sadd.s32 $0x8020, s20;
	s23 =	simm.s32 $0x12290  }
0x23a: {  	[hbm4b:s22+s18] =	stream.linear.scatter [tilespmem:s23], [sflag:$0x6], $0x80, $0x38;
	[tilespmem:$0x14C00] =	vst v63  }
0x23b: {  	s22 =	sadd.s32 $0x8030, s20;
	s23 =	simm.s32 $0x12318  }
0x23c: {  	[hbm4b:s22+s18] =	stream.linear.scatter [tilespmem:s23], [sflag:$0x6], $0x80, $0x38;
	[tilespmem:$0x14C00] =	vst v63  }
0x23d: {  	s22 =	sadd.s32 $0x8040, s20;
	s23 =	simm.s32 $0x123A0  }
0x23e: {  	[hbm4b:s22+s18] =	stream.linear.scatter [tilespmem:s23], [sflag:$0x6], $0x80, $0x38;
	[tilespmem:$0x14C00] =	vst v63  }
0x23f: {  	s22 =	sadd.s32 $0x8050, s20;
	s23 =	simm.s32 $0x12428  }
0x240: {  	[hbm4b:s22+s18] =	stream.linear.scatter [tilespmem:s23], [sflag:$0x6], $0x80, $0x38;
	[tilespmem:$0x14C00] =	vst v63  }
0x241: {  	s22 =	sadd.s32 $0x8060, s20;
	s23 =	simm.s32 $0x124B0  }
0x242: {  	[hbm4b:s22+s18] =	stream.linear.scatter [tilespmem:s23], [sflag:$0x6], $0x80, $0x38;
	[tilespmem:$0x14C00] =	vst v63  }
0x243: {  	s22 =	sadd.s32 $0x8070, s20;
	s23 =	simm.s32 $0x12538  }
0x244: {  	[hbm4b:s22+s18] =	stream.linear.scatter [tilespmem:s23], [sflag:$0x6], $0x80, $0x38;
	[tilespmem:$0x14C00] =	vst v63  }
0x245: {  	s22 =	sadd.s32 $0xC000, s20;
	s23 =	simm.s32 $0x125C0  }
0x246: {  	[hbm4b:s22+s18] =	stream.linear.scatter [tilespmem:s23], [sflag:$0x6], $0x80, $0x38;
	[tilespmem:$0x14C00] =	vst v63  }
0x247: {  	s22 =	sadd.s32 $0xC010, s20;
	s23 =	simm.s32 $0x12648  }
0x248: {  	[hbm4b:s22+s18] =	stream.linear.scatter [tilespmem:s23], [sflag:$0x6], $0x80, $0x38;
	[tilespmem:$0x14C00] =	vst v63  }
0x249: {  	s22 =	sadd.s32 $0xC020, s20;
	s23 =	simm.s32 $0x126D0  }
0x24a: {  	[hbm4b:s22+s18] =	stream.linear.scatter [tilespmem:s23], [sflag:$0x6], $0x80, $0x38;
	[tilespmem:$0x14C00] =	vst v63  }
0x24b: {  	s22 =	sadd.s32 $0xC030, s20;
	s23 =	simm.s32 $0x12758  }
0x24c: {  	[hbm4b:s22+s18] =	stream.linear.scatter [tilespmem:s23], [sflag:$0x6], $0x80, $0x38;
	[tilespmem:$0x14C00] =	vst v63  }
0x24d: {  	s22 =	sadd.s32 $0xC040, s20;
	s23 =	simm.s32 $0x127E0  }
0x24e: {  	[hbm4b:s22+s18] =	stream.linear.scatter [tilespmem:s23], [sflag:$0x6], $0x80, $0x38;
	[tilespmem:$0x14C00] =	vst v63  }
0x24f: {  	s22 =	sadd.s32 $0xC050, s20;
	s23 =	simm.s32 $0x12868  }
0x250: {  	[hbm4b:s22+s18] =	stream.linear.scatter [tilespmem:s23], [sflag:$0x6], $0x80, $0x38;
	[tilespmem:$0x14C00] =	vst v63  }
0x251: {  	s22 =	sadd.s32 $0xC060, s20;
	s23 =	simm.s32 $0x128F0  }
0x252: {  	[hbm4b:s22+s18] =	stream.linear.scatter [tilespmem:s23], [sflag:$0x6], $0x80, $0x38;
	[tilespmem:$0x14C00] =	vst v63  }
0x253: {  	s20 =	sadd.s32 $0xC070, s20;
	s23 =	simm.s32 $0x12978  }
0x254: {  	[hbm4b:s20+s18] =	stream.linear.scatter [tilespmem:s23], [sflag:$0x6], $0x80, $0x38;
	[tilespmem:$0x14C00] =	vst v63  }
0x255: {  	_ =	swait.ge [sflag:s13], $0x400  }
0x256: {  	[sflag:s13] =	ssyncset.done $0x0  }
0x257: {  	[sflag:s13] =	ssyncadd.s32 $0xFFFFFC00  }
0x258: {  	_ =	swait.ge [sflag:s13], $0x400  }
0x259: {  	[sflag:s13] =	ssyncset.done $0x0  }
0x25a: {  	[sflag:s13] =	ssyncadd.s32 $0xFFFFFC00  }
0x25b: {  	s22 =	simm.s32 $0x7;
	_ =	swait.ge [sflag:s13], $0x400  }
0x25c: {  	v17 =	vmov s22;
	[sflag:s13] =	ssyncset.done $0x0  }
0x25d: {  	v18 =	vmov s18;
	v17 =	vshrl.u32 v17, $0x3;
	[sflag:s13] =	ssyncadd.s32 $0xFFFFFC00  }
0x25e: {  	v18 =	vshrl.u32 v18, $0x3;
	s23 =	simm.s32 $0x1;
	v17 =	vshll.u32 v17, v1;
	_ =	swait.ge [sflag:s13], $0x400  }
0x25f: {  	v18 =	vshll.u32 v18, v1;
	v19 =	vmov s23;
	v17 =	vbroadcast v17, $0x0;
	[sflag:s13] =	ssyncset.done $0x0  }
0x260: {  	s21 =	simm.s32 $0x2;
	v18 =	vbroadcast v18, $0x0;
	s20 =	sadd.s32 $0x28F0, s16;
	v19 =	vshrl.u32 v19, $0x3;
	[sflag:s13] =	ssyncadd.s32 $0xFFFFFC00  }
0x261: {  	v22 =	vmov s21;
	v19 =	vshll.u32 v19, v1;
	v21 =	vadd.s32 v15, v17;
	v20 =	vld [tilespmem:s20+$0xFFFFFFF0]  }
0x262: {  	v22 =	vshrl.u32 v22, $0x3;
	v25 =	vadd.s32 v0, v18;
	v19 =	vbroadcast v19, $0x0;
	v24 =	vld [tilespmem:s20+$0xFFFFFF10]  }
0x263: {  	v22 =	vshll.u32 v22, v1;
	s22 =	simm.s32 $0x3;
	v17 =	vadd.s32 v16, v17;
	v23 =	vld [tilespmem:s20+$0x0]  }
0x264: {  	v22 =	vbroadcast v22, $0x0;
	v27 =	vmov s22;
	v29 =	vadd.s32 v3, v19;
	v28 =	vld [tilespmem:s20+$0xFFFFFF30]  }
0x265: {  	v18 =	vadd.s32 v2, v18;
	v27 =	vshrl.u32 v27, $0x3;
	s23 =	simm.s32 $0x4;
	v26 =	vld [tilespmem:s20+$0xFFFFFF20]  }
0x266: {  	v33 =	vadd.s32 v5, v22;
	v27 =	vshll.u32 v27, v1;
	v31 =	vmov s23;
	v32 =	vld [tilespmem:s20+$0xFFFFFF50];
	[tilespmem:v21+s24+$0x0] =	vst.idx.msk $0xffff, v20  }
0x267: {  	s21 =	simm.s32 $0x5;
	v27 =	vbroadcast v27, $0x0;
	v19 =	vadd.s32 v4, v19;
	v30 =	vld [tilespmem:s20+$0xFFFFFF40];
	v21 =	vshrl.u32 v31, $0x3;
	[tilespmem:v25+s24+$0x0] =	vst.idx.msk $0xffff, v24  }
0x268: {  	v20 =	vld [tilespmem:s20+$0xFFFFFF60];
	v25 =	vadd.s32 v6, v22;
	[tilespmem:v17+s24+$0x0] =	vst.idx.msk $0xffff, v23;
	v22 =	vshll.u32 v21, v1;
	v23 =	vmov s21  }
0x269: {  	s22 =	simm.s32 $0x6;
	[tilespmem:v29+s24+$0x0] =	vst.idx.msk $0xffff, v28;
	v17 =	vld [tilespmem:s20+$0xFFFFFF70];
	v21 =	vadd.s32 v7, v27;
	v24 =	vbroadcast v22, $0x0;
	v23 =	vshrl.u32 v23, $0x3  }
0x26a: {  	v28 =	vmov s22;
	[tilespmem:v18+s24+$0x0] =	vst.idx.msk $0xffff, v26;
	v18 =	vld [tilespmem:s20+$0xFFFFFF80];
	v22 =	vadd.s32 v8, v27;
	v27 =	vshll.u32 v23, v1  }
0x26b: {  	s23 =	simm.s32 $0xF;
	[tilespmem:v33+s24+$0x0] =	vst.idx.msk $0xffff, v32;
	v29 =	vshrl.u32 v28, $0x3;
	v23 =	vld [tilespmem:s20+$0xFFFFFF90];
	v26 =	vadd.s32 v9, v24;
	v27 =	vbroadcast v27, $0x0  }
0x26c: {  	s18 =	sor.u32 $0x2, s17;
	s22 =	simm.s32 $0x10;
	[tilespmem:v19+s24+$0x0] =	vst.idx.msk $0xffff, v30;
	s21 =	simm.s32 $0x8;
	v28 =	vmov s23;
	v19 =	vld [tilespmem:s20+$0xFFFFFFA0];
	v29 =	vshll.u32 v29, v1;
	v24 =	vadd.s32 v10, v24  }
.LBB2_9:
0x26d: {  	p1 =	slt.u32 s22, $0x78;
	v28 =	vshrl.u32 v28, $0x3;
	[tilespmem:v25+s24+$0x0] =	vst.idx.msk $0xffff, v20;
	v20 =	vld [tilespmem:s20+$0xFFFFFFB0];
	v25 =	vadd.s32 v11, v27;
	v29 =	vbroadcast v29, $0x0  }
0x26e: {  	v30 =	vmov s21;
	v28 =	vshll.u32 v28, v1;
	[tilespmem:v21+s24+$0x0] =	vst.idx.msk $0xffff, v17;
	v17 =	vld [tilespmem:s20+$0xFFFFFFC0];
	v21 =	vadd.s32 v12, v27  }
0x26f: {  	s23 =	sadd.s32 $0x1, s21;
	v27 =	vshrl.u32 v30, $0x3;
	v28 =	vbroadcast v28, $0x0;
	[tilespmem:v22+s24+$0x0] =	vst.idx.msk $0xffff, v18;
	v18 =	vld [tilespmem:s20+$0xFFFFFFD0];
	v22 =	vadd.s32 v13, v29  }
0x270: {  	v30 =	vmov s23;
	v27 =	vshll.u32 v27, v1;
	[tilespmem:v26+s24+$0x0] =	vst.idx.msk $0xffff, v23;
	v23 =	vld [tilespmem:s20+$0xFFFFFFE0];
	v26 =	vadd.s32 v14, v29;
	s20 =	sadd.s32 $0x100, s20  }
0x271: {  	s23 =	sadd.s32 $0x2, s21;
	v27 =	vbroadcast v27, $0x0;
	v29 =	vshrl.u32 v30, $0x3;
	v30 =	vld [tilespmem:s20+$0xFFFFFFF0];
	v31 =	vadd.s32 v15, v28;
	[tilespmem:v24+s24+$0x0] =	vst.idx.msk $0xffff, v19  }
0x272: {  	v19 =	vshll.u32 v29, v1;
	v24 =	vmov s23;
	v28 =	vadd.s32 v16, v28;
	v29 =	vld [tilespmem:s20+$0x0];
	[tilespmem:v25+s24+$0x0] =	vst.idx.msk $0xffff, v20  }
0x273: {  	s23 =	sadd.s32 $0x3, s21;
	v25 =	vadd.s32 v0, v27;
	v19 =	vbroadcast v19, $0x0;
	v24 =	vshrl.u32 v24, $0x3;
	v20 =	vld [tilespmem:s20+$0xFFFFFF10];
	[tilespmem:v21+s24+$0x0] =	vst.idx.msk $0xffff, v17  }
0x274: {  	v21 =	vadd.s32 v2, v27;
	v24 =	vshll.u32 v24, v1;
	v27 =	vmov s23;
	v17 =	vld [tilespmem:s20+$0xFFFFFF20];
	[tilespmem:v22+s24+$0x0] =	vst.idx.msk $0xffff, v18  }
0x275: {  	s23 =	sadd.s32 $0x4, s21;
	v22 =	vadd.s32 v3, v19;
	v24 =	vbroadcast v24, $0x0;
	v27 =	vshrl.u32 v27, $0x3;
	v18 =	vld [tilespmem:s20+$0xFFFFFF30];
	[tilespmem:v26+s24+$0x0] =	vst.idx.msk $0xffff, v23  }
0x276: {  	v19 =	vadd.s32 v4, v19;
	v26 =	vshll.u32 v27, v1;
	v27 =	vmov s23;
	v23 =	vld [tilespmem:s20+$0xFFFFFF40];
	[tilespmem:v31+s24+$0x0] =	vst.idx.msk $0xffff, v30  }
0x277: {  	s23 =	sadd.s32 $0x5, s21;
	v31 =	vadd.s32 v5, v24;
	v26 =	vbroadcast v26, $0x0;
	v27 =	vshrl.u32 v27, $0x3;
	v30 =	vld [tilespmem:s20+$0xFFFFFF50];
	[tilespmem:v28+s24+$0x0] =	vst.idx.msk $0xffff, v29  }
.Ltmp2:
0x278: {  	[tilespmem:v25+s24+$0x0] =	vst.idx.msk $0xffff, v20;
	v20 =	vld [tilespmem:s20+$0xFFFFFF60];
	v25 =	vadd.s32 v6, v24;
	v24 =	vshll.u32 v27, v1;
	v27 =	vmov s23;
	(pc) =	sbr.rel @p1 .LBB2_9-.Ltmp2, $4  }
0x279: {  	s23 =	sadd.s32 $0x6, s21;
	s21 =	smov.u32 s22;
	[tilespmem:v21+s24+$0x0] =	vst.idx.msk $0xffff, v17;
	v17 =	vld [tilespmem:s20+$0xFFFFFF70];
	v21 =	vadd.s32 v7, v26;
	v24 =	vbroadcast v24, $0x0;
	v27 =	vshrl.u32 v27, $0x3  }
0x27a: {  	v28 =	vmov s23;
	[tilespmem:v22+s24+$0x0] =	vst.idx.msk $0xffff, v18;
	v18 =	vld [tilespmem:s20+$0xFFFFFF80];
	v22 =	vadd.s32 v8, v26;
	v27 =	vshll.u32 v27, v1  }
0x27b: {  	s23 =	sadd.s32 $0x7, s22;
	v29 =	vshrl.u32 v28, $0x3;
	[tilespmem:v19+s24+$0x0] =	vst.idx.msk $0xffff, v23;
	v23 =	vld [tilespmem:s20+$0xFFFFFF90];
	v26 =	vadd.s32 v9, v24;
	v27 =	vbroadcast v27, $0x0  }
0x27c: {  	s22 =	sadd.s32 $0x8, s22;
	v28 =	vmov s23;
	v24 =	vadd.s32 v10, v24;
	v29 =	vshll.u32 v29, v1;
	[tilespmem:v31+s24+$0x0] =	vst.idx.msk $0xffff, v30;
	v19 =	vld [tilespmem:s20+$0xFFFFFFA0]  }
0x27d: {  	_ =	sdelay $0x3  }
0x27e: {  	v28 =	vshrl.u32 v28, $0x3;
	[tilespmem:v25+s24+$0x0] =	vst.idx.msk $0xffff, v20;
	v20 =	vld [tilespmem:s20+$0xFFFFFFB0];
	v25 =	vadd.s32 v11, v27;
	v29 =	vbroadcast v29, $0x0  }
0x27f: {  	v30 =	vmov s21;
	v28 =	vshll.u32 v28, v1;
	[tilespmem:v21+s24+$0x0] =	vst.idx.msk $0xffff, v17;
	v17 =	vld [tilespmem:s20+$0xFFFFFFC0];
	v21 =	vadd.s32 v12, v27  }
0x280: {  	s22 =	sadd.s32 $0x1, s21;
	v27 =	vshrl.u32 v30, $0x3;
	v28 =	vbroadcast v28, $0x0;
	[tilespmem:v22+s24+$0x0] =	vst.idx.msk $0xffff, v18;
	v18 =	vld [tilespmem:s20+$0xFFFFFFD0];
	v22 =	vadd.s32 v13, v29  }
0x281: {  	v30 =	vmov s22;
	v27 =	vshll.u32 v27, v1;
	[tilespmem:v26+s24+$0x0] =	vst.idx.msk $0xffff, v23;
	v23 =	vld [tilespmem:s20+$0xFFFFFFE0];
	v26 =	vadd.s32 v14, v29;
	s20 =	sadd.s32 $0x100, s20  }
0x282: {  	s23 =	sadd.s32 $0x2, s21;
	v27 =	vbroadcast v27, $0x0;
	v29 =	vshrl.u32 v30, $0x3;
	v30 =	vld [tilespmem:s20+$0xFFFFFFF0];
	v31 =	vadd.s32 v15, v28;
	[tilespmem:v24+s24+$0x0] =	vst.idx.msk $0xffff, v19  }
0x283: {  	v19 =	vshll.u32 v29, v1;
	v24 =	vmov s23;
	v29 =	vld [tilespmem:s20+$0x0];
	v28 =	vadd.s32 v16, v28;
	[tilespmem:v25+s24+$0x0] =	vst.idx.msk $0xffff, v20  }
0x284: {  	s23 =	sadd.s32 $0x3, s21;
	v20 =	vld [tilespmem:s20+$0xFFFFFF10];
	v25 =	vadd.s32 v0, v27;
	v19 =	vbroadcast v19, $0x0;
	v24 =	vshrl.u32 v24, $0x3;
	[tilespmem:v21+s24+$0x0] =	vst.idx.msk $0xffff, v17  }
0x285: {  	v17 =	vld [tilespmem:s20+$0xFFFFFF20];
	v21 =	vadd.s32 v2, v27;
	v24 =	vshll.u32 v24, v1;
	v27 =	vmov s23;
	[tilespmem:v22+s24+$0x0] =	vst.idx.msk $0xffff, v18  }
0x286: {  	s23 =	sadd.s32 $0x4, s21;
	v18 =	vld [tilespmem:s20+$0xFFFFFF30];
	v22 =	vadd.s32 v3, v19;
	v24 =	vbroadcast v24, $0x0;
	v27 =	vshrl.u32 v27, $0x3;
	[tilespmem:v26+s24+$0x0] =	vst.idx.msk $0xffff, v23  }
0x287: {  	v19 =	vadd.s32 v4, v19;
	v23 =	vld [tilespmem:s20+$0xFFFFFF40];
	v26 =	vshll.u32 v27, v1;
	v27 =	vmov s23;
	[tilespmem:v31+s24+$0x0] =	vst.idx.msk $0xffff, v30  }
0x288: {  	s23 =	sadd.s32 $0x5, s21;
	v30 =	vld [tilespmem:s20+$0xFFFFFF50];
	v31 =	vadd.s32 v5, v24;
	v26 =	vbroadcast v26, $0x0;
	v27 =	vshrl.u32 v27, $0x3;
	[tilespmem:v28+s24+$0x0] =	vst.idx.msk $0xffff, v29  }
0x289: {  	v24 =	vadd.s32 v6, v24;
	v28 =	vmov s23;
	[tilespmem:v25+s24+$0x0] =	vst.idx.msk $0xffff, v20;
	v20 =	vld [tilespmem:s20+$0xFFFFFF60];
	v25 =	vshll.u32 v27, v1  }
0x28a: {  	s23 =	sadd.s32 $0x6, s21;
	[tilespmem:v21+s24+$0x0] =	vst.idx.msk $0xffff, v17;
	v17 =	vld [tilespmem:s20+$0xFFFFFF70];
	v21 =	vadd.s32 v7, v26;
	v25 =	vbroadcast v25, $0x0;
	v27 =	vshrl.u32 v28, $0x3  }
0x28b: {  	[tilespmem:v22+s24+$0x0] =	vst.idx.msk $0xffff, v18;
	v18 =	vld [tilespmem:s20+$0xFFFFFF80];
	v22 =	vadd.s32 v8, v26;
	v26 =	vshll.u32 v27, v1;
	v27 =	vmov s23  }
0x28c: {  	[tilespmem:v19+s24+$0x0] =	vst.idx.msk $0xffff, v23;
	v19 =	vld [tilespmem:s20+$0xFFFFFF90];
	v23 =	vadd.s32 v9, v25;
	v26 =	vbroadcast v26, $0x0;
	v27 =	vshrl.u32 v27, $0x3  }
0x28d: {  	v28 =	vld [tilespmem:s20+$0xFFFFFFA0];
	v25 =	vadd.s32 v10, v25;
	[tilespmem:v31+s24+$0x0] =	vst.idx.msk $0xffff, v30;
	v27 =	vshll.u32 v27, v1  }
0x28e: {  	[tilespmem:v24+s24+$0x0] =	vst.idx.msk $0xffff, v20;
	v20 =	vld [tilespmem:s20+$0xFFFFFFB0];
	v24 =	vadd.s32 v11, v26;
	v27 =	vbroadcast v27, $0x0  }
0x28f: {  	[tilespmem:v21+s24+$0x0] =	vst.idx.msk $0xffff, v17;
	v17 =	vld [tilespmem:s20+$0xFFFFFFC0];
	v21 =	vadd.s32 v12, v26  }
0x290: {  	[tilespmem:v22+s24+$0x0] =	vst.idx.msk $0xffff, v18;
	v18 =	vld [tilespmem:s20+$0xFFFFFFD0];
	v22 =	vadd.s32 v13, v27  }
0x291: {  	[tilespmem:v23+s24+$0x0] =	vst.idx.msk $0xffff, v19;
	v19 =	vld [tilespmem:s20+$0xFFFFFFE0];
	v23 =	vadd.s32 v14, v27  }
0x292: {  	s18 =	sor.u32 s1, s18;
	[tilespmem:v25+s24+$0x0] =	vst.idx.msk $0xffff, v28  }
0x293: {  	s18 =	sshll.u32 s18, $0x13;
	[tilespmem:v24+s24+$0x0] =	vst.idx.msk $0xffff, v20  }
0x294: {  	s18 =	sor.u32 s5, s18;
	[tilespmem:v21+s24+$0x0] =	vst.idx.msk $0xffff, v17  }
0x295: {  	s18 =	sshrl.u32 s18, $0x3;
	[tilespmem:v22+s24+$0x0] =	vst.idx.msk $0xffff, v18  }
0x296: {  	s20 =	sadd.s32 s2, s18;
	s18 =	simm.s32 $0x0;
	[tilespmem:v23+s24+$0x0] =	vst.idx.msk $0xffff, v19  }
0x297: {  	[hbm4b:s20+s18] =	stream.linear.scatter [tilespmem:s24], [sflag:$0x7], $0x80, $0x38;
	[tilespmem:$0x14C00] =	vst v63  }
0x298: {  	s23 =	simm.s32 $0x12A88;
	s22 =	sadd.s32 $0x10, s20  }
0x299: {  	[hbm4b:s22+s18] =	stream.linear.scatter [tilespmem:s23], [sflag:$0x7], $0x80, $0x38;
	[tilespmem:$0x14C00] =	vst v63  }
0x29a: {  	s22 =	sadd.s32 $0x20, s20;
	s23 =	simm.s32 $0x12B10  }
0x29b: {  	[hbm4b:s22+s18] =	stream.linear.scatter [tilespmem:s23], [sflag:$0x7], $0x80, $0x38;
	[tilespmem:$0x14C00] =	vst v63  }
0x29c: {  	s22 =	sadd.s32 $0x30, s20;
	s23 =	simm.s32 $0x12B98  }
0x29d: {  	[hbm4b:s22+s18] =	stream.linear.scatter [tilespmem:s23], [sflag:$0x7], $0x80, $0x38;
	[tilespmem:$0x14C00] =	vst v63  }
0x29e: {  	s22 =	sadd.s32 $0x40, s20;
	s23 =	simm.s32 $0x12C20  }
0x29f: {  	[hbm4b:s22+s18] =	stream.linear.scatter [tilespmem:s23], [sflag:$0x7], $0x80, $0x38;
	[tilespmem:$0x14C00] =	vst v63  }
0x2a0: {  	s22 =	sadd.s32 $0x50, s20;
	s23 =	simm.s32 $0x12CA8  }
0x2a1: {  	[hbm4b:s22+s18] =	stream.linear.scatter [tilespmem:s23], [sflag:$0x7], $0x80, $0x38;
	[tilespmem:$0x14C00] =	vst v63  }
0x2a2: {  	s22 =	sadd.s32 $0x60, s20;
	s23 =	simm.s32 $0x12D30  }
0x2a3: {  	[hbm4b:s22+s18] =	stream.linear.scatter [tilespmem:s23], [sflag:$0x7], $0x80, $0x38;
	[tilespmem:$0x14C00] =	vst v63  }
0x2a4: {  	s22 =	sadd.s32 $0x70, s20;
	s23 =	simm.s32 $0x12DB8  }
0x2a5: {  	[hbm4b:s22+s18] =	stream.linear.scatter [tilespmem:s23], [sflag:$0x7], $0x80, $0x38;
	[tilespmem:$0x14C00] =	vst v63  }
0x2a6: {  	s22 =	sadd.s32 $0x4000, s20;
	s23 =	simm.s32 $0x12E40  }
0x2a7: {  	[hbm4b:s22+s18] =	stream.linear.scatter [tilespmem:s23], [sflag:$0x7], $0x80, $0x38;
	[tilespmem:$0x14C00] =	vst v63  }
0x2a8: {  	s22 =	sadd.s32 $0x4010, s20;
	s23 =	simm.s32 $0x12EC8  }
0x2a9: {  	[hbm4b:s22+s18] =	stream.linear.scatter [tilespmem:s23], [sflag:$0x7], $0x80, $0x38;
	[tilespmem:$0x14C00] =	vst v63  }
0x2aa: {  	s22 =	sadd.s32 $0x4020, s20;
	s23 =	simm.s32 $0x12F50  }
0x2ab: {  	[hbm4b:s22+s18] =	stream.linear.scatter [tilespmem:s23], [sflag:$0x7], $0x80, $0x38;
	[tilespmem:$0x14C00] =	vst v63  }
0x2ac: {  	s22 =	sadd.s32 $0x4030, s20;
	s23 =	simm.s32 $0x12FD8  }
0x2ad: {  	[hbm4b:s22+s18] =	stream.linear.scatter [tilespmem:s23], [sflag:$0x7], $0x80, $0x38;
	[tilespmem:$0x14C00] =	vst v63  }
0x2ae: {  	s22 =	sadd.s32 $0x4040, s20;
	s23 =	simm.s32 $0x13060  }
0x2af: {  	[hbm4b:s22+s18] =	stream.linear.scatter [tilespmem:s23], [sflag:$0x7], $0x80, $0x38;
	[tilespmem:$0x14C00] =	vst v63  }
0x2b0: {  	s22 =	sadd.s32 $0x4050, s20;
	s23 =	simm.s32 $0x130E8  }
0x2b1: {  	[hbm4b:s22+s18] =	stream.linear.scatter [tilespmem:s23], [sflag:$0x7], $0x80, $0x38;
	[tilespmem:$0x14C00] =	vst v63  }
0x2b2: {  	s22 =	sadd.s32 $0x4060, s20;
	s23 =	simm.s32 $0x13170  }
0x2b3: {  	[hbm4b:s22+s18] =	stream.linear.scatter [tilespmem:s23], [sflag:$0x7], $0x80, $0x38;
	[tilespmem:$0x14C00] =	vst v63  }
0x2b4: {  	s22 =	sadd.s32 $0x4070, s20;
	s23 =	simm.s32 $0x131F8  }
0x2b5: {  	[hbm4b:s22+s18] =	stream.linear.scatter [tilespmem:s23], [sflag:$0x7], $0x80, $0x38;
	[tilespmem:$0x14C00] =	vst v63  }
0x2b6: {  	s22 =	sadd.s32 $0x8000, s20;
	s23 =	simm.s32 $0x13280  }
0x2b7: {  	[hbm4b:s22+s18] =	stream.linear.scatter [tilespmem:s23], [sflag:$0x7], $0x80, $0x38;
	[tilespmem:$0x14C00] =	vst v63  }
0x2b8: {  	s22 =	sadd.s32 $0x8010, s20;
	s23 =	simm.s32 $0x13308  }
0x2b9: {  	[hbm4b:s22+s18] =	stream.linear.scatter [tilespmem:s23], [sflag:$0x7], $0x80, $0x38;
	[tilespmem:$0x14C00] =	vst v63  }
0x2ba: {  	s22 =	sadd.s32 $0x8020, s20;
	s23 =	simm.s32 $0x13390  }
0x2bb: {  	[hbm4b:s22+s18] =	stream.linear.scatter [tilespmem:s23], [sflag:$0x7], $0x80, $0x38;
	[tilespmem:$0x14C00] =	vst v63  }
0x2bc: {  	s22 =	sadd.s32 $0x8030, s20;
	s23 =	simm.s32 $0x13418  }
0x2bd: {  	[hbm4b:s22+s18] =	stream.linear.scatter [tilespmem:s23], [sflag:$0x7], $0x80, $0x38;
	[tilespmem:$0x14C00] =	vst v63  }
0x2be: {  	s22 =	sadd.s32 $0x8040, s20;
	s23 =	simm.s32 $0x134A0  }
0x2bf: {  	[hbm4b:s22+s18] =	stream.linear.scatter [tilespmem:s23], [sflag:$0x7], $0x80, $0x38;
	[tilespmem:$0x14C00] =	vst v63  }
0x2c0: {  	s22 =	sadd.s32 $0x8050, s20;
	s23 =	simm.s32 $0x13528  }
0x2c1: {  	[hbm4b:s22+s18] =	stream.linear.scatter [tilespmem:s23], [sflag:$0x7], $0x80, $0x38;
	[tilespmem:$0x14C00] =	vst v63  }
0x2c2: {  	s22 =	sadd.s32 $0x8060, s20;
	s23 =	simm.s32 $0x135B0  }
0x2c3: {  	[hbm4b:s22+s18] =	stream.linear.scatter [tilespmem:s23], [sflag:$0x7], $0x80, $0x38;
	[tilespmem:$0x14C00] =	vst v63  }
0x2c4: {  	s22 =	sadd.s32 $0x8070, s20;
	s23 =	simm.s32 $0x13638  }
0x2c5: {  	[hbm4b:s22+s18] =	stream.linear.scatter [tilespmem:s23], [sflag:$0x7], $0x80, $0x38;
	[tilespmem:$0x14C00] =	vst v63  }
0x2c6: {  	s22 =	sadd.s32 $0xC000, s20;
	s23 =	simm.s32 $0x136C0  }
0x2c7: {  	[hbm4b:s22+s18] =	stream.linear.scatter [tilespmem:s23], [sflag:$0x7], $0x80, $0x38;
	[tilespmem:$0x14C00] =	vst v63  }
0x2c8: {  	s22 =	sadd.s32 $0xC010, s20;
	s23 =	simm.s32 $0x13748  }
0x2c9: {  	[hbm4b:s22+s18] =	stream.linear.scatter [tilespmem:s23], [sflag:$0x7], $0x80, $0x38;
	[tilespmem:$0x14C00] =	vst v63  }
0x2ca: {  	s22 =	sadd.s32 $0xC020, s20;
	s23 =	simm.s32 $0x137D0  }
0x2cb: {  	[hbm4b:s22+s18] =	stream.linear.scatter [tilespmem:s23], [sflag:$0x7], $0x80, $0x38;
	[tilespmem:$0x14C00] =	vst v63  }
0x2cc: {  	s22 =	sadd.s32 $0xC030, s20;
	s23 =	simm.s32 $0x13858  }
0x2cd: {  	[hbm4b:s22+s18] =	stream.linear.scatter [tilespmem:s23], [sflag:$0x7], $0x80, $0x38;
	[tilespmem:$0x14C00] =	vst v63  }
0x2ce: {  	s22 =	sadd.s32 $0xC040, s20;
	s23 =	simm.s32 $0x138E0  }
0x2cf: {  	[hbm4b:s22+s18] =	stream.linear.scatter [tilespmem:s23], [sflag:$0x7], $0x80, $0x38;
	[tilespmem:$0x14C00] =	vst v63  }
0x2d0: {  	s22 =	sadd.s32 $0xC050, s20;
	s23 =	simm.s32 $0x13968  }
0x2d1: {  	[hbm4b:s22+s18] =	stream.linear.scatter [tilespmem:s23], [sflag:$0x7], $0x80, $0x38;
	[tilespmem:$0x14C00] =	vst v63  }
0x2d2: {  	s22 =	sadd.s32 $0xC060, s20;
	s23 =	simm.s32 $0x139F0  }
0x2d3: {  	[hbm4b:s22+s18] =	stream.linear.scatter [tilespmem:s23], [sflag:$0x7], $0x80, $0x38;
	[tilespmem:$0x14C00] =	vst v63  }
0x2d4: {  	s20 =	sadd.s32 $0xC070, s20;
	s22 =	simm.s32 $0x13A78  }
0x2d5: {  	[hbm4b:s20+s18] =	stream.linear.scatter [tilespmem:s22], [sflag:$0x7], $0x80, $0x38;
	[tilespmem:$0x14C00] =	vst v63  }
0x2d6: {  	_ =	swait.ge [sflag:s14], $0x400  }
0x2d7: {  	[sflag:s14] =	ssyncset.done $0x0  }
0x2d8: {  	[sflag:s14] =	ssyncadd.s32 $0xFFFFFC00  }
0x2d9: {  	_ =	swait.ge [sflag:s14], $0x400  }
0x2da: {  	[sflag:s14] =	ssyncset.done $0x0  }
0x2db: {  	[sflag:s14] =	ssyncadd.s32 $0xFFFFFC00  }
0x2dc: {  	s23 =	simm.s32 $0x7;
	_ =	swait.ge [sflag:s14], $0x400  }
0x2dd: {  	v17 =	vmov s23;
	[sflag:s14] =	ssyncset.done $0x0  }
0x2de: {  	v18 =	vmov s18;
	v17 =	vshrl.u32 v17, $0x3;
	[sflag:s14] =	ssyncadd.s32 $0xFFFFFC00  }
0x2df: {  	s21 =	simm.s32 $0x1;
	v18 =	vshrl.u32 v18, $0x3;
	v17 =	vshll.u32 v17, v1;
	_ =	swait.ge [sflag:s14], $0x400  }
0x2e0: {  	v19 =	vmov s21;
	v18 =	vshll.u32 v18, v1;
	v17 =	vbroadcast v17, $0x0;
	[sflag:s14] =	ssyncset.done $0x0  }
0x2e1: {  	v19 =	vshrl.u32 v19, $0x3;
	v18 =	vbroadcast v18, $0x0;
	s18 =	sadd.s32 $0x38F0, s16;
	s22 =	simm.s32 $0x2;
	[sflag:s14] =	ssyncadd.s32 $0xFFFFFC00  }
0x2e2: {  	v19 =	vshll.u32 v19, v1;
	v22 =	vmov s22;
	v21 =	vadd.s32 v15, v17;
	v20 =	vld [tilespmem:s18+$0xFFFFFFF0]  }
0x2e3: {  	v19 =	vbroadcast v19, $0x0;
	v25 =	vadd.s32 v0, v18;
	v22 =	vshrl.u32 v22, $0x3;
	v24 =	vld [tilespmem:s18+$0xFFFFFF10]  }
0x2e4: {  	s23 =	simm.s32 $0x3;
	v22 =	vshll.u32 v22, v1;
	v17 =	vadd.s32 v16, v17;
	v23 =	vld [tilespmem:s18+$0x0]  }
0x2e5: {  	v29 =	vadd.s32 v3, v19;
	v27 =	vmov s23;
	v22 =	vbroadcast v22, $0x0;
	v28 =	vld [tilespmem:s18+$0xFFFFFF30]  }
0x2e6: {  	v18 =	vadd.s32 v2, v18;
	s20 =	simm.s32 $0x4;
	v27 =	vshrl.u32 v27, $0x3;
	v26 =	vld [tilespmem:s18+$0xFFFFFF20]  }
0x2e7: {  	v31 =	vmov s20;
	v27 =	vshll.u32 v27, v1;
	v33 =	vadd.s32 v5, v22;
	v32 =	vld [tilespmem:s18+$0xFFFFFF50];
	[tilespmem:v21+s31+$0x0] =	vst.idx.msk $0xffff, v20  }
0x2e8: {  	s21 =	simm.s32 $0x5;
	v19 =	vadd.s32 v4, v19;
	v27 =	vbroadcast v27, $0x0;
	v30 =	vld [tilespmem:s18+$0xFFFFFF40];
	v21 =	vshrl.u32 v31, $0x3;
	[tilespmem:v25+s31+$0x0] =	vst.idx.msk $0xffff, v24  }
0x2e9: {  	v20 =	vld [tilespmem:s18+$0xFFFFFF60];
	v25 =	vadd.s32 v6, v22;
	[tilespmem:v17+s31+$0x0] =	vst.idx.msk $0xffff, v23;
	v22 =	vshll.u32 v21, v1;
	v23 =	vmov s21  }
0x2ea: {  	s22 =	simm.s32 $0x6;
	[tilespmem:v29+s31+$0x0] =	vst.idx.msk $0xffff, v28;
	v17 =	vld [tilespmem:s18+$0xFFFFFF70];
	v21 =	vadd.s32 v7, v27;
	v24 =	vbroadcast v22, $0x0;
	v23 =	vshrl.u32 v23, $0x3  }
0x2eb: {  	v28 =	vmov s22;
	[tilespmem:v18+s31+$0x0] =	vst.idx.msk $0xffff, v26;
	v18 =	vld [tilespmem:s18+$0xFFFFFF80];
	v22 =	vadd.s32 v8, v27;
	v27 =	vshll.u32 v23, v1  }
0x2ec: {  	s23 =	simm.s32 $0xF;
	[tilespmem:v33+s31+$0x0] =	vst.idx.msk $0xffff, v32;
	v29 =	vshrl.u32 v28, $0x3;
	v23 =	vld [tilespmem:s18+$0xFFFFFF90];
	v26 =	vadd.s32 v9, v24;
	v27 =	vbroadcast v27, $0x0  }
0x2ed: {  	s16 =	sor.u32 $0x3, s17;
	s17 =	simm.s32 $0x8;
	s20 =	simm.s32 $0x10;
	[tilespmem:v19+s31+$0x0] =	vst.idx.msk $0xffff, v30;
	v28 =	vmov s23;
	v19 =	vld [tilespmem:s18+$0xFFFFFFA0];
	v29 =	vshll.u32 v29, v1;
	v24 =	vadd.s32 v10, v24  }
.LBB2_11:
0x2ee: {  	p1 =	slt.u32 s20, $0x78;
	v28 =	vshrl.u32 v28, $0x3;
	[tilespmem:v25+s31+$0x0] =	vst.idx.msk $0xffff, v20;
	v20 =	vld [tilespmem:s18+$0xFFFFFFB0];
	v25 =	vadd.s32 v11, v27;
	v29 =	vbroadcast v29, $0x0  }
0x2ef: {  	v30 =	vmov s17;
	v28 =	vshll.u32 v28, v1;
	[tilespmem:v21+s31+$0x0] =	vst.idx.msk $0xffff, v17;
	v17 =	vld [tilespmem:s18+$0xFFFFFFC0];
	v21 =	vadd.s32 v12, v27  }
0x2f0: {  	s21 =	sadd.s32 $0x1, s17;
	v27 =	vshrl.u32 v30, $0x3;
	v28 =	vbroadcast v28, $0x0;
	[tilespmem:v22+s31+$0x0] =	vst.idx.msk $0xffff, v18;
	v18 =	vld [tilespmem:s18+$0xFFFFFFD0];
	v22 =	vadd.s32 v13, v29  }
0x2f1: {  	v30 =	vmov s21;
	v27 =	vshll.u32 v27, v1;
	[tilespmem:v26+s31+$0x0] =	vst.idx.msk $0xffff, v23;
	v23 =	vld [tilespmem:s18+$0xFFFFFFE0];
	v26 =	vadd.s32 v14, v29;
	s18 =	sadd.s32 $0x100, s18  }
0x2f2: {  	s21 =	sadd.s32 $0x2, s17;
	v27 =	vbroadcast v27, $0x0;
	v29 =	vshrl.u32 v30, $0x3;
	v30 =	vld [tilespmem:s18+$0xFFFFFFF0];
	v31 =	vadd.s32 v15, v28;
	[tilespmem:v24+s31+$0x0] =	vst.idx.msk $0xffff, v19  }
0x2f3: {  	v19 =	vshll.u32 v29, v1;
	v24 =	vmov s21;
	v28 =	vadd.s32 v16, v28;
	v29 =	vld [tilespmem:s18+$0x0];
	[tilespmem:v25+s31+$0x0] =	vst.idx.msk $0xffff, v20  }
0x2f4: {  	s21 =	sadd.s32 $0x3, s17;
	v25 =	vadd.s32 v0, v27;
	v19 =	vbroadcast v19, $0x0;
	v24 =	vshrl.u32 v24, $0x3;
	v20 =	vld [tilespmem:s18+$0xFFFFFF10];
	[tilespmem:v21+s31+$0x0] =	vst.idx.msk $0xffff, v17  }
0x2f5: {  	v21 =	vadd.s32 v2, v27;
	v24 =	vshll.u32 v24, v1;
	v27 =	vmov s21;
	v17 =	vld [tilespmem:s18+$0xFFFFFF20];
	[tilespmem:v22+s31+$0x0] =	vst.idx.msk $0xffff, v18  }
0x2f6: {  	s21 =	sadd.s32 $0x4, s17;
	v22 =	vadd.s32 v3, v19;
	v24 =	vbroadcast v24, $0x0;
	v27 =	vshrl.u32 v27, $0x3;
	v18 =	vld [tilespmem:s18+$0xFFFFFF30];
	[tilespmem:v26+s31+$0x0] =	vst.idx.msk $0xffff, v23  }
0x2f7: {  	v19 =	vadd.s32 v4, v19;
	v26 =	vshll.u32 v27, v1;
	v27 =	vmov s21;
	v23 =	vld [tilespmem:s18+$0xFFFFFF40];
	[tilespmem:v31+s31+$0x0] =	vst.idx.msk $0xffff, v30  }
0x2f8: {  	s21 =	sadd.s32 $0x5, s17;
	v31 =	vadd.s32 v5, v24;
	v26 =	vbroadcast v26, $0x0;
	v27 =	vshrl.u32 v27, $0x3;
	v30 =	vld [tilespmem:s18+$0xFFFFFF50];
	[tilespmem:v28+s31+$0x0] =	vst.idx.msk $0xffff, v29  }
.Ltmp3:
0x2f9: {  	[tilespmem:v25+s31+$0x0] =	vst.idx.msk $0xffff, v20;
	v20 =	vld [tilespmem:s18+$0xFFFFFF60];
	v25 =	vadd.s32 v6, v24;
	v24 =	vshll.u32 v27, v1;
	v27 =	vmov s21;
	(pc) =	sbr.rel @p1 .LBB2_11-.Ltmp3, $4  }
0x2fa: {  	s21 =	sadd.s32 $0x6, s17;
	s17 =	smov.u32 s20;
	[tilespmem:v21+s31+$0x0] =	vst.idx.msk $0xffff, v17;
	v17 =	vld [tilespmem:s18+$0xFFFFFF70];
	v21 =	vadd.s32 v7, v26;
	v24 =	vbroadcast v24, $0x0;
	v27 =	vshrl.u32 v27, $0x3  }
0x2fb: {  	v28 =	vmov s21;
	[tilespmem:v22+s31+$0x0] =	vst.idx.msk $0xffff, v18;
	v18 =	vld [tilespmem:s18+$0xFFFFFF80];
	v22 =	vadd.s32 v8, v26;
	v27 =	vshll.u32 v27, v1  }
0x2fc: {  	s21 =	sadd.s32 $0x7, s20;
	v29 =	vshrl.u32 v28, $0x3;
	[tilespmem:v19+s31+$0x0] =	vst.idx.msk $0xffff, v23;
	v23 =	vld [tilespmem:s18+$0xFFFFFF90];
	v26 =	vadd.s32 v9, v24;
	v27 =	vbroadcast v27, $0x0  }
0x2fd: {  	s20 =	sadd.s32 $0x8, s20;
	v28 =	vmov s21;
	v24 =	vadd.s32 v10, v24;
	v29 =	vshll.u32 v29, v1;
	[tilespmem:v31+s31+$0x0] =	vst.idx.msk $0xffff, v30;
	v19 =	vld [tilespmem:s18+$0xFFFFFFA0]  }
0x2fe: {  	_ =	sdelay $0x2  }
0x2ff: {  	v28 =	vshrl.u32 v28, $0x3  }
0x300: {  	[tilespmem:v25+s31+$0x0] =	vst.idx.msk $0xffff, v20;
	v57 =	vld [tilespmem:s18+$0xFFFFFFB0];
	v58 =	vadd.s32 v11, v27;
	v29 =	vbroadcast v29, $0x0;
	v30 =	vmov s17  }
0x301: {  	v59 =	vadd.s32 v12, v27;
	s20 =	sadd.s32 $0x1, s17;
	v28 =	vshll.u32 v28, v1;
	[tilespmem:v21+s31+$0x0] =	vst.idx.msk $0xffff, v17;
	v17 =	vld [tilespmem:s18+$0xFFFFFFC0];
	v60 =	vshrl.u32 v30, $0x3  }
0x302: {  	s22 =	sadd.s32 $0x2, s17;
	v62 =	vmov s20;
	v28 =	vbroadcast v28, $0x0;
	[tilespmem:v22+s31+$0x0] =	vst.idx.msk $0xffff, v18;
	v18 =	vld [tilespmem:s18+$0xFFFFFFD0];
	v61 =	vadd.s32 v13, v29  }
0x303: {  	v63 =	vld [tilespmem:s18+$0xFFFFFFE0];
	v36 =	vmov s22;
	v27 =	vshll.u32 v60, v1;
	v33 =	vadd.s32 v14, v29;
	s18 =	sadd.s32 $0x100, s18;
	[tilespmem:v26+s31+$0x0] =	vst.idx.msk $0xffff, v23  }
0x304: {  	s23 =	sadd.s32 $0x3, s17;
	v34 =	vshrl.u32 v62, $0x3;
	v27 =	vbroadcast v27, $0x0;
	v35 =	vld [tilespmem:s18+$0xFFFFFFF0];
	v31 =	vadd.s32 v15, v28;
	[tilespmem:v24+s31+$0x0] =	vst.idx.msk $0xffff, v19  }
0x305: {  	v41 =	vmov s23;
	v37 =	vld [tilespmem:s18+$0x0];
	v19 =	vshll.u32 v34, v1;
	v28 =	vadd.s32 v16, v28;
	[tilespmem:v58+s31+$0x0] =	vst.idx.msk $0xffff, v57  }
0x306: {  	s21 =	sadd.s32 $0x4, s17;
	v38 =	vld [tilespmem:s18+$0xFFFFFF10];
	v24 =	vshrl.u32 v36, $0x3;
	v39 =	vadd.s32 v0, v27;
	v19 =	vbroadcast v19, $0x0;
	[tilespmem:v59+s31+$0x0] =	vst.idx.msk $0xffff, v17  }
0x307: {  	v45 =	vmov s21;
	v40 =	vadd.s32 v2, v27;
	v24 =	vshll.u32 v24, v1;
	v17 =	vld [tilespmem:s18+$0xFFFFFF20];
	[tilespmem:v61+s31+$0x0] =	vst.idx.msk $0xffff, v18  }
0x308: {  	s22 =	sadd.s32 $0x5, s17;
	v27 =	vshrl.u32 v41, $0x3;
	v24 =	vbroadcast v24, $0x0;
	v18 =	vld [tilespmem:s18+$0xFFFFFF30];
	v42 =	vadd.s32 v3, v19;
	[tilespmem:v33+s31+$0x0] =	vst.idx.msk $0xffff, v63  }
0x309: {  	v48 =	vmov s22;
	v43 =	vld [tilespmem:s18+$0xFFFFFF40];
	v44 =	vshll.u32 v27, v1;
	v19 =	vadd.s32 v4, v19;
	[tilespmem:v31+s31+$0x0] =	vst.idx.msk $0xffff, v35  }
0x30a: {  	v46 =	vld [tilespmem:s18+$0xFFFFFF50];
	v27 =	vshrl.u32 v45, $0x3;
	v26 =	vbroadcast v44, $0x0;
	v47 =	vadd.s32 v5, v24;
	[tilespmem:v28+s31+$0x0] =	vst.idx.msk $0xffff, v37  }
0x30b: {  	v49 =	vld [tilespmem:s18+$0xFFFFFF60];
	v52 =	vshrl.u32 v48, $0x3;
	v50 =	vshll.u32 v27, v1;
	v24 =	vadd.s32 v6, v24;
	[tilespmem:v39+s31+$0x0] =	vst.idx.msk $0xffff, v38  }
0x30c: {  	s23 =	sadd.s32 $0x6, s17;
	v55 =	vshll.u32 v52, v1;
	v25 =	vbroadcast v50, $0x0;
	v51 =	vadd.s32 v7, v26;
	[tilespmem:v40+s31+$0x0] =	vst.idx.msk $0xffff, v17;
	v17 =	vld [tilespmem:s18+$0xFFFFFF70]  }
0x30d: {  	v53 =	vmov s23;
	v54 =	vadd.s32 v8, v26;
	v26 =	vbroadcast v55, $0x0;
	[tilespmem:v42+s31+$0x0] =	vst.idx.msk $0xffff, v18;
	v18 =	vld [tilespmem:s18+$0xFFFFFF80]  }
0x30e: {  	v57 =	vshrl.u32 v53, $0x3;
	v56 =	vadd.s32 v9, v25;
	[tilespmem:v19+s31+$0x0] =	vst.idx.msk $0xffff, v43;
	v19 =	vld [tilespmem:s18+$0xFFFFFF90]  }
0x30f: {  	v59 =	vld [tilespmem:s18+$0xFFFFFFB0];
	v27 =	vshll.u32 v57, v1;
	v60 =	vadd.s32 v11, v26;
	[tilespmem:v47+s31+$0x0] =	vst.idx.msk $0xffff, v46  }
0x310: {  	v58 =	vld [tilespmem:s18+$0xFFFFFFA0];
	v27 =	vbroadcast v27, $0x0;
	v25 =	vadd.s32 v10, v25;
	[tilespmem:v24+s31+$0x0] =	vst.idx.msk $0xffff, v49  }
0x311: {  	v61 =	vadd.s32 v12, v26;
	[tilespmem:v51+s31+$0x0] =	vst.idx.msk $0xffff, v17;
	v17 =	vld [tilespmem:s18+$0xFFFFFFC0]  }
0x312: {  	v62 =	vadd.s32 v13, v27;
	[tilespmem:v54+s31+$0x0] =	vst.idx.msk $0xffff, v18;
	v18 =	vld [tilespmem:s18+$0xFFFFFFD0]  }
0x313: {  	v63 =	vadd.s32 v14, v27;
	[tilespmem:v56+s31+$0x0] =	vst.idx.msk $0xffff, v19;
	v19 =	vld [tilespmem:s18+$0xFFFFFFE0]  }
0x314: {  	s16 =	sor.u32 s1, s16;
	[tilespmem:v60+s31+$0x0] =	vst.idx.msk $0xffff, v59  }
0x315: {  	s16 =	sshll.u32 s16, $0x13;
	[tilespmem:v25+s31+$0x0] =	vst.idx.msk $0xffff, v58  }
0x316: {  	s16 =	sor.u32 s5, s16;
	[tilespmem:v61+s31+$0x0] =	vst.idx.msk $0xffff, v17  }
0x317: {  	s16 =	sshrl.u32 s16, $0x3;
	[tilespmem:v62+s31+$0x0] =	vst.idx.msk $0xffff, v18  }
0x318: {  	s16 =	sadd.s32 s2, s16;
	[tilespmem:v63+s31+$0x0] =	vst.idx.msk $0xffff, v19  }
0x319: {  	[hbm4b:s16+s4] =	stream.linear.scatter [tilespmem:s31], [sflag:$0x8], $0x80, $0x38;
	[tilespmem:$0x14C00] =	vst v63  }
0x31a: {  	s21 =	simm.s32 $0x13B88;
	s20 =	sadd.s32 $0x10, s16  }
0x31b: {  	[hbm4b:s20+s4] =	stream.linear.scatter [tilespmem:s21], [sflag:$0x8], $0x80, $0x38;
	[tilespmem:$0x14C00] =	vst v63  }
0x31c: {  	s23 =	simm.s32 $0x13C10;
	s22 =	sadd.s32 $0x20, s16  }
0x31d: {  	[hbm4b:s22+s4] =	stream.linear.scatter [tilespmem:s23], [sflag:$0x8], $0x80, $0x38;
	[tilespmem:$0x14C00] =	vst v63  }
0x31e: {  	s20 =	sadd.s32 $0x30, s16;
	s21 =	simm.s32 $0x13C98  }
0x31f: {  	[hbm4b:s20+s4] =	stream.linear.scatter [tilespmem:s21], [sflag:$0x8], $0x80, $0x38;
	[tilespmem:$0x14C00] =	vst v63  }
0x320: {  	s22 =	sadd.s32 $0x40, s16;
	s23 =	simm.s32 $0x13D20  }
0x321: {  	[hbm4b:s22+s4] =	stream.linear.scatter [tilespmem:s23], [sflag:$0x8], $0x80, $0x38;
	[tilespmem:$0x14C00] =	vst v63  }
0x322: {  	s20 =	sadd.s32 $0x50, s16;
	s21 =	simm.s32 $0x13DA8  }
0x323: {  	[hbm4b:s20+s4] =	stream.linear.scatter [tilespmem:s21], [sflag:$0x8], $0x80, $0x38;
	[tilespmem:$0x14C00] =	vst v63  }
0x324: {  	s22 =	sadd.s32 $0x60, s16;
	s23 =	simm.s32 $0x13E30  }
0x325: {  	[hbm4b:s22+s4] =	stream.linear.scatter [tilespmem:s23], [sflag:$0x8], $0x80, $0x38;
	[tilespmem:$0x14C00] =	vst v63  }
0x326: {  	s20 =	sadd.s32 $0x70, s16;
	s21 =	simm.s32 $0x13EB8  }
0x327: {  	[hbm4b:s20+s4] =	stream.linear.scatter [tilespmem:s21], [sflag:$0x8], $0x80, $0x38;
	[tilespmem:$0x14C00] =	vst v63  }
0x328: {  	s22 =	sadd.s32 $0x4000, s16;
	s23 =	simm.s32 $0x13F40  }
0x329: {  	[hbm4b:s22+s4] =	stream.linear.scatter [tilespmem:s23], [sflag:$0x8], $0x80, $0x38;
	[tilespmem:$0x14C00] =	vst v63  }
0x32a: {  	s20 =	sadd.s32 $0x4010, s16;
	s21 =	simm.s32 $0x13FC8  }
0x32b: {  	[hbm4b:s20+s4] =	stream.linear.scatter [tilespmem:s21], [sflag:$0x8], $0x80, $0x38;
	[tilespmem:$0x14C00] =	vst v63  }
0x32c: {  	s22 =	sadd.s32 $0x4020, s16;
	s23 =	simm.s32 $0x14050  }
0x32d: {  	[hbm4b:s22+s4] =	stream.linear.scatter [tilespmem:s23], [sflag:$0x8], $0x80, $0x38;
	[tilespmem:$0x14C00] =	vst v63  }
0x32e: {  	s20 =	sadd.s32 $0x4030, s16;
	s21 =	simm.s32 $0x140D8  }
0x32f: {  	[hbm4b:s20+s4] =	stream.linear.scatter [tilespmem:s21], [sflag:$0x8], $0x80, $0x38;
	[tilespmem:$0x14C00] =	vst v63  }
0x330: {  	s22 =	sadd.s32 $0x4040, s16;
	s23 =	simm.s32 $0x14160  }
0x331: {  	[hbm4b:s22+s4] =	stream.linear.scatter [tilespmem:s23], [sflag:$0x8], $0x80, $0x38;
	[tilespmem:$0x14C00] =	vst v63  }
0x332: {  	s20 =	sadd.s32 $0x4050, s16;
	s21 =	simm.s32 $0x141E8  }
0x333: {  	[hbm4b:s20+s4] =	stream.linear.scatter [tilespmem:s21], [sflag:$0x8], $0x80, $0x38;
	[tilespmem:$0x14C00] =	vst v63  }
0x334: {  	s22 =	sadd.s32 $0x4060, s16;
	s23 =	simm.s32 $0x14270  }
0x335: {  	[hbm4b:s22+s4] =	stream.linear.scatter [tilespmem:s23], [sflag:$0x8], $0x80, $0x38;
	[tilespmem:$0x14C00] =	vst v63  }
0x336: {  	s20 =	sadd.s32 $0x4070, s16;
	s21 =	simm.s32 $0x142F8  }
0x337: {  	[hbm4b:s20+s4] =	stream.linear.scatter [tilespmem:s21], [sflag:$0x8], $0x80, $0x38;
	[tilespmem:$0x14C00] =	vst v63  }
0x338: {  	s22 =	sadd.s32 $0x8000, s16;
	s23 =	simm.s32 $0x14380  }
0x339: {  	[hbm4b:s22+s4] =	stream.linear.scatter [tilespmem:s23], [sflag:$0x8], $0x80, $0x38;
	[tilespmem:$0x14C00] =	vst v63  }
0x33a: {  	s20 =	sadd.s32 $0x8010, s16;
	s21 =	simm.s32 $0x14408  }
0x33b: {  	[hbm4b:s20+s4] =	stream.linear.scatter [tilespmem:s21], [sflag:$0x8], $0x80, $0x38;
	[tilespmem:$0x14C00] =	vst v63  }
0x33c: {  	s22 =	sadd.s32 $0x8020, s16;
	s23 =	simm.s32 $0x14490  }
0x33d: {  	[hbm4b:s22+s4] =	stream.linear.scatter [tilespmem:s23], [sflag:$0x8], $0x80, $0x38;
	[tilespmem:$0x14C00] =	vst v63  }
0x33e: {  	s20 =	sadd.s32 $0x8030, s16;
	s21 =	simm.s32 $0x14518  }
0x33f: {  	[hbm4b:s20+s4] =	stream.linear.scatter [tilespmem:s21], [sflag:$0x8], $0x80, $0x38;
	[tilespmem:$0x14C00] =	vst v63  }
0x340: {  	s22 =	sadd.s32 $0x8040, s16;
	s23 =	simm.s32 $0x145A0  }
0x341: {  	[hbm4b:s22+s4] =	stream.linear.scatter [tilespmem:s23], [sflag:$0x8], $0x80, $0x38;
	[tilespmem:$0x14C00] =	vst v63  }
0x342: {  	s18 =	sadd.s32 $0x8050, s16  }
0x343: {  	[hbm4b:s18+s4] =	stream.linear.scatter [tilespmem:s25], [sflag:$0x8], $0x80, $0x38;
	[tilespmem:$0x14C00] =	vst v63  }
0x344: {  	s20 =	sadd.s32 $0x8060, s16  }
0x345: {  	[hbm4b:s20+s4] =	stream.linear.scatter [tilespmem:s26], [sflag:$0x8], $0x80, $0x38;
	[tilespmem:$0x14C00] =	vst v63  }
0x346: {  	s21 =	sadd.s32 $0x8070, s16  }
0x347: {  	[hbm4b:s21+s4] =	stream.linear.scatter [tilespmem:s28], [sflag:$0x8], $0x80, $0x38;
	[tilespmem:$0x14C00] =	vst v63  }
0x348: {  	s22 =	sadd.s32 $0xC000, s16  }
0x349: {  	[hbm4b:s22+s4] =	stream.linear.scatter [tilespmem:s29], [sflag:$0x8], $0x80, $0x38;
	[tilespmem:$0x14C00] =	vst v63  }
0x34a: {  	s23 =	sadd.s32 $0xC010, s16  }
0x34b: {  	[hbm4b:s23+s4] =	stream.linear.scatter [tilespmem:s30], [sflag:$0x8], $0x80, $0x38;
	[tilespmem:$0x14C00] =	vst v63  }
0x34c: {  	s18 =	sadd.s32 $0xC020, s16  }
0x34d: {  	[hbm4b:s18+s4] =	stream.linear.scatter [tilespmem:s0], [sflag:$0x8], $0x80, $0x38;
	[tilespmem:$0x14C00] =	vst v63  }
0x34e: {  	s20 =	sadd.s32 $0xC030, s16  }
0x34f: {  	[hbm4b:s20+s4] =	stream.linear.scatter [tilespmem:s3], [sflag:$0x8], $0x80, $0x38;
	[tilespmem:$0x14C00] =	vst v63  }
0x350: {  	s21 =	sadd.s32 $0xC040, s16  }
0x351: {  	[hbm4b:s21+s4] =	stream.linear.scatter [tilespmem:s11], [sflag:$0x8], $0x80, $0x38;
	[tilespmem:$0x14C00] =	vst v63  }
0x352: {  	s22 =	sadd.s32 $0xC050, s16  }
0x353: {  	[hbm4b:s22+s4] =	stream.linear.scatter [tilespmem:s12], [sflag:$0x8], $0x80, $0x38;
	[tilespmem:$0x14C00] =	vst v63  }
.Ltmp4:
0x354: {  	_ = 	snop;
	(pc) =	sbr.rel @p0 .LBB2_4-.Ltmp4, $4  }
0x355: {  	s23 =	sadd.s32 $0xC060, s16  }
0x356: {  	[hbm4b:s23+s4] =	stream.linear.scatter [tilespmem:s9], [sflag:$0x8], $0x80, $0x38;
	[tilespmem:$0x14C00] =	vst v63  }
0x357: {  	p1 =	por $0x0, $0x0;
	s17 =	simm.s32 $0x1;
	s16 =	sadd.s32 $0xC070, s16  }
0x358: {  	[hbm4b:s16+s4] =	stream.linear.scatter [tilespmem:s7], [sflag:$0x8], $0x80, $0x38;
	[tilespmem:$0x14C00] =	vst v63  }
0x359: {  	s6 =	simm.s32 $0x4  }
0x35a: {  	_ =	swait.ge [sflag:s6], $0x8000  }
0x35b: {  	[sflag:s6] =	ssyncset.done $0x0  }
0x35c: {  	s21 =	simm.s32 $0x1;
	[sflag:s6] =	ssyncadd.s32 $0xFFFF8000  }
0x35d: {  	s17 =	simm.s32 $0x400;
	_ =	swait.ge [sflag:s21], $0x400  }
0x35e: {  	s18 =	simm.s32 $0x800;
	[sflag:s21] =	ssyncset.done $0x0;
	s16 =	rddreg [dreg:$0x5]  }
0x35f: {  	s6 =	simm.s32 $0x0;
	s23 =	sld [smem:$0x7F3];
	[sflag:s21] =	ssyncadd.s32 $0xFFFFFC00  }
0x360: {  	[tilespmem:s18], [sflag:$0x3] =	stream.indirect.gather [hbm4b:s16+s17], $0x20, s6, s17, $0xb8;
	[tilespmem:$0x14C00] =	vst v63  }
0x361: {  	s22 =	rddreg [dreg:$0x0]  }
0x362: {  	s16 =	sadd.s32 s23, s22  }
0x363: {  	s16 =	sadd.s32 $0x80, s16  }
0x364: {  	[tilespmem:s17], [sflag:$0x2] =	stream.linear.gather [hbm4b:s16+s6], $0x400, $0x38;
	[tilespmem:$0x14C00] =	vst v63  }
0x365: {  	s5 =	sor.u32 $0x400, s5;
	p1 =	por $0x1, $0x1;
	s17 =	simm.s32 $0x0  }
.LBB2_14:
0x366: {  	_ =	swait.ge [sflag:s8], $0x400  }
0x367: {  	[sflag:s8] =	ssyncset.done $0x0  }
0x368: {  	[sflag:s8] =	ssyncadd.s32 $0xFFFFFC00  }
0x369: {  	_ =	swait.ge [sflag:s8], $0x400  }
0x36a: {  	[sflag:s8] =	ssyncset.done $0x0  }
0x36b: {  	[sflag:s8] =	ssyncadd.s32 $0xFFFFFC00  }
0x36c: {  	s16 =	simm.s32 $0x7;
	_ =	swait.ge [sflag:s8], $0x400  }
0x36d: {  	v17 =	vmov s16;
	[sflag:s8] =	ssyncset.done $0x0  }
0x36e: {  	v18 =	vmov s6;
	v17 =	vshrl.u32 v17, $0x3;
	[sflag:s8] =	ssyncadd.s32 $0xFFFFFC00  }
0x36f: {  	s21 =	sshll.u32 s17, $0x10;
	s20 =	simm.s32 $0x1;
	v18 =	vshrl.u32 v18, $0x3;
	v17 =	vshll.u32 v17, v1;
	_ =	swait.ge [sflag:s8], $0x400  }
0x370: {  	s16 =	sshra.s32 s21, $0x2;
	v19 =	vmov s20;
	v18 =	vshll.u32 v18, v1;
	v17 =	vbroadcast v17, $0x0;
	[sflag:s8] =	ssyncset.done $0x0  }
0x371: {  	s22 =	simm.s32 $0x2;
	s18 =	sadd.s32 $0x88F0, s16;
	v19 =	vshrl.u32 v19, $0x3;
	v18 =	vbroadcast v18, $0x0;
	[sflag:s8] =	ssyncadd.s32 $0xFFFFFC00  }
0x372: {  	v22 =	vmov s22;
	v19 =	vshll.u32 v19, v1;
	v21 =	vadd.s32 v15, v17;
	v20 =	vld [tilespmem:s18+$0xFFFFFFF0]  }
0x373: {  	v22 =	vshrl.u32 v22, $0x3;
	v19 =	vbroadcast v19, $0x0;
	v25 =	vadd.s32 v0, v18;
	v24 =	vld [tilespmem:s18+$0xFFFFFF10]  }
0x374: {  	s23 =	simm.s32 $0x3;
	v22 =	vshll.u32 v22, v1;
	v17 =	vadd.s32 v16, v17;
	v23 =	vld [tilespmem:s18+$0x0]  }
0x375: {  	v27 =	vmov s23;
	v22 =	vbroadcast v22, $0x0;
	v29 =	vadd.s32 v3, v19;
	v28 =	vld [tilespmem:s18+$0xFFFFFF30]  }
0x376: {  	s21 =	simm.s32 $0x4;
	v27 =	vshrl.u32 v27, $0x3;
	v18 =	vadd.s32 v2, v18;
	v26 =	vld [tilespmem:s18+$0xFFFFFF20]  }
0x377: {  	v31 =	vmov s21;
	v27 =	vshll.u32 v27, v1;
	v33 =	vadd.s32 v5, v22;
	v32 =	vld [tilespmem:s18+$0xFFFFFF50];
	[tilespmem:v21+s15+$0x0] =	vst.idx.msk $0xffff, v20  }
0x378: {  	s22 =	simm.s32 $0x5;
	v27 =	vbroadcast v27, $0x0;
	v19 =	vadd.s32 v4, v19;
	v30 =	vld [tilespmem:s18+$0xFFFFFF40];
	v21 =	vshrl.u32 v31, $0x3;
	[tilespmem:v25+s15+$0x0] =	vst.idx.msk $0xffff, v24  }
0x379: {  	v20 =	vld [tilespmem:s18+$0xFFFFFF60];
	v25 =	vadd.s32 v6, v22;
	[tilespmem:v17+s15+$0x0] =	vst.idx.msk $0xffff, v23;
	v22 =	vshll.u32 v21, v1;
	v23 =	vmov s22  }
0x37a: {  	s23 =	simm.s32 $0x6;
	[tilespmem:v29+s15+$0x0] =	vst.idx.msk $0xffff, v28;
	v17 =	vld [tilespmem:s18+$0xFFFFFF70];
	v21 =	vadd.s32 v7, v27;
	v24 =	vbroadcast v22, $0x0;
	v23 =	vshrl.u32 v23, $0x3  }
0x37b: {  	v28 =	vmov s23;
	[tilespmem:v18+s15+$0x0] =	vst.idx.msk $0xffff, v26;
	v18 =	vld [tilespmem:s18+$0xFFFFFF80];
	v22 =	vadd.s32 v8, v27;
	v27 =	vshll.u32 v23, v1  }
0x37c: {  	s21 =	simm.s32 $0xF;
	[tilespmem:v33+s15+$0x0] =	vst.idx.msk $0xffff, v32;
	v29 =	vshrl.u32 v28, $0x3;
	v23 =	vld [tilespmem:s18+$0xFFFFFF90];
	v26 =	vadd.s32 v9, v24;
	v27 =	vbroadcast v27, $0x0  }
0x37d: {  	p0 =	por p1, p1;
	s20 =	simm.s32 $0x8;
	[tilespmem:v19+s15+$0x0] =	vst.idx.msk $0xffff, v30;
	v28 =	vmov s21;
	s21 =	simm.s32 $0x10;
	v19 =	vld [tilespmem:s18+$0xFFFFFFA0];
	v29 =	vshll.u32 v29, v1;
	v24 =	vadd.s32 v10, v24  }
.LBB2_15:
0x37e: {  	p1 =	slt.u32 s21, $0x78;
	v28 =	vshrl.u32 v28, $0x3;
	[tilespmem:v25+s15+$0x0] =	vst.idx.msk $0xffff, v20;
	v20 =	vld [tilespmem:s18+$0xFFFFFFB0];
	v25 =	vadd.s32 v11, v27;
	v29 =	vbroadcast v29, $0x0  }
0x37f: {  	v30 =	vmov s20;
	v28 =	vshll.u32 v28, v1;
	[tilespmem:v21+s15+$0x0] =	vst.idx.msk $0xffff, v17;
	v17 =	vld [tilespmem:s18+$0xFFFFFFC0];
	v21 =	vadd.s32 v12, v27  }
0x380: {  	s22 =	sadd.s32 $0x1, s20;
	v27 =	vshrl.u32 v30, $0x3;
	v28 =	vbroadcast v28, $0x0;
	[tilespmem:v22+s15+$0x0] =	vst.idx.msk $0xffff, v18;
	v18 =	vld [tilespmem:s18+$0xFFFFFFD0];
	v22 =	vadd.s32 v13, v29  }
0x381: {  	v30 =	vmov s22;
	v27 =	vshll.u32 v27, v1;
	[tilespmem:v26+s15+$0x0] =	vst.idx.msk $0xffff, v23;
	v23 =	vld [tilespmem:s18+$0xFFFFFFE0];
	v26 =	vadd.s32 v14, v29;
	s18 =	sadd.s32 $0x100, s18  }
0x382: {  	s22 =	sadd.s32 $0x2, s20;
	v27 =	vbroadcast v27, $0x0;
	v29 =	vshrl.u32 v30, $0x3;
	v30 =	vld [tilespmem:s18+$0xFFFFFFF0];
	v31 =	vadd.s32 v15, v28;
	[tilespmem:v24+s15+$0x0] =	vst.idx.msk $0xffff, v19  }
0x383: {  	v19 =	vshll.u32 v29, v1;
	v24 =	vmov s22;
	v28 =	vadd.s32 v16, v28;
	v29 =	vld [tilespmem:s18+$0x0];
	[tilespmem:v25+s15+$0x0] =	vst.idx.msk $0xffff, v20  }
0x384: {  	s22 =	sadd.s32 $0x3, s20;
	v25 =	vadd.s32 v0, v27;
	v19 =	vbroadcast v19, $0x0;
	v24 =	vshrl.u32 v24, $0x3;
	v20 =	vld [tilespmem:s18+$0xFFFFFF10];
	[tilespmem:v21+s15+$0x0] =	vst.idx.msk $0xffff, v17  }
0x385: {  	v21 =	vadd.s32 v2, v27;
	v24 =	vshll.u32 v24, v1;
	v27 =	vmov s22;
	v17 =	vld [tilespmem:s18+$0xFFFFFF20];
	[tilespmem:v22+s15+$0x0] =	vst.idx.msk $0xffff, v18  }
0x386: {  	s22 =	sadd.s32 $0x4, s20;
	v22 =	vadd.s32 v3, v19;
	v24 =	vbroadcast v24, $0x0;
	v27 =	vshrl.u32 v27, $0x3;
	v18 =	vld [tilespmem:s18+$0xFFFFFF30];
	[tilespmem:v26+s15+$0x0] =	vst.idx.msk $0xffff, v23  }
0x387: {  	v19 =	vadd.s32 v4, v19;
	v26 =	vshll.u32 v27, v1;
	v27 =	vmov s22;
	v23 =	vld [tilespmem:s18+$0xFFFFFF40];
	[tilespmem:v31+s15+$0x0] =	vst.idx.msk $0xffff, v30  }
0x388: {  	s22 =	sadd.s32 $0x5, s20;
	v31 =	vadd.s32 v5, v24;
	v26 =	vbroadcast v26, $0x0;
	v27 =	vshrl.u32 v27, $0x3;
	v30 =	vld [tilespmem:s18+$0xFFFFFF50];
	[tilespmem:v28+s15+$0x0] =	vst.idx.msk $0xffff, v29  }
.Ltmp5:
0x389: {  	[tilespmem:v25+s15+$0x0] =	vst.idx.msk $0xffff, v20;
	v20 =	vld [tilespmem:s18+$0xFFFFFF60];
	v25 =	vadd.s32 v6, v24;
	v24 =	vshll.u32 v27, v1;
	v27 =	vmov s22;
	(pc) =	sbr.rel @p1 .LBB2_15-.Ltmp5, $4  }
0x38a: {  	s22 =	sadd.s32 $0x6, s20;
	s20 =	smov.u32 s21;
	[tilespmem:v21+s15+$0x0] =	vst.idx.msk $0xffff, v17;
	v17 =	vld [tilespmem:s18+$0xFFFFFF70];
	v21 =	vadd.s32 v7, v26;
	v24 =	vbroadcast v24, $0x0;
	v27 =	vshrl.u32 v27, $0x3  }
0x38b: {  	v28 =	vmov s22;
	[tilespmem:v22+s15+$0x0] =	vst.idx.msk $0xffff, v18;
	v18 =	vld [tilespmem:s18+$0xFFFFFF80];
	v22 =	vadd.s32 v8, v26;
	v27 =	vshll.u32 v27, v1  }
0x38c: {  	s22 =	sadd.s32 $0x7, s21;
	v29 =	vshrl.u32 v28, $0x3;
	[tilespmem:v19+s15+$0x0] =	vst.idx.msk $0xffff, v23;
	v23 =	vld [tilespmem:s18+$0xFFFFFF90];
	v26 =	vadd.s32 v9, v24;
	v27 =	vbroadcast v27, $0x0  }
0x38d: {  	s21 =	sadd.s32 $0x8, s21;
	v28 =	vmov s22;
	v24 =	vadd.s32 v10, v24;
	v29 =	vshll.u32 v29, v1;
	[tilespmem:v31+s15+$0x0] =	vst.idx.msk $0xffff, v30;
	v19 =	vld [tilespmem:s18+$0xFFFFFFA0]  }
0x38e: {  	_ =	sdelay $0x3  }
0x38f: {  	v28 =	vshrl.u32 v28, $0x3;
	[tilespmem:v25+s15+$0x0] =	vst.idx.msk $0xffff, v20;
	v20 =	vld [tilespmem:s18+$0xFFFFFFB0];
	v25 =	vadd.s32 v11, v27;
	v29 =	vbroadcast v29, $0x0  }
0x390: {  	v30 =	vmov s20;
	v28 =	vshll.u32 v28, v1;
	[tilespmem:v21+s15+$0x0] =	vst.idx.msk $0xffff, v17;
	v17 =	vld [tilespmem:s18+$0xFFFFFFC0];
	v21 =	vadd.s32 v12, v27  }
0x391: {  	s21 =	sadd.s32 $0x1, s20;
	v27 =	vshrl.u32 v30, $0x3;
	v28 =	vbroadcast v28, $0x0;
	[tilespmem:v22+s15+$0x0] =	vst.idx.msk $0xffff, v18;
	v18 =	vld [tilespmem:s18+$0xFFFFFFD0];
	v22 =	vadd.s32 v13, v29  }
0x392: {  	v30 =	vmov s21;
	v27 =	vshll.u32 v27, v1;
	[tilespmem:v26+s15+$0x0] =	vst.idx.msk $0xffff, v23;
	v23 =	vld [tilespmem:s18+$0xFFFFFFE0];
	v26 =	vadd.s32 v14, v29;
	s18 =	sadd.s32 $0x100, s18  }
0x393: {  	s22 =	sadd.s32 $0x2, s20;
	v27 =	vbroadcast v27, $0x0;
	v29 =	vshrl.u32 v30, $0x3;
	v30 =	vld [tilespmem:s18+$0xFFFFFFF0];
	v31 =	vadd.s32 v15, v28;
	[tilespmem:v24+s15+$0x0] =	vst.idx.msk $0xffff, v19  }
0x394: {  	v19 =	vshll.u32 v29, v1;
	v24 =	vmov s22;
	v29 =	vld [tilespmem:s18+$0x0];
	v28 =	vadd.s32 v16, v28;
	[tilespmem:v25+s15+$0x0] =	vst.idx.msk $0xffff, v20  }
0x395: {  	s23 =	sadd.s32 $0x3, s20;
	v20 =	vld [tilespmem:s18+$0xFFFFFF10];
	v25 =	vadd.s32 v0, v27;
	v19 =	vbroadcast v19, $0x0;
	v24 =	vshrl.u32 v24, $0x3;
	[tilespmem:v21+s15+$0x0] =	vst.idx.msk $0xffff, v17  }
0x396: {  	v17 =	vld [tilespmem:s18+$0xFFFFFF20];
	v21 =	vadd.s32 v2, v27;
	v24 =	vshll.u32 v24, v1;
	v27 =	vmov s23;
	[tilespmem:v22+s15+$0x0] =	vst.idx.msk $0xffff, v18  }
0x397: {  	s22 =	sadd.s32 $0x4, s20;
	v18 =	vld [tilespmem:s18+$0xFFFFFF30];
	v22 =	vadd.s32 v3, v19;
	v24 =	vbroadcast v24, $0x0;
	v27 =	vshrl.u32 v27, $0x3;
	[tilespmem:v26+s15+$0x0] =	vst.idx.msk $0xffff, v23  }
0x398: {  	v19 =	vadd.s32 v4, v19;
	v23 =	vld [tilespmem:s18+$0xFFFFFF40];
	v26 =	vshll.u32 v27, v1;
	v27 =	vmov s22;
	[tilespmem:v31+s15+$0x0] =	vst.idx.msk $0xffff, v30  }
0x399: {  	s23 =	sadd.s32 $0x5, s20;
	v30 =	vld [tilespmem:s18+$0xFFFFFF50];
	v31 =	vadd.s32 v5, v24;
	v26 =	vbroadcast v26, $0x0;
	v27 =	vshrl.u32 v27, $0x3;
	[tilespmem:v28+s15+$0x0] =	vst.idx.msk $0xffff, v29  }
0x39a: {  	v24 =	vadd.s32 v6, v24;
	[tilespmem:v25+s15+$0x0] =	vst.idx.msk $0xffff, v20;
	v20 =	vld [tilespmem:s18+$0xFFFFFF60];
	v25 =	vshll.u32 v27, v1;
	v27 =	vmov s23  }
0x39b: {  	s21 =	sadd.s32 $0x6, s20;
	[tilespmem:v21+s15+$0x0] =	vst.idx.msk $0xffff, v17;
	v17 =	vld [tilespmem:s18+$0xFFFFFF70];
	v21 =	vadd.s32 v7, v26;
	v25 =	vbroadcast v25, $0x0;
	v27 =	vshrl.u32 v27, $0x3  }
0x39c: {  	[tilespmem:v22+s15+$0x0] =	vst.idx.msk $0xffff, v18;
	v18 =	vld [tilespmem:s18+$0xFFFFFF80];
	v22 =	vadd.s32 v8, v26;
	v26 =	vshll.u32 v27, v1;
	v27 =	vmov s21  }
0x39d: {  	[tilespmem:v19+s15+$0x0] =	vst.idx.msk $0xffff, v23;
	v19 =	vld [tilespmem:s18+$0xFFFFFF90];
	v23 =	vadd.s32 v9, v25;
	v26 =	vbroadcast v26, $0x0;
	v27 =	vshrl.u32 v27, $0x3  }
0x39e: {  	v28 =	vld [tilespmem:s18+$0xFFFFFFA0];
	v25 =	vadd.s32 v10, v25;
	[tilespmem:v31+s15+$0x0] =	vst.idx.msk $0xffff, v30;
	v27 =	vshll.u32 v27, v1  }
0x39f: {  	[tilespmem:v24+s15+$0x0] =	vst.idx.msk $0xffff, v20;
	v20 =	vld [tilespmem:s18+$0xFFFFFFB0];
	v24 =	vadd.s32 v11, v26;
	v27 =	vbroadcast v27, $0x0  }
0x3a0: {  	[tilespmem:v21+s15+$0x0] =	vst.idx.msk $0xffff, v17;
	v17 =	vld [tilespmem:s18+$0xFFFFFFC0];
	v21 =	vadd.s32 v12, v26  }
0x3a1: {  	[tilespmem:v22+s15+$0x0] =	vst.idx.msk $0xffff, v18;
	v18 =	vld [tilespmem:s18+$0xFFFFFFD0];
	v22 =	vadd.s32 v13, v27  }
0x3a2: {  	s17 =	sshll.u32 s17, $0x2;
	[tilespmem:v23+s15+$0x0] =	vst.idx.msk $0xffff, v19;
	v19 =	vld [tilespmem:s18+$0xFFFFFFE0];
	v23 =	vadd.s32 v14, v27  }
0x3a3: {  	s22 =	sor.u32 s1, s17;
	[tilespmem:v25+s15+$0x0] =	vst.idx.msk $0xffff, v28  }
0x3a4: {  	s18 =	sshll.u32 s22, $0x13;
	[tilespmem:v24+s15+$0x0] =	vst.idx.msk $0xffff, v20  }
0x3a5: {  	s18 =	sor.u32 s5, s18;
	[tilespmem:v21+s15+$0x0] =	vst.idx.msk $0xffff, v17  }
0x3a6: {  	s18 =	sshrl.u32 s18, $0x3;
	[tilespmem:v22+s15+$0x0] =	vst.idx.msk $0xffff, v18  }
0x3a7: {  	s20 =	sadd.s32 s2, s18;
	s18 =	simm.s32 $0x0;
	[tilespmem:v23+s15+$0x0] =	vst.idx.msk $0xffff, v19  }
0x3a8: {  	[hbm4b:s20+s18] =	stream.linear.scatter [tilespmem:s15], [sflag:$0x5], $0x80, $0x38;
	[tilespmem:$0x14C00] =	vst v63  }
0x3a9: {  	s22 =	simm.s32 $0x10888;
	s23 =	sadd.s32 $0x10, s20  }
0x3aa: {  	[hbm4b:s23+s18] =	stream.linear.scatter [tilespmem:s22], [sflag:$0x5], $0x80, $0x38;
	[tilespmem:$0x14C00] =	vst v63  }
0x3ab: {  	s22 =	sadd.s32 $0x20, s20;
	s23 =	simm.s32 $0x10910  }
0x3ac: {  	[hbm4b:s22+s18] =	stream.linear.scatter [tilespmem:s23], [sflag:$0x5], $0x80, $0x38;
	[tilespmem:$0x14C00] =	vst v63  }
0x3ad: {  	s22 =	sadd.s32 $0x30, s20;
	s23 =	simm.s32 $0x10998  }
0x3ae: {  	[hbm4b:s22+s18] =	stream.linear.scatter [tilespmem:s23], [sflag:$0x5], $0x80, $0x38;
	[tilespmem:$0x14C00] =	vst v63  }
0x3af: {  	s22 =	sadd.s32 $0x40, s20;
	s23 =	simm.s32 $0x10A20  }
0x3b0: {  	[hbm4b:s22+s18] =	stream.linear.scatter [tilespmem:s23], [sflag:$0x5], $0x80, $0x38;
	[tilespmem:$0x14C00] =	vst v63  }
0x3b1: {  	s22 =	sadd.s32 $0x50, s20;
	s23 =	simm.s32 $0x10AA8  }
0x3b2: {  	[hbm4b:s22+s18] =	stream.linear.scatter [tilespmem:s23], [sflag:$0x5], $0x80, $0x38;
	[tilespmem:$0x14C00] =	vst v63  }
0x3b3: {  	s22 =	sadd.s32 $0x60, s20;
	s23 =	simm.s32 $0x10B30  }
0x3b4: {  	[hbm4b:s22+s18] =	stream.linear.scatter [tilespmem:s23], [sflag:$0x5], $0x80, $0x38;
	[tilespmem:$0x14C00] =	vst v63  }
0x3b5: {  	s22 =	sadd.s32 $0x70, s20;
	s23 =	simm.s32 $0x10BB8  }
0x3b6: {  	[hbm4b:s22+s18] =	stream.linear.scatter [tilespmem:s23], [sflag:$0x5], $0x80, $0x38;
	[tilespmem:$0x14C00] =	vst v63  }
0x3b7: {  	s22 =	sadd.s32 $0x4000, s20;
	s23 =	simm.s32 $0x10C40  }
0x3b8: {  	[hbm4b:s22+s18] =	stream.linear.scatter [tilespmem:s23], [sflag:$0x5], $0x80, $0x38;
	[tilespmem:$0x14C00] =	vst v63  }
0x3b9: {  	s22 =	sadd.s32 $0x4010, s20;
	s23 =	simm.s32 $0x10CC8  }
0x3ba: {  	[hbm4b:s22+s18] =	stream.linear.scatter [tilespmem:s23], [sflag:$0x5], $0x80, $0x38;
	[tilespmem:$0x14C00] =	vst v63  }
0x3bb: {  	s22 =	sadd.s32 $0x4020, s20;
	s23 =	simm.s32 $0x10D50  }
0x3bc: {  	[hbm4b:s22+s18] =	stream.linear.scatter [tilespmem:s23], [sflag:$0x5], $0x80, $0x38;
	[tilespmem:$0x14C00] =	vst v63  }
0x3bd: {  	s22 =	sadd.s32 $0x4030, s20;
	s23 =	simm.s32 $0x10DD8  }
0x3be: {  	[hbm4b:s22+s18] =	stream.linear.scatter [tilespmem:s23], [sflag:$0x5], $0x80, $0x38;
	[tilespmem:$0x14C00] =	vst v63  }
0x3bf: {  	s22 =	sadd.s32 $0x4040, s20;
	s23 =	simm.s32 $0x10E60  }
0x3c0: {  	[hbm4b:s22+s18] =	stream.linear.scatter [tilespmem:s23], [sflag:$0x5], $0x80, $0x38;
	[tilespmem:$0x14C00] =	vst v63  }
0x3c1: {  	s22 =	sadd.s32 $0x4050, s20;
	s23 =	simm.s32 $0x10EE8  }
0x3c2: {  	[hbm4b:s22+s18] =	stream.linear.scatter [tilespmem:s23], [sflag:$0x5], $0x80, $0x38;
	[tilespmem:$0x14C00] =	vst v63  }
0x3c3: {  	s22 =	sadd.s32 $0x4060, s20;
	s23 =	simm.s32 $0x10F70  }
0x3c4: {  	[hbm4b:s22+s18] =	stream.linear.scatter [tilespmem:s23], [sflag:$0x5], $0x80, $0x38;
	[tilespmem:$0x14C00] =	vst v63  }
0x3c5: {  	s22 =	sadd.s32 $0x4070, s20;
	s23 =	simm.s32 $0x10FF8  }
0x3c6: {  	[hbm4b:s22+s18] =	stream.linear.scatter [tilespmem:s23], [sflag:$0x5], $0x80, $0x38;
	[tilespmem:$0x14C00] =	vst v63  }
0x3c7: {  	s22 =	sadd.s32 $0x8000, s20;
	s23 =	simm.s32 $0x11080  }
0x3c8: {  	[hbm4b:s22+s18] =	stream.linear.scatter [tilespmem:s23], [sflag:$0x5], $0x80, $0x38;
	[tilespmem:$0x14C00] =	vst v63  }
0x3c9: {  	s22 =	sadd.s32 $0x8010, s20;
	s23 =	simm.s32 $0x11108  }
0x3ca: {  	[hbm4b:s22+s18] =	stream.linear.scatter [tilespmem:s23], [sflag:$0x5], $0x80, $0x38;
	[tilespmem:$0x14C00] =	vst v63  }
0x3cb: {  	s22 =	sadd.s32 $0x8020, s20;
	s23 =	simm.s32 $0x11190  }
0x3cc: {  	[hbm4b:s22+s18] =	stream.linear.scatter [tilespmem:s23], [sflag:$0x5], $0x80, $0x38;
	[tilespmem:$0x14C00] =	vst v63  }
0x3cd: {  	s22 =	sadd.s32 $0x8030, s20;
	s23 =	simm.s32 $0x11218  }
0x3ce: {  	[hbm4b:s22+s18] =	stream.linear.scatter [tilespmem:s23], [sflag:$0x5], $0x80, $0x38;
	[tilespmem:$0x14C00] =	vst v63  }
0x3cf: {  	s22 =	sadd.s32 $0x8040, s20;
	s23 =	simm.s32 $0x112A0  }
0x3d0: {  	[hbm4b:s22+s18] =	stream.linear.scatter [tilespmem:s23], [sflag:$0x5], $0x80, $0x38;
	[tilespmem:$0x14C00] =	vst v63  }
0x3d1: {  	s22 =	sadd.s32 $0x8050, s20;
	s23 =	simm.s32 $0x11328  }
0x3d2: {  	[hbm4b:s22+s18] =	stream.linear.scatter [tilespmem:s23], [sflag:$0x5], $0x80, $0x38;
	[tilespmem:$0x14C00] =	vst v63  }
0x3d3: {  	s22 =	sadd.s32 $0x8060, s20;
	s23 =	simm.s32 $0x113B0  }
0x3d4: {  	[hbm4b:s22+s18] =	stream.linear.scatter [tilespmem:s23], [sflag:$0x5], $0x80, $0x38;
	[tilespmem:$0x14C00] =	vst v63  }
0x3d5: {  	s22 =	sadd.s32 $0x8070, s20;
	s23 =	simm.s32 $0x11438  }
0x3d6: {  	[hbm4b:s22+s18] =	stream.linear.scatter [tilespmem:s23], [sflag:$0x5], $0x80, $0x38;
	[tilespmem:$0x14C00] =	vst v63  }
0x3d7: {  	s22 =	sadd.s32 $0xC000, s20;
	s23 =	simm.s32 $0x114C0  }
0x3d8: {  	[hbm4b:s22+s18] =	stream.linear.scatter [tilespmem:s23], [sflag:$0x5], $0x80, $0x38;
	[tilespmem:$0x14C00] =	vst v63  }
0x3d9: {  	s22 =	sadd.s32 $0xC010, s20;
	s23 =	simm.s32 $0x11548  }
0x3da: {  	[hbm4b:s22+s18] =	stream.linear.scatter [tilespmem:s23], [sflag:$0x5], $0x80, $0x38;
	[tilespmem:$0x14C00] =	vst v63  }
0x3db: {  	s22 =	sadd.s32 $0xC020, s20;
	s23 =	simm.s32 $0x115D0  }
0x3dc: {  	[hbm4b:s22+s18] =	stream.linear.scatter [tilespmem:s23], [sflag:$0x5], $0x80, $0x38;
	[tilespmem:$0x14C00] =	vst v63  }
0x3dd: {  	s22 =	sadd.s32 $0xC030, s20;
	s23 =	simm.s32 $0x11658  }
0x3de: {  	[hbm4b:s22+s18] =	stream.linear.scatter [tilespmem:s23], [sflag:$0x5], $0x80, $0x38;
	[tilespmem:$0x14C00] =	vst v63  }
0x3df: {  	s22 =	sadd.s32 $0xC040, s20;
	s23 =	simm.s32 $0x116E0  }
0x3e0: {  	[hbm4b:s22+s18] =	stream.linear.scatter [tilespmem:s23], [sflag:$0x5], $0x80, $0x38;
	[tilespmem:$0x14C00] =	vst v63  }
0x3e1: {  	s22 =	sadd.s32 $0xC050, s20;
	s23 =	simm.s32 $0x11768  }
0x3e2: {  	[hbm4b:s22+s18] =	stream.linear.scatter [tilespmem:s23], [sflag:$0x5], $0x80, $0x38;
	[tilespmem:$0x14C00] =	vst v63  }
0x3e3: {  	s22 =	sadd.s32 $0xC060, s20;
	s23 =	simm.s32 $0x117F0  }
0x3e4: {  	[hbm4b:s22+s18] =	stream.linear.scatter [tilespmem:s23], [sflag:$0x5], $0x80, $0x38;
	[tilespmem:$0x14C00] =	vst v63  }
0x3e5: {  	s20 =	sadd.s32 $0xC070, s20;
	s23 =	simm.s32 $0x11878  }
0x3e6: {  	[hbm4b:s20+s18] =	stream.linear.scatter [tilespmem:s23], [sflag:$0x5], $0x80, $0x38;
	[tilespmem:$0x14C00] =	vst v63  }
0x3e7: {  	_ =	swait.ge [sflag:s10], $0x400  }
0x3e8: {  	[sflag:s10] =	ssyncset.done $0x0  }
0x3e9: {  	[sflag:s10] =	ssyncadd.s32 $0xFFFFFC00  }
0x3ea: {  	_ =	swait.ge [sflag:s10], $0x400  }
0x3eb: {  	[sflag:s10] =	ssyncset.done $0x0  }
0x3ec: {  	[sflag:s10] =	ssyncadd.s32 $0xFFFFFC00  }
0x3ed: {  	s22 =	simm.s32 $0x7;
	_ =	swait.ge [sflag:s10], $0x400  }
0x3ee: {  	v17 =	vmov s22;
	[sflag:s10] =	ssyncset.done $0x0  }
0x3ef: {  	v18 =	vmov s18;
	v17 =	vshrl.u32 v17, $0x3;
	[sflag:s10] =	ssyncadd.s32 $0xFFFFFC00  }
0x3f0: {  	v18 =	vshrl.u32 v18, $0x3;
	s23 =	simm.s32 $0x1;
	v17 =	vshll.u32 v17, v1;
	_ =	swait.ge [sflag:s10], $0x400  }
0x3f1: {  	v18 =	vshll.u32 v18, v1;
	v19 =	vmov s23;
	v17 =	vbroadcast v17, $0x0;
	[sflag:s10] =	ssyncset.done $0x0  }
0x3f2: {  	s21 =	simm.s32 $0x2;
	v18 =	vbroadcast v18, $0x0;
	s20 =	sadd.s32 $0x98F0, s16;
	v19 =	vshrl.u32 v19, $0x3;
	[sflag:s10] =	ssyncadd.s32 $0xFFFFFC00  }
0x3f3: {  	v22 =	vmov s21;
	v19 =	vshll.u32 v19, v1;
	v21 =	vadd.s32 v15, v17;
	v20 =	vld [tilespmem:s20+$0xFFFFFFF0]  }
0x3f4: {  	v22 =	vshrl.u32 v22, $0x3;
	v25 =	vadd.s32 v0, v18;
	v19 =	vbroadcast v19, $0x0;
	v24 =	vld [tilespmem:s20+$0xFFFFFF10]  }
0x3f5: {  	v22 =	vshll.u32 v22, v1;
	s22 =	simm.s32 $0x3;
	v17 =	vadd.s32 v16, v17;
	v23 =	vld [tilespmem:s20+$0x0]  }
0x3f6: {  	v22 =	vbroadcast v22, $0x0;
	v27 =	vmov s22;
	v29 =	vadd.s32 v3, v19;
	v28 =	vld [tilespmem:s20+$0xFFFFFF30]  }
0x3f7: {  	v18 =	vadd.s32 v2, v18;
	v27 =	vshrl.u32 v27, $0x3;
	s23 =	simm.s32 $0x4;
	v26 =	vld [tilespmem:s20+$0xFFFFFF20]  }
0x3f8: {  	v33 =	vadd.s32 v5, v22;
	v27 =	vshll.u32 v27, v1;
	v31 =	vmov s23;
	v32 =	vld [tilespmem:s20+$0xFFFFFF50];
	[tilespmem:v21+s19+$0x0] =	vst.idx.msk $0xffff, v20  }
0x3f9: {  	s21 =	simm.s32 $0x5;
	v27 =	vbroadcast v27, $0x0;
	v19 =	vadd.s32 v4, v19;
	v30 =	vld [tilespmem:s20+$0xFFFFFF40];
	v21 =	vshrl.u32 v31, $0x3;
	[tilespmem:v25+s19+$0x0] =	vst.idx.msk $0xffff, v24  }
0x3fa: {  	v20 =	vld [tilespmem:s20+$0xFFFFFF60];
	v25 =	vadd.s32 v6, v22;
	[tilespmem:v17+s19+$0x0] =	vst.idx.msk $0xffff, v23;
	v22 =	vshll.u32 v21, v1;
	v23 =	vmov s21  }
0x3fb: {  	s22 =	simm.s32 $0x6;
	[tilespmem:v29+s19+$0x0] =	vst.idx.msk $0xffff, v28;
	v17 =	vld [tilespmem:s20+$0xFFFFFF70];
	v21 =	vadd.s32 v7, v27;
	v24 =	vbroadcast v22, $0x0;
	v23 =	vshrl.u32 v23, $0x3  }
0x3fc: {  	v28 =	vmov s22;
	[tilespmem:v18+s19+$0x0] =	vst.idx.msk $0xffff, v26;
	v18 =	vld [tilespmem:s20+$0xFFFFFF80];
	v22 =	vadd.s32 v8, v27;
	v27 =	vshll.u32 v23, v1  }
0x3fd: {  	s23 =	simm.s32 $0xF;
	[tilespmem:v33+s19+$0x0] =	vst.idx.msk $0xffff, v32;
	v29 =	vshrl.u32 v28, $0x3;
	v23 =	vld [tilespmem:s20+$0xFFFFFF90];
	v26 =	vadd.s32 v9, v24;
	v27 =	vbroadcast v27, $0x0  }
0x3fe: {  	s18 =	sor.u32 $0x1, s17;
	s22 =	simm.s32 $0x10;
	[tilespmem:v19+s19+$0x0] =	vst.idx.msk $0xffff, v30;
	s21 =	simm.s32 $0x8;
	v28 =	vmov s23;
	v19 =	vld [tilespmem:s20+$0xFFFFFFA0];
	v29 =	vshll.u32 v29, v1;
	v24 =	vadd.s32 v10, v24  }
.LBB2_17:
0x3ff: {  	p1 =	slt.u32 s22, $0x78;
	v28 =	vshrl.u32 v28, $0x3;
	[tilespmem:v25+s19+$0x0] =	vst.idx.msk $0xffff, v20;
	v20 =	vld [tilespmem:s20+$0xFFFFFFB0];
	v25 =	vadd.s32 v11, v27;
	v29 =	vbroadcast v29, $0x0  }
0x400: {  	v30 =	vmov s21;
	v28 =	vshll.u32 v28, v1;
	[tilespmem:v21+s19+$0x0] =	vst.idx.msk $0xffff, v17;
	v17 =	vld [tilespmem:s20+$0xFFFFFFC0];
	v21 =	vadd.s32 v12, v27  }
0x401: {  	s23 =	sadd.s32 $0x1, s21;
	v27 =	vshrl.u32 v30, $0x3;
	v28 =	vbroadcast v28, $0x0;
	[tilespmem:v22+s19+$0x0] =	vst.idx.msk $0xffff, v18;
	v18 =	vld [tilespmem:s20+$0xFFFFFFD0];
	v22 =	vadd.s32 v13, v29  }
0x402: {  	v30 =	vmov s23;
	v27 =	vshll.u32 v27, v1;
	[tilespmem:v26+s19+$0x0] =	vst.idx.msk $0xffff, v23;
	v23 =	vld [tilespmem:s20+$0xFFFFFFE0];
	v26 =	vadd.s32 v14, v29;
	s20 =	sadd.s32 $0x100, s20  }
0x403: {  	s23 =	sadd.s32 $0x2, s21;
	v27 =	vbroadcast v27, $0x0;
	v29 =	vshrl.u32 v30, $0x3;
	v30 =	vld [tilespmem:s20+$0xFFFFFFF0];
	v31 =	vadd.s32 v15, v28;
	[tilespmem:v24+s19+$0x0] =	vst.idx.msk $0xffff, v19  }
0x404: {  	v19 =	vshll.u32 v29, v1;
	v24 =	vmov s23;
	v28 =	vadd.s32 v16, v28;
	v29 =	vld [tilespmem:s20+$0x0];
	[tilespmem:v25+s19+$0x0] =	vst.idx.msk $0xffff, v20  }
0x405: {  	s23 =	sadd.s32 $0x3, s21;
	v25 =	vadd.s32 v0, v27;
	v19 =	vbroadcast v19, $0x0;
	v24 =	vshrl.u32 v24, $0x3;
	v20 =	vld [tilespmem:s20+$0xFFFFFF10];
	[tilespmem:v21+s19+$0x0] =	vst.idx.msk $0xffff, v17  }
0x406: {  	v21 =	vadd.s32 v2, v27;
	v24 =	vshll.u32 v24, v1;
	v27 =	vmov s23;
	v17 =	vld [tilespmem:s20+$0xFFFFFF20];
	[tilespmem:v22+s19+$0x0] =	vst.idx.msk $0xffff, v18  }
0x407: {  	s23 =	sadd.s32 $0x4, s21;
	v22 =	vadd.s32 v3, v19;
	v24 =	vbroadcast v24, $0x0;
	v27 =	vshrl.u32 v27, $0x3;
	v18 =	vld [tilespmem:s20+$0xFFFFFF30];
	[tilespmem:v26+s19+$0x0] =	vst.idx.msk $0xffff, v23  }
0x408: {  	v19 =	vadd.s32 v4, v19;
	v26 =	vshll.u32 v27, v1;
	v27 =	vmov s23;
	v23 =	vld [tilespmem:s20+$0xFFFFFF40];
	[tilespmem:v31+s19+$0x0] =	vst.idx.msk $0xffff, v30  }
0x409: {  	s23 =	sadd.s32 $0x5, s21;
	v31 =	vadd.s32 v5, v24;
	v26 =	vbroadcast v26, $0x0;
	v27 =	vshrl.u32 v27, $0x3;
	v30 =	vld [tilespmem:s20+$0xFFFFFF50];
	[tilespmem:v28+s19+$0x0] =	vst.idx.msk $0xffff, v29  }
.Ltmp6:
0x40a: {  	[tilespmem:v25+s19+$0x0] =	vst.idx.msk $0xffff, v20;
	v20 =	vld [tilespmem:s20+$0xFFFFFF60];
	v25 =	vadd.s32 v6, v24;
	v24 =	vshll.u32 v27, v1;
	v27 =	vmov s23;
	(pc) =	sbr.rel @p1 .LBB2_17-.Ltmp6, $4  }
0x40b: {  	s23 =	sadd.s32 $0x6, s21;
	s21 =	smov.u32 s22;
	[tilespmem:v21+s19+$0x0] =	vst.idx.msk $0xffff, v17;
	v17 =	vld [tilespmem:s20+$0xFFFFFF70];
	v21 =	vadd.s32 v7, v26;
	v24 =	vbroadcast v24, $0x0;
	v27 =	vshrl.u32 v27, $0x3  }
0x40c: {  	v28 =	vmov s23;
	[tilespmem:v22+s19+$0x0] =	vst.idx.msk $0xffff, v18;
	v18 =	vld [tilespmem:s20+$0xFFFFFF80];
	v22 =	vadd.s32 v8, v26;
	v27 =	vshll.u32 v27, v1  }
0x40d: {  	s23 =	sadd.s32 $0x7, s22;
	v29 =	vshrl.u32 v28, $0x3;
	[tilespmem:v19+s19+$0x0] =	vst.idx.msk $0xffff, v23;
	v23 =	vld [tilespmem:s20+$0xFFFFFF90];
	v26 =	vadd.s32 v9, v24;
	v27 =	vbroadcast v27, $0x0  }
0x40e: {  	s22 =	sadd.s32 $0x8, s22;
	v28 =	vmov s23;
	v24 =	vadd.s32 v10, v24;
	v29 =	vshll.u32 v29, v1;
	[tilespmem:v31+s19+$0x0] =	vst.idx.msk $0xffff, v30;
	v19 =	vld [tilespmem:s20+$0xFFFFFFA0]  }
0x40f: {  	_ =	sdelay $0x3  }
0x410: {  	v28 =	vshrl.u32 v28, $0x3;
	[tilespmem:v25+s19+$0x0] =	vst.idx.msk $0xffff, v20;
	v20 =	vld [tilespmem:s20+$0xFFFFFFB0];
	v25 =	vadd.s32 v11, v27;
	v29 =	vbroadcast v29, $0x0  }
0x411: {  	v30 =	vmov s21;
	v28 =	vshll.u32 v28, v1;
	[tilespmem:v21+s19+$0x0] =	vst.idx.msk $0xffff, v17;
	v17 =	vld [tilespmem:s20+$0xFFFFFFC0];
	v21 =	vadd.s32 v12, v27  }
0x412: {  	s22 =	sadd.s32 $0x1, s21;
	v27 =	vshrl.u32 v30, $0x3;
	v28 =	vbroadcast v28, $0x0;
	[tilespmem:v22+s19+$0x0] =	vst.idx.msk $0xffff, v18;
	v18 =	vld [tilespmem:s20+$0xFFFFFFD0];
	v22 =	vadd.s32 v13, v29  }
0x413: {  	v30 =	vmov s22;
	v27 =	vshll.u32 v27, v1;
	[tilespmem:v26+s19+$0x0] =	vst.idx.msk $0xffff, v23;
	v23 =	vld [tilespmem:s20+$0xFFFFFFE0];
	v26 =	vadd.s32 v14, v29;
	s20 =	sadd.s32 $0x100, s20  }
0x414: {  	s23 =	sadd.s32 $0x2, s21;
	v27 =	vbroadcast v27, $0x0;
	v29 =	vshrl.u32 v30, $0x3;
	v30 =	vld [tilespmem:s20+$0xFFFFFFF0];
	v31 =	vadd.s32 v15, v28;
	[tilespmem:v24+s19+$0x0] =	vst.idx.msk $0xffff, v19  }
0x415: {  	v19 =	vshll.u32 v29, v1;
	v24 =	vmov s23;
	v29 =	vld [tilespmem:s20+$0x0];
	v28 =	vadd.s32 v16, v28;
	[tilespmem:v25+s19+$0x0] =	vst.idx.msk $0xffff, v20  }
0x416: {  	s23 =	sadd.s32 $0x3, s21;
	v20 =	vld [tilespmem:s20+$0xFFFFFF10];
	v25 =	vadd.s32 v0, v27;
	v19 =	vbroadcast v19, $0x0;
	v24 =	vshrl.u32 v24, $0x3;
	[tilespmem:v21+s19+$0x0] =	vst.idx.msk $0xffff, v17  }
0x417: {  	v17 =	vld [tilespmem:s20+$0xFFFFFF20];
	v21 =	vadd.s32 v2, v27;
	v24 =	vshll.u32 v24, v1;
	v27 =	vmov s23;
	[tilespmem:v22+s19+$0x0] =	vst.idx.msk $0xffff, v18  }
0x418: {  	s23 =	sadd.s32 $0x4, s21;
	v18 =	vld [tilespmem:s20+$0xFFFFFF30];
	v22 =	vadd.s32 v3, v19;
	v24 =	vbroadcast v24, $0x0;
	v27 =	vshrl.u32 v27, $0x3;
	[tilespmem:v26+s19+$0x0] =	vst.idx.msk $0xffff, v23  }
0x419: {  	v19 =	vadd.s32 v4, v19;
	v23 =	vld [tilespmem:s20+$0xFFFFFF40];
	v26 =	vshll.u32 v27, v1;
	v27 =	vmov s23;
	[tilespmem:v31+s19+$0x0] =	vst.idx.msk $0xffff, v30  }
0x41a: {  	s23 =	sadd.s32 $0x5, s21;
	v30 =	vld [tilespmem:s20+$0xFFFFFF50];
	v31 =	vadd.s32 v5, v24;
	v26 =	vbroadcast v26, $0x0;
	v27 =	vshrl.u32 v27, $0x3;
	[tilespmem:v28+s19+$0x0] =	vst.idx.msk $0xffff, v29  }
0x41b: {  	v24 =	vadd.s32 v6, v24;
	[tilespmem:v25+s19+$0x0] =	vst.idx.msk $0xffff, v20;
	v20 =	vld [tilespmem:s20+$0xFFFFFF60];
	v25 =	vshll.u32 v27, v1;
	v27 =	vmov s23  }
0x41c: {  	s23 =	sadd.s32 $0x6, s21;
	[tilespmem:v21+s19+$0x0] =	vst.idx.msk $0xffff, v17;
	v17 =	vld [tilespmem:s20+$0xFFFFFF70];
	v21 =	vadd.s32 v7, v26;
	v25 =	vbroadcast v25, $0x0;
	v27 =	vshrl.u32 v27, $0x3  }
0x41d: {  	[tilespmem:v22+s19+$0x0] =	vst.idx.msk $0xffff, v18;
	v18 =	vld [tilespmem:s20+$0xFFFFFF80];
	v22 =	vadd.s32 v8, v26;
	v26 =	vshll.u32 v27, v1;
	v27 =	vmov s23  }
0x41e: {  	[tilespmem:v19+s19+$0x0] =	vst.idx.msk $0xffff, v23;
	v19 =	vld [tilespmem:s20+$0xFFFFFF90];
	v23 =	vadd.s32 v9, v25;
	v26 =	vbroadcast v26, $0x0;
	v27 =	vshrl.u32 v27, $0x3  }
0x41f: {  	v28 =	vld [tilespmem:s20+$0xFFFFFFA0];
	v25 =	vadd.s32 v10, v25;
	[tilespmem:v31+s19+$0x0] =	vst.idx.msk $0xffff, v30;
	v27 =	vshll.u32 v27, v1  }
0x420: {  	[tilespmem:v24+s19+$0x0] =	vst.idx.msk $0xffff, v20;
	v20 =	vld [tilespmem:s20+$0xFFFFFFB0];
	v24 =	vadd.s32 v11, v26;
	v27 =	vbroadcast v27, $0x0  }
0x421: {  	[tilespmem:v21+s19+$0x0] =	vst.idx.msk $0xffff, v17;
	v17 =	vld [tilespmem:s20+$0xFFFFFFC0];
	v21 =	vadd.s32 v12, v26  }
0x422: {  	[tilespmem:v22+s19+$0x0] =	vst.idx.msk $0xffff, v18;
	v18 =	vld [tilespmem:s20+$0xFFFFFFD0];
	v22 =	vadd.s32 v13, v27  }
0x423: {  	[tilespmem:v23+s19+$0x0] =	vst.idx.msk $0xffff, v19;
	v19 =	vld [tilespmem:s20+$0xFFFFFFE0];
	v23 =	vadd.s32 v14, v27  }
0x424: {  	s18 =	sor.u32 s1, s18;
	[tilespmem:v25+s19+$0x0] =	vst.idx.msk $0xffff, v28  }
0x425: {  	s18 =	sshll.u32 s18, $0x13;
	[tilespmem:v24+s19+$0x0] =	vst.idx.msk $0xffff, v20  }
0x426: {  	s18 =	sor.u32 s5, s18;
	[tilespmem:v21+s19+$0x0] =	vst.idx.msk $0xffff, v17  }
0x427: {  	s18 =	sshrl.u32 s18, $0x3;
	[tilespmem:v22+s19+$0x0] =	vst.idx.msk $0xffff, v18  }
0x428: {  	s20 =	sadd.s32 s2, s18;
	s18 =	simm.s32 $0x0;
	[tilespmem:v23+s19+$0x0] =	vst.idx.msk $0xffff, v19  }
0x429: {  	[hbm4b:s20+s18] =	stream.linear.scatter [tilespmem:s19], [sflag:$0x6], $0x80, $0x38;
	[tilespmem:$0x14C00] =	vst v63  }
0x42a: {  	s23 =	simm.s32 $0x11988;
	s22 =	sadd.s32 $0x10, s20  }
0x42b: {  	[hbm4b:s22+s18] =	stream.linear.scatter [tilespmem:s23], [sflag:$0x6], $0x80, $0x38;
	[tilespmem:$0x14C00] =	vst v63  }
0x42c: {  	s22 =	sadd.s32 $0x20, s20;
	s23 =	simm.s32 $0x11A10  }
0x42d: {  	[hbm4b:s22+s18] =	stream.linear.scatter [tilespmem:s23], [sflag:$0x6], $0x80, $0x38;
	[tilespmem:$0x14C00] =	vst v63  }
0x42e: {  	s22 =	sadd.s32 $0x30, s20;
	s23 =	simm.s32 $0x11A98  }
0x42f: {  	[hbm4b:s22+s18] =	stream.linear.scatter [tilespmem:s23], [sflag:$0x6], $0x80, $0x38;
	[tilespmem:$0x14C00] =	vst v63  }
0x430: {  	s22 =	sadd.s32 $0x40, s20;
	s23 =	simm.s32 $0x11B20  }
0x431: {  	[hbm4b:s22+s18] =	stream.linear.scatter [tilespmem:s23], [sflag:$0x6], $0x80, $0x38;
	[tilespmem:$0x14C00] =	vst v63  }
0x432: {  	s22 =	sadd.s32 $0x50, s20;
	s23 =	simm.s32 $0x11BA8  }
0x433: {  	[hbm4b:s22+s18] =	stream.linear.scatter [tilespmem:s23], [sflag:$0x6], $0x80, $0x38;
	[tilespmem:$0x14C00] =	vst v63  }
0x434: {  	s22 =	sadd.s32 $0x60, s20;
	s23 =	simm.s32 $0x11C30  }
0x435: {  	[hbm4b:s22+s18] =	stream.linear.scatter [tilespmem:s23], [sflag:$0x6], $0x80, $0x38;
	[tilespmem:$0x14C00] =	vst v63  }
0x436: {  	s22 =	sadd.s32 $0x70, s20;
	s23 =	simm.s32 $0x11CB8  }
0x437: {  	[hbm4b:s22+s18] =	stream.linear.scatter [tilespmem:s23], [sflag:$0x6], $0x80, $0x38;
	[tilespmem:$0x14C00] =	vst v63  }
0x438: {  	s22 =	sadd.s32 $0x4000, s20;
	s23 =	simm.s32 $0x11D40  }
0x439: {  	[hbm4b:s22+s18] =	stream.linear.scatter [tilespmem:s23], [sflag:$0x6], $0x80, $0x38;
	[tilespmem:$0x14C00] =	vst v63  }
0x43a: {  	s22 =	sadd.s32 $0x4010, s20;
	s23 =	simm.s32 $0x11DC8  }
0x43b: {  	[hbm4b:s22+s18] =	stream.linear.scatter [tilespmem:s23], [sflag:$0x6], $0x80, $0x38;
	[tilespmem:$0x14C00] =	vst v63  }
0x43c: {  	s22 =	sadd.s32 $0x4020, s20;
	s23 =	simm.s32 $0x11E50  }
0x43d: {  	[hbm4b:s22+s18] =	stream.linear.scatter [tilespmem:s23], [sflag:$0x6], $0x80, $0x38;
	[tilespmem:$0x14C00] =	vst v63  }
0x43e: {  	s22 =	sadd.s32 $0x4030, s20;
	s23 =	simm.s32 $0x11ED8  }
0x43f: {  	[hbm4b:s22+s18] =	stream.linear.scatter [tilespmem:s23], [sflag:$0x6], $0x80, $0x38;
	[tilespmem:$0x14C00] =	vst v63  }
0x440: {  	s22 =	sadd.s32 $0x4040, s20;
	s23 =	simm.s32 $0x11F60  }
0x441: {  	[hbm4b:s22+s18] =	stream.linear.scatter [tilespmem:s23], [sflag:$0x6], $0x80, $0x38;
	[tilespmem:$0x14C00] =	vst v63  }
0x442: {  	s22 =	sadd.s32 $0x4050, s20;
	s23 =	simm.s32 $0x11FE8  }
0x443: {  	[hbm4b:s22+s18] =	stream.linear.scatter [tilespmem:s23], [sflag:$0x6], $0x80, $0x38;
	[tilespmem:$0x14C00] =	vst v63  }
0x444: {  	s22 =	sadd.s32 $0x4060, s20;
	s23 =	simm.s32 $0x12070  }
0x445: {  	[hbm4b:s22+s18] =	stream.linear.scatter [tilespmem:s23], [sflag:$0x6], $0x80, $0x38;
	[tilespmem:$0x14C00] =	vst v63  }
0x446: {  	s22 =	sadd.s32 $0x4070, s20;
	s23 =	simm.s32 $0x120F8  }
0x447: {  	[hbm4b:s22+s18] =	stream.linear.scatter [tilespmem:s23], [sflag:$0x6], $0x80, $0x38;
	[tilespmem:$0x14C00] =	vst v63  }
0x448: {  	s22 =	sadd.s32 $0x8000, s20;
	s23 =	simm.s32 $0x12180  }
0x449: {  	[hbm4b:s22+s18] =	stream.linear.scatter [tilespmem:s23], [sflag:$0x6], $0x80, $0x38;
	[tilespmem:$0x14C00] =	vst v63  }
0x44a: {  	s22 =	sadd.s32 $0x8010, s20;
	s23 =	simm.s32 $0x12208  }
0x44b: {  	[hbm4b:s22+s18] =	stream.linear.scatter [tilespmem:s23], [sflag:$0x6], $0x80, $0x38;
	[tilespmem:$0x14C00] =	vst v63  }
0x44c: {  	s22 =	sadd.s32 $0x8020, s20;
	s23 =	simm.s32 $0x12290  }
0x44d: {  	[hbm4b:s22+s18] =	stream.linear.scatter [tilespmem:s23], [sflag:$0x6], $0x80, $0x38;
	[tilespmem:$0x14C00] =	vst v63  }
0x44e: {  	s22 =	sadd.s32 $0x8030, s20;
	s23 =	simm.s32 $0x12318  }
0x44f: {  	[hbm4b:s22+s18] =	stream.linear.scatter [tilespmem:s23], [sflag:$0x6], $0x80, $0x38;
	[tilespmem:$0x14C00] =	vst v63  }
0x450: {  	s22 =	sadd.s32 $0x8040, s20;
	s23 =	simm.s32 $0x123A0  }
0x451: {  	[hbm4b:s22+s18] =	stream.linear.scatter [tilespmem:s23], [sflag:$0x6], $0x80, $0x38;
	[tilespmem:$0x14C00] =	vst v63  }
0x452: {  	s22 =	sadd.s32 $0x8050, s20;
	s23 =	simm.s32 $0x12428  }
0x453: {  	[hbm4b:s22+s18] =	stream.linear.scatter [tilespmem:s23], [sflag:$0x6], $0x80, $0x38;
	[tilespmem:$0x14C00] =	vst v63  }
0x454: {  	s22 =	sadd.s32 $0x8060, s20;
	s23 =	simm.s32 $0x124B0  }
0x455: {  	[hbm4b:s22+s18] =	stream.linear.scatter [tilespmem:s23], [sflag:$0x6], $0x80, $0x38;
	[tilespmem:$0x14C00] =	vst v63  }
0x456: {  	s22 =	sadd.s32 $0x8070, s20;
	s23 =	simm.s32 $0x12538  }
0x457: {  	[hbm4b:s22+s18] =	stream.linear.scatter [tilespmem:s23], [sflag:$0x6], $0x80, $0x38;
	[tilespmem:$0x14C00] =	vst v63  }
0x458: {  	s22 =	sadd.s32 $0xC000, s20;
	s23 =	simm.s32 $0x125C0  }
0x459: {  	[hbm4b:s22+s18] =	stream.linear.scatter [tilespmem:s23], [sflag:$0x6], $0x80, $0x38;
	[tilespmem:$0x14C00] =	vst v63  }
0x45a: {  	s22 =	sadd.s32 $0xC010, s20;
	s23 =	simm.s32 $0x12648  }
0x45b: {  	[hbm4b:s22+s18] =	stream.linear.scatter [tilespmem:s23], [sflag:$0x6], $0x80, $0x38;
	[tilespmem:$0x14C00] =	vst v63  }
0x45c: {  	s22 =	sadd.s32 $0xC020, s20;
	s23 =	simm.s32 $0x126D0  }
0x45d: {  	[hbm4b:s22+s18] =	stream.linear.scatter [tilespmem:s23], [sflag:$0x6], $0x80, $0x38;
	[tilespmem:$0x14C00] =	vst v63  }
0x45e: {  	s22 =	sadd.s32 $0xC030, s20;
	s23 =	simm.s32 $0x12758  }
0x45f: {  	[hbm4b:s22+s18] =	stream.linear.scatter [tilespmem:s23], [sflag:$0x6], $0x80, $0x38;
	[tilespmem:$0x14C00] =	vst v63  }
0x460: {  	s22 =	sadd.s32 $0xC040, s20;
	s23 =	simm.s32 $0x127E0  }
0x461: {  	[hbm4b:s22+s18] =	stream.linear.scatter [tilespmem:s23], [sflag:$0x6], $0x80, $0x38;
	[tilespmem:$0x14C00] =	vst v63  }
0x462: {  	s22 =	sadd.s32 $0xC050, s20;
	s23 =	simm.s32 $0x12868  }
0x463: {  	[hbm4b:s22+s18] =	stream.linear.scatter [tilespmem:s23], [sflag:$0x6], $0x80, $0x38;
	[tilespmem:$0x14C00] =	vst v63  }
0x464: {  	s22 =	sadd.s32 $0xC060, s20;
	s23 =	simm.s32 $0x128F0  }
0x465: {  	[hbm4b:s22+s18] =	stream.linear.scatter [tilespmem:s23], [sflag:$0x6], $0x80, $0x38;
	[tilespmem:$0x14C00] =	vst v63  }
0x466: {  	s20 =	sadd.s32 $0xC070, s20;
	s23 =	simm.s32 $0x12978  }
0x467: {  	[hbm4b:s20+s18] =	stream.linear.scatter [tilespmem:s23], [sflag:$0x6], $0x80, $0x38;
	[tilespmem:$0x14C00] =	vst v63  }
0x468: {  	_ =	swait.ge [sflag:s13], $0x400  }
0x469: {  	[sflag:s13] =	ssyncset.done $0x0  }
0x46a: {  	[sflag:s13] =	ssyncadd.s32 $0xFFFFFC00  }
0x46b: {  	_ =	swait.ge [sflag:s13], $0x400  }
0x46c: {  	[sflag:s13] =	ssyncset.done $0x0  }
0x46d: {  	[sflag:s13] =	ssyncadd.s32 $0xFFFFFC00  }
0x46e: {  	s22 =	simm.s32 $0x7;
	_ =	swait.ge [sflag:s13], $0x400  }
0x46f: {  	v17 =	vmov s22;
	[sflag:s13] =	ssyncset.done $0x0  }
0x470: {  	v18 =	vmov s18;
	v17 =	vshrl.u32 v17, $0x3;
	[sflag:s13] =	ssyncadd.s32 $0xFFFFFC00  }
0x471: {  	v18 =	vshrl.u32 v18, $0x3;
	s23 =	simm.s32 $0x1;
	v17 =	vshll.u32 v17, v1;
	_ =	swait.ge [sflag:s13], $0x400  }
0x472: {  	v18 =	vshll.u32 v18, v1;
	v19 =	vmov s23;
	v17 =	vbroadcast v17, $0x0;
	[sflag:s13] =	ssyncset.done $0x0  }
0x473: {  	s21 =	simm.s32 $0x2;
	v18 =	vbroadcast v18, $0x0;
	s20 =	sadd.s32 $0xA8F0, s16;
	v19 =	vshrl.u32 v19, $0x3;
	[sflag:s13] =	ssyncadd.s32 $0xFFFFFC00  }
0x474: {  	v22 =	vmov s21;
	v19 =	vshll.u32 v19, v1;
	v21 =	vadd.s32 v15, v17;
	v20 =	vld [tilespmem:s20+$0xFFFFFFF0]  }
0x475: {  	v22 =	vshrl.u32 v22, $0x3;
	v25 =	vadd.s32 v0, v18;
	v19 =	vbroadcast v19, $0x0;
	v24 =	vld [tilespmem:s20+$0xFFFFFF10]  }
0x476: {  	v22 =	vshll.u32 v22, v1;
	s22 =	simm.s32 $0x3;
	v17 =	vadd.s32 v16, v17;
	v23 =	vld [tilespmem:s20+$0x0]  }
0x477: {  	v22 =	vbroadcast v22, $0x0;
	v27 =	vmov s22;
	v29 =	vadd.s32 v3, v19;
	v28 =	vld [tilespmem:s20+$0xFFFFFF30]  }
0x478: {  	v18 =	vadd.s32 v2, v18;
	v27 =	vshrl.u32 v27, $0x3;
	s23 =	simm.s32 $0x4;
	v26 =	vld [tilespmem:s20+$0xFFFFFF20]  }
0x479: {  	v33 =	vadd.s32 v5, v22;
	v27 =	vshll.u32 v27, v1;
	v31 =	vmov s23;
	v32 =	vld [tilespmem:s20+$0xFFFFFF50];
	[tilespmem:v21+s24+$0x0] =	vst.idx.msk $0xffff, v20  }
0x47a: {  	s21 =	simm.s32 $0x5;
	v27 =	vbroadcast v27, $0x0;
	v19 =	vadd.s32 v4, v19;
	v30 =	vld [tilespmem:s20+$0xFFFFFF40];
	v21 =	vshrl.u32 v31, $0x3;
	[tilespmem:v25+s24+$0x0] =	vst.idx.msk $0xffff, v24  }
0x47b: {  	v20 =	vld [tilespmem:s20+$0xFFFFFF60];
	v25 =	vadd.s32 v6, v22;
	[tilespmem:v17+s24+$0x0] =	vst.idx.msk $0xffff, v23;
	v22 =	vshll.u32 v21, v1;
	v23 =	vmov s21  }
0x47c: {  	s22 =	simm.s32 $0x6;
	[tilespmem:v29+s24+$0x0] =	vst.idx.msk $0xffff, v28;
	v17 =	vld [tilespmem:s20+$0xFFFFFF70];
	v21 =	vadd.s32 v7, v27;
	v24 =	vbroadcast v22, $0x0;
	v23 =	vshrl.u32 v23, $0x3  }
0x47d: {  	v28 =	vmov s22;
	[tilespmem:v18+s24+$0x0] =	vst.idx.msk $0xffff, v26;
	v18 =	vld [tilespmem:s20+$0xFFFFFF80];
	v22 =	vadd.s32 v8, v27;
	v27 =	vshll.u32 v23, v1  }
0x47e: {  	s23 =	simm.s32 $0xF;
	[tilespmem:v33+s24+$0x0] =	vst.idx.msk $0xffff, v32;
	v29 =	vshrl.u32 v28, $0x3;
	v23 =	vld [tilespmem:s20+$0xFFFFFF90];
	v26 =	vadd.s32 v9, v24;
	v27 =	vbroadcast v27, $0x0  }
0x47f: {  	s18 =	sor.u32 $0x2, s17;
	s22 =	simm.s32 $0x10;
	[tilespmem:v19+s24+$0x0] =	vst.idx.msk $0xffff, v30;
	s21 =	simm.s32 $0x8;
	v28 =	vmov s23;
	v19 =	vld [tilespmem:s20+$0xFFFFFFA0];
	v29 =	vshll.u32 v29, v1;
	v24 =	vadd.s32 v10, v24  }
.LBB2_19:
0x480: {  	p1 =	slt.u32 s22, $0x78;
	v28 =	vshrl.u32 v28, $0x3;
	[tilespmem:v25+s24+$0x0] =	vst.idx.msk $0xffff, v20;
	v20 =	vld [tilespmem:s20+$0xFFFFFFB0];
	v25 =	vadd.s32 v11, v27;
	v29 =	vbroadcast v29, $0x0  }
0x481: {  	v30 =	vmov s21;
	v28 =	vshll.u32 v28, v1;
	[tilespmem:v21+s24+$0x0] =	vst.idx.msk $0xffff, v17;
	v17 =	vld [tilespmem:s20+$0xFFFFFFC0];
	v21 =	vadd.s32 v12, v27  }
0x482: {  	s23 =	sadd.s32 $0x1, s21;
	v27 =	vshrl.u32 v30, $0x3;
	v28 =	vbroadcast v28, $0x0;
	[tilespmem:v22+s24+$0x0] =	vst.idx.msk $0xffff, v18;
	v18 =	vld [tilespmem:s20+$0xFFFFFFD0];
	v22 =	vadd.s32 v13, v29  }
0x483: {  	v30 =	vmov s23;
	v27 =	vshll.u32 v27, v1;
	[tilespmem:v26+s24+$0x0] =	vst.idx.msk $0xffff, v23;
	v23 =	vld [tilespmem:s20+$0xFFFFFFE0];
	v26 =	vadd.s32 v14, v29;
	s20 =	sadd.s32 $0x100, s20  }
0x484: {  	s23 =	sadd.s32 $0x2, s21;
	v27 =	vbroadcast v27, $0x0;
	v29 =	vshrl.u32 v30, $0x3;
	v30 =	vld [tilespmem:s20+$0xFFFFFFF0];
	v31 =	vadd.s32 v15, v28;
	[tilespmem:v24+s24+$0x0] =	vst.idx.msk $0xffff, v19  }
0x485: {  	v19 =	vshll.u32 v29, v1;
	v24 =	vmov s23;
	v28 =	vadd.s32 v16, v28;
	v29 =	vld [tilespmem:s20+$0x0];
	[tilespmem:v25+s24+$0x0] =	vst.idx.msk $0xffff, v20  }
0x486: {  	s23 =	sadd.s32 $0x3, s21;
	v25 =	vadd.s32 v0, v27;
	v19 =	vbroadcast v19, $0x0;
	v24 =	vshrl.u32 v24, $0x3;
	v20 =	vld [tilespmem:s20+$0xFFFFFF10];
	[tilespmem:v21+s24+$0x0] =	vst.idx.msk $0xffff, v17  }
0x487: {  	v21 =	vadd.s32 v2, v27;
	v24 =	vshll.u32 v24, v1;
	v27 =	vmov s23;
	v17 =	vld [tilespmem:s20+$0xFFFFFF20];
	[tilespmem:v22+s24+$0x0] =	vst.idx.msk $0xffff, v18  }
0x488: {  	s23 =	sadd.s32 $0x4, s21;
	v22 =	vadd.s32 v3, v19;
	v24 =	vbroadcast v24, $0x0;
	v27 =	vshrl.u32 v27, $0x3;
	v18 =	vld [tilespmem:s20+$0xFFFFFF30];
	[tilespmem:v26+s24+$0x0] =	vst.idx.msk $0xffff, v23  }
0x489: {  	v19 =	vadd.s32 v4, v19;
	v26 =	vshll.u32 v27, v1;
	v27 =	vmov s23;
	v23 =	vld [tilespmem:s20+$0xFFFFFF40];
	[tilespmem:v31+s24+$0x0] =	vst.idx.msk $0xffff, v30  }
0x48a: {  	s23 =	sadd.s32 $0x5, s21;
	v31 =	vadd.s32 v5, v24;
	v26 =	vbroadcast v26, $0x0;
	v27 =	vshrl.u32 v27, $0x3;
	v30 =	vld [tilespmem:s20+$0xFFFFFF50];
	[tilespmem:v28+s24+$0x0] =	vst.idx.msk $0xffff, v29  }
.Ltmp7:
0x48b: {  	[tilespmem:v25+s24+$0x0] =	vst.idx.msk $0xffff, v20;
	v20 =	vld [tilespmem:s20+$0xFFFFFF60];
	v25 =	vadd.s32 v6, v24;
	v24 =	vshll.u32 v27, v1;
	v27 =	vmov s23;
	(pc) =	sbr.rel @p1 .LBB2_19-.Ltmp7, $4  }
0x48c: {  	s23 =	sadd.s32 $0x6, s21;
	s21 =	smov.u32 s22;
	[tilespmem:v21+s24+$0x0] =	vst.idx.msk $0xffff, v17;
	v17 =	vld [tilespmem:s20+$0xFFFFFF70];
	v21 =	vadd.s32 v7, v26;
	v24 =	vbroadcast v24, $0x0;
	v27 =	vshrl.u32 v27, $0x3  }
0x48d: {  	v28 =	vmov s23;
	[tilespmem:v22+s24+$0x0] =	vst.idx.msk $0xffff, v18;
	v18 =	vld [tilespmem:s20+$0xFFFFFF80];
	v22 =	vadd.s32 v8, v26;
	v27 =	vshll.u32 v27, v1  }
0x48e: {  	s23 =	sadd.s32 $0x7, s22;
	v29 =	vshrl.u32 v28, $0x3;
	[tilespmem:v19+s24+$0x0] =	vst.idx.msk $0xffff, v23;
	v23 =	vld [tilespmem:s20+$0xFFFFFF90];
	v26 =	vadd.s32 v9, v24;
	v27 =	vbroadcast v27, $0x0  }
0x48f: {  	s22 =	sadd.s32 $0x8, s22;
	v28 =	vmov s23;
	v24 =	vadd.s32 v10, v24;
	v29 =	vshll.u32 v29, v1;
	[tilespmem:v31+s24+$0x0] =	vst.idx.msk $0xffff, v30;
	v19 =	vld [tilespmem:s20+$0xFFFFFFA0]  }
0x490: {  	_ =	sdelay $0x3  }
0x491: {  	v28 =	vshrl.u32 v28, $0x3;
	[tilespmem:v25+s24+$0x0] =	vst.idx.msk $0xffff, v20;
	v20 =	vld [tilespmem:s20+$0xFFFFFFB0];
	v25 =	vadd.s32 v11, v27;
	v29 =	vbroadcast v29, $0x0  }
0x492: {  	v30 =	vmov s21;
	v28 =	vshll.u32 v28, v1;
	[tilespmem:v21+s24+$0x0] =	vst.idx.msk $0xffff, v17;
	v17 =	vld [tilespmem:s20+$0xFFFFFFC0];
	v21 =	vadd.s32 v12, v27  }
0x493: {  	s22 =	sadd.s32 $0x1, s21;
	v27 =	vshrl.u32 v30, $0x3;
	v28 =	vbroadcast v28, $0x0;
	[tilespmem:v22+s24+$0x0] =	vst.idx.msk $0xffff, v18;
	v18 =	vld [tilespmem:s20+$0xFFFFFFD0];
	v22 =	vadd.s32 v13, v29  }
0x494: {  	v30 =	vmov s22;
	v27 =	vshll.u32 v27, v1;
	[tilespmem:v26+s24+$0x0] =	vst.idx.msk $0xffff, v23;
	v23 =	vld [tilespmem:s20+$0xFFFFFFE0];
	v26 =	vadd.s32 v14, v29;
	s20 =	sadd.s32 $0x100, s20  }
0x495: {  	s23 =	sadd.s32 $0x2, s21;
	v27 =	vbroadcast v27, $0x0;
	v29 =	vshrl.u32 v30, $0x3;
	v30 =	vld [tilespmem:s20+$0xFFFFFFF0];
	v31 =	vadd.s32 v15, v28;
	[tilespmem:v24+s24+$0x0] =	vst.idx.msk $0xffff, v19  }
0x496: {  	v19 =	vshll.u32 v29, v1;
	v24 =	vmov s23;
	v29 =	vld [tilespmem:s20+$0x0];
	v28 =	vadd.s32 v16, v28;
	[tilespmem:v25+s24+$0x0] =	vst.idx.msk $0xffff, v20  }
0x497: {  	s23 =	sadd.s32 $0x3, s21;
	v20 =	vld [tilespmem:s20+$0xFFFFFF10];
	v25 =	vadd.s32 v0, v27;
	v19 =	vbroadcast v19, $0x0;
	v24 =	vshrl.u32 v24, $0x3;
	[tilespmem:v21+s24+$0x0] =	vst.idx.msk $0xffff, v17  }
0x498: {  	v17 =	vld [tilespmem:s20+$0xFFFFFF20];
	v21 =	vadd.s32 v2, v27;
	v24 =	vshll.u32 v24, v1;
	v27 =	vmov s23;
	[tilespmem:v22+s24+$0x0] =	vst.idx.msk $0xffff, v18  }
0x499: {  	s23 =	sadd.s32 $0x4, s21;
	v18 =	vld [tilespmem:s20+$0xFFFFFF30];
	v22 =	vadd.s32 v3, v19;
	v24 =	vbroadcast v24, $0x0;
	v27 =	vshrl.u32 v27, $0x3;
	[tilespmem:v26+s24+$0x0] =	vst.idx.msk $0xffff, v23  }
0x49a: {  	v19 =	vadd.s32 v4, v19;
	v23 =	vld [tilespmem:s20+$0xFFFFFF40];
	v26 =	vshll.u32 v27, v1;
	v27 =	vmov s23;
	[tilespmem:v31+s24+$0x0] =	vst.idx.msk $0xffff, v30  }
0x49b: {  	s23 =	sadd.s32 $0x5, s21;
	v30 =	vld [tilespmem:s20+$0xFFFFFF50];
	v31 =	vadd.s32 v5, v24;
	v26 =	vbroadcast v26, $0x0;
	v27 =	vshrl.u32 v27, $0x3;
	[tilespmem:v28+s24+$0x0] =	vst.idx.msk $0xffff, v29  }
0x49c: {  	v24 =	vadd.s32 v6, v24;
	v28 =	vmov s23;
	[tilespmem:v25+s24+$0x0] =	vst.idx.msk $0xffff, v20;
	v20 =	vld [tilespmem:s20+$0xFFFFFF60];
	v25 =	vshll.u32 v27, v1  }
0x49d: {  	s23 =	sadd.s32 $0x6, s21;
	[tilespmem:v21+s24+$0x0] =	vst.idx.msk $0xffff, v17;
	v17 =	vld [tilespmem:s20+$0xFFFFFF70];
	v21 =	vadd.s32 v7, v26;
	v25 =	vbroadcast v25, $0x0;
	v27 =	vshrl.u32 v28, $0x3  }
0x49e: {  	[tilespmem:v22+s24+$0x0] =	vst.idx.msk $0xffff, v18;
	v18 =	vld [tilespmem:s20+$0xFFFFFF80];
	v22 =	vadd.s32 v8, v26;
	v26 =	vshll.u32 v27, v1;
	v27 =	vmov s23  }
0x49f: {  	[tilespmem:v19+s24+$0x0] =	vst.idx.msk $0xffff, v23;
	v19 =	vld [tilespmem:s20+$0xFFFFFF90];
	v23 =	vadd.s32 v9, v25;
	v26 =	vbroadcast v26, $0x0;
	v27 =	vshrl.u32 v27, $0x3  }
0x4a0: {  	v28 =	vld [tilespmem:s20+$0xFFFFFFA0];
	v25 =	vadd.s32 v10, v25;
	[tilespmem:v31+s24+$0x0] =	vst.idx.msk $0xffff, v30;
	v27 =	vshll.u32 v27, v1  }
0x4a1: {  	[tilespmem:v24+s24+$0x0] =	vst.idx.msk $0xffff, v20;
	v20 =	vld [tilespmem:s20+$0xFFFFFFB0];
	v24 =	vadd.s32 v11, v26;
	v27 =	vbroadcast v27, $0x0  }
0x4a2: {  	[tilespmem:v21+s24+$0x0] =	vst.idx.msk $0xffff, v17;
	v17 =	vld [tilespmem:s20+$0xFFFFFFC0];
	v21 =	vadd.s32 v12, v26  }
0x4a3: {  	[tilespmem:v22+s24+$0x0] =	vst.idx.msk $0xffff, v18;
	v18 =	vld [tilespmem:s20+$0xFFFFFFD0];
	v22 =	vadd.s32 v13, v27  }
0x4a4: {  	[tilespmem:v23+s24+$0x0] =	vst.idx.msk $0xffff, v19;
	v19 =	vld [tilespmem:s20+$0xFFFFFFE0];
	v23 =	vadd.s32 v14, v27  }
0x4a5: {  	s18 =	sor.u32 s1, s18;
	[tilespmem:v25+s24+$0x0] =	vst.idx.msk $0xffff, v28  }
0x4a6: {  	s18 =	sshll.u32 s18, $0x13;
	[tilespmem:v24+s24+$0x0] =	vst.idx.msk $0xffff, v20  }
0x4a7: {  	s18 =	sor.u32 s5, s18;
	[tilespmem:v21+s24+$0x0] =	vst.idx.msk $0xffff, v17  }
0x4a8: {  	s18 =	sshrl.u32 s18, $0x3;
	[tilespmem:v22+s24+$0x0] =	vst.idx.msk $0xffff, v18  }
0x4a9: {  	s20 =	sadd.s32 s2, s18;
	s18 =	simm.s32 $0x0;
	[tilespmem:v23+s24+$0x0] =	vst.idx.msk $0xffff, v19  }
0x4aa: {  	[hbm4b:s20+s18] =	stream.linear.scatter [tilespmem:s24], [sflag:$0x7], $0x80, $0x38;
	[tilespmem:$0x14C00] =	vst v63  }
0x4ab: {  	s23 =	simm.s32 $0x12A88;
	s22 =	sadd.s32 $0x10, s20  }
0x4ac: {  	[hbm4b:s22+s18] =	stream.linear.scatter [tilespmem:s23], [sflag:$0x7], $0x80, $0x38;
	[tilespmem:$0x14C00] =	vst v63  }
0x4ad: {  	s22 =	sadd.s32 $0x20, s20;
	s23 =	simm.s32 $0x12B10  }
0x4ae: {  	[hbm4b:s22+s18] =	stream.linear.scatter [tilespmem:s23], [sflag:$0x7], $0x80, $0x38;
	[tilespmem:$0x14C00] =	vst v63  }
0x4af: {  	s22 =	sadd.s32 $0x30, s20;
	s23 =	simm.s32 $0x12B98  }
0x4b0: {  	[hbm4b:s22+s18] =	stream.linear.scatter [tilespmem:s23], [sflag:$0x7], $0x80, $0x38;
	[tilespmem:$0x14C00] =	vst v63  }
0x4b1: {  	s22 =	sadd.s32 $0x40, s20;
	s23 =	simm.s32 $0x12C20  }
0x4b2: {  	[hbm4b:s22+s18] =	stream.linear.scatter [tilespmem:s23], [sflag:$0x7], $0x80, $0x38;
	[tilespmem:$0x14C00] =	vst v63  }
0x4b3: {  	s22 =	sadd.s32 $0x50, s20;
	s23 =	simm.s32 $0x12CA8  }
0x4b4: {  	[hbm4b:s22+s18] =	stream.linear.scatter [tilespmem:s23], [sflag:$0x7], $0x80, $0x38;
	[tilespmem:$0x14C00] =	vst v63  }
0x4b5: {  	s22 =	sadd.s32 $0x60, s20;
	s23 =	simm.s32 $0x12D30  }
0x4b6: {  	[hbm4b:s22+s18] =	stream.linear.scatter [tilespmem:s23], [sflag:$0x7], $0x80, $0x38;
	[tilespmem:$0x14C00] =	vst v63  }
0x4b7: {  	s22 =	sadd.s32 $0x70, s20;
	s23 =	simm.s32 $0x12DB8  }
0x4b8: {  	[hbm4b:s22+s18] =	stream.linear.scatter [tilespmem:s23], [sflag:$0x7], $0x80, $0x38;
	[tilespmem:$0x14C00] =	vst v63  }
0x4b9: {  	s22 =	sadd.s32 $0x4000, s20;
	s23 =	simm.s32 $0x12E40  }
0x4ba: {  	[hbm4b:s22+s18] =	stream.linear.scatter [tilespmem:s23], [sflag:$0x7], $0x80, $0x38;
	[tilespmem:$0x14C00] =	vst v63  }
0x4bb: {  	s22 =	sadd.s32 $0x4010, s20;
	s23 =	simm.s32 $0x12EC8  }
0x4bc: {  	[hbm4b:s22+s18] =	stream.linear.scatter [tilespmem:s23], [sflag:$0x7], $0x80, $0x38;
	[tilespmem:$0x14C00] =	vst v63  }
0x4bd: {  	s22 =	sadd.s32 $0x4020, s20;
	s23 =	simm.s32 $0x12F50  }
0x4be: {  	[hbm4b:s22+s18] =	stream.linear.scatter [tilespmem:s23], [sflag:$0x7], $0x80, $0x38;
	[tilespmem:$0x14C00] =	vst v63  }
0x4bf: {  	s22 =	sadd.s32 $0x4030, s20;
	s23 =	simm.s32 $0x12FD8  }
0x4c0: {  	[hbm4b:s22+s18] =	stream.linear.scatter [tilespmem:s23], [sflag:$0x7], $0x80, $0x38;
	[tilespmem:$0x14C00] =	vst v63  }
0x4c1: {  	s22 =	sadd.s32 $0x4040, s20;
	s23 =	simm.s32 $0x13060  }
0x4c2: {  	[hbm4b:s22+s18] =	stream.linear.scatter [tilespmem:s23], [sflag:$0x7], $0x80, $0x38;
	[tilespmem:$0x14C00] =	vst v63  }
0x4c3: {  	s22 =	sadd.s32 $0x4050, s20;
	s23 =	simm.s32 $0x130E8  }
0x4c4: {  	[hbm4b:s22+s18] =	stream.linear.scatter [tilespmem:s23], [sflag:$0x7], $0x80, $0x38;
	[tilespmem:$0x14C00] =	vst v63  }
0x4c5: {  	s22 =	sadd.s32 $0x4060, s20;
	s23 =	simm.s32 $0x13170  }
0x4c6: {  	[hbm4b:s22+s18] =	stream.linear.scatter [tilespmem:s23], [sflag:$0x7], $0x80, $0x38;
	[tilespmem:$0x14C00] =	vst v63  }
0x4c7: {  	s22 =	sadd.s32 $0x4070, s20;
	s23 =	simm.s32 $0x131F8  }
0x4c8: {  	[hbm4b:s22+s18] =	stream.linear.scatter [tilespmem:s23], [sflag:$0x7], $0x80, $0x38;
	[tilespmem:$0x14C00] =	vst v63  }
0x4c9: {  	s22 =	sadd.s32 $0x8000, s20;
	s23 =	simm.s32 $0x13280  }
0x4ca: {  	[hbm4b:s22+s18] =	stream.linear.scatter [tilespmem:s23], [sflag:$0x7], $0x80, $0x38;
	[tilespmem:$0x14C00] =	vst v63  }
0x4cb: {  	s22 =	sadd.s32 $0x8010, s20;
	s23 =	simm.s32 $0x13308  }
0x4cc: {  	[hbm4b:s22+s18] =	stream.linear.scatter [tilespmem:s23], [sflag:$0x7], $0x80, $0x38;
	[tilespmem:$0x14C00] =	vst v63  }
0x4cd: {  	s22 =	sadd.s32 $0x8020, s20;
	s23 =	simm.s32 $0x13390  }
0x4ce: {  	[hbm4b:s22+s18] =	stream.linear.scatter [tilespmem:s23], [sflag:$0x7], $0x80, $0x38;
	[tilespmem:$0x14C00] =	vst v63  }
0x4cf: {  	s22 =	sadd.s32 $0x8030, s20;
	s23 =	simm.s32 $0x13418  }
0x4d0: {  	[hbm4b:s22+s18] =	stream.linear.scatter [tilespmem:s23], [sflag:$0x7], $0x80, $0x38;
	[tilespmem:$0x14C00] =	vst v63  }
0x4d1: {  	s22 =	sadd.s32 $0x8040, s20;
	s23 =	simm.s32 $0x134A0  }
0x4d2: {  	[hbm4b:s22+s18] =	stream.linear.scatter [tilespmem:s23], [sflag:$0x7], $0x80, $0x38;
	[tilespmem:$0x14C00] =	vst v63  }
0x4d3: {  	s22 =	sadd.s32 $0x8050, s20;
	s23 =	simm.s32 $0x13528  }
0x4d4: {  	[hbm4b:s22+s18] =	stream.linear.scatter [tilespmem:s23], [sflag:$0x7], $0x80, $0x38;
	[tilespmem:$0x14C00] =	vst v63  }
0x4d5: {  	s22 =	sadd.s32 $0x8060, s20;
	s23 =	simm.s32 $0x135B0  }
0x4d6: {  	[hbm4b:s22+s18] =	stream.linear.scatter [tilespmem:s23], [sflag:$0x7], $0x80, $0x38;
	[tilespmem:$0x14C00] =	vst v63  }
0x4d7: {  	s22 =	sadd.s32 $0x8070, s20;
	s23 =	simm.s32 $0x13638  }
0x4d8: {  	[hbm4b:s22+s18] =	stream.linear.scatter [tilespmem:s23], [sflag:$0x7], $0x80, $0x38;
	[tilespmem:$0x14C00] =	vst v63  }
0x4d9: {  	s22 =	sadd.s32 $0xC000, s20;
	s23 =	simm.s32 $0x136C0  }
0x4da: {  	[hbm4b:s22+s18] =	stream.linear.scatter [tilespmem:s23], [sflag:$0x7], $0x80, $0x38;
	[tilespmem:$0x14C00] =	vst v63  }
0x4db: {  	s22 =	sadd.s32 $0xC010, s20;
	s23 =	simm.s32 $0x13748  }
0x4dc: {  	[hbm4b:s22+s18] =	stream.linear.scatter [tilespmem:s23], [sflag:$0x7], $0x80, $0x38;
	[tilespmem:$0x14C00] =	vst v63  }
0x4dd: {  	s22 =	sadd.s32 $0xC020, s20;
	s23 =	simm.s32 $0x137D0  }
0x4de: {  	[hbm4b:s22+s18] =	stream.linear.scatter [tilespmem:s23], [sflag:$0x7], $0x80, $0x38;
	[tilespmem:$0x14C00] =	vst v63  }
0x4df: {  	s22 =	sadd.s32 $0xC030, s20;
	s23 =	simm.s32 $0x13858  }
0x4e0: {  	[hbm4b:s22+s18] =	stream.linear.scatter [tilespmem:s23], [sflag:$0x7], $0x80, $0x38;
	[tilespmem:$0x14C00] =	vst v63  }
0x4e1: {  	s22 =	sadd.s32 $0xC040, s20;
	s23 =	simm.s32 $0x138E0  }
0x4e2: {  	[hbm4b:s22+s18] =	stream.linear.scatter [tilespmem:s23], [sflag:$0x7], $0x80, $0x38;
	[tilespmem:$0x14C00] =	vst v63  }
0x4e3: {  	s22 =	sadd.s32 $0xC050, s20;
	s23 =	simm.s32 $0x13968  }
0x4e4: {  	[hbm4b:s22+s18] =	stream.linear.scatter [tilespmem:s23], [sflag:$0x7], $0x80, $0x38;
	[tilespmem:$0x14C00] =	vst v63  }
0x4e5: {  	s22 =	sadd.s32 $0xC060, s20;
	s23 =	simm.s32 $0x139F0  }
0x4e6: {  	[hbm4b:s22+s18] =	stream.linear.scatter [tilespmem:s23], [sflag:$0x7], $0x80, $0x38;
	[tilespmem:$0x14C00] =	vst v63  }
0x4e7: {  	s20 =	sadd.s32 $0xC070, s20;
	s22 =	simm.s32 $0x13A78  }
0x4e8: {  	[hbm4b:s20+s18] =	stream.linear.scatter [tilespmem:s22], [sflag:$0x7], $0x80, $0x38;
	[tilespmem:$0x14C00] =	vst v63  }
0x4e9: {  	_ =	swait.ge [sflag:s14], $0x400  }
0x4ea: {  	[sflag:s14] =	ssyncset.done $0x0  }
0x4eb: {  	[sflag:s14] =	ssyncadd.s32 $0xFFFFFC00  }
0x4ec: {  	_ =	swait.ge [sflag:s14], $0x400  }
0x4ed: {  	[sflag:s14] =	ssyncset.done $0x0  }
0x4ee: {  	[sflag:s14] =	ssyncadd.s32 $0xFFFFFC00  }
0x4ef: {  	s23 =	simm.s32 $0x7;
	_ =	swait.ge [sflag:s14], $0x400  }
0x4f0: {  	v17 =	vmov s23;
	[sflag:s14] =	ssyncset.done $0x0  }
0x4f1: {  	v18 =	vmov s18;
	v17 =	vshrl.u32 v17, $0x3;
	[sflag:s14] =	ssyncadd.s32 $0xFFFFFC00  }
0x4f2: {  	s21 =	simm.s32 $0x1;
	v18 =	vshrl.u32 v18, $0x3;
	v17 =	vshll.u32 v17, v1;
	_ =	swait.ge [sflag:s14], $0x400  }
0x4f3: {  	v19 =	vmov s21;
	v18 =	vshll.u32 v18, v1;
	v17 =	vbroadcast v17, $0x0;
	[sflag:s14] =	ssyncset.done $0x0  }
0x4f4: {  	v19 =	vshrl.u32 v19, $0x3;
	v18 =	vbroadcast v18, $0x0;
	s18 =	sadd.s32 $0xB8F0, s16;
	s22 =	simm.s32 $0x2;
	[sflag:s14] =	ssyncadd.s32 $0xFFFFFC00  }
0x4f5: {  	v19 =	vshll.u32 v19, v1;
	v22 =	vmov s22;
	v21 =	vadd.s32 v15, v17;
	v20 =	vld [tilespmem:s18+$0xFFFFFFF0]  }
0x4f6: {  	v19 =	vbroadcast v19, $0x0;
	v25 =	vadd.s32 v0, v18;
	v22 =	vshrl.u32 v22, $0x3;
	v24 =	vld [tilespmem:s18+$0xFFFFFF10]  }
0x4f7: {  	s23 =	simm.s32 $0x3;
	v22 =	vshll.u32 v22, v1;
	v17 =	vadd.s32 v16, v17;
	v23 =	vld [tilespmem:s18+$0x0]  }
0x4f8: {  	v29 =	vadd.s32 v3, v19;
	v27 =	vmov s23;
	v22 =	vbroadcast v22, $0x0;
	v28 =	vld [tilespmem:s18+$0xFFFFFF30]  }
0x4f9: {  	v18 =	vadd.s32 v2, v18;
	s20 =	simm.s32 $0x4;
	v27 =	vshrl.u32 v27, $0x3;
	v26 =	vld [tilespmem:s18+$0xFFFFFF20]  }
0x4fa: {  	v31 =	vmov s20;
	v27 =	vshll.u32 v27, v1;
	v33 =	vadd.s32 v5, v22;
	v32 =	vld [tilespmem:s18+$0xFFFFFF50];
	[tilespmem:v21+s31+$0x0] =	vst.idx.msk $0xffff, v20  }
0x4fb: {  	s21 =	simm.s32 $0x5;
	v19 =	vadd.s32 v4, v19;
	v27 =	vbroadcast v27, $0x0;
	v30 =	vld [tilespmem:s18+$0xFFFFFF40];
	v21 =	vshrl.u32 v31, $0x3;
	[tilespmem:v25+s31+$0x0] =	vst.idx.msk $0xffff, v24  }
0x4fc: {  	v20 =	vld [tilespmem:s18+$0xFFFFFF60];
	v25 =	vadd.s32 v6, v22;
	[tilespmem:v17+s31+$0x0] =	vst.idx.msk $0xffff, v23;
	v22 =	vshll.u32 v21, v1;
	v23 =	vmov s21  }
0x4fd: {  	s22 =	simm.s32 $0x6;
	[tilespmem:v29+s31+$0x0] =	vst.idx.msk $0xffff, v28;
	v17 =	vld [tilespmem:s18+$0xFFFFFF70];
	v21 =	vadd.s32 v7, v27;
	v24 =	vbroadcast v22, $0x0;
	v23 =	vshrl.u32 v23, $0x3  }
0x4fe: {  	v28 =	vmov s22;
	[tilespmem:v18+s31+$0x0] =	vst.idx.msk $0xffff, v26;
	v18 =	vld [tilespmem:s18+$0xFFFFFF80];
	v22 =	vadd.s32 v8, v27;
	v27 =	vshll.u32 v23, v1  }
0x4ff: {  	s23 =	simm.s32 $0xF;
	[tilespmem:v33+s31+$0x0] =	vst.idx.msk $0xffff, v32;
	v29 =	vshrl.u32 v28, $0x3;
	v23 =	vld [tilespmem:s18+$0xFFFFFF90];
	v26 =	vadd.s32 v9, v24;
	v27 =	vbroadcast v27, $0x0  }
0x500: {  	s16 =	sor.u32 $0x3, s17;
	s17 =	simm.s32 $0x8;
	s20 =	simm.s32 $0x10;
	[tilespmem:v19+s31+$0x0] =	vst.idx.msk $0xffff, v30;
	v28 =	vmov s23;
	v19 =	vld [tilespmem:s18+$0xFFFFFFA0];
	v29 =	vshll.u32 v29, v1;
	v24 =	vadd.s32 v10, v24  }
.LBB2_21:
0x501: {  	p1 =	slt.u32 s20, $0x78;
	v28 =	vshrl.u32 v28, $0x3;
	[tilespmem:v25+s31+$0x0] =	vst.idx.msk $0xffff, v20;
	v20 =	vld [tilespmem:s18+$0xFFFFFFB0];
	v25 =	vadd.s32 v11, v27;
	v29 =	vbroadcast v29, $0x0  }
0x502: {  	v30 =	vmov s17;
	v28 =	vshll.u32 v28, v1;
	[tilespmem:v21+s31+$0x0] =	vst.idx.msk $0xffff, v17;
	v17 =	vld [tilespmem:s18+$0xFFFFFFC0];
	v21 =	vadd.s32 v12, v27  }
0x503: {  	s21 =	sadd.s32 $0x1, s17;
	v27 =	vshrl.u32 v30, $0x3;
	v28 =	vbroadcast v28, $0x0;
	[tilespmem:v22+s31+$0x0] =	vst.idx.msk $0xffff, v18;
	v18 =	vld [tilespmem:s18+$0xFFFFFFD0];
	v22 =	vadd.s32 v13, v29  }
0x504: {  	v30 =	vmov s21;
	v27 =	vshll.u32 v27, v1;
	[tilespmem:v26+s31+$0x0] =	vst.idx.msk $0xffff, v23;
	v23 =	vld [tilespmem:s18+$0xFFFFFFE0];
	v26 =	vadd.s32 v14, v29;
	s18 =	sadd.s32 $0x100, s18  }
0x505: {  	s21 =	sadd.s32 $0x2, s17;
	v27 =	vbroadcast v27, $0x0;
	v29 =	vshrl.u32 v30, $0x3;
	v30 =	vld [tilespmem:s18+$0xFFFFFFF0];
	v31 =	vadd.s32 v15, v28;
	[tilespmem:v24+s31+$0x0] =	vst.idx.msk $0xffff, v19  }
0x506: {  	v19 =	vshll.u32 v29, v1;
	v24 =	vmov s21;
	v28 =	vadd.s32 v16, v28;
	v29 =	vld [tilespmem:s18+$0x0];
	[tilespmem:v25+s31+$0x0] =	vst.idx.msk $0xffff, v20  }
0x507: {  	s21 =	sadd.s32 $0x3, s17;
	v25 =	vadd.s32 v0, v27;
	v19 =	vbroadcast v19, $0x0;
	v24 =	vshrl.u32 v24, $0x3;
	v20 =	vld [tilespmem:s18+$0xFFFFFF10];
	[tilespmem:v21+s31+$0x0] =	vst.idx.msk $0xffff, v17  }
0x508: {  	v21 =	vadd.s32 v2, v27;
	v24 =	vshll.u32 v24, v1;
	v27 =	vmov s21;
	v17 =	vld [tilespmem:s18+$0xFFFFFF20];
	[tilespmem:v22+s31+$0x0] =	vst.idx.msk $0xffff, v18  }
0x509: {  	s21 =	sadd.s32 $0x4, s17;
	v22 =	vadd.s32 v3, v19;
	v24 =	vbroadcast v24, $0x0;
	v27 =	vshrl.u32 v27, $0x3;
	v18 =	vld [tilespmem:s18+$0xFFFFFF30];
	[tilespmem:v26+s31+$0x0] =	vst.idx.msk $0xffff, v23  }
0x50a: {  	v19 =	vadd.s32 v4, v19;
	v26 =	vshll.u32 v27, v1;
	v27 =	vmov s21;
	v23 =	vld [tilespmem:s18+$0xFFFFFF40];
	[tilespmem:v31+s31+$0x0] =	vst.idx.msk $0xffff, v30  }
0x50b: {  	s21 =	sadd.s32 $0x5, s17;
	v31 =	vadd.s32 v5, v24;
	v26 =	vbroadcast v26, $0x0;
	v27 =	vshrl.u32 v27, $0x3;
	v30 =	vld [tilespmem:s18+$0xFFFFFF50];
	[tilespmem:v28+s31+$0x0] =	vst.idx.msk $0xffff, v29  }
.Ltmp8:
0x50c: {  	[tilespmem:v25+s31+$0x0] =	vst.idx.msk $0xffff, v20;
	v20 =	vld [tilespmem:s18+$0xFFFFFF60];
	v25 =	vadd.s32 v6, v24;
	v24 =	vshll.u32 v27, v1;
	v27 =	vmov s21;
	(pc) =	sbr.rel @p1 .LBB2_21-.Ltmp8, $4  }
0x50d: {  	s21 =	sadd.s32 $0x6, s17;
	s17 =	smov.u32 s20;
	[tilespmem:v21+s31+$0x0] =	vst.idx.msk $0xffff, v17;
	v17 =	vld [tilespmem:s18+$0xFFFFFF70];
	v21 =	vadd.s32 v7, v26;
	v24 =	vbroadcast v24, $0x0;
	v27 =	vshrl.u32 v27, $0x3  }
0x50e: {  	v28 =	vmov s21;
	[tilespmem:v22+s31+$0x0] =	vst.idx.msk $0xffff, v18;
	v18 =	vld [tilespmem:s18+$0xFFFFFF80];
	v22 =	vadd.s32 v8, v26;
	v27 =	vshll.u32 v27, v1  }
0x50f: {  	s21 =	sadd.s32 $0x7, s20;
	v29 =	vshrl.u32 v28, $0x3;
	[tilespmem:v19+s31+$0x0] =	vst.idx.msk $0xffff, v23;
	v23 =	vld [tilespmem:s18+$0xFFFFFF90];
	v26 =	vadd.s32 v9, v24;
	v27 =	vbroadcast v27, $0x0  }
0x510: {  	s20 =	sadd.s32 $0x8, s20;
	v28 =	vmov s21;
	v24 =	vadd.s32 v10, v24;
	v29 =	vshll.u32 v29, v1;
	[tilespmem:v31+s31+$0x0] =	vst.idx.msk $0xffff, v30;
	v19 =	vld [tilespmem:s18+$0xFFFFFFA0]  }
0x511: {  	_ =	sdelay $0x2  }
0x512: {  	v28 =	vshrl.u32 v28, $0x3  }
0x513: {  	[tilespmem:v25+s31+$0x0] =	vst.idx.msk $0xffff, v20;
	v57 =	vld [tilespmem:s18+$0xFFFFFFB0];
	v58 =	vadd.s32 v11, v27;
	v29 =	vbroadcast v29, $0x0;
	v30 =	vmov s17  }
0x514: {  	v59 =	vadd.s32 v12, v27;
	s20 =	sadd.s32 $0x1, s17;
	v28 =	vshll.u32 v28, v1;
	[tilespmem:v21+s31+$0x0] =	vst.idx.msk $0xffff, v17;
	v17 =	vld [tilespmem:s18+$0xFFFFFFC0];
	v60 =	vshrl.u32 v30, $0x3  }
0x515: {  	s22 =	sadd.s32 $0x2, s17;
	v62 =	vmov s20;
	v28 =	vbroadcast v28, $0x0;
	[tilespmem:v22+s31+$0x0] =	vst.idx.msk $0xffff, v18;
	v18 =	vld [tilespmem:s18+$0xFFFFFFD0];
	v61 =	vadd.s32 v13, v29  }
0x516: {  	v63 =	vld [tilespmem:s18+$0xFFFFFFE0];
	v36 =	vmov s22;
	v27 =	vshll.u32 v60, v1;
	v33 =	vadd.s32 v14, v29;
	s18 =	sadd.s32 $0x100, s18;
	[tilespmem:v26+s31+$0x0] =	vst.idx.msk $0xffff, v23  }
0x517: {  	s23 =	sadd.s32 $0x3, s17;
	v34 =	vshrl.u32 v62, $0x3;
	v27 =	vbroadcast v27, $0x0;
	v35 =	vld [tilespmem:s18+$0xFFFFFFF0];
	v31 =	vadd.s32 v15, v28;
	[tilespmem:v24+s31+$0x0] =	vst.idx.msk $0xffff, v19  }
0x518: {  	v41 =	vmov s23;
	v37 =	vld [tilespmem:s18+$0x0];
	v19 =	vshll.u32 v34, v1;
	v28 =	vadd.s32 v16, v28;
	[tilespmem:v58+s31+$0x0] =	vst.idx.msk $0xffff, v57  }
0x519: {  	s21 =	sadd.s32 $0x4, s17;
	v38 =	vld [tilespmem:s18+$0xFFFFFF10];
	v24 =	vshrl.u32 v36, $0x3;
	v39 =	vadd.s32 v0, v27;
	v19 =	vbroadcast v19, $0x0;
	[tilespmem:v59+s31+$0x0] =	vst.idx.msk $0xffff, v17  }
0x51a: {  	v45 =	vmov s21;
	v40 =	vadd.s32 v2, v27;
	v24 =	vshll.u32 v24, v1;
	v17 =	vld [tilespmem:s18+$0xFFFFFF20];
	[tilespmem:v61+s31+$0x0] =	vst.idx.msk $0xffff, v18  }
0x51b: {  	s22 =	sadd.s32 $0x5, s17;
	v27 =	vshrl.u32 v41, $0x3;
	v24 =	vbroadcast v24, $0x0;
	v18 =	vld [tilespmem:s18+$0xFFFFFF30];
	v42 =	vadd.s32 v3, v19;
	[tilespmem:v33+s31+$0x0] =	vst.idx.msk $0xffff, v63  }
0x51c: {  	v48 =	vmov s22;
	v43 =	vld [tilespmem:s18+$0xFFFFFF40];
	v44 =	vshll.u32 v27, v1;
	v19 =	vadd.s32 v4, v19;
	[tilespmem:v31+s31+$0x0] =	vst.idx.msk $0xffff, v35  }
0x51d: {  	v46 =	vld [tilespmem:s18+$0xFFFFFF50];
	v27 =	vshrl.u32 v45, $0x3;
	v26 =	vbroadcast v44, $0x0;
	v47 =	vadd.s32 v5, v24;
	[tilespmem:v28+s31+$0x0] =	vst.idx.msk $0xffff, v37  }
0x51e: {  	v49 =	vld [tilespmem:s18+$0xFFFFFF60];
	v52 =	vshrl.u32 v48, $0x3;
	v50 =	vshll.u32 v27, v1;
	v24 =	vadd.s32 v6, v24;
	[tilespmem:v39+s31+$0x0] =	vst.idx.msk $0xffff, v38  }
0x51f: {  	s23 =	sadd.s32 $0x6, s17;
	v55 =	vshll.u32 v52, v1;
	v25 =	vbroadcast v50, $0x0;
	v51 =	vadd.s32 v7, v26;
	[tilespmem:v40+s31+$0x0] =	vst.idx.msk $0xffff, v17;
	v17 =	vld [tilespmem:s18+$0xFFFFFF70]  }
0x520: {  	v53 =	vmov s23;
	v54 =	vadd.s32 v8, v26;
	v26 =	vbroadcast v55, $0x0;
	[tilespmem:v42+s31+$0x0] =	vst.idx.msk $0xffff, v18;
	v18 =	vld [tilespmem:s18+$0xFFFFFF80]  }
0x521: {  	v57 =	vshrl.u32 v53, $0x3;
	v56 =	vadd.s32 v9, v25;
	[tilespmem:v19+s31+$0x0] =	vst.idx.msk $0xffff, v43;
	v19 =	vld [tilespmem:s18+$0xFFFFFF90]  }
0x522: {  	v59 =	vld [tilespmem:s18+$0xFFFFFFB0];
	v27 =	vshll.u32 v57, v1;
	v60 =	vadd.s32 v11, v26;
	[tilespmem:v47+s31+$0x0] =	vst.idx.msk $0xffff, v46  }
0x523: {  	v58 =	vld [tilespmem:s18+$0xFFFFFFA0];
	v27 =	vbroadcast v27, $0x0;
	v25 =	vadd.s32 v10, v25;
	[tilespmem:v24+s31+$0x0] =	vst.idx.msk $0xffff, v49  }
0x524: {  	v61 =	vadd.s32 v12, v26;
	[tilespmem:v51+s31+$0x0] =	vst.idx.msk $0xffff, v17;
	v17 =	vld [tilespmem:s18+$0xFFFFFFC0]  }
0x525: {  	v62 =	vadd.s32 v13, v27;
	[tilespmem:v54+s31+$0x0] =	vst.idx.msk $0xffff, v18;
	v18 =	vld [tilespmem:s18+$0xFFFFFFD0]  }
0x526: {  	v63 =	vadd.s32 v14, v27;
	[tilespmem:v56+s31+$0x0] =	vst.idx.msk $0xffff, v19;
	v19 =	vld [tilespmem:s18+$0xFFFFFFE0]  }
0x527: {  	s16 =	sor.u32 s1, s16;
	[tilespmem:v60+s31+$0x0] =	vst.idx.msk $0xffff, v59  }
0x528: {  	s16 =	sshll.u32 s16, $0x13;
	[tilespmem:v25+s31+$0x0] =	vst.idx.msk $0xffff, v58  }
0x529: {  	s16 =	sor.u32 s5, s16;
	[tilespmem:v61+s31+$0x0] =	vst.idx.msk $0xffff, v17  }
0x52a: {  	s16 =	sshrl.u32 s16, $0x3;
	[tilespmem:v62+s31+$0x0] =	vst.idx.msk $0xffff, v18  }
0x52b: {  	s16 =	sadd.s32 s2, s16;
	[tilespmem:v63+s31+$0x0] =	vst.idx.msk $0xffff, v19  }
0x52c: {  	[hbm4b:s16+s4] =	stream.linear.scatter [tilespmem:s31], [sflag:$0x8], $0x80, $0x38;
	[tilespmem:$0x14C00] =	vst v63  }
0x52d: {  	s21 =	simm.s32 $0x13B88;
	s20 =	sadd.s32 $0x10, s16  }
0x52e: {  	[hbm4b:s20+s4] =	stream.linear.scatter [tilespmem:s21], [sflag:$0x8], $0x80, $0x38;
	[tilespmem:$0x14C00] =	vst v63  }
0x52f: {  	s23 =	simm.s32 $0x13C10;
	s22 =	sadd.s32 $0x20, s16  }
0x530: {  	[hbm4b:s22+s4] =	stream.linear.scatter [tilespmem:s23], [sflag:$0x8], $0x80, $0x38;
	[tilespmem:$0x14C00] =	vst v63  }
0x531: {  	s20 =	sadd.s32 $0x30, s16;
	s21 =	simm.s32 $0x13C98  }
0x532: {  	[hbm4b:s20+s4] =	stream.linear.scatter [tilespmem:s21], [sflag:$0x8], $0x80, $0x38;
	[tilespmem:$0x14C00] =	vst v63  }
0x533: {  	s22 =	sadd.s32 $0x40, s16;
	s23 =	simm.s32 $0x13D20  }
0x534: {  	[hbm4b:s22+s4] =	stream.linear.scatter [tilespmem:s23], [sflag:$0x8], $0x80, $0x38;
	[tilespmem:$0x14C00] =	vst v63  }
0x535: {  	s20 =	sadd.s32 $0x50, s16;
	s21 =	simm.s32 $0x13DA8  }
0x536: {  	[hbm4b:s20+s4] =	stream.linear.scatter [tilespmem:s21], [sflag:$0x8], $0x80, $0x38;
	[tilespmem:$0x14C00] =	vst v63  }
0x537: {  	s22 =	sadd.s32 $0x60, s16;
	s23 =	simm.s32 $0x13E30  }
0x538: {  	[hbm4b:s22+s4] =	stream.linear.scatter [tilespmem:s23], [sflag:$0x8], $0x80, $0x38;
	[tilespmem:$0x14C00] =	vst v63  }
0x539: {  	s20 =	sadd.s32 $0x70, s16;
	s21 =	simm.s32 $0x13EB8  }
0x53a: {  	[hbm4b:s20+s4] =	stream.linear.scatter [tilespmem:s21], [sflag:$0x8], $0x80, $0x38;
	[tilespmem:$0x14C00] =	vst v63  }
0x53b: {  	s22 =	sadd.s32 $0x4000, s16;
	s23 =	simm.s32 $0x13F40  }
0x53c: {  	[hbm4b:s22+s4] =	stream.linear.scatter [tilespmem:s23], [sflag:$0x8], $0x80, $0x38;
	[tilespmem:$0x14C00] =	vst v63  }
0x53d: {  	s20 =	sadd.s32 $0x4010, s16;
	s21 =	simm.s32 $0x13FC8  }
0x53e: {  	[hbm4b:s20+s4] =	stream.linear.scatter [tilespmem:s21], [sflag:$0x8], $0x80, $0x38;
	[tilespmem:$0x14C00] =	vst v63  }
0x53f: {  	s22 =	sadd.s32 $0x4020, s16;
	s23 =	simm.s32 $0x14050  }
0x540: {  	[hbm4b:s22+s4] =	stream.linear.scatter [tilespmem:s23], [sflag:$0x8], $0x80, $0x38;
	[tilespmem:$0x14C00] =	vst v63  }
0x541: {  	s20 =	sadd.s32 $0x4030, s16;
	s21 =	simm.s32 $0x140D8  }
0x542: {  	[hbm4b:s20+s4] =	stream.linear.scatter [tilespmem:s21], [sflag:$0x8], $0x80, $0x38;
	[tilespmem:$0x14C00] =	vst v63  }
0x543: {  	s22 =	sadd.s32 $0x4040, s16;
	s23 =	simm.s32 $0x14160  }
0x544: {  	[hbm4b:s22+s4] =	stream.linear.scatter [tilespmem:s23], [sflag:$0x8], $0x80, $0x38;
	[tilespmem:$0x14C00] =	vst v63  }
0x545: {  	s20 =	sadd.s32 $0x4050, s16;
	s21 =	simm.s32 $0x141E8  }
0x546: {  	[hbm4b:s20+s4] =	stream.linear.scatter [tilespmem:s21], [sflag:$0x8], $0x80, $0x38;
	[tilespmem:$0x14C00] =	vst v63  }
0x547: {  	s22 =	sadd.s32 $0x4060, s16;
	s23 =	simm.s32 $0x14270  }
0x548: {  	[hbm4b:s22+s4] =	stream.linear.scatter [tilespmem:s23], [sflag:$0x8], $0x80, $0x38;
	[tilespmem:$0x14C00] =	vst v63  }
0x549: {  	s20 =	sadd.s32 $0x4070, s16;
	s21 =	simm.s32 $0x142F8  }
0x54a: {  	[hbm4b:s20+s4] =	stream.linear.scatter [tilespmem:s21], [sflag:$0x8], $0x80, $0x38;
	[tilespmem:$0x14C00] =	vst v63  }
0x54b: {  	s22 =	sadd.s32 $0x8000, s16;
	s23 =	simm.s32 $0x14380  }
0x54c: {  	[hbm4b:s22+s4] =	stream.linear.scatter [tilespmem:s23], [sflag:$0x8], $0x80, $0x38;
	[tilespmem:$0x14C00] =	vst v63  }
0x54d: {  	s20 =	sadd.s32 $0x8010, s16;
	s21 =	simm.s32 $0x14408  }
0x54e: {  	[hbm4b:s20+s4] =	stream.linear.scatter [tilespmem:s21], [sflag:$0x8], $0x80, $0x38;
	[tilespmem:$0x14C00] =	vst v63  }
0x54f: {  	s22 =	sadd.s32 $0x8020, s16;
	s23 =	simm.s32 $0x14490  }
0x550: {  	[hbm4b:s22+s4] =	stream.linear.scatter [tilespmem:s23], [sflag:$0x8], $0x80, $0x38;
	[tilespmem:$0x14C00] =	vst v63  }
0x551: {  	s20 =	sadd.s32 $0x8030, s16;
	s21 =	simm.s32 $0x14518  }
0x552: {  	[hbm4b:s20+s4] =	stream.linear.scatter [tilespmem:s21], [sflag:$0x8], $0x80, $0x38;
	[tilespmem:$0x14C00] =	vst v63  }
0x553: {  	s22 =	sadd.s32 $0x8040, s16;
	s23 =	simm.s32 $0x145A0  }
0x554: {  	[hbm4b:s22+s4] =	stream.linear.scatter [tilespmem:s23], [sflag:$0x8], $0x80, $0x38;
	[tilespmem:$0x14C00] =	vst v63  }
0x555: {  	s18 =	sadd.s32 $0x8050, s16  }
0x556: {  	[hbm4b:s18+s4] =	stream.linear.scatter [tilespmem:s25], [sflag:$0x8], $0x80, $0x38;
	[tilespmem:$0x14C00] =	vst v63  }
0x557: {  	s20 =	sadd.s32 $0x8060, s16  }
0x558: {  	[hbm4b:s20+s4] =	stream.linear.scatter [tilespmem:s26], [sflag:$0x8], $0x80, $0x38;
	[tilespmem:$0x14C00] =	vst v63  }
0x559: {  	s21 =	sadd.s32 $0x8070, s16  }
0x55a: {  	[hbm4b:s21+s4] =	stream.linear.scatter [tilespmem:s28], [sflag:$0x8], $0x80, $0x38;
	[tilespmem:$0x14C00] =	vst v63  }
0x55b: {  	s22 =	sadd.s32 $0xC000, s16  }
0x55c: {  	[hbm4b:s22+s4] =	stream.linear.scatter [tilespmem:s29], [sflag:$0x8], $0x80, $0x38;
	[tilespmem:$0x14C00] =	vst v63  }
0x55d: {  	s23 =	sadd.s32 $0xC010, s16  }
0x55e: {  	[hbm4b:s23+s4] =	stream.linear.scatter [tilespmem:s30], [sflag:$0x8], $0x80, $0x38;
	[tilespmem:$0x14C00] =	vst v63  }
0x55f: {  	s18 =	sadd.s32 $0xC020, s16  }
0x560: {  	[hbm4b:s18+s4] =	stream.linear.scatter [tilespmem:s0], [sflag:$0x8], $0x80, $0x38;
	[tilespmem:$0x14C00] =	vst v63  }
0x561: {  	s20 =	sadd.s32 $0xC030, s16  }
0x562: {  	[hbm4b:s20+s4] =	stream.linear.scatter [tilespmem:s3], [sflag:$0x8], $0x80, $0x38;
	[tilespmem:$0x14C00] =	vst v63  }
0x563: {  	s21 =	sadd.s32 $0xC040, s16  }
0x564: {  	[hbm4b:s21+s4] =	stream.linear.scatter [tilespmem:s11], [sflag:$0x8], $0x80, $0x38;
	[tilespmem:$0x14C00] =	vst v63  }
0x565: {  	s22 =	sadd.s32 $0xC050, s16  }
0x566: {  	[hbm4b:s22+s4] =	stream.linear.scatter [tilespmem:s12], [sflag:$0x8], $0x80, $0x38;
	[tilespmem:$0x14C00] =	vst v63  }
.Ltmp9:
0x567: {  	_ = 	snop;
	(pc) =	sbr.rel @p0 .LBB2_14-.Ltmp9, $4  }
0x568: {  	s23 =	sadd.s32 $0xC060, s16  }
0x569: {  	[hbm4b:s23+s4] =	stream.linear.scatter [tilespmem:s9], [sflag:$0x8], $0x80, $0x38;
	[tilespmem:$0x14C00] =	vst v63  }
0x56a: {  	p1 =	por $0x0, $0x0;
	s17 =	simm.s32 $0x1;
	s16 =	sadd.s32 $0xC070, s16  }
0x56b: {  	[hbm4b:s16+s4] =	stream.linear.scatter [tilespmem:s7], [sflag:$0x8], $0x80, $0x38;
	[tilespmem:$0x14C00] =	vst v63  }
0x56c: {  	s5 =	sld [smem:$0x7F4];
	_ =	sdelay $0x2  }
0x56d: {  	p0 =	seq.s32 s5, $0x32  }
.Ltmp10:
0x56e: {  	_ = 	snop;
	(pc) =	sbr.rel @!p0 .LBB2_3-.Ltmp10, $1  }
0x56f: {  	_ =	sdelay $0x3  }
0x570: {  	s1 =	simm.s32 $0x3  }
0x571: {  	_ =	swait.ge [sflag:s1], $0x8000  }
0x572: {  	[sflag:s1] =	ssyncset.done $0x0  }
0x573: {  	s22 =	simm.s32 $0x2;
	[sflag:s1] =	ssyncadd.s32 $0xFFFF8000  }
0x574: {  	_ =	swait.ge [sflag:s22], $0x400  }
0x575: {  	[sflag:s22] =	ssyncset.done $0x0  }
0x576: {  	[sflag:s22] =	ssyncadd.s32 $0xFFFFFC00  }
0x577: {  	_ =	swait.ge [sflag:s8], $0x400  }
0x578: {  	[sflag:s8] =	ssyncset.done $0x0  }
0x579: {  	[sflag:s8] =	ssyncadd.s32 $0xFFFFFC00  }
0x57a: {  	_ =	swait.ge [sflag:s8], $0x400  }
0x57b: {  	[sflag:s8] =	ssyncset.done $0x0  }
0x57c: {  	[sflag:s8] =	ssyncadd.s32 $0xFFFFFC00  }
0x57d: {  	_ =	swait.ge [sflag:s8], $0x400  }
0x57e: {  	[sflag:s8] =	ssyncset.done $0x0  }
0x57f: {  	[sflag:s8] =	ssyncadd.s32 $0xFFFFFC00  }
0x580: {  	_ =	swait.ge [sflag:s8], $0x400  }
0x581: {  	[sflag:s8] =	ssyncset.done $0x0  }
0x582: {  	[sflag:s8] =	ssyncadd.s32 $0xFFFFFC00  }
0x583: {  	_ =	swait.ge [sflag:s10], $0x400  }
0x584: {  	[sflag:s10] =	ssyncset.done $0x0  }
0x585: {  	[sflag:s10] =	ssyncadd.s32 $0xFFFFFC00  }
0x586: {  	_ =	swait.ge [sflag:s10], $0x400  }
0x587: {  	[sflag:s10] =	ssyncset.done $0x0  }
0x588: {  	[sflag:s10] =	ssyncadd.s32 $0xFFFFFC00  }
0x589: {  	_ =	swait.ge [sflag:s10], $0x400  }
0x58a: {  	[sflag:s10] =	ssyncset.done $0x0  }
0x58b: {  	[sflag:s10] =	ssyncadd.s32 $0xFFFFFC00  }
0x58c: {  	_ =	swait.ge [sflag:s10], $0x400  }
0x58d: {  	[sflag:s10] =	ssyncset.done $0x0  }
0x58e: {  	[sflag:s10] =	ssyncadd.s32 $0xFFFFFC00  }
0x58f: {  	_ =	swait.ge [sflag:s13], $0x400  }
0x590: {  	[sflag:s13] =	ssyncset.done $0x0  }
0x591: {  	[sflag:s13] =	ssyncadd.s32 $0xFFFFFC00  }
0x592: {  	_ =	swait.ge [sflag:s13], $0x400  }
0x593: {  	[sflag:s13] =	ssyncset.done $0x0  }
0x594: {  	[sflag:s13] =	ssyncadd.s32 $0xFFFFFC00  }
0x595: {  	_ =	swait.ge [sflag:s13], $0x400  }
0x596: {  	[sflag:s13] =	ssyncset.done $0x0  }
0x597: {  	[sflag:s13] =	ssyncadd.s32 $0xFFFFFC00  }
0x598: {  	_ =	swait.ge [sflag:s13], $0x400  }
0x599: {  	[sflag:s13] =	ssyncset.done $0x0  }
0x59a: {  	[sflag:s13] =	ssyncadd.s32 $0xFFFFFC00  }
0x59b: {  	_ =	swait.ge [sflag:s14], $0x400  }
0x59c: {  	[sflag:s14] =	ssyncset.done $0x0  }
0x59d: {  	[sflag:s14] =	ssyncadd.s32 $0xFFFFFC00  }
0x59e: {  	_ =	swait.ge [sflag:s14], $0x400  }
0x59f: {  	[sflag:s14] =	ssyncset.done $0x0  }
0x5a0: {  	[sflag:s14] =	ssyncadd.s32 $0xFFFFFC00  }
0x5a1: {  	_ =	swait.ge [sflag:s14], $0x400  }
0x5a2: {  	[sflag:s14] =	ssyncset.done $0x0  }
0x5a3: {  	[sflag:s14] =	ssyncadd.s32 $0xFFFFFC00  }
0x5a4: {  	_ =	swait.ge [sflag:s14], $0x400  }
0x5a5: {  	s5 =	sld [smem:$0x7F5];
	_ =	sdelay $0x2  }
0x5a6: {  	s23 =	rddreg [dreg:$0xb];
	s5 =	sadd.s32 $0x1, s5  }
0x5a7: {  	p0 =	sne.s32 s5, s23  }
.Ltmp11:
0x5a8: {  	_ = 	snop;
	(pc) =	sbr.rel @p0 .LBB2_1-.Ltmp11, $3  }
0x5a9: {  	_ =	sdelay $0x1  }
0x5aa: {  	[sflag:s14] =	ssyncset.done $0x0  }
0x5ab: {  	[sflag:s14] =	ssyncadd.s32 $0xFFFFFC00  }
0x5ac: {  	_ =	sfence.sel $0x180000  }
0x5ad: {  	[bflag:$0x0] =	sbarrier.arrive $0xFFFF  }
0x5ae: {  	_ =	strace $0x90000047  }
0x5af: {  	s0 =	stileid.u32;
	[bflag:$0x2] =	sbarrier.arrive $0xFFFF  }
0x5b0: {  	p0 =	sne.s32 s0, $0x0;
	s0 =	rddreg [dreg:$0x3]  }
0x5b1: {  	s0 =	sadd.s32 @!p0 $0x100000, s0  }
0x5b2: {  	[sflag:s0] =	ssyncadd.tile.s32 @!p0 $0x1;
	_ =	shalt  }
.Lfunc_end2:
_tile_overlayer_lowered:
.L_overlay_start_2:
0x5b3: {  	(tag) =	ssettag $0x2  }
0x5b4: {  	s0 =	rddreg [dreg:$0x0];
	s2 =	stileid.u32  }
0x5b5: {  	s1 =	rddreg [dreg:$0x1];
	p0 =	sne.s32 s2, $0x0  }
0x5b6: {  	s3 =	rddreg [dreg:$0x2];
	[bflag:$0x3] =	sbarrier.arrive $0xFFFF;
	s2 =	simm.s32 @!p0 $0x1C09  }
0x5b7: {  	[timem:s3], [sflag:s2] =	dma.local @!p0 [hbm:s0], s1  }
0x5b8: {  	s0 =	simm.s32 @!p0 $0x9  }
0x5b9: {  	_ =	swait.ge @!p0 [sflag:s0], s1  }
0x5ba: {  	s1 =	ssub.s32 @!p0 $0x0, s1;
	[sflag:s0] =	ssyncset.done @!p0 $0x0  }
0x5bb: {  	[sflag:s0] =	ssyncadd.s32 @!p0 s1  }
0x5bc: {  	[bflag:$0x3] =	sbarrier.arrive $0xFFFF  }
0x5bd: {  	_ =	shalt  }

</sc_bundles>
